<compile_context>
chip_gen: v7x
topology: tpu7x:2x2x1
jax: 0.10.2.dev20260603
libtpu: 0.0.44.dev20260713+nightly
codegen_flags: <defaults>
</compile_context>

<pallas_src>
import functools

import numpy as np
import jax
import jax.numpy as jnp
from jax import lax
from jax.experimental import pallas as pl
from jax.experimental.pallas import tpu as pltpu
from jax.experimental.pallas import tpu_sc as plsc

N = 10000
E = 320000
D = 128

NC, NS, L = 2, 16, 16
NW = NC * NS
CH = 400
CPT = 25
NPAD = 10240
RPT = NPAD // NS
NBUF = 5


def _sc_mesh():
    return plsc.VectorSubcoreMesh(core_axis_name="c", subcore_axis_name="s",
                                  num_cores=NC, num_subcores=NS)


_SC_PARAMS = pltpu.CompilerParams(use_tc_tiling_on_sc=False)


def _deg_body(ei_hbm, zeros_hbm, out_hbm, dst_v, ones_v, acc_sh):
    c = lax.axis_index("c")
    s = lax.axis_index("s")
    wid = c * NS + s
    lo = s * RPT
    pltpu.sync_copy(zeros_hbm.at[pl.ds(lo, RPT)], acc_sh.at[pl.ds(lo, RPT)])
    pltpu.sync_copy(ei_hbm.at[1, wid], dst_v)
    for i in range(CH // L):
        ones_v[pl.ds(i * L, L)] = jnp.full((L,), 1.0, jnp.float32)
    plsc.subcore_barrier()

    def chunk(j, carry):
        pltpu.sync_copy(ones_v, acc_sh.at[dst_v.at[j]], add=True)
        return carry

    lax.fori_loop(0, CPT, chunk, 0)
    plsc.subcore_barrier()
    pltpu.sync_copy(acc_sh.at[pl.ds(lo, RPT)],
                    out_hbm.at[pl.ds(c * NPAD + lo, RPT)])


_deg_kernel = functools.partial(
    pl.kernel,
    out_type=jax.ShapeDtypeStruct((NC * NPAD,), jnp.float32),
    mesh=_sc_mesh(),
    compiler_params=_SC_PARAMS,
    scratch_types=[
        pltpu.VMEM((CPT, CH), jnp.int32),
        pltpu.VMEM((CH,), jnp.float32),
        pltpu.VMEM_SHARED((NPAD,), jnp.float32),
    ],
)(_deg_body)


def _prop_body(g_hbm, ei_hbm, zeros_hbm, out_hbm,
               src_v, dst_v, rows_v, acc_sh, *sems):
    c = lax.axis_index("c")
    s = lax.axis_index("s")
    wid = c * NS + s
    lo = s * RPT
    pltpu.async_copy(zeros_hbm.at[pl.ds(lo, RPT)], acc_sh.at[pl.ds(lo, RPT)],
                     sems[0])
    pltpu.async_copy(ei_hbm.at[0, wid], src_v, sems[1])
    pltpu.async_copy(ei_hbm.at[1, wid], dst_v, sems[2])
    pltpu.make_async_copy(zeros_hbm.at[pl.ds(lo, RPT)],
                          acc_sh.at[pl.ds(lo, RPT)], sems[0]).wait()
    pltpu.make_async_copy(ei_hbm.at[0, wid], src_v, sems[1]).wait()
    pltpu.make_async_copy(ei_hbm.at[1, wid], dst_v, sems[2]).wait()
    plsc.subcore_barrier()

    for b in range(NBUF):
        pltpu.async_copy(g_hbm.at[src_v.at[b]], rows_v.at[b], sems[b])

    def group(i, carry):
        base = i * NBUF
        for b in range(NBUF):
            cch = base + b
            pltpu.make_async_copy(g_hbm.at[src_v.at[cch]], rows_v.at[b],
                                  sems[b]).wait()
            pltpu.sync_copy(rows_v.at[b], acc_sh.at[dst_v.at[cch]], add=True)
            pltpu.async_copy(g_hbm.at[src_v.at[cch + NBUF]], rows_v.at[b],
                             sems[b])
        return carry

    lax.fori_loop(0, CPT // NBUF - 1, group, 0)
    for b in range(NBUF):
        cch = CPT - NBUF + b
        pltpu.make_async_copy(g_hbm.at[src_v.at[cch]], rows_v.at[b],
                              sems[b]).wait()
        pltpu.sync_copy(rows_v.at[b], acc_sh.at[dst_v.at[cch]], add=True)

    plsc.subcore_barrier()
    pltpu.sync_copy(acc_sh.at[pl.ds(lo, RPT)],
                    out_hbm.at[pl.ds(c * NPAD + lo, RPT)])


_prop8 = functools.partial(
    pl.kernel,
    out_type=jax.ShapeDtypeStruct((NC * NPAD, 8), jnp.float32),
    mesh=_sc_mesh(),
    compiler_params=_SC_PARAMS,
    scratch_types=[
        pltpu.VMEM((CPT, CH), jnp.int32),
        pltpu.VMEM((CPT, CH), jnp.int32),
        pltpu.VMEM((NBUF, CH, 8), jnp.float32),
        pltpu.VMEM_SHARED((NPAD, 8), jnp.float32),
    ] + [pltpu.SemaphoreType.DMA] * NBUF,
)(_prop_body)


def _elu(v):
    return jnp.where(v > 0, v, jnp.exp(v) - 1.0)


def _fullspec(r, c):
    return pl.BlockSpec((r, c), lambda i: (0, 0))


def _unpack_acc(acc_ref):
    a = acc_ref[...].reshape(2, NPAD, 8)
    return a[0] + a[1]


def _t1_body(dg_ref, x_ref, w_ref, dinv_ref, g_ref):
    dg = dg_ref[...]
    deg = (dg[0, :] + dg[1, :] + 1.0).reshape(NPAD, 1)
    dinv = 1.0 / jnp.sqrt(deg)
    dinv_ref[...] = dinv
    h = jnp.dot(x_ref[...], w_ref[...], preferred_element_type=jnp.float32)
    g_ref[...] = dinv * h


def _t1(dg, x, W1):
    return pl.pallas_call(
        _t1_body,
        grid=(1,),
        in_specs=[_fullspec(2, NPAD), _fullspec(NPAD, D), _fullspec(D, 8)],
        out_specs=[_fullspec(NPAD, 1), _fullspec(NPAD, 8)],
        out_shape=[
            jax.ShapeDtypeStruct((NPAD, 1), jnp.float32),
            jax.ShapeDtypeStruct((NPAD, 8), jnp.float32),
        ],
    )(dg, x, W1)


def _tpost_body(acc_ref, g_ref, dinv_ref, b_ref, o_ref):
    dinv = dinv_ref[...]
    act = dinv * (_unpack_acc(acc_ref) + g_ref[...]) + b_ref[...]
    o_ref[...] = dinv * _elu(act)


def _tpost(acc, g, dinv, b):
    return pl.pallas_call(
        _tpost_body,
        grid=(1,),
        in_specs=[_fullspec(2 * NPAD, 8), _fullspec(NPAD, 8),
                  _fullspec(NPAD, 1), _fullspec(1, 8)],
        out_specs=_fullspec(NPAD, 8),
        out_shape=jax.ShapeDtypeStruct((NPAD, 8), jnp.float32),
    )(acc, g, dinv, b)


def _tmm2_body(acc_ref, u_ref, dinv_ref, b_ref, w2_ref, w3_ref, o_ref):
    dinv = dinv_ref[...]
    t = dinv * (_unpack_acc(acc_ref) + u_ref[...])
    h = _elu(jnp.dot(t, w2_ref[...], preferred_element_type=jnp.float32)
             + b_ref[...])
    o_ref[...] = dinv * jnp.dot(h, w3_ref[...],
                                preferred_element_type=jnp.float32)


def _tmm2(acc, u, dinv, b, W2, W3):
    return pl.pallas_call(
        _tmm2_body,
        grid=(1,),
        in_specs=[_fullspec(2 * NPAD, 8), _fullspec(NPAD, 8),
                  _fullspec(NPAD, 1), _fullspec(1, 16),
                  _fullspec(8, 16), _fullspec(16, 8)],
        out_specs=_fullspec(NPAD, 8),
        out_shape=jax.ShapeDtypeStruct((NPAD, 8), jnp.float32),
    )(acc, u, dinv, b, W2, W3)


def _tfin_body(acc_ref, u_ref, dinv_ref, b_ref, w_ref, o_ref):
    t = dinv_ref[...] * (_unpack_acc(acc_ref) + u_ref[...])
    act = jnp.dot(t, w_ref[...], preferred_element_type=jnp.float32) + b_ref[...]
    m = jnp.max(act, axis=1, keepdims=True)
    sft = act - m
    o_ref[...] = sft - jnp.log(jnp.sum(jnp.exp(sft), axis=1, keepdims=True))


def _tfin(acc, u, dinv, b, W):
    return pl.pallas_call(
        _tfin_body,
        grid=(1,),
        in_specs=[_fullspec(2 * NPAD, 8), _fullspec(NPAD, 8),
                  _fullspec(NPAD, 1), _fullspec(1, 2), _fullspec(8, 2)],
        out_specs=pl.BlockSpec((NPAD, 2), lambda i: (0, 0)),
        out_shape=jax.ShapeDtypeStruct((N, 2), jnp.float32),
    )(acc, u, dinv, b, W)


_ZEROS1 = np.zeros((NPAD,), np.float32)
_ZEROS8 = np.zeros((NPAD, 8), np.float32)


def kernel(x, edge_index, laplacian_index, laplacian_weight,
           W1, b1, W2, b2, W3, b3, W4, b4):
    del laplacian_index, laplacian_weight
    er = edge_index.reshape(2, NW, CPT, CH)

    def sc(a):
        return a

    def tc(acc):
        return acc

    deg2 = _deg_kernel(er, _ZEROS1)
    dinv, g1 = _t1(deg2.reshape(2, NPAD), x, W1)

    acc = _prop8(sc(g1), er, _ZEROS8)
    u2 = _tpost(tc(acc), g1, dinv, b1.reshape(1, 8))

    acc = _prop8(sc(u2), er, _ZEROS8)
    g3 = _tmm2(tc(acc), u2, dinv, b2.reshape(1, 16), W2, W3)

    acc = _prop8(sc(g3), er, _ZEROS8)
    u4 = _tpost(tc(acc), g3, dinv, b3.reshape(1, 8))

    acc = _prop8(sc(u4), er, _ZEROS8)
    return _tfin(tc(acc), u4, dinv, b4.reshape(1, 2), W4)

# --- scband reference (transcript-rebuilt; emitter-appended) ---
"""Pipeline reference for scband-trust-gcn-18330920419683 (READ-ONLY COPY).

The authoritative reference and input builder live on the scoring server;
editing this copy changes nothing except your own understanding.
"""

import jax, jax.numpy as jnp
import numpy as np

N = 10000
E = 320000
D = 128


def gcn_conv(x, edge_index, W, b):
    n = x.shape[0]
    src = edge_index[0]
    dst = edge_index[1]
    loop = jnp.arange(n, dtype=src.dtype)
    src = jnp.concatenate([src, loop])
    dst = jnp.concatenate([dst, loop])
    # linear transform first (matches PyG GCNConv)
    h = x @ W
    ones = jnp.ones(src.shape[0], dtype=h.dtype)
    deg = jnp.zeros((n,), dtype=h.dtype).at[dst].add(ones)
    dinv = jnp.where(deg > 0, 1.0 / jnp.sqrt(deg), 0.0)
    norm = dinv[src] * dinv[dst]
    msgs = norm[:, None] * jnp.take(h, src, axis=0)
    out = jnp.zeros((n, h.shape[1]), dtype=h.dtype).at[dst].add(msgs)
    return out + b


def setup_inputs(seed: int = 0) -> dict:
    key = jax.random.key(seed)
    ks = jax.random.split(key, 14)
    x = jax.random.normal(ks[0], (N, D), dtype=jnp.float32)
    edge_index = jax.random.randint(ks[1], (2, E), 0, N, dtype=jnp.int32)
    laplacian_index = jax.random.randint(ks[2], (2, E), 0, N, dtype=jnp.int32)
    laplacian_weight = jax.random.uniform(ks[3], (E,), dtype=jnp.float32)
    def glorot(k, fi, fo):
        s = jnp.sqrt(6.0 / (fi + fo))
        return jax.random.uniform(k, (fi, fo), jnp.float32, -s, s)
    W1 = glorot(ks[4], D, 8); b1 = jnp.zeros((8,), jnp.float32)
    W2 = glorot(ks[5], 8, 16); b2 = jnp.zeros((16,), jnp.float32)
    W3 = glorot(ks[6], 16, 8); b3 = jnp.zeros((8,), jnp.float32)
    W4 = glorot(ks[7], 8, 2); b4 = jnp.zeros((2,), jnp.float32)
    return {"x": x, "edge_index": edge_index, "laplacian_index": laplacian_index,
            "laplacian_weight": laplacian_weight,
            "W1": W1, "b1": b1, "W2": W2, "b2": b2,
            "W3": W3, "b3": b3, "W4": W4, "b4": b4}


def reference(x, edge_index, laplacian_index, laplacian_weight,
              W1, b1, W2, b2, W3, b3, W4, b4):
    # laplacian_index / laplacian_weight are accepted but unused, matching the
    # original forward() which never touches them.
    h = jax.nn.elu(gcn_conv(x, edge_index, W1, b1))
    h = jax.nn.elu(gcn_conv(h, edge_index, W2, b2))
    h = jax.nn.elu(gcn_conv(h, edge_index, W3, b3))
    h = gcn_conv(h, edge_index, W4, b4)
    return jax.nn.log_softmax(h, axis=1)

if __name__ == "__main__":
    import jax
    _d = setup_inputs()
    print(jax.jit(kernel)(*tuple(_d.values())))

</pallas_src>

<mosaic_0001>
#map = affine_map<(d0, d1) -> (0, 0, 0, 0)>
#map1 = affine_map<(d0, d1) -> (0)>
module attributes {stable_mosaic.version = 14 : i64} {
  func.func @_deg_body(%arg0: i32, %arg1: i32, %arg2: memref<2x32x25x400xi32, #tpu.memory_space<hbm>>, %arg3: memref<10240xf32, #tpu.memory_space<hbm>>, %arg4: memref<20480xf32, #tpu.memory_space<hbm>>, %arg5: memref<25x400xi32, #tpu.memory_space<vmem>>, %arg6: memref<400xf32, #tpu.memory_space<vmem>>, %arg7: memref<10240xf32, #tpu.memory_space<vmem_shared>>) attributes {dimension_semantics = [#tpu.dimension_semantics<core_parallel>, #tpu.dimension_semantics<subcore_parallel>], iteration_bounds = array<i64: 2, 16>, scalar_prefetch = 0 : i64, scratch_operands = 3 : i64, tpu.core_type = #tpu.core_type<sc_vector_subcore>, window_params = [{transform_indices = #map}, {transform_indices = #map1}, {transform_indices = #map1}]} {
    %mul3A = arith.constant 16 : i32
    %mul3A_0 = arith.muli %arg0, %mul3A : i32
    %add3A = arith.addi %mul3A_0, %arg1 : i32
    %mul3A_1 = arith.constant 640 : i32
    %mul3A_2 = arith.muli %arg1, %mul3A_1 : i32
    "tpu.region"() ({
      %run_scoped3A_160 = tpu.sem_alloc : memref<!tpu.dma_semaphore, #tpu.memory_space<semaphore_mem>>
      %dma_start3A = tpu.memref_slice %arg7[%mul3A_2] : memref<10240xf32, #tpu.memory_space<vmem_shared>> -> memref<640xf32, #tpu.memory_space<vmem_shared>>
      %dma_start3A_161 = tpu.memref_slice %arg3[%mul3A_2] : memref<10240xf32, #tpu.memory_space<hbm>> -> memref<640xf32, #tpu.memory_space<hbm>>
      tpu.enqueue_dma source(%dma_start3A_161 : memref<640xf32, #tpu.memory_space<hbm>>) target(%dma_start3A : memref<640xf32, #tpu.memory_space<vmem_shared>>) target_semaphore(%run_scoped3A_160 : memref<!tpu.dma_semaphore, #tpu.memory_space<semaphore_mem>>)
      %dma_wait3A = tpu.memref_slice %arg7[%mul3A_2] : memref<10240xf32, #tpu.memory_space<vmem_shared>> -> memref<640xf32, #tpu.memory_space<vmem_shared>>
      %dma_wait3A_162 = tpu.memref_slice %arg3[%mul3A_2] : memref<10240xf32, #tpu.memory_space<hbm>> -> memref<640xf32, #tpu.memory_space<hbm>>
      tpu.wait_dma2 semaphore(%run_scoped3A_160 : memref<!tpu.dma_semaphore, #tpu.memory_space<semaphore_mem>>) src(%dma_wait3A_162 : memref<640xf32, #tpu.memory_space<hbm>>) dst(%dma_wait3A : memref<640xf32, #tpu.memory_space<vmem_shared>>)
      tpu.yield
    }) : () -> ()
    %run_scoped3A = arith.constant 1 : i32
    "tpu.region"() ({
      %run_scoped3A_160 = tpu.sem_alloc : memref<!tpu.dma_semaphore, #tpu.memory_space<semaphore_mem>>
      %dma_start3A = arith.constant 0 : i32
      %dma_start3A_161 = arith.constant 0 : i32
      %dma_start3A_162 = tpu.memref_slice %arg2[%run_scoped3A, %add3A, %dma_start3A, %dma_start3A_161] : memref<2x32x25x400xi32, #tpu.memory_space<hbm>> -> memref<1x1x25x400xi32, #tpu.memory_space<hbm>>
      %dma_start3A_163 = tpu.memref_squeeze %dma_start3A_162 : memref<1x1x25x400xi32, #tpu.memory_space<hbm>> -> memref<25x400xi32, #tpu.memory_space<hbm>>
      %dma_start3A_164 = arith.constant 0 : i32
      %dma_start3A_165 = arith.constant 0 : i32
      %dma_start3A_166 = tpu.memref_slice %arg2[%run_scoped3A, %add3A, %dma_start3A_164, %dma_start3A_165] : memref<2x32x25x400xi32, #tpu.memory_space<hbm>> -> memref<1x1x25x400xi32, #tpu.memory_space<hbm>>
      %dma_start3A_167 = tpu.memref_squeeze %dma_start3A_166 : memref<1x1x25x400xi32, #tpu.memory_space<hbm>> -> memref<25x400xi32, #tpu.memory_space<hbm>>
      tpu.enqueue_dma source(%dma_start3A_167 : memref<25x400xi32, #tpu.memory_space<hbm>>) target(%arg5 : memref<25x400xi32, #tpu.memory_space<vmem>>) target_semaphore(%run_scoped3A_160 : memref<!tpu.dma_semaphore, #tpu.memory_space<semaphore_mem>>)
      %dma_wait3A = arith.constant 0 : i32
      %dma_wait3A_168 = arith.constant 0 : i32
      %dma_wait3A_169 = tpu.memref_slice %arg2[%run_scoped3A, %add3A, %dma_wait3A, %dma_wait3A_168] : memref<2x32x25x400xi32, #tpu.memory_space<hbm>> -> memref<1x1x25x400xi32, #tpu.memory_space<hbm>>
      %dma_wait3A_170 = tpu.memref_squeeze %dma_wait3A_169 : memref<1x1x25x400xi32, #tpu.memory_space<hbm>> -> memref<25x400xi32, #tpu.memory_space<hbm>>
      %dma_wait3A_171 = arith.constant 0 : i32
      %dma_wait3A_172 = arith.constant 0 : i32
      %dma_wait3A_173 = tpu.memref_slice %arg2[%run_scoped3A, %add3A, %dma_wait3A_171, %dma_wait3A_172] : memref<2x32x25x400xi32, #tpu.memory_space<hbm>> -> memref<1x1x25x400xi32, #tpu.memory_space<hbm>>
      %dma_wait3A_174 = tpu.memref_squeeze %dma_wait3A_173 : memref<1x1x25x400xi32, #tpu.memory_space<hbm>> -> memref<25x400xi32, #tpu.memory_space<hbm>>
      tpu.wait_dma2 semaphore(%run_scoped3A_160 : memref<!tpu.dma_semaphore, #tpu.memory_space<semaphore_mem>>) src(%dma_wait3A_174 : memref<25x400xi32, #tpu.memory_space<hbm>>) dst(%arg5 : memref<25x400xi32, #tpu.memory_space<vmem>>)
      tpu.yield
    }) : () -> ()
    %broadcast_in_dim3A = arith.constant 1.000000e+00 : f32
    %broadcast_in_dim3A_3 = vector.broadcast %broadcast_in_dim3A : f32 to vector<16xf32>
    %swap3A = arith.constant 0 : index
    %swap3A_4 = tpu.vector_load %arg6[%swap3A] {strides = array<i32>} : memref<400xf32, #tpu.memory_space<vmem>>, vector<16xf32>,
    %swap3A_5 = vector.shape_cast %swap3A_4 : vector<16xf32> to vector<16xf32>
    %swap3A_6 = vector.shape_cast %broadcast_in_dim3A_3 : vector<16xf32> to vector<16xf32>
    tpu.vector_store %arg6[%swap3A], %swap3A_6 {strides = array<i32>} : memref<400xf32, #tpu.memory_space<vmem>>, vector<16xf32>,
    %broadcast_in_dim3A_7 = arith.constant 1.000000e+00 : f32
    %broadcast_in_dim3A_8 = vector.broadcast %broadcast_in_dim3A_7 : f32 to vector<16xf32>
    %swap3A_9 = arith.constant 16 : index
    %swap3A_10 = tpu.vector_load %arg6[%swap3A_9] {strides = array<i32>} : memref<400xf32, #tpu.memory_space<vmem>>, vector<16xf32>,
    %swap3A_11 = vector.shape_cast %swap3A_10 : vector<16xf32> to vector<16xf32>
    %swap3A_12 = vector.shape_cast %broadcast_in_dim3A_8 : vector<16xf32> to vector<16xf32>
    tpu.vector_store %arg6[%swap3A_9], %swap3A_12 {strides = array<i32>} : memref<400xf32, #tpu.memory_space<vmem>>, vector<16xf32>,
    %broadcast_in_dim3A_13 = arith.constant 1.000000e+00 : f32
    %broadcast_in_dim3A_14 = vector.broadcast %broadcast_in_dim3A_13 : f32 to vector<16xf32>
    %swap3A_15 = arith.constant 32 : index
    %swap3A_16 = tpu.vector_load %arg6[%swap3A_15] {strides = array<i32>} : memref<400xf32, #tpu.memory_space<vmem>>, vector<16xf32>,
    %swap3A_17 = vector.shape_cast %swap3A_16 : vector<16xf32> to vector<16xf32>
    %swap3A_18 = vector.shape_cast %broadcast_in_dim3A_14 : vector<16xf32> to vector<16xf32>
    tpu.vector_store %arg6[%swap3A_15], %swap3A_18 {strides = array<i32>} : memref<400xf32, #tpu.memory_space<vmem>>, vector<16xf32>,
    %broadcast_in_dim3A_19 = arith.constant 1.000000e+00 : f32
    %broadcast_in_dim3A_20 = vector.broadcast %broadcast_in_dim3A_19 : f32 to vector<16xf32>
    %swap3A_21 = arith.constant 48 : index
    %swap3A_22 = tpu.vector_load %arg6[%swap3A_21] {strides = array<i32>} : memref<400xf32, #tpu.memory_space<vmem>>, vector<16xf32>,
    %swap3A_23 = vector.shape_cast %swap3A_22 : vector<16xf32> to vector<16xf32>
    %swap3A_24 = vector.shape_cast %broadcast_in_dim3A_20 : vector<16xf32> to vector<16xf32>
    tpu.vector_store %arg6[%swap3A_21], %swap3A_24 {strides = array<i32>} : memref<400xf32, #tpu.memory_space<vmem>>, vector<16xf32>,
    %broadcast_in_dim3A_25 = arith.constant 1.000000e+00 : f32
    %broadcast_in_dim3A_26 = vector.broadcast %broadcast_in_dim3A_25 : f32 to vector<16xf32>
    %swap3A_27 = arith.constant 64 : index
    %swap3A_28 = tpu.vector_load %arg6[%swap3A_27] {strides = array<i32>} : memref<400xf32, #tpu.memory_space<vmem>>, vector<16xf32>,
    %swap3A_29 = vector.shape_cast %swap3A_28 : vector<16xf32> to vector<16xf32>
    %swap3A_30 = vector.shape_cast %broadcast_in_dim3A_26 : vector<16xf32> to vector<16xf32>
    tpu.vector_store %arg6[%swap3A_27], %swap3A_30 {strides = array<i32>} : memref<400xf32, #tpu.memory_space<vmem>>, vector<16xf32>,
    %broadcast_in_dim3A_31 = arith.constant 1.000000e+00 : f32
    %broadcast_in_dim3A_32 = vector.broadcast %broadcast_in_dim3A_31 : f32 to vector<16xf32>
    %swap3A_33 = arith.constant 80 : index
    %swap3A_34 = tpu.vector_load %arg6[%swap3A_33] {strides = array<i32>} : memref<400xf32, #tpu.memory_space<vmem>>, vector<16xf32>,
    %swap3A_35 = vector.shape_cast %swap3A_34 : vector<16xf32> to vector<16xf32>
    %swap3A_36 = vector.shape_cast %broadcast_in_dim3A_32 : vector<16xf32> to vector<16xf32>
    tpu.vector_store %arg6[%swap3A_33], %swap3A_36 {strides = array<i32>} : memref<400xf32, #tpu.memory_space<vmem>>, vector<16xf32>,
    %broadcast_in_dim3A_37 = arith.constant 1.000000e+00 : f32
    %broadcast_in_dim3A_38 = vector.broadcast %broadcast_in_dim3A_37 : f32 to vector<16xf32>
    %swap3A_39 = arith.constant 96 : index
    %swap3A_40 = tpu.vector_load %arg6[%swap3A_39] {strides = array<i32>} : memref<400xf32, #tpu.memory_space<vmem>>, vector<16xf32>,
    %swap3A_41 = vector.shape_cast %swap3A_40 : vector<16xf32> to vector<16xf32>
    %swap3A_42 = vector.shape_cast %broadcast_in_dim3A_38 : vector<16xf32> to vector<16xf32>
    tpu.vector_store %arg6[%swap3A_39], %swap3A_42 {strides = array<i32>} : memref<400xf32, #tpu.memory_space<vmem>>, vector<16xf32>,
    %broadcast_in_dim3A_43 = arith.constant 1.000000e+00 : f32
    %broadcast_in_dim3A_44 = vector.broadcast %broadcast_in_dim3A_43 : f32 to vector<16xf32>
    %swap3A_45 = arith.constant 112 : index
    %swap3A_46 = tpu.vector_load %arg6[%swap3A_45] {strides = array<i32>} : memref<400xf32, #tpu.memory_space<vmem>>, vector<16xf32>,
    %swap3A_47 = vector.shape_cast %swap3A_46 : vector<16xf32> to vector<16xf32>
    %swap3A_48 = vector.shape_cast %broadcast_in_dim3A_44 : vector<16xf32> to vector<16xf32>
    tpu.vector_store %arg6[%swap3A_45], %swap3A_48 {strides = array<i32>} : memref<400xf32, #tpu.memory_space<vmem>>, vector<16xf32>,
    %broadcast_in_dim3A_49 = arith.constant 1.000000e+00 : f32
    %broadcast_in_dim3A_50 = vector.broadcast %broadcast_in_dim3A_49 : f32 to vector<16xf32>
    %swap3A_51 = arith.constant 128 : index
    %swap3A_52 = tpu.vector_load %arg6[%swap3A_51] {strides = array<i32>} : memref<400xf32, #tpu.memory_space<vmem>>, vector<16xf32>,
    %swap3A_53 = vector.shape_cast %swap3A_52 : vector<16xf32> to vector<16xf32>
    %swap3A_54 = vector.shape_cast %broadcast_in_dim3A_50 : vector<16xf32> to vector<16xf32>
    tpu.vector_store %arg6[%swap3A_51], %swap3A_54 {strides = array<i32>} : memref<400xf32, #tpu.memory_space<vmem>>, vector<16xf32>,
    %broadcast_in_dim3A_55 = arith.constant 1.000000e+00 : f32
    %broadcast_in_dim3A_56 = vector.broadcast %broadcast_in_dim3A_55 : f32 to vector<16xf32>
    %swap3A_57 = arith.constant 144 : index
    %swap3A_58 = tpu.vector_load %arg6[%swap3A_57] {strides = array<i32>} : memref<400xf32, #tpu.memory_space<vmem>>, vector<16xf32>,
    %swap3A_59 = vector.shape_cast %swap3A_58 : vector<16xf32> to vector<16xf32>
    %swap3A_60 = vector.shape_cast %broadcast_in_dim3A_56 : vector<16xf32> to vector<16xf32>
    tpu.vector_store %arg6[%swap3A_57], %swap3A_60 {strides = array<i32>} : memref<400xf32, #tpu.memory_space<vmem>>, vector<16xf32>,
    %broadcast_in_dim3A_61 = arith.constant 1.000000e+00 : f32
    %broadcast_in_dim3A_62 = vector.broadcast %broadcast_in_dim3A_61 : f32 to vector<16xf32>
    %swap3A_63 = arith.constant 160 : index
    %swap3A_64 = tpu.vector_load %arg6[%swap3A_63] {strides = array<i32>} : memref<400xf32, #tpu.memory_space<vmem>>, vector<16xf32>,
    %swap3A_65 = vector.shape_cast %swap3A_64 : vector<16xf32> to vector<16xf32>
    %swap3A_66 = vector.shape_cast %broadcast_in_dim3A_62 : vector<16xf32> to vector<16xf32>
    tpu.vector_store %arg6[%swap3A_63], %swap3A_66 {strides = array<i32>} : memref<400xf32, #tpu.memory_space<vmem>>, vector<16xf32>,
    %broadcast_in_dim3A_67 = arith.constant 1.000000e+00 : f32
    %broadcast_in_dim3A_68 = vector.broadcast %broadcast_in_dim3A_67 : f32 to vector<16xf32>
    %swap3A_69 = arith.constant 176 : index
    %swap3A_70 = tpu.vector_load %arg6[%swap3A_69] {strides = array<i32>} : memref<400xf32, #tpu.memory_space<vmem>>, vector<16xf32>,
    %swap3A_71 = vector.shape_cast %swap3A_70 : vector<16xf32> to vector<16xf32>
    %swap3A_72 = vector.shape_cast %broadcast_in_dim3A_68 : vector<16xf32> to vector<16xf32>
    tpu.vector_store %arg6[%swap3A_69], %swap3A_72 {strides = array<i32>} : memref<400xf32, #tpu.memory_space<vmem>>, vector<16xf32>,
    %broadcast_in_dim3A_73 = arith.constant 1.000000e+00 : f32
    %broadcast_in_dim3A_74 = vector.broadcast %broadcast_in_dim3A_73 : f32 to vector<16xf32>
    %swap3A_75 = arith.constant 192 : index
    %swap3A_76 = tpu.vector_load %arg6[%swap3A_75] {strides = array<i32>} : memref<400xf32, #tpu.memory_space<vmem>>, vector<16xf32>,
    %swap3A_77 = vector.shape_cast %swap3A_76 : vector<16xf32> to vector<16xf32>
    %swap3A_78 = vector.shape_cast %broadcast_in_dim3A_74 : vector<16xf32> to vector<16xf32>
    tpu.vector_store %arg6[%swap3A_75], %swap3A_78 {strides = array<i32>} : memref<400xf32, #tpu.memory_space<vmem>>, vector<16xf32>,
    %broadcast_in_dim3A_79 = arith.constant 1.000000e+00 : f32
    %broadcast_in_dim3A_80 = vector.broadcast %broadcast_in_dim3A_79 : f32 to vector<16xf32>
    %swap3A_81 = arith.constant 208 : index
    %swap3A_82 = tpu.vector_load %arg6[%swap3A_81] {strides = array<i32>} : memref<400xf32, #tpu.memory_space<vmem>>, vector<16xf32>,
    %swap3A_83 = vector.shape_cast %swap3A_82 : vector<16xf32> to vector<16xf32>
    %swap3A_84 = vector.shape_cast %broadcast_in_dim3A_80 : vector<16xf32> to vector<16xf32>
    tpu.vector_store %arg6[%swap3A_81], %swap3A_84 {strides = array<i32>} : memref<400xf32, #tpu.memory_space<vmem>>, vector<16xf32>,
    %broadcast_in_dim3A_85 = arith.constant 1.000000e+00 : f32
    %broadcast_in_dim3A_86 = vector.broadcast %broadcast_in_dim3A_85 : f32 to vector<16xf32>
    %swap3A_87 = arith.constant 224 : index
    %swap3A_88 = tpu.vector_load %arg6[%swap3A_87] {strides = array<i32>} : memref<400xf32, #tpu.memory_space<vmem>>, vector<16xf32>,
    %swap3A_89 = vector.shape_cast %swap3A_88 : vector<16xf32> to vector<16xf32>
    %swap3A_90 = vector.shape_cast %broadcast_in_dim3A_86 : vector<16xf32> to vector<16xf32>
    tpu.vector_store %arg6[%swap3A_87], %swap3A_90 {strides = array<i32>} : memref<400xf32, #tpu.memory_space<vmem>>, vector<16xf32>,
    %broadcast_in_dim3A_91 = arith.constant 1.000000e+00 : f32
    %broadcast_in_dim3A_92 = vector.broadcast %broadcast_in_dim3A_91 : f32 to vector<16xf32>
    %swap3A_93 = arith.constant 240 : index
    %swap3A_94 = tpu.vector_load %arg6[%swap3A_93] {strides = array<i32>} : memref<400xf32, #tpu.memory_space<vmem>>, vector<16xf32>,
    %swap3A_95 = vector.shape_cast %swap3A_94 : vector<16xf32> to vector<16xf32>
    %swap3A_96 = vector.shape_cast %broadcast_in_dim3A_92 : vector<16xf32> to vector<16xf32>
    tpu.vector_store %arg6[%swap3A_93], %swap3A_96 {strides = array<i32>} : memref<400xf32, #tpu.memory_space<vmem>>, vector<16xf32>,
    %broadcast_in_dim3A_97 = arith.constant 1.000000e+00 : f32
    %broadcast_in_dim3A_98 = vector.broadcast %broadcast_in_dim3A_97 : f32 to vector<16xf32>
    %swap3A_99 = arith.constant 256 : index
    %swap3A_100 = tpu.vector_load %arg6[%swap3A_99] {strides = array<i32>} : memref<400xf32, #tpu.memory_space<vmem>>, vector<16xf32>,
    %swap3A_101 = vector.shape_cast %swap3A_100 : vector<16xf32> to vector<16xf32>
    %swap3A_102 = vector.shape_cast %broadcast_in_dim3A_98 : vector<16xf32> to vector<16xf32>
    tpu.vector_store %arg6[%swap3A_99], %swap3A_102 {strides = array<i32>} : memref<400xf32, #tpu.memory_space<vmem>>, vector<16xf32>,
    %broadcast_in_dim3A_103 = arith.constant 1.000000e+00 : f32
    %broadcast_in_dim3A_104 = vector.broadcast %broadcast_in_dim3A_103 : f32 to vector<16xf32>
    %swap3A_105 = arith.constant 272 : index
    %swap3A_106 = tpu.vector_load %arg6[%swap3A_105] {strides = array<i32>} : memref<400xf32, #tpu.memory_space<vmem>>, vector<16xf32>,
    %swap3A_107 = vector.shape_cast %swap3A_106 : vector<16xf32> to vector<16xf32>
    %swap3A_108 = vector.shape_cast %broadcast_in_dim3A_104 : vector<16xf32> to vector<16xf32>
    tpu.vector_store %arg6[%swap3A_105], %swap3A_108 {strides = array<i32>} : memref<400xf32, #tpu.memory_space<vmem>>, vector<16xf32>,
    %broadcast_in_dim3A_109 = arith.constant 1.000000e+00 : f32
    %broadcast_in_dim3A_110 = vector.broadcast %broadcast_in_dim3A_109 : f32 to vector<16xf32>
    %swap3A_111 = arith.constant 288 : index
    %swap3A_112 = tpu.vector_load %arg6[%swap3A_111] {strides = array<i32>} : memref<400xf32, #tpu.memory_space<vmem>>, vector<16xf32>,
    %swap3A_113 = vector.shape_cast %swap3A_112 : vector<16xf32> to vector<16xf32>
    %swap3A_114 = vector.shape_cast %broadcast_in_dim3A_110 : vector<16xf32> to vector<16xf32>
    tpu.vector_store %arg6[%swap3A_111], %swap3A_114 {strides = array<i32>} : memref<400xf32, #tpu.memory_space<vmem>>, vector<16xf32>,
    %broadcast_in_dim3A_115 = arith.constant 1.000000e+00 : f32
    %broadcast_in_dim3A_116 = vector.broadcast %broadcast_in_dim3A_115 : f32 to vector<16xf32>
    %swap3A_117 = arith.constant 304 : index
    %swap3A_118 = tpu.vector_load %arg6[%swap3A_117] {strides = array<i32>} : memref<400xf32, #tpu.memory_space<vmem>>, vector<16xf32>,
    %swap3A_119 = vector.shape_cast %swap3A_118 : vector<16xf32> to vector<16xf32>
    %swap3A_120 = vector.shape_cast %broadcast_in_dim3A_116 : vector<16xf32> to vector<16xf32>
    tpu.vector_store %arg6[%swap3A_117], %swap3A_120 {strides = array<i32>} : memref<400xf32, #tpu.memory_space<vmem>>, vector<16xf32>,
    %broadcast_in_dim3A_121 = arith.constant 1.000000e+00 : f32
    %broadcast_in_dim3A_122 = vector.broadcast %broadcast_in_dim3A_121 : f32 to vector<16xf32>
    %swap3A_123 = arith.constant 320 : index
    %swap3A_124 = tpu.vector_load %arg6[%swap3A_123] {strides = array<i32>} : memref<400xf32, #tpu.memory_space<vmem>>, vector<16xf32>,
    %swap3A_125 = vector.shape_cast %swap3A_124 : vector<16xf32> to vector<16xf32>
    %swap3A_126 = vector.shape_cast %broadcast_in_dim3A_122 : vector<16xf32> to vector<16xf32>
    tpu.vector_store %arg6[%swap3A_123], %swap3A_126 {strides = array<i32>} : memref<400xf32, #tpu.memory_space<vmem>>, vector<16xf32>,
    %broadcast_in_dim3A_127 = arith.constant 1.000000e+00 : f32
    %broadcast_in_dim3A_128 = vector.broadcast %broadcast_in_dim3A_127 : f32 to vector<16xf32>
    %swap3A_129 = arith.constant 336 : index
    %swap3A_130 = tpu.vector_load %arg6[%swap3A_129] {strides = array<i32>} : memref<400xf32, #tpu.memory_space<vmem>>, vector<16xf32>,
    %swap3A_131 = vector.shape_cast %swap3A_130 : vector<16xf32> to vector<16xf32>
    %swap3A_132 = vector.shape_cast %broadcast_in_dim3A_128 : vector<16xf32> to vector<16xf32>
    tpu.vector_store %arg6[%swap3A_129], %swap3A_132 {strides = array<i32>} : memref<400xf32, #tpu.memory_space<vmem>>, vector<16xf32>,
    %broadcast_in_dim3A_133 = arith.constant 1.000000e+00 : f32
    %broadcast_in_dim3A_134 = vector.broadcast %broadcast_in_dim3A_133 : f32 to vector<16xf32>
    %swap3A_135 = arith.constant 352 : index
    %swap3A_136 = tpu.vector_load %arg6[%swap3A_135] {strides = array<i32>} : memref<400xf32, #tpu.memory_space<vmem>>, vector<16xf32>,
    %swap3A_137 = vector.shape_cast %swap3A_136 : vector<16xf32> to vector<16xf32>
    %swap3A_138 = vector.shape_cast %broadcast_in_dim3A_134 : vector<16xf32> to vector<16xf32>
    tpu.vector_store %arg6[%swap3A_135], %swap3A_138 {strides = array<i32>} : memref<400xf32, #tpu.memory_space<vmem>>, vector<16xf32>,
    %broadcast_in_dim3A_139 = arith.constant 1.000000e+00 : f32
    %broadcast_in_dim3A_140 = vector.broadcast %broadcast_in_dim3A_139 : f32 to vector<16xf32>
    %swap3A_141 = arith.constant 368 : index
    %swap3A_142 = tpu.vector_load %arg6[%swap3A_141] {strides = array<i32>} : memref<400xf32, #tpu.memory_space<vmem>>, vector<16xf32>,
    %swap3A_143 = vector.shape_cast %swap3A_142 : vector<16xf32> to vector<16xf32>
    %swap3A_144 = vector.shape_cast %broadcast_in_dim3A_140 : vector<16xf32> to vector<16xf32>
    tpu.vector_store %arg6[%swap3A_141], %swap3A_144 {strides = array<i32>} : memref<400xf32, #tpu.memory_space<vmem>>, vector<16xf32>,
    %broadcast_in_dim3A_145 = arith.constant 1.000000e+00 : f32
    %broadcast_in_dim3A_146 = vector.broadcast %broadcast_in_dim3A_145 : f32 to vector<16xf32>
    %swap3A_147 = arith.constant 384 : index
    %swap3A_148 = tpu.vector_load %arg6[%swap3A_147] {strides = array<i32>} : memref<400xf32, #tpu.memory_space<vmem>>, vector<16xf32>,
    %swap3A_149 = vector.shape_cast %swap3A_148 : vector<16xf32> to vector<16xf32>
    %swap3A_150 = vector.shape_cast %broadcast_in_dim3A_146 : vector<16xf32> to vector<16xf32>
    tpu.vector_store %arg6[%swap3A_147], %swap3A_150 {strides = array<i32>} : memref<400xf32, #tpu.memory_space<vmem>>, vector<16xf32>,
    %barrier3A = arith.constant 0 : index
    tpu.barrier barrier_id(%barrier3A)
    %scan3A = arith.constant 0 : i32
    %scan3A_151 = arith.constant 0 : i32
    %scan3A_152 = arith.constant 25 : i32
    %scan3A_153 = arith.addi %scan3A_151, %scan3A_152 : i32
    %scan3A_154 = arith.constant 1 : i32
    scf.for %scan3A_160 = %scan3A_151 to %scan3A_153 step %scan3A_154  : i32 {
      "tpu.region"() ({
        %run_scoped3A_161 = tpu.sem_alloc : memref<!tpu.dma_semaphore, #tpu.memory_space<semaphore_mem>>
        %dma_start3A = arith.constant 0 : i32
        %dma_start3A_162 = tpu.memref_slice %arg5[%scan3A_160, %dma_start3A] : memref<25x400xi32, #tpu.memory_space<vmem>> -> memref<1x400xi32, #tpu.memory_space<vmem>>
        %dma_start3A_163 = tpu.memref_squeeze %dma_start3A_162 : memref<1x400xi32, #tpu.memory_space<vmem>> -> memref<400xi32, #tpu.memory_space<vmem>>
        %dma_start3A_164 = arith.constant 0 : i32
        %dma_start3A_165 = tpu.memref_slice %arg7[%dma_start3A_164] : memref<10240xf32, #tpu.memory_space<vmem_shared>> -> memref<10240xf32, #tpu.memory_space<vmem_shared>>
        tpu.enqueue_indirect_dma source(%arg6 : memref<400xf32, #tpu.memory_space<vmem>>) target(%dma_start3A_165 : memref<10240xf32, #tpu.memory_space<vmem_shared>>) offsets(%dma_start3A_163 : memref<400xi32, #tpu.memory_space<vmem>>) semaphore(%run_scoped3A_161 : memref<!tpu.dma_semaphore, #tpu.memory_space<semaphore_mem>>) {add = true}
        %dma_wait3A = arith.constant 0 : i32
        %dma_wait3A_166 = tpu.memref_slice %arg5[%scan3A_160, %dma_wait3A] : memref<25x400xi32, #tpu.memory_space<vmem>> -> memref<1x400xi32, #tpu.memory_space<vmem>>
        %dma_wait3A_167 = tpu.memref_squeeze %dma_wait3A_166 : memref<1x400xi32, #tpu.memory_space<vmem>> -> memref<400xi32, #tpu.memory_space<vmem>>
        %dma_wait3A_168 = arith.constant 0 : i32
        %dma_wait3A_169 = tpu.memref_slice %arg7[%dma_wait3A_168] : memref<10240xf32, #tpu.memory_space<vmem_shared>> -> memref<10240xf32, #tpu.memory_space<vmem_shared>>
        tpu.wait_indirect_dma semaphore(%run_scoped3A_161 : memref<!tpu.dma_semaphore, #tpu.memory_space<semaphore_mem>>) src(%arg6 : memref<400xf32, #tpu.memory_space<vmem>>) dst(%dma_wait3A_169 : memref<10240xf32, #tpu.memory_space<vmem_shared>>)
        tpu.yield
      }) : () -> ()
    }
    %scan3A_155 = arith.constant 25 : i32
    %barrier3A_156 = arith.constant 0 : index
    tpu.barrier barrier_id(%barrier3A_156)
    %mul3A_157 = arith.constant 10240 : i32
    %mul3A_158 = arith.muli %arg0, %mul3A_157 : i32
    %add3A_159 = arith.addi %mul3A_158, %mul3A_2 : i32
    "tpu.region"() ({
      %run_scoped3A_160 = tpu.sem_alloc : memref<!tpu.dma_semaphore, #tpu.memory_space<semaphore_mem>>
      %dma_start3A = tpu.memref_slice %arg4[%add3A_159] : memref<20480xf32, #tpu.memory_space<hbm>> -> memref<640xf32, #tpu.memory_space<hbm>>
      %dma_start3A_161 = tpu.memref_slice %arg7[%mul3A_2] : memref<10240xf32, #tpu.memory_space<vmem_shared>> -> memref<640xf32, #tpu.memory_space<vmem_shared>>
      tpu.enqueue_dma source(%dma_start3A_161 : memref<640xf32, #tpu.memory_space<vmem_shared>>) target(%dma_start3A : memref<640xf32, #tpu.memory_space<hbm>>) target_semaphore(%run_scoped3A_160 : memref<!tpu.dma_semaphore, #tpu.memory_space<semaphore_mem>>)
      %dma_wait3A = tpu.memref_slice %arg4[%add3A_159] : memref<20480xf32, #tpu.memory_space<hbm>> -> memref<640xf32, #tpu.memory_space<hbm>>
      %dma_wait3A_162 = tpu.memref_slice %arg7[%mul3A_2] : memref<10240xf32, #tpu.memory_space<vmem_shared>> -> memref<640xf32, #tpu.memory_space<vmem_shared>>
      tpu.wait_dma2 semaphore(%run_scoped3A_160 : memref<!tpu.dma_semaphore, #tpu.memory_space<semaphore_mem>>) src(%dma_wait3A_162 : memref<640xf32, #tpu.memory_space<vmem_shared>>) dst(%dma_wait3A : memref<640xf32, #tpu.memory_space<hbm>>)
      tpu.yield
    }) : () -> ()
    return
  }
}

#map = affine_map<(d0, d1) -> (0, 0)>
#map1 = affine_map<(d0, d1) -> (0, 0, 0, 0)>
module attributes {stable_mosaic.version = 14 : i64} {
  func.func @_prop_body(%arg0: i32, %arg1: i32, %arg2: memref<10240x8xf32, #tpu.memory_space<hbm>>, %arg3: memref<2x32x25x400xi32, #tpu.memory_space<hbm>>, %arg4: memref<10240x8xf32, #tpu.memory_space<hbm>>, %arg5: memref<20480x8xf32, #tpu.memory_space<hbm>>, %arg6: memref<25x400xi32, #tpu.memory_space<vmem>>, %arg7: memref<25x400xi32, #tpu.memory_space<vmem>>, %arg8: memref<5x400x8xf32, #tpu.memory_space<vmem>>, %arg9: memref<10240x8xf32, #tpu.memory_space<vmem_shared>>, %arg10: memref<!tpu.dma_semaphore, #tpu.memory_space<semaphore_mem>>, %arg11: memref<!tpu.dma_semaphore, #tpu.memory_space<semaphore_mem>>, %arg12: memref<!tpu.dma_semaphore, #tpu.memory_space<semaphore_mem>>, %arg13: memref<!tpu.dma_semaphore, #tpu.memory_space<semaphore_mem>>, %arg14: memref<!tpu.dma_semaphore, #tpu.memory_space<semaphore_mem>>) attributes {dimension_semantics = [#tpu.dimension_semantics<core_parallel>, #tpu.dimension_semantics<subcore_parallel>], iteration_bounds = array<i64: 2, 16>, scalar_prefetch = 0 : i64, scratch_operands = 9 : i64, tpu.core_type = #tpu.core_type<sc_vector_subcore>, window_params = [{transform_indices = #map}, {transform_indices = #map1}, {transform_indices = #map}, {transform_indices = #map}]} {
    %mul3A = arith.constant 16 : i32
    %mul3A_0 = arith.muli %arg0, %mul3A : i32
    %add3A = arith.addi %mul3A_0, %arg1 : i32
    %mul3A_1 = arith.constant 640 : i32
    %mul3A_2 = arith.muli %arg1, %mul3A_1 : i32
    %dma_start3A = arith.constant 0 : i32
    %dma_start3A_3 = tpu.memref_slice %arg9[%mul3A_2, %dma_start3A] : memref<10240x8xf32, #tpu.memory_space<vmem_shared>> -> memref<640x8xf32, #tpu.memory_space<vmem_shared>>
    %dma_start3A_4 = arith.constant 0 : i32
    %dma_start3A_5 = tpu.memref_slice %arg4[%mul3A_2, %dma_start3A_4] : memref<10240x8xf32, #tpu.memory_space<hbm>> -> memref<640x8xf32, #tpu.memory_space<hbm>>
    tpu.enqueue_dma source(%dma_start3A_5 : memref<640x8xf32, #tpu.memory_space<hbm>>) target(%dma_start3A_3 : memref<640x8xf32, #tpu.memory_space<vmem_shared>>) target_semaphore(%arg10 : memref<!tpu.dma_semaphore, #tpu.memory_space<semaphore_mem>>)
    %dma_start3A_6 = arith.constant 0 : i32
    %dma_start3A_7 = arith.constant 0 : i32
    %dma_start3A_8 = arith.constant 0 : i32
    %dma_start3A_9 = tpu.memref_slice %arg3[%dma_start3A_6, %add3A, %dma_start3A_7, %dma_start3A_8] : memref<2x32x25x400xi32, #tpu.memory_space<hbm>> -> memref<1x1x25x400xi32, #tpu.memory_space<hbm>>
    %dma_start3A_10 = tpu.memref_squeeze %dma_start3A_9 : memref<1x1x25x400xi32, #tpu.memory_space<hbm>> -> memref<25x400xi32, #tpu.memory_space<hbm>>
    %dma_start3A_11 = arith.constant 0 : i32
    %dma_start3A_12 = arith.constant 0 : i32
    %dma_start3A_13 = tpu.memref_slice %arg3[%dma_start3A_6, %add3A, %dma_start3A_11, %dma_start3A_12] : memref<2x32x25x400xi32, #tpu.memory_space<hbm>> -> memref<1x1x25x400xi32, #tpu.memory_space<hbm>>
    %dma_start3A_14 = tpu.memref_squeeze %dma_start3A_13 : memref<1x1x25x400xi32, #tpu.memory_space<hbm>> -> memref<25x400xi32, #tpu.memory_space<hbm>>
    tpu.enqueue_dma source(%dma_start3A_14 : memref<25x400xi32, #tpu.memory_space<hbm>>) target(%arg6 : memref<25x400xi32, #tpu.memory_space<vmem>>) target_semaphore(%arg11 : memref<!tpu.dma_semaphore, #tpu.memory_space<semaphore_mem>>)
    %dma_start3A_15 = arith.constant 1 : i32
    %dma_start3A_16 = arith.constant 0 : i32
    %dma_start3A_17 = arith.constant 0 : i32
    %dma_start3A_18 = tpu.memref_slice %arg3[%dma_start3A_15, %add3A, %dma_start3A_16, %dma_start3A_17] : memref<2x32x25x400xi32, #tpu.memory_space<hbm>> -> memref<1x1x25x400xi32, #tpu.memory_space<hbm>>
    %dma_start3A_19 = tpu.memref_squeeze %dma_start3A_18 : memref<1x1x25x400xi32, #tpu.memory_space<hbm>> -> memref<25x400xi32, #tpu.memory_space<hbm>>
    %dma_start3A_20 = arith.constant 0 : i32
    %dma_start3A_21 = arith.constant 0 : i32
    %dma_start3A_22 = tpu.memref_slice %arg3[%dma_start3A_15, %add3A, %dma_start3A_20, %dma_start3A_21] : memref<2x32x25x400xi32, #tpu.memory_space<hbm>> -> memref<1x1x25x400xi32, #tpu.memory_space<hbm>>
    %dma_start3A_23 = tpu.memref_squeeze %dma_start3A_22 : memref<1x1x25x400xi32, #tpu.memory_space<hbm>> -> memref<25x400xi32, #tpu.memory_space<hbm>>
    tpu.enqueue_dma source(%dma_start3A_23 : memref<25x400xi32, #tpu.memory_space<hbm>>) target(%arg7 : memref<25x400xi32, #tpu.memory_space<vmem>>) target_semaphore(%arg12 : memref<!tpu.dma_semaphore, #tpu.memory_space<semaphore_mem>>)
    %dma_wait3A = arith.constant 0 : i32
    %dma_wait3A_24 = tpu.memref_slice %arg9[%mul3A_2, %dma_wait3A] : memref<10240x8xf32, #tpu.memory_space<vmem_shared>> -> memref<640x8xf32, #tpu.memory_space<vmem_shared>>
    %dma_wait3A_25 = arith.constant 0 : i32
    %dma_wait3A_26 = tpu.memref_slice %arg4[%mul3A_2, %dma_wait3A_25] : memref<10240x8xf32, #tpu.memory_space<hbm>> -> memref<640x8xf32, #tpu.memory_space<hbm>>
    tpu.wait_dma2 semaphore(%arg10 : memref<!tpu.dma_semaphore, #tpu.memory_space<semaphore_mem>>) src(%dma_wait3A_26 : memref<640x8xf32, #tpu.memory_space<hbm>>) dst(%dma_wait3A_24 : memref<640x8xf32, #tpu.memory_space<vmem_shared>>)
    %dma_wait3A_27 = arith.constant 0 : i32
    %dma_wait3A_28 = arith.constant 0 : i32
    %dma_wait3A_29 = arith.constant 0 : i32
    %dma_wait3A_30 = tpu.memref_slice %arg3[%dma_wait3A_27, %add3A, %dma_wait3A_28, %dma_wait3A_29] : memref<2x32x25x400xi32, #tpu.memory_space<hbm>> -> memref<1x1x25x400xi32, #tpu.memory_space<hbm>>
    %dma_wait3A_31 = tpu.memref_squeeze %dma_wait3A_30 : memref<1x1x25x400xi32, #tpu.memory_space<hbm>> -> memref<25x400xi32, #tpu.memory_space<hbm>>
    %dma_wait3A_32 = arith.constant 0 : i32
    %dma_wait3A_33 = arith.constant 0 : i32
    %dma_wait3A_34 = tpu.memref_slice %arg3[%dma_wait3A_27, %add3A, %dma_wait3A_32, %dma_wait3A_33] : memref<2x32x25x400xi32, #tpu.memory_space<hbm>> -> memref<1x1x25x400xi32, #tpu.memory_space<hbm>>
    %dma_wait3A_35 = tpu.memref_squeeze %dma_wait3A_34 : memref<1x1x25x400xi32, #tpu.memory_space<hbm>> -> memref<25x400xi32, #tpu.memory_space<hbm>>
    tpu.wait_dma2 semaphore(%arg11 : memref<!tpu.dma_semaphore, #tpu.memory_space<semaphore_mem>>) src(%dma_wait3A_35 : memref<25x400xi32, #tpu.memory_space<hbm>>) dst(%arg6 : memref<25x400xi32, #tpu.memory_space<vmem>>)
    %dma_wait3A_36 = arith.constant 1 : i32
    %dma_wait3A_37 = arith.constant 0 : i32
    %dma_wait3A_38 = arith.constant 0 : i32
    %dma_wait3A_39 = tpu.memref_slice %arg3[%dma_wait3A_36, %add3A, %dma_wait3A_37, %dma_wait3A_38] : memref<2x32x25x400xi32, #tpu.memory_space<hbm>> -> memref<1x1x25x400xi32, #tpu.memory_space<hbm>>
    %dma_wait3A_40 = tpu.memref_squeeze %dma_wait3A_39 : memref<1x1x25x400xi32, #tpu.memory_space<hbm>> -> memref<25x400xi32, #tpu.memory_space<hbm>>
    %dma_wait3A_41 = arith.constant 0 : i32
    %dma_wait3A_42 = arith.constant 0 : i32
    %dma_wait3A_43 = tpu.memref_slice %arg3[%dma_wait3A_36, %add3A, %dma_wait3A_41, %dma_wait3A_42] : memref<2x32x25x400xi32, #tpu.memory_space<hbm>> -> memref<1x1x25x400xi32, #tpu.memory_space<hbm>>
    %dma_wait3A_44 = tpu.memref_squeeze %dma_wait3A_43 : memref<1x1x25x400xi32, #tpu.memory_space<hbm>> -> memref<25x400xi32, #tpu.memory_space<hbm>>
    tpu.wait_dma2 semaphore(%arg12 : memref<!tpu.dma_semaphore, #tpu.memory_space<semaphore_mem>>) src(%dma_wait3A_44 : memref<25x400xi32, #tpu.memory_space<hbm>>) dst(%arg7 : memref<25x400xi32, #tpu.memory_space<vmem>>)
    %barrier3A = arith.constant 0 : index
    tpu.barrier barrier_id(%barrier3A)
    %dma_start3A_45 = arith.constant 0 : i32
    %dma_start3A_46 = arith.constant 0 : i32
    %dma_start3A_47 = arith.constant 0 : i32
    %dma_start3A_48 = arith.constant 0 : i32
    %dma_start3A_49 = tpu.memref_slice %arg8[%dma_start3A_46, %dma_start3A_47, %dma_start3A_48] : memref<5x400x8xf32, #tpu.memory_space<vmem>> -> memref<1x400x8xf32, #tpu.memory_space<vmem>>
    %dma_start3A_50 = tpu.memref_squeeze %dma_start3A_49 : memref<1x400x8xf32, #tpu.memory_space<vmem>> -> memref<400x8xf32, #tpu.memory_space<vmem>>
    %dma_start3A_51 = arith.constant 0 : i32
    %dma_start3A_52 = tpu.memref_slice %arg6[%dma_start3A_45, %dma_start3A_51] : memref<25x400xi32, #tpu.memory_space<vmem>> -> memref<1x400xi32, #tpu.memory_space<vmem>>
    %dma_start3A_53 = tpu.memref_squeeze %dma_start3A_52 : memref<1x400xi32, #tpu.memory_space<vmem>> -> memref<400xi32, #tpu.memory_space<vmem>>
    %dma_start3A_54 = arith.constant 0 : i32
    %dma_start3A_55 = arith.constant 0 : i32
    %dma_start3A_56 = tpu.memref_slice %arg2[%dma_start3A_54, %dma_start3A_55] : memref<10240x8xf32, #tpu.memory_space<hbm>> -> memref<10240x8xf32, #tpu.memory_space<hbm>>
    tpu.enqueue_indirect_dma source(%dma_start3A_56 : memref<10240x8xf32, #tpu.memory_space<hbm>>) target(%dma_start3A_50 : memref<400x8xf32, #tpu.memory_space<vmem>>) offsets(%dma_start3A_53 : memref<400xi32, #tpu.memory_space<vmem>>) semaphore(%arg10 : memref<!tpu.dma_semaphore, #tpu.memory_space<semaphore_mem>>)
    %dma_start3A_57 = arith.constant 1 : i32
    %dma_start3A_58 = arith.constant 1 : i32
    %dma_start3A_59 = arith.constant 0 : i32
    %dma_start3A_60 = arith.constant 0 : i32
    %dma_start3A_61 = tpu.memref_slice %arg8[%dma_start3A_58, %dma_start3A_59, %dma_start3A_60] : memref<5x400x8xf32, #tpu.memory_space<vmem>> -> memref<1x400x8xf32, #tpu.memory_space<vmem>>
    %dma_start3A_62 = tpu.memref_squeeze %dma_start3A_61 : memref<1x400x8xf32, #tpu.memory_space<vmem>> -> memref<400x8xf32, #tpu.memory_space<vmem>>
    %dma_start3A_63 = arith.constant 0 : i32
    %dma_start3A_64 = tpu.memref_slice %arg6[%dma_start3A_57, %dma_start3A_63] : memref<25x400xi32, #tpu.memory_space<vmem>> -> memref<1x400xi32, #tpu.memory_space<vmem>>
    %dma_start3A_65 = tpu.memref_squeeze %dma_start3A_64 : memref<1x400xi32, #tpu.memory_space<vmem>> -> memref<400xi32, #tpu.memory_space<vmem>>
    %dma_start3A_66 = arith.constant 0 : i32
    %dma_start3A_67 = arith.constant 0 : i32
    %dma_start3A_68 = tpu.memref_slice %arg2[%dma_start3A_66, %dma_start3A_67] : memref<10240x8xf32, #tpu.memory_space<hbm>> -> memref<10240x8xf32, #tpu.memory_space<hbm>>
    tpu.enqueue_indirect_dma source(%dma_start3A_68 : memref<10240x8xf32, #tpu.memory_space<hbm>>) target(%dma_start3A_62 : memref<400x8xf32, #tpu.memory_space<vmem>>) offsets(%dma_start3A_65 : memref<400xi32, #tpu.memory_space<vmem>>) semaphore(%arg11 : memref<!tpu.dma_semaphore, #tpu.memory_space<semaphore_mem>>)
    %dma_start3A_69 = arith.constant 2 : i32
    %dma_start3A_70 = arith.constant 2 : i32
    %dma_start3A_71 = arith.constant 0 : i32
    %dma_start3A_72 = arith.constant 0 : i32
    %dma_start3A_73 = tpu.memref_slice %arg8[%dma_start3A_70, %dma_start3A_71, %dma_start3A_72] : memref<5x400x8xf32, #tpu.memory_space<vmem>> -> memref<1x400x8xf32, #tpu.memory_space<vmem>>
    %dma_start3A_74 = tpu.memref_squeeze %dma_start3A_73 : memref<1x400x8xf32, #tpu.memory_space<vmem>> -> memref<400x8xf32, #tpu.memory_space<vmem>>
    %dma_start3A_75 = arith.constant 0 : i32
    %dma_start3A_76 = tpu.memref_slice %arg6[%dma_start3A_69, %dma_start3A_75] : memref<25x400xi32, #tpu.memory_space<vmem>> -> memref<1x400xi32, #tpu.memory_space<vmem>>
    %dma_start3A_77 = tpu.memref_squeeze %dma_start3A_76 : memref<1x400xi32, #tpu.memory_space<vmem>> -> memref<400xi32, #tpu.memory_space<vmem>>
    %dma_start3A_78 = arith.constant 0 : i32
    %dma_start3A_79 = arith.constant 0 : i32
    %dma_start3A_80 = tpu.memref_slice %arg2[%dma_start3A_78, %dma_start3A_79] : memref<10240x8xf32, #tpu.memory_space<hbm>> -> memref<10240x8xf32, #tpu.memory_space<hbm>>
    tpu.enqueue_indirect_dma source(%dma_start3A_80 : memref<10240x8xf32, #tpu.memory_space<hbm>>) target(%dma_start3A_74 : memref<400x8xf32, #tpu.memory_space<vmem>>) offsets(%dma_start3A_77 : memref<400xi32, #tpu.memory_space<vmem>>) semaphore(%arg12 : memref<!tpu.dma_semaphore, #tpu.memory_space<semaphore_mem>>)
    %dma_start3A_81 = arith.constant 3 : i32
    %dma_start3A_82 = arith.constant 3 : i32
    %dma_start3A_83 = arith.constant 0 : i32
    %dma_start3A_84 = arith.constant 0 : i32
    %dma_start3A_85 = tpu.memref_slice %arg8[%dma_start3A_82, %dma_start3A_83, %dma_start3A_84] : memref<5x400x8xf32, #tpu.memory_space<vmem>> -> memref<1x400x8xf32, #tpu.memory_space<vmem>>
    %dma_start3A_86 = tpu.memref_squeeze %dma_start3A_85 : memref<1x400x8xf32, #tpu.memory_space<vmem>> -> memref<400x8xf32, #tpu.memory_space<vmem>>
    %dma_start3A_87 = arith.constant 0 : i32
    %dma_start3A_88 = tpu.memref_slice %arg6[%dma_start3A_81, %dma_start3A_87] : memref<25x400xi32, #tpu.memory_space<vmem>> -> memref<1x400xi32, #tpu.memory_space<vmem>>
    %dma_start3A_89 = tpu.memref_squeeze %dma_start3A_88 : memref<1x400xi32, #tpu.memory_space<vmem>> -> memref<400xi32, #tpu.memory_space<vmem>>
    %dma_start3A_90 = arith.constant 0 : i32
    %dma_start3A_91 = arith.constant 0 : i32
    %dma_start3A_92 = tpu.memref_slice %arg2[%dma_start3A_90, %dma_start3A_91] : memref<10240x8xf32, #tpu.memory_space<hbm>> -> memref<10240x8xf32, #tpu.memory_space<hbm>>
    tpu.enqueue_indirect_dma source(%dma_start3A_92 : memref<10240x8xf32, #tpu.memory_space<hbm>>) target(%dma_start3A_86 : memref<400x8xf32, #tpu.memory_space<vmem>>) offsets(%dma_start3A_89 : memref<400xi32, #tpu.memory_space<vmem>>) semaphore(%arg13 : memref<!tpu.dma_semaphore, #tpu.memory_space<semaphore_mem>>)
    %dma_start3A_93 = arith.constant 4 : i32
    %dma_start3A_94 = arith.constant 4 : i32
    %dma_start3A_95 = arith.constant 0 : i32
    %dma_start3A_96 = arith.constant 0 : i32
    %dma_start3A_97 = tpu.memref_slice %arg8[%dma_start3A_94, %dma_start3A_95, %dma_start3A_96] : memref<5x400x8xf32, #tpu.memory_space<vmem>> -> memref<1x400x8xf32, #tpu.memory_space<vmem>>
    %dma_start3A_98 = tpu.memref_squeeze %dma_start3A_97 : memref<1x400x8xf32, #tpu.memory_space<vmem>> -> memref<400x8xf32, #tpu.memory_space<vmem>>
    %dma_start3A_99 = arith.constant 0 : i32
    %dma_start3A_100 = tpu.memref_slice %arg6[%dma_start3A_93, %dma_start3A_99] : memref<25x400xi32, #tpu.memory_space<vmem>> -> memref<1x400xi32, #tpu.memory_space<vmem>>
    %dma_start3A_101 = tpu.memref_squeeze %dma_start3A_100 : memref<1x400xi32, #tpu.memory_space<vmem>> -> memref<400xi32, #tpu.memory_space<vmem>>
    %dma_start3A_102 = arith.constant 0 : i32
    %dma_start3A_103 = arith.constant 0 : i32
    %dma_start3A_104 = tpu.memref_slice %arg2[%dma_start3A_102, %dma_start3A_103] : memref<10240x8xf32, #tpu.memory_space<hbm>> -> memref<10240x8xf32, #tpu.memory_space<hbm>>
    tpu.enqueue_indirect_dma source(%dma_start3A_104 : memref<10240x8xf32, #tpu.memory_space<hbm>>) target(%dma_start3A_98 : memref<400x8xf32, #tpu.memory_space<vmem>>) offsets(%dma_start3A_101 : memref<400xi32, #tpu.memory_space<vmem>>) semaphore(%arg14 : memref<!tpu.dma_semaphore, #tpu.memory_space<semaphore_mem>>)
    %scan3A = arith.constant 0 : i32
    %scan3A_105 = arith.constant 0 : i32
    %scan3A_106 = arith.constant 4 : i32
    %scan3A_107 = arith.addi %scan3A_105, %scan3A_106 : i32
    %scan3A_108 = arith.constant 1 : i32
    scf.for %scan3A_183 = %scan3A_105 to %scan3A_107 step %scan3A_108  : i32 {
      %mul3A_184 = arith.constant 5 : i32
      %mul3A_185 = arith.muli %scan3A_183, %mul3A_184 : i32
      %add3A_186 = arith.constant 0 : i32
      %add3A_187 = arith.addi %mul3A_185, %add3A_186 : i32
      %dma_wait3A_188 = arith.constant 0 : i32
      %dma_wait3A_189 = arith.constant 0 : i32
      %dma_wait3A_190 = arith.constant 0 : i32
      %dma_wait3A_191 = tpu.memref_slice %arg8[%dma_wait3A_188, %dma_wait3A_189, %dma_wait3A_190] : memref<5x400x8xf32, #tpu.memory_space<vmem>> -> memref<1x400x8xf32, #tpu.memory_space<vmem>>
      %dma_wait3A_192 = tpu.memref_squeeze %dma_wait3A_191 : memref<1x400x8xf32, #tpu.memory_space<vmem>> -> memref<400x8xf32, #tpu.memory_space<vmem>>
      %dma_wait3A_193 = arith.constant 0 : i32
      %dma_wait3A_194 = tpu.memref_slice %arg6[%add3A_187, %dma_wait3A_193] : memref<25x400xi32, #tpu.memory_space<vmem>> -> memref<1x400xi32, #tpu.memory_space<vmem>>
      %dma_wait3A_195 = tpu.memref_squeeze %dma_wait3A_194 : memref<1x400xi32, #tpu.memory_space<vmem>> -> memref<400xi32, #tpu.memory_space<vmem>>
      %dma_wait3A_196 = arith.constant 0 : i32
      %dma_wait3A_197 = arith.constant 0 : i32
      %dma_wait3A_198 = tpu.memref_slice %arg2[%dma_wait3A_196, %dma_wait3A_197] : memref<10240x8xf32, #tpu.memory_space<hbm>> -> memref<10240x8xf32, #tpu.memory_space<hbm>>
      tpu.wait_indirect_dma semaphore(%arg10 : memref<!tpu.dma_semaphore, #tpu.memory_space<semaphore_mem>>) src(%dma_wait3A_198 : memref<10240x8xf32, #tpu.memory_space<hbm>>) dst(%dma_wait3A_192 : memref<400x8xf32, #tpu.memory_space<vmem>>)
      %run_scoped3A_199 = arith.constant 0 : i32
      "tpu.region"() ({
        %run_scoped3A_321 = tpu.sem_alloc : memref<!tpu.dma_semaphore, #tpu.memory_space<semaphore_mem>>
        %dma_start3A_322 = arith.constant 0 : i32
        %dma_start3A_323 = arith.constant 0 : i32
        %dma_start3A_324 = tpu.memref_slice %arg8[%run_scoped3A_199, %dma_start3A_322, %dma_start3A_323] : memref<5x400x8xf32, #tpu.memory_space<vmem>> -> memref<1x400x8xf32, #tpu.memory_space<vmem>>
        %dma_start3A_325 = tpu.memref_squeeze %dma_start3A_324 : memref<1x400x8xf32, #tpu.memory_space<vmem>> -> memref<400x8xf32, #tpu.memory_space<vmem>>
        %dma_start3A_326 = arith.constant 0 : i32
        %dma_start3A_327 = tpu.memref_slice %arg7[%add3A_187, %dma_start3A_326] : memref<25x400xi32, #tpu.memory_space<vmem>> -> memref<1x400xi32, #tpu.memory_space<vmem>>
        %dma_start3A_328 = tpu.memref_squeeze %dma_start3A_327 : memref<1x400xi32, #tpu.memory_space<vmem>> -> memref<400xi32, #tpu.memory_space<vmem>>
        %dma_start3A_329 = arith.constant 0 : i32
        %dma_start3A_330 = arith.constant 0 : i32
        %dma_start3A_331 = tpu.memref_slice %arg9[%dma_start3A_329, %dma_start3A_330] : memref<10240x8xf32, #tpu.memory_space<vmem_shared>> -> memref<10240x8xf32, #tpu.memory_space<vmem_shared>>
        tpu.enqueue_indirect_dma source(%dma_start3A_325 : memref<400x8xf32, #tpu.memory_space<vmem>>) target(%dma_start3A_331 : memref<10240x8xf32, #tpu.memory_space<vmem_shared>>) offsets(%dma_start3A_328 : memref<400xi32, #tpu.memory_space<vmem>>) semaphore(%run_scoped3A_321 : memref<!tpu.dma_semaphore, #tpu.memory_space<semaphore_mem>>) {add = true}
        %dma_wait3A_332 = arith.constant 0 : i32
        %dma_wait3A_333 = arith.constant 0 : i32
        %dma_wait3A_334 = tpu.memref_slice %arg8[%run_scoped3A_199, %dma_wait3A_332, %dma_wait3A_333] : memref<5x400x8xf32, #tpu.memory_space<vmem>> -> memref<1x400x8xf32, #tpu.memory_space<vmem>>
        %dma_wait3A_335 = tpu.memref_squeeze %dma_wait3A_334 : memref<1x400x8xf32, #tpu.memory_space<vmem>> -> memref<400x8xf32, #tpu.memory_space<vmem>>
        %dma_wait3A_336 = arith.constant 0 : i32
        %dma_wait3A_337 = tpu.memref_slice %arg7[%add3A_187, %dma_wait3A_336] : memref<25x400xi32, #tpu.memory_space<vmem>> -> memref<1x400xi32, #tpu.memory_space<vmem>>
        %dma_wait3A_338 = tpu.memref_squeeze %dma_wait3A_337 : memref<1x400xi32, #tpu.memory_space<vmem>> -> memref<400xi32, #tpu.memory_space<vmem>>
        %dma_wait3A_339 = arith.constant 0 : i32
        %dma_wait3A_340 = arith.constant 0 : i32
        %dma_wait3A_341 = tpu.memref_slice %arg9[%dma_wait3A_339, %dma_wait3A_340] : memref<10240x8xf32, #tpu.memory_space<vmem_shared>> -> memref<10240x8xf32, #tpu.memory_space<vmem_shared>>
        tpu.wait_indirect_dma semaphore(%run_scoped3A_321 : memref<!tpu.dma_semaphore, #tpu.memory_space<semaphore_mem>>) src(%dma_wait3A_335 : memref<400x8xf32, #tpu.memory_space<vmem>>) dst(%dma_wait3A_341 : memref<10240x8xf32, #tpu.memory_space<vmem_shared>>)
        tpu.yield
      }) : () -> ()
      %add3A_200 = arith.constant 5 : i32
      %add3A_201 = arith.addi %add3A_187, %add3A_200 : i32
      %dma_start3A_202 = arith.constant 0 : i32
      %dma_start3A_203 = arith.constant 0 : i32
      %dma_start3A_204 = arith.constant 0 : i32
      %dma_start3A_205 = tpu.memref_slice %arg8[%dma_start3A_202, %dma_start3A_203, %dma_start3A_204] : memref<5x400x8xf32, #tpu.memory_space<vmem>> -> memref<1x400x8xf32, #tpu.memory_space<vmem>>
      %dma_start3A_206 = tpu.memref_squeeze %dma_start3A_205 : memref<1x400x8xf32, #tpu.memory_space<vmem>> -> memref<400x8xf32, #tpu.memory_space<vmem>>
      %dma_start3A_207 = arith.constant 0 : i32
      %dma_start3A_208 = tpu.memref_slice %arg6[%add3A_201, %dma_start3A_207] : memref<25x400xi32, #tpu.memory_space<vmem>> -> memref<1x400xi32, #tpu.memory_space<vmem>>
      %dma_start3A_209 = tpu.memref_squeeze %dma_start3A_208 : memref<1x400xi32, #tpu.memory_space<vmem>> -> memref<400xi32, #tpu.memory_space<vmem>>
      %dma_start3A_210 = arith.constant 0 : i32
      %dma_start3A_211 = arith.constant 0 : i32
      %dma_start3A_212 = tpu.memref_slice %arg2[%dma_start3A_210, %dma_start3A_211] : memref<10240x8xf32, #tpu.memory_space<hbm>> -> memref<10240x8xf32, #tpu.memory_space<hbm>>
      tpu.enqueue_indirect_dma source(%dma_start3A_212 : memref<10240x8xf32, #tpu.memory_space<hbm>>) target(%dma_start3A_206 : memref<400x8xf32, #tpu.memory_space<vmem>>) offsets(%dma_start3A_209 : memref<400xi32, #tpu.memory_space<vmem>>) semaphore(%arg10 : memref<!tpu.dma_semaphore, #tpu.memory_space<semaphore_mem>>)
      %add3A_213 = arith.constant 1 : i32
      %add3A_214 = arith.addi %mul3A_185, %add3A_213 : i32
      %dma_wait3A_215 = arith.constant 1 : i32
      %dma_wait3A_216 = arith.constant 0 : i32
      %dma_wait3A_217 = arith.constant 0 : i32
      %dma_wait3A_218 = tpu.memref_slice %arg8[%dma_wait3A_215, %dma_wait3A_216, %dma_wait3A_217] : memref<5x400x8xf32, #tpu.memory_space<vmem>> -> memref<1x400x8xf32, #tpu.memory_space<vmem>>
      %dma_wait3A_219 = tpu.memref_squeeze %dma_wait3A_218 : memref<1x400x8xf32, #tpu.memory_space<vmem>> -> memref<400x8xf32, #tpu.memory_space<vmem>>
      %dma_wait3A_220 = arith.constant 0 : i32
      %dma_wait3A_221 = tpu.memref_slice %arg6[%add3A_214, %dma_wait3A_220] : memref<25x400xi32, #tpu.memory_space<vmem>> -> memref<1x400xi32, #tpu.memory_space<vmem>>
      %dma_wait3A_222 = tpu.memref_squeeze %dma_wait3A_221 : memref<1x400xi32, #tpu.memory_space<vmem>> -> memref<400xi32, #tpu.memory_space<vmem>>
      %dma_wait3A_223 = arith.constant 0 : i32
      %dma_wait3A_224 = arith.constant 0 : i32
      %dma_wait3A_225 = tpu.memref_slice %arg2[%dma_wait3A_223, %dma_wait3A_224] : memref<10240x8xf32, #tpu.memory_space<hbm>> -> memref<10240x8xf32, #tpu.memory_space<hbm>>
      tpu.wait_indirect_dma semaphore(%arg11 : memref<!tpu.dma_semaphore, #tpu.memory_space<semaphore_mem>>) src(%dma_wait3A_225 : memref<10240x8xf32, #tpu.memory_space<hbm>>) dst(%dma_wait3A_219 : memref<400x8xf32, #tpu.memory_space<vmem>>)
      %run_scoped3A_226 = arith.constant 1 : i32
      "tpu.region"() ({
        %run_scoped3A_321 = tpu.sem_alloc : memref<!tpu.dma_semaphore, #tpu.memory_space<semaphore_mem>>
        %dma_start3A_322 = arith.constant 0 : i32
        %dma_start3A_323 = arith.constant 0 : i32
        %dma_start3A_324 = tpu.memref_slice %arg8[%run_scoped3A_226, %dma_start3A_322, %dma_start3A_323] : memref<5x400x8xf32, #tpu.memory_space<vmem>> -> memref<1x400x8xf32, #tpu.memory_space<vmem>>
        %dma_start3A_325 = tpu.memref_squeeze %dma_start3A_324 : memref<1x400x8xf32, #tpu.memory_space<vmem>> -> memref<400x8xf32, #tpu.memory_space<vmem>>
        %dma_start3A_326 = arith.constant 0 : i32
        %dma_start3A_327 = tpu.memref_slice %arg7[%add3A_214, %dma_start3A_326] : memref<25x400xi32, #tpu.memory_space<vmem>> -> memref<1x400xi32, #tpu.memory_space<vmem>>
        %dma_start3A_328 = tpu.memref_squeeze %dma_start3A_327 : memref<1x400xi32, #tpu.memory_space<vmem>> -> memref<400xi32, #tpu.memory_space<vmem>>
        %dma_start3A_329 = arith.constant 0 : i32
        %dma_start3A_330 = arith.constant 0 : i32
        %dma_start3A_331 = tpu.memref_slice %arg9[%dma_start3A_329, %dma_start3A_330] : memref<10240x8xf32, #tpu.memory_space<vmem_shared>> -> memref<10240x8xf32, #tpu.memory_space<vmem_shared>>
        tpu.enqueue_indirect_dma source(%dma_start3A_325 : memref<400x8xf32, #tpu.memory_space<vmem>>) target(%dma_start3A_331 : memref<10240x8xf32, #tpu.memory_space<vmem_shared>>) offsets(%dma_start3A_328 : memref<400xi32, #tpu.memory_space<vmem>>) semaphore(%run_scoped3A_321 : memref<!tpu.dma_semaphore, #tpu.memory_space<semaphore_mem>>) {add = true}
        %dma_wait3A_332 = arith.constant 0 : i32
        %dma_wait3A_333 = arith.constant 0 : i32
        %dma_wait3A_334 = tpu.memref_slice %arg8[%run_scoped3A_226, %dma_wait3A_332, %dma_wait3A_333] : memref<5x400x8xf32, #tpu.memory_space<vmem>> -> memref<1x400x8xf32, #tpu.memory_space<vmem>>
        %dma_wait3A_335 = tpu.memref_squeeze %dma_wait3A_334 : memref<1x400x8xf32, #tpu.memory_space<vmem>> -> memref<400x8xf32, #tpu.memory_space<vmem>>
        %dma_wait3A_336 = arith.constant 0 : i32
        %dma_wait3A_337 = tpu.memref_slice %arg7[%add3A_214, %dma_wait3A_336] : memref<25x400xi32, #tpu.memory_space<vmem>> -> memref<1x400xi32, #tpu.memory_space<vmem>>
        %dma_wait3A_338 = tpu.memref_squeeze %dma_wait3A_337 : memref<1x400xi32, #tpu.memory_space<vmem>> -> memref<400xi32, #tpu.memory_space<vmem>>
        %dma_wait3A_339 = arith.constant 0 : i32
        %dma_wait3A_340 = arith.constant 0 : i32
        %dma_wait3A_341 = tpu.memref_slice %arg9[%dma_wait3A_339, %dma_wait3A_340] : memref<10240x8xf32, #tpu.memory_space<vmem_shared>> -> memref<10240x8xf32, #tpu.memory_space<vmem_shared>>
        tpu.wait_indirect_dma semaphore(%run_scoped3A_321 : memref<!tpu.dma_semaphore, #tpu.memory_space<semaphore_mem>>) src(%dma_wait3A_335 : memref<400x8xf32, #tpu.memory_space<vmem>>) dst(%dma_wait3A_341 : memref<10240x8xf32, #tpu.memory_space<vmem_shared>>)
        tpu.yield
      }) : () -> ()
      %add3A_227 = arith.constant 5 : i32
      %add3A_228 = arith.addi %add3A_214, %add3A_227 : i32
      %dma_start3A_229 = arith.constant 1 : i32
      %dma_start3A_230 = arith.constant 0 : i32
      %dma_start3A_231 = arith.constant 0 : i32
      %dma_start3A_232 = tpu.memref_slice %arg8[%dma_start3A_229, %dma_start3A_230, %dma_start3A_231] : memref<5x400x8xf32, #tpu.memory_space<vmem>> -> memref<1x400x8xf32, #tpu.memory_space<vmem>>
      %dma_start3A_233 = tpu.memref_squeeze %dma_start3A_232 : memref<1x400x8xf32, #tpu.memory_space<vmem>> -> memref<400x8xf32, #tpu.memory_space<vmem>>
      %dma_start3A_234 = arith.constant 0 : i32
      %dma_start3A_235 = tpu.memref_slice %arg6[%add3A_228, %dma_start3A_234] : memref<25x400xi32, #tpu.memory_space<vmem>> -> memref<1x400xi32, #tpu.memory_space<vmem>>
      %dma_start3A_236 = tpu.memref_squeeze %dma_start3A_235 : memref<1x400xi32, #tpu.memory_space<vmem>> -> memref<400xi32, #tpu.memory_space<vmem>>
      %dma_start3A_237 = arith.constant 0 : i32
      %dma_start3A_238 = arith.constant 0 : i32
      %dma_start3A_239 = tpu.memref_slice %arg2[%dma_start3A_237, %dma_start3A_238] : memref<10240x8xf32, #tpu.memory_space<hbm>> -> memref<10240x8xf32, #tpu.memory_space<hbm>>
      tpu.enqueue_indirect_dma source(%dma_start3A_239 : memref<10240x8xf32, #tpu.memory_space<hbm>>) target(%dma_start3A_233 : memref<400x8xf32, #tpu.memory_space<vmem>>) offsets(%dma_start3A_236 : memref<400xi32, #tpu.memory_space<vmem>>) semaphore(%arg11 : memref<!tpu.dma_semaphore, #tpu.memory_space<semaphore_mem>>)
      %add3A_240 = arith.constant 2 : i32
      %add3A_241 = arith.addi %mul3A_185, %add3A_240 : i32
      %dma_wait3A_242 = arith.constant 2 : i32
      %dma_wait3A_243 = arith.constant 0 : i32
      %dma_wait3A_244 = arith.constant 0 : i32
      %dma_wait3A_245 = tpu.memref_slice %arg8[%dma_wait3A_242, %dma_wait3A_243, %dma_wait3A_244] : memref<5x400x8xf32, #tpu.memory_space<vmem>> -> memref<1x400x8xf32, #tpu.memory_space<vmem>>
      %dma_wait3A_246 = tpu.memref_squeeze %dma_wait3A_245 : memref<1x400x8xf32, #tpu.memory_space<vmem>> -> memref<400x8xf32, #tpu.memory_space<vmem>>
      %dma_wait3A_247 = arith.constant 0 : i32
      %dma_wait3A_248 = tpu.memref_slice %arg6[%add3A_241, %dma_wait3A_247] : memref<25x400xi32, #tpu.memory_space<vmem>> -> memref<1x400xi32, #tpu.memory_space<vmem>>
      %dma_wait3A_249 = tpu.memref_squeeze %dma_wait3A_248 : memref<1x400xi32, #tpu.memory_space<vmem>> -> memref<400xi32, #tpu.memory_space<vmem>>
      %dma_wait3A_250 = arith.constant 0 : i32
      %dma_wait3A_251 = arith.constant 0 : i32
      %dma_wait3A_252 = tpu.memref_slice %arg2[%dma_wait3A_250, %dma_wait3A_251] : memref<10240x8xf32, #tpu.memory_space<hbm>> -> memref<10240x8xf32, #tpu.memory_space<hbm>>
      tpu.wait_indirect_dma semaphore(%arg12 : memref<!tpu.dma_semaphore, #tpu.memory_space<semaphore_mem>>) src(%dma_wait3A_252 : memref<10240x8xf32, #tpu.memory_space<hbm>>) dst(%dma_wait3A_246 : memref<400x8xf32, #tpu.memory_space<vmem>>)
      %run_scoped3A_253 = arith.constant 2 : i32
      "tpu.region"() ({
        %run_scoped3A_321 = tpu.sem_alloc : memref<!tpu.dma_semaphore, #tpu.memory_space<semaphore_mem>>
        %dma_start3A_322 = arith.constant 0 : i32
        %dma_start3A_323 = arith.constant 0 : i32
        %dma_start3A_324 = tpu.memref_slice %arg8[%run_scoped3A_253, %dma_start3A_322, %dma_start3A_323] : memref<5x400x8xf32, #tpu.memory_space<vmem>> -> memref<1x400x8xf32, #tpu.memory_space<vmem>>
        %dma_start3A_325 = tpu.memref_squeeze %dma_start3A_324 : memref<1x400x8xf32, #tpu.memory_space<vmem>> -> memref<400x8xf32, #tpu.memory_space<vmem>>
        %dma_start3A_326 = arith.constant 0 : i32
        %dma_start3A_327 = tpu.memref_slice %arg7[%add3A_241, %dma_start3A_326] : memref<25x400xi32, #tpu.memory_space<vmem>> -> memref<1x400xi32, #tpu.memory_space<vmem>>
        %dma_start3A_328 = tpu.memref_squeeze %dma_start3A_327 : memref<1x400xi32, #tpu.memory_space<vmem>> -> memref<400xi32, #tpu.memory_space<vmem>>
        %dma_start3A_329 = arith.constant 0 : i32
        %dma_start3A_330 = arith.constant 0 : i32
        %dma_start3A_331 = tpu.memref_slice %arg9[%dma_start3A_329, %dma_start3A_330] : memref<10240x8xf32, #tpu.memory_space<vmem_shared>> -> memref<10240x8xf32, #tpu.memory_space<vmem_shared>>
        tpu.enqueue_indirect_dma source(%dma_start3A_325 : memref<400x8xf32, #tpu.memory_space<vmem>>) target(%dma_start3A_331 : memref<10240x8xf32, #tpu.memory_space<vmem_shared>>) offsets(%dma_start3A_328 : memref<400xi32, #tpu.memory_space<vmem>>) semaphore(%run_scoped3A_321 : memref<!tpu.dma_semaphore, #tpu.memory_space<semaphore_mem>>) {add = true}
        %dma_wait3A_332 = arith.constant 0 : i32
        %dma_wait3A_333 = arith.constant 0 : i32
        %dma_wait3A_334 = tpu.memref_slice %arg8[%run_scoped3A_253, %dma_wait3A_332, %dma_wait3A_333] : memref<5x400x8xf32, #tpu.memory_space<vmem>> -> memref<1x400x8xf32, #tpu.memory_space<vmem>>
        %dma_wait3A_335 = tpu.memref_squeeze %dma_wait3A_334 : memref<1x400x8xf32, #tpu.memory_space<vmem>> -> memref<400x8xf32, #tpu.memory_space<vmem>>
        %dma_wait3A_336 = arith.constant 0 : i32
        %dma_wait3A_337 = tpu.memref_slice %arg7[%add3A_241, %dma_wait3A_336] : memref<25x400xi32, #tpu.memory_space<vmem>> -> memref<1x400xi32, #tpu.memory_space<vmem>>
        %dma_wait3A_338 = tpu.memref_squeeze %dma_wait3A_337 : memref<1x400xi32, #tpu.memory_space<vmem>> -> memref<400xi32, #tpu.memory_space<vmem>>
        %dma_wait3A_339 = arith.constant 0 : i32
        %dma_wait3A_340 = arith.constant 0 : i32
        %dma_wait3A_341 = tpu.memref_slice %arg9[%dma_wait3A_339, %dma_wait3A_340] : memref<10240x8xf32, #tpu.memory_space<vmem_shared>> -> memref<10240x8xf32, #tpu.memory_space<vmem_shared>>
        tpu.wait_indirect_dma semaphore(%run_scoped3A_321 : memref<!tpu.dma_semaphore, #tpu.memory_space<semaphore_mem>>) src(%dma_wait3A_335 : memref<400x8xf32, #tpu.memory_space<vmem>>) dst(%dma_wait3A_341 : memref<10240x8xf32, #tpu.memory_space<vmem_shared>>)
        tpu.yield
      }) : () -> ()
      %add3A_254 = arith.constant 5 : i32
      %add3A_255 = arith.addi %add3A_241, %add3A_254 : i32
      %dma_start3A_256 = arith.constant 2 : i32
      %dma_start3A_257 = arith.constant 0 : i32
      %dma_start3A_258 = arith.constant 0 : i32
      %dma_start3A_259 = tpu.memref_slice %arg8[%dma_start3A_256, %dma_start3A_257, %dma_start3A_258] : memref<5x400x8xf32, #tpu.memory_space<vmem>> -> memref<1x400x8xf32, #tpu.memory_space<vmem>>
      %dma_start3A_260 = tpu.memref_squeeze %dma_start3A_259 : memref<1x400x8xf32, #tpu.memory_space<vmem>> -> memref<400x8xf32, #tpu.memory_space<vmem>>
      %dma_start3A_261 = arith.constant 0 : i32
      %dma_start3A_262 = tpu.memref_slice %arg6[%add3A_255, %dma_start3A_261] : memref<25x400xi32, #tpu.memory_space<vmem>> -> memref<1x400xi32, #tpu.memory_space<vmem>>
      %dma_start3A_263 = tpu.memref_squeeze %dma_start3A_262 : memref<1x400xi32, #tpu.memory_space<vmem>> -> memref<400xi32, #tpu.memory_space<vmem>>
      %dma_start3A_264 = arith.constant 0 : i32
      %dma_start3A_265 = arith.constant 0 : i32
      %dma_start3A_266 = tpu.memref_slice %arg2[%dma_start3A_264, %dma_start3A_265] : memref<10240x8xf32, #tpu.memory_space<hbm>> -> memref<10240x8xf32, #tpu.memory_space<hbm>>
      tpu.enqueue_indirect_dma source(%dma_start3A_266 : memref<10240x8xf32, #tpu.memory_space<hbm>>) target(%dma_start3A_260 : memref<400x8xf32, #tpu.memory_space<vmem>>) offsets(%dma_start3A_263 : memref<400xi32, #tpu.memory_space<vmem>>) semaphore(%arg12 : memref<!tpu.dma_semaphore, #tpu.memory_space<semaphore_mem>>)
      %add3A_267 = arith.constant 3 : i32
      %add3A_268 = arith.addi %mul3A_185, %add3A_267 : i32
      %dma_wait3A_269 = arith.constant 3 : i32
      %dma_wait3A_270 = arith.constant 0 : i32
      %dma_wait3A_271 = arith.constant 0 : i32
      %dma_wait3A_272 = tpu.memref_slice %arg8[%dma_wait3A_269, %dma_wait3A_270, %dma_wait3A_271] : memref<5x400x8xf32, #tpu.memory_space<vmem>> -> memref<1x400x8xf32, #tpu.memory_space<vmem>>
      %dma_wait3A_273 = tpu.memref_squeeze %dma_wait3A_272 : memref<1x400x8xf32, #tpu.memory_space<vmem>> -> memref<400x8xf32, #tpu.memory_space<vmem>>
      %dma_wait3A_274 = arith.constant 0 : i32
      %dma_wait3A_275 = tpu.memref_slice %arg6[%add3A_268, %dma_wait3A_274] : memref<25x400xi32, #tpu.memory_space<vmem>> -> memref<1x400xi32, #tpu.memory_space<vmem>>
      %dma_wait3A_276 = tpu.memref_squeeze %dma_wait3A_275 : memref<1x400xi32, #tpu.memory_space<vmem>> -> memref<400xi32, #tpu.memory_space<vmem>>
      %dma_wait3A_277 = arith.constant 0 : i32
      %dma_wait3A_278 = arith.constant 0 : i32
      %dma_wait3A_279 = tpu.memref_slice %arg2[%dma_wait3A_277, %dma_wait3A_278] : memref<10240x8xf32, #tpu.memory_space<hbm>> -> memref<10240x8xf32, #tpu.memory_space<hbm>>
      tpu.wait_indirect_dma semaphore(%arg13 : memref<!tpu.dma_semaphore, #tpu.memory_space<semaphore_mem>>) src(%dma_wait3A_279 : memref<10240x8xf32, #tpu.memory_space<hbm>>) dst(%dma_wait3A_273 : memref<400x8xf32, #tpu.memory_space<vmem>>)
      %run_scoped3A_280 = arith.constant 3 : i32
      "tpu.region"() ({
        %run_scoped3A_321 = tpu.sem_alloc : memref<!tpu.dma_semaphore, #tpu.memory_space<semaphore_mem>>
        %dma_start3A_322 = arith.constant 0 : i32
        %dma_start3A_323 = arith.constant 0 : i32
        %dma_start3A_324 = tpu.memref_slice %arg8[%run_scoped3A_280, %dma_start3A_322, %dma_start3A_323] : memref<5x400x8xf32, #tpu.memory_space<vmem>> -> memref<1x400x8xf32, #tpu.memory_space<vmem>>
        %dma_start3A_325 = tpu.memref_squeeze %dma_start3A_324 : memref<1x400x8xf32, #tpu.memory_space<vmem>> -> memref<400x8xf32, #tpu.memory_space<vmem>>
        %dma_start3A_326 = arith.constant 0 : i32
        %dma_start3A_327 = tpu.memref_slice %arg7[%add3A_268, %dma_start3A_326] : memref<25x400xi32, #tpu.memory_space<vmem>> -> memref<1x400xi32, #tpu.memory_space<vmem>>
        %dma_start3A_328 = tpu.memref_squeeze %dma_start3A_327 : memref<1x400xi32, #tpu.memory_space<vmem>> -> memref<400xi32, #tpu.memory_space<vmem>>
        %dma_start3A_329 = arith.constant 0 : i32
        %dma_start3A_330 = arith.constant 0 : i32
        %dma_start3A_331 = tpu.memref_slice %arg9[%dma_start3A_329, %dma_start3A_330] : memref<10240x8xf32, #tpu.memory_space<vmem_shared>> -> memref<10240x8xf32, #tpu.memory_space<vmem_shared>>
        tpu.enqueue_indirect_dma source(%dma_start3A_325 : memref<400x8xf32, #tpu.memory_space<vmem>>) target(%dma_start3A_331 : memref<10240x8xf32, #tpu.memory_space<vmem_shared>>) offsets(%dma_start3A_328 : memref<400xi32, #tpu.memory_space<vmem>>) semaphore(%run_scoped3A_321 : memref<!tpu.dma_semaphore, #tpu.memory_space<semaphore_mem>>) {add = true}
        %dma_wait3A_332 = arith.constant 0 : i32
        %dma_wait3A_333 = arith.constant 0 : i32
        %dma_wait3A_334 = tpu.memref_slice %arg8[%run_scoped3A_280, %dma_wait3A_332, %dma_wait3A_333] : memref<5x400x8xf32, #tpu.memory_space<vmem>> -> memref<1x400x8xf32, #tpu.memory_space<vmem>>
        %dma_wait3A_335 = tpu.memref_squeeze %dma_wait3A_334 : memref<1x400x8xf32, #tpu.memory_space<vmem>> -> memref<400x8xf32, #tpu.memory_space<vmem>>
        %dma_wait3A_336 = arith.constant 0 : i32
        %dma_wait3A_337 = tpu.memref_slice %arg7[%add3A_268, %dma_wait3A_336] : memref<25x400xi32, #tpu.memory_space<vmem>> -> memref<1x400xi32, #tpu.memory_space<vmem>>
        %dma_wait3A_338 = tpu.memref_squeeze %dma_wait3A_337 : memref<1x400xi32, #tpu.memory_space<vmem>> -> memref<400xi32, #tpu.memory_space<vmem>>
        %dma_wait3A_339 = arith.constant 0 : i32
        %dma_wait3A_340 = arith.constant 0 : i32
        %dma_wait3A_341 = tpu.memref_slice %arg9[%dma_wait3A_339, %dma_wait3A_340] : memref<10240x8xf32, #tpu.memory_space<vmem_shared>> -> memref<10240x8xf32, #tpu.memory_space<vmem_shared>>
        tpu.wait_indirect_dma semaphore(%run_scoped3A_321 : memref<!tpu.dma_semaphore, #tpu.memory_space<semaphore_mem>>) src(%dma_wait3A_335 : memref<400x8xf32, #tpu.memory_space<vmem>>) dst(%dma_wait3A_341 : memref<10240x8xf32, #tpu.memory_space<vmem_shared>>)
        tpu.yield
      }) : () -> ()
      %add3A_281 = arith.constant 5 : i32
      %add3A_282 = arith.addi %add3A_268, %add3A_281 : i32
      %dma_start3A_283 = arith.constant 3 : i32
      %dma_start3A_284 = arith.constant 0 : i32
      %dma_start3A_285 = arith.constant 0 : i32
      %dma_start3A_286 = tpu.memref_slice %arg8[%dma_start3A_283, %dma_start3A_284, %dma_start3A_285] : memref<5x400x8xf32, #tpu.memory_space<vmem>> -> memref<1x400x8xf32, #tpu.memory_space<vmem>>
      %dma_start3A_287 = tpu.memref_squeeze %dma_start3A_286 : memref<1x400x8xf32, #tpu.memory_space<vmem>> -> memref<400x8xf32, #tpu.memory_space<vmem>>
      %dma_start3A_288 = arith.constant 0 : i32
      %dma_start3A_289 = tpu.memref_slice %arg6[%add3A_282, %dma_start3A_288] : memref<25x400xi32, #tpu.memory_space<vmem>> -> memref<1x400xi32, #tpu.memory_space<vmem>>
      %dma_start3A_290 = tpu.memref_squeeze %dma_start3A_289 : memref<1x400xi32, #tpu.memory_space<vmem>> -> memref<400xi32, #tpu.memory_space<vmem>>
      %dma_start3A_291 = arith.constant 0 : i32
      %dma_start3A_292 = arith.constant 0 : i32
      %dma_start3A_293 = tpu.memref_slice %arg2[%dma_start3A_291, %dma_start3A_292] : memref<10240x8xf32, #tpu.memory_space<hbm>> -> memref<10240x8xf32, #tpu.memory_space<hbm>>
      tpu.enqueue_indirect_dma source(%dma_start3A_293 : memref<10240x8xf32, #tpu.memory_space<hbm>>) target(%dma_start3A_287 : memref<400x8xf32, #tpu.memory_space<vmem>>) offsets(%dma_start3A_290 : memref<400xi32, #tpu.memory_space<vmem>>) semaphore(%arg13 : memref<!tpu.dma_semaphore, #tpu.memory_space<semaphore_mem>>)
      %add3A_294 = arith.constant 4 : i32
      %add3A_295 = arith.addi %mul3A_185, %add3A_294 : i32
      %dma_wait3A_296 = arith.constant 4 : i32
      %dma_wait3A_297 = arith.constant 0 : i32
      %dma_wait3A_298 = arith.constant 0 : i32
      %dma_wait3A_299 = tpu.memref_slice %arg8[%dma_wait3A_296, %dma_wait3A_297, %dma_wait3A_298] : memref<5x400x8xf32, #tpu.memory_space<vmem>> -> memref<1x400x8xf32, #tpu.memory_space<vmem>>
      %dma_wait3A_300 = tpu.memref_squeeze %dma_wait3A_299 : memref<1x400x8xf32, #tpu.memory_space<vmem>> -> memref<400x8xf32, #tpu.memory_space<vmem>>
      %dma_wait3A_301 = arith.constant 0 : i32
      %dma_wait3A_302 = tpu.memref_slice %arg6[%add3A_295, %dma_wait3A_301] : memref<25x400xi32, #tpu.memory_space<vmem>> -> memref<1x400xi32, #tpu.memory_space<vmem>>
      %dma_wait3A_303 = tpu.memref_squeeze %dma_wait3A_302 : memref<1x400xi32, #tpu.memory_space<vmem>> -> memref<400xi32, #tpu.memory_space<vmem>>
      %dma_wait3A_304 = arith.constant 0 : i32
      %dma_wait3A_305 = arith.constant 0 : i32
      %dma_wait3A_306 = tpu.memref_slice %arg2[%dma_wait3A_304, %dma_wait3A_305] : memref<10240x8xf32, #tpu.memory_space<hbm>> -> memref<10240x8xf32, #tpu.memory_space<hbm>>
      tpu.wait_indirect_dma semaphore(%arg14 : memref<!tpu.dma_semaphore, #tpu.memory_space<semaphore_mem>>) src(%dma_wait3A_306 : memref<10240x8xf32, #tpu.memory_space<hbm>>) dst(%dma_wait3A_300 : memref<400x8xf32, #tpu.memory_space<vmem>>)
      %run_scoped3A_307 = arith.constant 4 : i32
      "tpu.region"() ({
        %run_scoped3A_321 = tpu.sem_alloc : memref<!tpu.dma_semaphore, #tpu.memory_space<semaphore_mem>>
        %dma_start3A_322 = arith.constant 0 : i32
        %dma_start3A_323 = arith.constant 0 : i32
        %dma_start3A_324 = tpu.memref_slice %arg8[%run_scoped3A_307, %dma_start3A_322, %dma_start3A_323] : memref<5x400x8xf32, #tpu.memory_space<vmem>> -> memref<1x400x8xf32, #tpu.memory_space<vmem>>
        %dma_start3A_325 = tpu.memref_squeeze %dma_start3A_324 : memref<1x400x8xf32, #tpu.memory_space<vmem>> -> memref<400x8xf32, #tpu.memory_space<vmem>>
        %dma_start3A_326 = arith.constant 0 : i32
        %dma_start3A_327 = tpu.memref_slice %arg7[%add3A_295, %dma_start3A_326] : memref<25x400xi32, #tpu.memory_space<vmem>> -> memref<1x400xi32, #tpu.memory_space<vmem>>
        %dma_start3A_328 = tpu.memref_squeeze %dma_start3A_327 : memref<1x400xi32, #tpu.memory_space<vmem>> -> memref<400xi32, #tpu.memory_space<vmem>>
        %dma_start3A_329 = arith.constant 0 : i32
        %dma_start3A_330 = arith.constant 0 : i32
        %dma_start3A_331 = tpu.memref_slice %arg9[%dma_start3A_329, %dma_start3A_330] : memref<10240x8xf32, #tpu.memory_space<vmem_shared>> -> memref<10240x8xf32, #tpu.memory_space<vmem_shared>>
        tpu.enqueue_indirect_dma source(%dma_start3A_325 : memref<400x8xf32, #tpu.memory_space<vmem>>) target(%dma_start3A_331 : memref<10240x8xf32, #tpu.memory_space<vmem_shared>>) offsets(%dma_start3A_328 : memref<400xi32, #tpu.memory_space<vmem>>) semaphore(%run_scoped3A_321 : memref<!tpu.dma_semaphore, #tpu.memory_space<semaphore_mem>>) {add = true}
        %dma_wait3A_332 = arith.constant 0 : i32
        %dma_wait3A_333 = arith.constant 0 : i32
        %dma_wait3A_334 = tpu.memref_slice %arg8[%run_scoped3A_307, %dma_wait3A_332, %dma_wait3A_333] : memref<5x400x8xf32, #tpu.memory_space<vmem>> -> memref<1x400x8xf32, #tpu.memory_space<vmem>>
        %dma_wait3A_335 = tpu.memref_squeeze %dma_wait3A_334 : memref<1x400x8xf32, #tpu.memory_space<vmem>> -> memref<400x8xf32, #tpu.memory_space<vmem>>
        %dma_wait3A_336 = arith.constant 0 : i32
        %dma_wait3A_337 = tpu.memref_slice %arg7[%add3A_295, %dma_wait3A_336] : memref<25x400xi32, #tpu.memory_space<vmem>> -> memref<1x400xi32, #tpu.memory_space<vmem>>
        %dma_wait3A_338 = tpu.memref_squeeze %dma_wait3A_337 : memref<1x400xi32, #tpu.memory_space<vmem>> -> memref<400xi32, #tpu.memory_space<vmem>>
        %dma_wait3A_339 = arith.constant 0 : i32
        %dma_wait3A_340 = arith.constant 0 : i32
        %dma_wait3A_341 = tpu.memref_slice %arg9[%dma_wait3A_339, %dma_wait3A_340] : memref<10240x8xf32, #tpu.memory_space<vmem_shared>> -> memref<10240x8xf32, #tpu.memory_space<vmem_shared>>
        tpu.wait_indirect_dma semaphore(%run_scoped3A_321 : memref<!tpu.dma_semaphore, #tpu.memory_space<semaphore_mem>>) src(%dma_wait3A_335 : memref<400x8xf32, #tpu.memory_space<vmem>>) dst(%dma_wait3A_341 : memref<10240x8xf32, #tpu.memory_space<vmem_shared>>)
        tpu.yield
      }) : () -> ()
      %add3A_308 = arith.constant 5 : i32
      %add3A_309 = arith.addi %add3A_295, %add3A_308 : i32
      %dma_start3A_310 = arith.constant 4 : i32
      %dma_start3A_311 = arith.constant 0 : i32
      %dma_start3A_312 = arith.constant 0 : i32
      %dma_start3A_313 = tpu.memref_slice %arg8[%dma_start3A_310, %dma_start3A_311, %dma_start3A_312] : memref<5x400x8xf32, #tpu.memory_space<vmem>> -> memref<1x400x8xf32, #tpu.memory_space<vmem>>
      %dma_start3A_314 = tpu.memref_squeeze %dma_start3A_313 : memref<1x400x8xf32, #tpu.memory_space<vmem>> -> memref<400x8xf32, #tpu.memory_space<vmem>>
      %dma_start3A_315 = arith.constant 0 : i32
      %dma_start3A_316 = tpu.memref_slice %arg6[%add3A_309, %dma_start3A_315] : memref<25x400xi32, #tpu.memory_space<vmem>> -> memref<1x400xi32, #tpu.memory_space<vmem>>
      %dma_start3A_317 = tpu.memref_squeeze %dma_start3A_316 : memref<1x400xi32, #tpu.memory_space<vmem>> -> memref<400xi32, #tpu.memory_space<vmem>>
      %dma_start3A_318 = arith.constant 0 : i32
      %dma_start3A_319 = arith.constant 0 : i32
      %dma_start3A_320 = tpu.memref_slice %arg2[%dma_start3A_318, %dma_start3A_319] : memref<10240x8xf32, #tpu.memory_space<hbm>> -> memref<10240x8xf32, #tpu.memory_space<hbm>>
      tpu.enqueue_indirect_dma source(%dma_start3A_320 : memref<10240x8xf32, #tpu.memory_space<hbm>>) target(%dma_start3A_314 : memref<400x8xf32, #tpu.memory_space<vmem>>) offsets(%dma_start3A_317 : memref<400xi32, #tpu.memory_space<vmem>>) semaphore(%arg14 : memref<!tpu.dma_semaphore, #tpu.memory_space<semaphore_mem>>)
    }
    %scan3A_109 = arith.constant 4 : i32
    %dma_wait3A_110 = arith.constant 20 : i32
    %dma_wait3A_111 = arith.constant 0 : i32
    %dma_wait3A_112 = arith.constant 0 : i32
    %dma_wait3A_113 = arith.constant 0 : i32
    %dma_wait3A_114 = tpu.memref_slice %arg8[%dma_wait3A_111, %dma_wait3A_112, %dma_wait3A_113] : memref<5x400x8xf32, #tpu.memory_space<vmem>> -> memref<1x400x8xf32, #tpu.memory_space<vmem>>
    %dma_wait3A_115 = tpu.memref_squeeze %dma_wait3A_114 : memref<1x400x8xf32, #tpu.memory_space<vmem>> -> memref<400x8xf32, #tpu.memory_space<vmem>>
    %dma_wait3A_116 = arith.constant 0 : i32
    %dma_wait3A_117 = tpu.memref_slice %arg6[%dma_wait3A_110, %dma_wait3A_116] : memref<25x400xi32, #tpu.memory_space<vmem>> -> memref<1x400xi32, #tpu.memory_space<vmem>>
    %dma_wait3A_118 = tpu.memref_squeeze %dma_wait3A_117 : memref<1x400xi32, #tpu.memory_space<vmem>> -> memref<400xi32, #tpu.memory_space<vmem>>
    %dma_wait3A_119 = arith.constant 0 : i32
    %dma_wait3A_120 = arith.constant 0 : i32
    %dma_wait3A_121 = tpu.memref_slice %arg2[%dma_wait3A_119, %dma_wait3A_120] : memref<10240x8xf32, #tpu.memory_space<hbm>> -> memref<10240x8xf32, #tpu.memory_space<hbm>>
    tpu.wait_indirect_dma semaphore(%arg10 : memref<!tpu.dma_semaphore, #tpu.memory_space<semaphore_mem>>) src(%dma_wait3A_121 : memref<10240x8xf32, #tpu.memory_space<hbm>>) dst(%dma_wait3A_115 : memref<400x8xf32, #tpu.memory_space<vmem>>)
    %run_scoped3A = arith.constant 0 : i32
    %run_scoped3A_122 = arith.constant 20 : i32
    "tpu.region"() ({
      %run_scoped3A_183 = tpu.sem_alloc : memref<!tpu.dma_semaphore, #tpu.memory_space<semaphore_mem>>
      %dma_start3A_184 = arith.constant 0 : i32
      %dma_start3A_185 = arith.constant 0 : i32
      %dma_start3A_186 = tpu.memref_slice %arg8[%run_scoped3A, %dma_start3A_184, %dma_start3A_185] : memref<5x400x8xf32, #tpu.memory_space<vmem>> -> memref<1x400x8xf32, #tpu.memory_space<vmem>>
      %dma_start3A_187 = tpu.memref_squeeze %dma_start3A_186 : memref<1x400x8xf32, #tpu.memory_space<vmem>> -> memref<400x8xf32, #tpu.memory_space<vmem>>
      %dma_start3A_188 = arith.constant 0 : i32
      %dma_start3A_189 = tpu.memref_slice %arg7[%run_scoped3A_122, %dma_start3A_188] : memref<25x400xi32, #tpu.memory_space<vmem>> -> memref<1x400xi32, #tpu.memory_space<vmem>>
      %dma_start3A_190 = tpu.memref_squeeze %dma_start3A_189 : memref<1x400xi32, #tpu.memory_space<vmem>> -> memref<400xi32, #tpu.memory_space<vmem>>
      %dma_start3A_191 = arith.constant 0 : i32
      %dma_start3A_192 = arith.constant 0 : i32
      %dma_start3A_193 = tpu.memref_slice %arg9[%dma_start3A_191, %dma_start3A_192] : memref<10240x8xf32, #tpu.memory_space<vmem_shared>> -> memref<10240x8xf32, #tpu.memory_space<vmem_shared>>
      tpu.enqueue_indirect_dma source(%dma_start3A_187 : memref<400x8xf32, #tpu.memory_space<vmem>>) target(%dma_start3A_193 : memref<10240x8xf32, #tpu.memory_space<vmem_shared>>) offsets(%dma_start3A_190 : memref<400xi32, #tpu.memory_space<vmem>>) semaphore(%run_scoped3A_183 : memref<!tpu.dma_semaphore, #tpu.memory_space<semaphore_mem>>) {add = true}
      %dma_wait3A_194 = arith.constant 0 : i32
      %dma_wait3A_195 = arith.constant 0 : i32
      %dma_wait3A_196 = tpu.memref_slice %arg8[%run_scoped3A, %dma_wait3A_194, %dma_wait3A_195] : memref<5x400x8xf32, #tpu.memory_space<vmem>> -> memref<1x400x8xf32, #tpu.memory_space<vmem>>
      %dma_wait3A_197 = tpu.memref_squeeze %dma_wait3A_196 : memref<1x400x8xf32, #tpu.memory_space<vmem>> -> memref<400x8xf32, #tpu.memory_space<vmem>>
      %dma_wait3A_198 = arith.constant 0 : i32
      %dma_wait3A_199 = tpu.memref_slice %arg7[%run_scoped3A_122, %dma_wait3A_198] : memref<25x400xi32, #tpu.memory_space<vmem>> -> memref<1x400xi32, #tpu.memory_space<vmem>>
      %dma_wait3A_200 = tpu.memref_squeeze %dma_wait3A_199 : memref<1x400xi32, #tpu.memory_space<vmem>> -> memref<400xi32, #tpu.memory_space<vmem>>
      %dma_wait3A_201 = arith.constant 0 : i32
      %dma_wait3A_202 = arith.constant 0 : i32
      %dma_wait3A_203 = tpu.memref_slice %arg9[%dma_wait3A_201, %dma_wait3A_202] : memref<10240x8xf32, #tpu.memory_space<vmem_shared>> -> memref<10240x8xf32, #tpu.memory_space<vmem_shared>>
      tpu.wait_indirect_dma semaphore(%run_scoped3A_183 : memref<!tpu.dma_semaphore, #tpu.memory_space<semaphore_mem>>) src(%dma_wait3A_197 : memref<400x8xf32, #tpu.memory_space<vmem>>) dst(%dma_wait3A_203 : memref<10240x8xf32, #tpu.memory_space<vmem_shared>>)
      tpu.yield
    }) : () -> ()
    %dma_wait3A_123 = arith.constant 21 : i32
    %dma_wait3A_124 = arith.constant 1 : i32
    %dma_wait3A_125 = arith.constant 0 : i32
    %dma_wait3A_126 = arith.constant 0 : i32
    %dma_wait3A_127 = tpu.memref_slice %arg8[%dma_wait3A_124, %dma_wait3A_125, %dma_wait3A_126] : memref<5x400x8xf32, #tpu.memory_space<vmem>> -> memref<1x400x8xf32, #tpu.memory_space<vmem>>
    %dma_wait3A_128 = tpu.memref_squeeze %dma_wait3A_127 : memref<1x400x8xf32, #tpu.memory_space<vmem>> -> memref<400x8xf32, #tpu.memory_space<vmem>>
    %dma_wait3A_129 = arith.constant 0 : i32
    %dma_wait3A_130 = tpu.memref_slice %arg6[%dma_wait3A_123, %dma_wait3A_129] : memref<25x400xi32, #tpu.memory_space<vmem>> -> memref<1x400xi32, #tpu.memory_space<vmem>>
    %dma_wait3A_131 = tpu.memref_squeeze %dma_wait3A_130 : memref<1x400xi32, #tpu.memory_space<vmem>> -> memref<400xi32, #tpu.memory_space<vmem>>
    %dma_wait3A_132 = arith.constant 0 : i32
    %dma_wait3A_133 = arith.constant 0 : i32
    %dma_wait3A_134 = tpu.memref_slice %arg2[%dma_wait3A_132, %dma_wait3A_133] : memref<10240x8xf32, #tpu.memory_space<hbm>> -> memref<10240x8xf32, #tpu.memory_space<hbm>>
    tpu.wait_indirect_dma semaphore(%arg11 : memref<!tpu.dma_semaphore, #tpu.memory_space<semaphore_mem>>) src(%dma_wait3A_134 : memref<10240x8xf32, #tpu.memory_space<hbm>>) dst(%dma_wait3A_128 : memref<400x8xf32, #tpu.memory_space<vmem>>)
    %run_scoped3A_135 = arith.constant 1 : i32
    %run_scoped3A_136 = arith.constant 21 : i32
    "tpu.region"() ({
      %run_scoped3A_183 = tpu.sem_alloc : memref<!tpu.dma_semaphore, #tpu.memory_space<semaphore_mem>>
      %dma_start3A_184 = arith.constant 0 : i32
      %dma_start3A_185 = arith.constant 0 : i32
      %dma_start3A_186 = tpu.memref_slice %arg8[%run_scoped3A_135, %dma_start3A_184, %dma_start3A_185] : memref<5x400x8xf32, #tpu.memory_space<vmem>> -> memref<1x400x8xf32, #tpu.memory_space<vmem>>
      %dma_start3A_187 = tpu.memref_squeeze %dma_start3A_186 : memref<1x400x8xf32, #tpu.memory_space<vmem>> -> memref<400x8xf32, #tpu.memory_space<vmem>>
      %dma_start3A_188 = arith.constant 0 : i32
      %dma_start3A_189 = tpu.memref_slice %arg7[%run_scoped3A_136, %dma_start3A_188] : memref<25x400xi32, #tpu.memory_space<vmem>> -> memref<1x400xi32, #tpu.memory_space<vmem>>
      %dma_start3A_190 = tpu.memref_squeeze %dma_start3A_189 : memref<1x400xi32, #tpu.memory_space<vmem>> -> memref<400xi32, #tpu.memory_space<vmem>>
      %dma_start3A_191 = arith.constant 0 : i32
      %dma_start3A_192 = arith.constant 0 : i32
      %dma_start3A_193 = tpu.memref_slice %arg9[%dma_start3A_191, %dma_start3A_192] : memref<10240x8xf32, #tpu.memory_space<vmem_shared>> -> memref<10240x8xf32, #tpu.memory_space<vmem_shared>>
      tpu.enqueue_indirect_dma source(%dma_start3A_187 : memref<400x8xf32, #tpu.memory_space<vmem>>) target(%dma_start3A_193 : memref<10240x8xf32, #tpu.memory_space<vmem_shared>>) offsets(%dma_start3A_190 : memref<400xi32, #tpu.memory_space<vmem>>) semaphore(%run_scoped3A_183 : memref<!tpu.dma_semaphore, #tpu.memory_space<semaphore_mem>>) {add = true}
      %dma_wait3A_194 = arith.constant 0 : i32
      %dma_wait3A_195 = arith.constant 0 : i32
      %dma_wait3A_196 = tpu.memref_slice %arg8[%run_scoped3A_135, %dma_wait3A_194, %dma_wait3A_195] : memref<5x400x8xf32, #tpu.memory_space<vmem>> -> memref<1x400x8xf32, #tpu.memory_space<vmem>>
      %dma_wait3A_197 = tpu.memref_squeeze %dma_wait3A_196 : memref<1x400x8xf32, #tpu.memory_space<vmem>> -> memref<400x8xf32, #tpu.memory_space<vmem>>
      %dma_wait3A_198 = arith.constant 0 : i32
      %dma_wait3A_199 = tpu.memref_slice %arg7[%run_scoped3A_136, %dma_wait3A_198] : memref<25x400xi32, #tpu.memory_space<vmem>> -> memref<1x400xi32, #tpu.memory_space<vmem>>
      %dma_wait3A_200 = tpu.memref_squeeze %dma_wait3A_199 : memref<1x400xi32, #tpu.memory_space<vmem>> -> memref<400xi32, #tpu.memory_space<vmem>>
      %dma_wait3A_201 = arith.constant 0 : i32
      %dma_wait3A_202 = arith.constant 0 : i32
      %dma_wait3A_203 = tpu.memref_slice %arg9[%dma_wait3A_201, %dma_wait3A_202] : memref<10240x8xf32, #tpu.memory_space<vmem_shared>> -> memref<10240x8xf32, #tpu.memory_space<vmem_shared>>
      tpu.wait_indirect_dma semaphore(%run_scoped3A_183 : memref<!tpu.dma_semaphore, #tpu.memory_space<semaphore_mem>>) src(%dma_wait3A_197 : memref<400x8xf32, #tpu.memory_space<vmem>>) dst(%dma_wait3A_203 : memref<10240x8xf32, #tpu.memory_space<vmem_shared>>)
      tpu.yield
    }) : () -> ()
    %dma_wait3A_137 = arith.constant 22 : i32
    %dma_wait3A_138 = arith.constant 2 : i32
    %dma_wait3A_139 = arith.constant 0 : i32
    %dma_wait3A_140 = arith.constant 0 : i32
    %dma_wait3A_141 = tpu.memref_slice %arg8[%dma_wait3A_138, %dma_wait3A_139, %dma_wait3A_140] : memref<5x400x8xf32, #tpu.memory_space<vmem>> -> memref<1x400x8xf32, #tpu.memory_space<vmem>>
    %dma_wait3A_142 = tpu.memref_squeeze %dma_wait3A_141 : memref<1x400x8xf32, #tpu.memory_space<vmem>> -> memref<400x8xf32, #tpu.memory_space<vmem>>
    %dma_wait3A_143 = arith.constant 0 : i32
    %dma_wait3A_144 = tpu.memref_slice %arg6[%dma_wait3A_137, %dma_wait3A_143] : memref<25x400xi32, #tpu.memory_space<vmem>> -> memref<1x400xi32, #tpu.memory_space<vmem>>
    %dma_wait3A_145 = tpu.memref_squeeze %dma_wait3A_144 : memref<1x400xi32, #tpu.memory_space<vmem>> -> memref<400xi32, #tpu.memory_space<vmem>>
    %dma_wait3A_146 = arith.constant 0 : i32
    %dma_wait3A_147 = arith.constant 0 : i32
    %dma_wait3A_148 = tpu.memref_slice %arg2[%dma_wait3A_146, %dma_wait3A_147] : memref<10240x8xf32, #tpu.memory_space<hbm>> -> memref<10240x8xf32, #tpu.memory_space<hbm>>
    tpu.wait_indirect_dma semaphore(%arg12 : memref<!tpu.dma_semaphore, #tpu.memory_space<semaphore_mem>>) src(%dma_wait3A_148 : memref<10240x8xf32, #tpu.memory_space<hbm>>) dst(%dma_wait3A_142 : memref<400x8xf32, #tpu.memory_space<vmem>>)
    %run_scoped3A_149 = arith.constant 2 : i32
    %run_scoped3A_150 = arith.constant 22 : i32
    "tpu.region"() ({
      %run_scoped3A_183 = tpu.sem_alloc : memref<!tpu.dma_semaphore, #tpu.memory_space<semaphore_mem>>
      %dma_start3A_184 = arith.constant 0 : i32
      %dma_start3A_185 = arith.constant 0 : i32
      %dma_start3A_186 = tpu.memref_slice %arg8[%run_scoped3A_149, %dma_start3A_184, %dma_start3A_185] : memref<5x400x8xf32, #tpu.memory_space<vmem>> -> memref<1x400x8xf32, #tpu.memory_space<vmem>>
      %dma_start3A_187 = tpu.memref_squeeze %dma_start3A_186 : memref<1x400x8xf32, #tpu.memory_space<vmem>> -> memref<400x8xf32, #tpu.memory_space<vmem>>
      %dma_start3A_188 = arith.constant 0 : i32
      %dma_start3A_189 = tpu.memref_slice %arg7[%run_scoped3A_150, %dma_start3A_188] : memref<25x400xi32, #tpu.memory_space<vmem>> -> memref<1x400xi32, #tpu.memory_space<vmem>>
      %dma_start3A_190 = tpu.memref_squeeze %dma_start3A_189 : memref<1x400xi32, #tpu.memory_space<vmem>> -> memref<400xi32, #tpu.memory_space<vmem>>
      %dma_start3A_191 = arith.constant 0 : i32
      %dma_start3A_192 = arith.constant 0 : i32
      %dma_start3A_193 = tpu.memref_slice %arg9[%dma_start3A_191, %dma_start3A_192] : memref<10240x8xf32, #tpu.memory_space<vmem_shared>> -> memref<10240x8xf32, #tpu.memory_space<vmem_shared>>
      tpu.enqueue_indirect_dma source(%dma_start3A_187 : memref<400x8xf32, #tpu.memory_space<vmem>>) target(%dma_start3A_193 : memref<10240x8xf32, #tpu.memory_space<vmem_shared>>) offsets(%dma_start3A_190 : memref<400xi32, #tpu.memory_space<vmem>>) semaphore(%run_scoped3A_183 : memref<!tpu.dma_semaphore, #tpu.memory_space<semaphore_mem>>) {add = true}
      %dma_wait3A_194 = arith.constant 0 : i32
      %dma_wait3A_195 = arith.constant 0 : i32
      %dma_wait3A_196 = tpu.memref_slice %arg8[%run_scoped3A_149, %dma_wait3A_194, %dma_wait3A_195] : memref<5x400x8xf32, #tpu.memory_space<vmem>> -> memref<1x400x8xf32, #tpu.memory_space<vmem>>
      %dma_wait3A_197 = tpu.memref_squeeze %dma_wait3A_196 : memref<1x400x8xf32, #tpu.memory_space<vmem>> -> memref<400x8xf32, #tpu.memory_space<vmem>>
      %dma_wait3A_198 = arith.constant 0 : i32
      %dma_wait3A_199 = tpu.memref_slice %arg7[%run_scoped3A_150, %dma_wait3A_198] : memref<25x400xi32, #tpu.memory_space<vmem>> -> memref<1x400xi32, #tpu.memory_space<vmem>>
      %dma_wait3A_200 = tpu.memref_squeeze %dma_wait3A_199 : memref<1x400xi32, #tpu.memory_space<vmem>> -> memref<400xi32, #tpu.memory_space<vmem>>
      %dma_wait3A_201 = arith.constant 0 : i32
      %dma_wait3A_202 = arith.constant 0 : i32
      %dma_wait3A_203 = tpu.memref_slice %arg9[%dma_wait3A_201, %dma_wait3A_202] : memref<10240x8xf32, #tpu.memory_space<vmem_shared>> -> memref<10240x8xf32, #tpu.memory_space<vmem_shared>>
      tpu.wait_indirect_dma semaphore(%run_scoped3A_183 : memref<!tpu.dma_semaphore, #tpu.memory_space<semaphore_mem>>) src(%dma_wait3A_197 : memref<400x8xf32, #tpu.memory_space<vmem>>) dst(%dma_wait3A_203 : memref<10240x8xf32, #tpu.memory_space<vmem_shared>>)
      tpu.yield
    }) : () -> ()
    %dma_wait3A_151 = arith.constant 23 : i32
    %dma_wait3A_152 = arith.constant 3 : i32
    %dma_wait3A_153 = arith.constant 0 : i32
    %dma_wait3A_154 = arith.constant 0 : i32
    %dma_wait3A_155 = tpu.memref_slice %arg8[%dma_wait3A_152, %dma_wait3A_153, %dma_wait3A_154] : memref<5x400x8xf32, #tpu.memory_space<vmem>> -> memref<1x400x8xf32, #tpu.memory_space<vmem>>
    %dma_wait3A_156 = tpu.memref_squeeze %dma_wait3A_155 : memref<1x400x8xf32, #tpu.memory_space<vmem>> -> memref<400x8xf32, #tpu.memory_space<vmem>>
    %dma_wait3A_157 = arith.constant 0 : i32
    %dma_wait3A_158 = tpu.memref_slice %arg6[%dma_wait3A_151, %dma_wait3A_157] : memref<25x400xi32, #tpu.memory_space<vmem>> -> memref<1x400xi32, #tpu.memory_space<vmem>>
    %dma_wait3A_159 = tpu.memref_squeeze %dma_wait3A_158 : memref<1x400xi32, #tpu.memory_space<vmem>> -> memref<400xi32, #tpu.memory_space<vmem>>
    %dma_wait3A_160 = arith.constant 0 : i32
    %dma_wait3A_161 = arith.constant 0 : i32
    %dma_wait3A_162 = tpu.memref_slice %arg2[%dma_wait3A_160, %dma_wait3A_161] : memref<10240x8xf32, #tpu.memory_space<hbm>> -> memref<10240x8xf32, #tpu.memory_space<hbm>>
    tpu.wait_indirect_dma semaphore(%arg13 : memref<!tpu.dma_semaphore, #tpu.memory_space<semaphore_mem>>) src(%dma_wait3A_162 : memref<10240x8xf32, #tpu.memory_space<hbm>>) dst(%dma_wait3A_156 : memref<400x8xf32, #tpu.memory_space<vmem>>)
    %run_scoped3A_163 = arith.constant 3 : i32
    %run_scoped3A_164 = arith.constant 23 : i32
    "tpu.region"() ({
      %run_scoped3A_183 = tpu.sem_alloc : memref<!tpu.dma_semaphore, #tpu.memory_space<semaphore_mem>>
      %dma_start3A_184 = arith.constant 0 : i32
      %dma_start3A_185 = arith.constant 0 : i32
      %dma_start3A_186 = tpu.memref_slice %arg8[%run_scoped3A_163, %dma_start3A_184, %dma_start3A_185] : memref<5x400x8xf32, #tpu.memory_space<vmem>> -> memref<1x400x8xf32, #tpu.memory_space<vmem>>
      %dma_start3A_187 = tpu.memref_squeeze %dma_start3A_186 : memref<1x400x8xf32, #tpu.memory_space<vmem>> -> memref<400x8xf32, #tpu.memory_space<vmem>>
      %dma_start3A_188 = arith.constant 0 : i32
      %dma_start3A_189 = tpu.memref_slice %arg7[%run_scoped3A_164, %dma_start3A_188] : memref<25x400xi32, #tpu.memory_space<vmem>> -> memref<1x400xi32, #tpu.memory_space<vmem>>
      %dma_start3A_190 = tpu.memref_squeeze %dma_start3A_189 : memref<1x400xi32, #tpu.memory_space<vmem>> -> memref<400xi32, #tpu.memory_space<vmem>>
      %dma_start3A_191 = arith.constant 0 : i32
      %dma_start3A_192 = arith.constant 0 : i32
      %dma_start3A_193 = tpu.memref_slice %arg9[%dma_start3A_191, %dma_start3A_192] : memref<10240x8xf32, #tpu.memory_space<vmem_shared>> -> memref<10240x8xf32, #tpu.memory_space<vmem_shared>>
      tpu.enqueue_indirect_dma source(%dma_start3A_187 : memref<400x8xf32, #tpu.memory_space<vmem>>) target(%dma_start3A_193 : memref<10240x8xf32, #tpu.memory_space<vmem_shared>>) offsets(%dma_start3A_190 : memref<400xi32, #tpu.memory_space<vmem>>) semaphore(%run_scoped3A_183 : memref<!tpu.dma_semaphore, #tpu.memory_space<semaphore_mem>>) {add = true}
      %dma_wait3A_194 = arith.constant 0 : i32
      %dma_wait3A_195 = arith.constant 0 : i32
      %dma_wait3A_196 = tpu.memref_slice %arg8[%run_scoped3A_163, %dma_wait3A_194, %dma_wait3A_195] : memref<5x400x8xf32, #tpu.memory_space<vmem>> -> memref<1x400x8xf32, #tpu.memory_space<vmem>>
      %dma_wait3A_197 = tpu.memref_squeeze %dma_wait3A_196 : memref<1x400x8xf32, #tpu.memory_space<vmem>> -> memref<400x8xf32, #tpu.memory_space<vmem>>
      %dma_wait3A_198 = arith.constant 0 : i32
      %dma_wait3A_199 = tpu.memref_slice %arg7[%run_scoped3A_164, %dma_wait3A_198] : memref<25x400xi32, #tpu.memory_space<vmem>> -> memref<1x400xi32, #tpu.memory_space<vmem>>
      %dma_wait3A_200 = tpu.memref_squeeze %dma_wait3A_199 : memref<1x400xi32, #tpu.memory_space<vmem>> -> memref<400xi32, #tpu.memory_space<vmem>>
      %dma_wait3A_201 = arith.constant 0 : i32
      %dma_wait3A_202 = arith.constant 0 : i32
      %dma_wait3A_203 = tpu.memref_slice %arg9[%dma_wait3A_201, %dma_wait3A_202] : memref<10240x8xf32, #tpu.memory_space<vmem_shared>> -> memref<10240x8xf32, #tpu.memory_space<vmem_shared>>
      tpu.wait_indirect_dma semaphore(%run_scoped3A_183 : memref<!tpu.dma_semaphore, #tpu.memory_space<semaphore_mem>>) src(%dma_wait3A_197 : memref<400x8xf32, #tpu.memory_space<vmem>>) dst(%dma_wait3A_203 : memref<10240x8xf32, #tpu.memory_space<vmem_shared>>)
      tpu.yield
    }) : () -> ()
    %dma_wait3A_165 = arith.constant 24 : i32
    %dma_wait3A_166 = arith.constant 4 : i32
    %dma_wait3A_167 = arith.constant 0 : i32
    %dma_wait3A_168 = arith.constant 0 : i32
    %dma_wait3A_169 = tpu.memref_slice %arg8[%dma_wait3A_166, %dma_wait3A_167, %dma_wait3A_168] : memref<5x400x8xf32, #tpu.memory_space<vmem>> -> memref<1x400x8xf32, #tpu.memory_space<vmem>>
    %dma_wait3A_170 = tpu.memref_squeeze %dma_wait3A_169 : memref<1x400x8xf32, #tpu.memory_space<vmem>> -> memref<400x8xf32, #tpu.memory_space<vmem>>
    %dma_wait3A_171 = arith.constant 0 : i32
    %dma_wait3A_172 = tpu.memref_slice %arg6[%dma_wait3A_165, %dma_wait3A_171] : memref<25x400xi32, #tpu.memory_space<vmem>> -> memref<1x400xi32, #tpu.memory_space<vmem>>
    %dma_wait3A_173 = tpu.memref_squeeze %dma_wait3A_172 : memref<1x400xi32, #tpu.memory_space<vmem>> -> memref<400xi32, #tpu.memory_space<vmem>>
    %dma_wait3A_174 = arith.constant 0 : i32
    %dma_wait3A_175 = arith.constant 0 : i32
    %dma_wait3A_176 = tpu.memref_slice %arg2[%dma_wait3A_174, %dma_wait3A_175] : memref<10240x8xf32, #tpu.memory_space<hbm>> -> memref<10240x8xf32, #tpu.memory_space<hbm>>
    tpu.wait_indirect_dma semaphore(%arg14 : memref<!tpu.dma_semaphore, #tpu.memory_space<semaphore_mem>>) src(%dma_wait3A_176 : memref<10240x8xf32, #tpu.memory_space<hbm>>) dst(%dma_wait3A_170 : memref<400x8xf32, #tpu.memory_space<vmem>>)
    %run_scoped3A_177 = arith.constant 4 : i32
    %run_scoped3A_178 = arith.constant 24 : i32
    "tpu.region"() ({
      %run_scoped3A_183 = tpu.sem_alloc : memref<!tpu.dma_semaphore, #tpu.memory_space<semaphore_mem>>
      %dma_start3A_184 = arith.constant 0 : i32
      %dma_start3A_185 = arith.constant 0 : i32
      %dma_start3A_186 = tpu.memref_slice %arg8[%run_scoped3A_177, %dma_start3A_184, %dma_start3A_185] : memref<5x400x8xf32, #tpu.memory_space<vmem>> -> memref<1x400x8xf32, #tpu.memory_space<vmem>>
      %dma_start3A_187 = tpu.memref_squeeze %dma_start3A_186 : memref<1x400x8xf32, #tpu.memory_space<vmem>> -> memref<400x8xf32, #tpu.memory_space<vmem>>
      %dma_start3A_188 = arith.constant 0 : i32
      %dma_start3A_189 = tpu.memref_slice %arg7[%run_scoped3A_178, %dma_start3A_188] : memref<25x400xi32, #tpu.memory_space<vmem>> -> memref<1x400xi32, #tpu.memory_space<vmem>>
      %dma_start3A_190 = tpu.memref_squeeze %dma_start3A_189 : memref<1x400xi32, #tpu.memory_space<vmem>> -> memref<400xi32, #tpu.memory_space<vmem>>
      %dma_start3A_191 = arith.constant 0 : i32
      %dma_start3A_192 = arith.constant 0 : i32
      %dma_start3A_193 = tpu.memref_slice %arg9[%dma_start3A_191, %dma_start3A_192] : memref<10240x8xf32, #tpu.memory_space<vmem_shared>> -> memref<10240x8xf32, #tpu.memory_space<vmem_shared>>
      tpu.enqueue_indirect_dma source(%dma_start3A_187 : memref<400x8xf32, #tpu.memory_space<vmem>>) target(%dma_start3A_193 : memref<10240x8xf32, #tpu.memory_space<vmem_shared>>) offsets(%dma_start3A_190 : memref<400xi32, #tpu.memory_space<vmem>>) semaphore(%run_scoped3A_183 : memref<!tpu.dma_semaphore, #tpu.memory_space<semaphore_mem>>) {add = true}
      %dma_wait3A_194 = arith.constant 0 : i32
      %dma_wait3A_195 = arith.constant 0 : i32
      %dma_wait3A_196 = tpu.memref_slice %arg8[%run_scoped3A_177, %dma_wait3A_194, %dma_wait3A_195] : memref<5x400x8xf32, #tpu.memory_space<vmem>> -> memref<1x400x8xf32, #tpu.memory_space<vmem>>
      %dma_wait3A_197 = tpu.memref_squeeze %dma_wait3A_196 : memref<1x400x8xf32, #tpu.memory_space<vmem>> -> memref<400x8xf32, #tpu.memory_space<vmem>>
      %dma_wait3A_198 = arith.constant 0 : i32
      %dma_wait3A_199 = tpu.memref_slice %arg7[%run_scoped3A_178, %dma_wait3A_198] : memref<25x400xi32, #tpu.memory_space<vmem>> -> memref<1x400xi32, #tpu.memory_space<vmem>>
      %dma_wait3A_200 = tpu.memref_squeeze %dma_wait3A_199 : memref<1x400xi32, #tpu.memory_space<vmem>> -> memref<400xi32, #tpu.memory_space<vmem>>
      %dma_wait3A_201 = arith.constant 0 : i32
      %dma_wait3A_202 = arith.constant 0 : i32
      %dma_wait3A_203 = tpu.memref_slice %arg9[%dma_wait3A_201, %dma_wait3A_202] : memref<10240x8xf32, #tpu.memory_space<vmem_shared>> -> memref<10240x8xf32, #tpu.memory_space<vmem_shared>>
      tpu.wait_indirect_dma semaphore(%run_scoped3A_183 : memref<!tpu.dma_semaphore, #tpu.memory_space<semaphore_mem>>) src(%dma_wait3A_197 : memref<400x8xf32, #tpu.memory_space<vmem>>) dst(%dma_wait3A_203 : memref<10240x8xf32, #tpu.memory_space<vmem_shared>>)
      tpu.yield
    }) : () -> ()
    %barrier3A_179 = arith.constant 0 : index
    tpu.barrier barrier_id(%barrier3A_179)
    %mul3A_180 = arith.constant 10240 : i32
    %mul3A_181 = arith.muli %arg0, %mul3A_180 : i32
    %add3A_182 = arith.addi %mul3A_181, %mul3A_2 : i32
    "tpu.region"() ({
      %run_scoped3A_183 = tpu.sem_alloc : memref<!tpu.dma_semaphore, #tpu.memory_space<semaphore_mem>>
      %dma_start3A_184 = arith.constant 0 : i32
      %dma_start3A_185 = tpu.memref_slice %arg5[%add3A_182, %dma_start3A_184] : memref<20480x8xf32, #tpu.memory_space<hbm>> -> memref<640x8xf32, #tpu.memory_space<hbm>>
      %dma_start3A_186 = arith.constant 0 : i32
      %dma_start3A_187 = tpu.memref_slice %arg9[%mul3A_2, %dma_start3A_186] : memref<10240x8xf32, #tpu.memory_space<vmem_shared>> -> memref<640x8xf32, #tpu.memory_space<vmem_shared>>
      tpu.enqueue_dma source(%dma_start3A_187 : memref<640x8xf32, #tpu.memory_space<vmem_shared>>) target(%dma_start3A_185 : memref<640x8xf32, #tpu.memory_space<hbm>>) target_semaphore(%run_scoped3A_183 : memref<!tpu.dma_semaphore, #tpu.memory_space<semaphore_mem>>)
      %dma_wait3A_188 = arith.constant 0 : i32
      %dma_wait3A_189 = tpu.memref_slice %arg5[%add3A_182, %dma_wait3A_188] : memref<20480x8xf32, #tpu.memory_space<hbm>> -> memref<640x8xf32, #tpu.memory_space<hbm>>
      %dma_wait3A_190 = arith.constant 0 : i32
      %dma_wait3A_191 = tpu.memref_slice %arg9[%mul3A_2, %dma_wait3A_190] : memref<10240x8xf32, #tpu.memory_space<vmem_shared>> -> memref<640x8xf32, #tpu.memory_space<vmem_shared>>
      tpu.wait_dma2 semaphore(%run_scoped3A_183 : memref<!tpu.dma_semaphore, #tpu.memory_space<semaphore_mem>>) src(%dma_wait3A_191 : memref<640x8xf32, #tpu.memory_space<vmem_shared>>) dst(%dma_wait3A_189 : memref<640x8xf32, #tpu.memory_space<hbm>>)
      tpu.yield
    }) : () -> ()
    return
  }
}

#map = affine_map<(d0, d1) -> (0, 0)>
#map1 = affine_map<(d0, d1) -> (0, 0, 0, 0)>
module attributes {stable_mosaic.version = 14 : i64} {
  func.func @_prop_body(%arg0: i32, %arg1: i32, %arg2: memref<10240x8xf32, #tpu.memory_space<hbm>>, %arg3: memref<2x32x25x400xi32, #tpu.memory_space<hbm>>, %arg4: memref<10240x8xf32, #tpu.memory_space<hbm>>, %arg5: memref<20480x8xf32, #tpu.memory_space<hbm>>, %arg6: memref<25x400xi32, #tpu.memory_space<vmem>>, %arg7: memref<25x400xi32, #tpu.memory_space<vmem>>, %arg8: memref<5x400x8xf32, #tpu.memory_space<vmem>>, %arg9: memref<10240x8xf32, #tpu.memory_space<vmem_shared>>, %arg10: memref<!tpu.dma_semaphore, #tpu.memory_space<semaphore_mem>>, %arg11: memref<!tpu.dma_semaphore, #tpu.memory_space<semaphore_mem>>, %arg12: memref<!tpu.dma_semaphore, #tpu.memory_space<semaphore_mem>>, %arg13: memref<!tpu.dma_semaphore, #tpu.memory_space<semaphore_mem>>, %arg14: memref<!tpu.dma_semaphore, #tpu.memory_space<semaphore_mem>>) attributes {dimension_semantics = [#tpu.dimension_semantics<core_parallel>, #tpu.dimension_semantics<subcore_parallel>], iteration_bounds = array<i64: 2, 16>, scalar_prefetch = 0 : i64, scratch_operands = 9 : i64, tpu.core_type = #tpu.core_type<sc_vector_subcore>, window_params = [{transform_indices = #map}, {transform_indices = #map1}, {transform_indices = #map}, {transform_indices = #map}]} {
    %mul3A = arith.constant 16 : i32
    %mul3A_0 = arith.muli %arg0, %mul3A : i32
    %add3A = arith.addi %mul3A_0, %arg1 : i32
    %mul3A_1 = arith.constant 640 : i32
    %mul3A_2 = arith.muli %arg1, %mul3A_1 : i32
    %dma_start3A = arith.constant 0 : i32
    %dma_start3A_3 = tpu.memref_slice %arg9[%mul3A_2, %dma_start3A] : memref<10240x8xf32, #tpu.memory_space<vmem_shared>> -> memref<640x8xf32, #tpu.memory_space<vmem_shared>>
    %dma_start3A_4 = arith.constant 0 : i32
    %dma_start3A_5 = tpu.memref_slice %arg4[%mul3A_2, %dma_start3A_4] : memref<10240x8xf32, #tpu.memory_space<hbm>> -> memref<640x8xf32, #tpu.memory_space<hbm>>
    tpu.enqueue_dma source(%dma_start3A_5 : memref<640x8xf32, #tpu.memory_space<hbm>>) target(%dma_start3A_3 : memref<640x8xf32, #tpu.memory_space<vmem_shared>>) target_semaphore(%arg10 : memref<!tpu.dma_semaphore, #tpu.memory_space<semaphore_mem>>)
    %dma_start3A_6 = arith.constant 0 : i32
    %dma_start3A_7 = arith.constant 0 : i32
    %dma_start3A_8 = arith.constant 0 : i32
    %dma_start3A_9 = tpu.memref_slice %arg3[%dma_start3A_6, %add3A, %dma_start3A_7, %dma_start3A_8] : memref<2x32x25x400xi32, #tpu.memory_space<hbm>> -> memref<1x1x25x400xi32, #tpu.memory_space<hbm>>
    %dma_start3A_10 = tpu.memref_squeeze %dma_start3A_9 : memref<1x1x25x400xi32, #tpu.memory_space<hbm>> -> memref<25x400xi32, #tpu.memory_space<hbm>>
    %dma_start3A_11 = arith.constant 0 : i32
    %dma_start3A_12 = arith.constant 0 : i32
    %dma_start3A_13 = tpu.memref_slice %arg3[%dma_start3A_6, %add3A, %dma_start3A_11, %dma_start3A_12] : memref<2x32x25x400xi32, #tpu.memory_space<hbm>> -> memref<1x1x25x400xi32, #tpu.memory_space<hbm>>
    %dma_start3A_14 = tpu.memref_squeeze %dma_start3A_13 : memref<1x1x25x400xi32, #tpu.memory_space<hbm>> -> memref<25x400xi32, #tpu.memory_space<hbm>>
    tpu.enqueue_dma source(%dma_start3A_14 : memref<25x400xi32, #tpu.memory_space<hbm>>) target(%arg6 : memref<25x400xi32, #tpu.memory_space<vmem>>) target_semaphore(%arg11 : memref<!tpu.dma_semaphore, #tpu.memory_space<semaphore_mem>>)
    %dma_start3A_15 = arith.constant 1 : i32
    %dma_start3A_16 = arith.constant 0 : i32
    %dma_start3A_17 = arith.constant 0 : i32
    %dma_start3A_18 = tpu.memref_slice %arg3[%dma_start3A_15, %add3A, %dma_start3A_16, %dma_start3A_17] : memref<2x32x25x400xi32, #tpu.memory_space<hbm>> -> memref<1x1x25x400xi32, #tpu.memory_space<hbm>>
    %dma_start3A_19 = tpu.memref_squeeze %dma_start3A_18 : memref<1x1x25x400xi32, #tpu.memory_space<hbm>> -> memref<25x400xi32, #tpu.memory_space<hbm>>
    %dma_start3A_20 = arith.constant 0 : i32
    %dma_start3A_21 = arith.constant 0 : i32
    %dma_start3A_22 = tpu.memref_slice %arg3[%dma_start3A_15, %add3A, %dma_start3A_20, %dma_start3A_21] : memref<2x32x25x400xi32, #tpu.memory_space<hbm>> -> memref<1x1x25x400xi32, #tpu.memory_space<hbm>>
    %dma_start3A_23 = tpu.memref_squeeze %dma_start3A_22 : memref<1x1x25x400xi32, #tpu.memory_space<hbm>> -> memref<25x400xi32, #tpu.memory_space<hbm>>
    tpu.enqueue_dma source(%dma_start3A_23 : memref<25x400xi32, #tpu.memory_space<hbm>>) target(%arg7 : memref<25x400xi32, #tpu.memory_space<vmem>>) target_semaphore(%arg12 : memref<!tpu.dma_semaphore, #tpu.memory_space<semaphore_mem>>)
    %dma_wait3A = arith.constant 0 : i32
    %dma_wait3A_24 = tpu.memref_slice %arg9[%mul3A_2, %dma_wait3A] : memref<10240x8xf32, #tpu.memory_space<vmem_shared>> -> memref<640x8xf32, #tpu.memory_space<vmem_shared>>
    %dma_wait3A_25 = arith.constant 0 : i32
    %dma_wait3A_26 = tpu.memref_slice %arg4[%mul3A_2, %dma_wait3A_25] : memref<10240x8xf32, #tpu.memory_space<hbm>> -> memref<640x8xf32, #tpu.memory_space<hbm>>
    tpu.wait_dma2 semaphore(%arg10 : memref<!tpu.dma_semaphore, #tpu.memory_space<semaphore_mem>>) src(%dma_wait3A_26 : memref<640x8xf32, #tpu.memory_space<hbm>>) dst(%dma_wait3A_24 : memref<640x8xf32, #tpu.memory_space<vmem_shared>>)
    %dma_wait3A_27 = arith.constant 0 : i32
    %dma_wait3A_28 = arith.constant 0 : i32
    %dma_wait3A_29 = arith.constant 0 : i32
    %dma_wait3A_30 = tpu.memref_slice %arg3[%dma_wait3A_27, %add3A, %dma_wait3A_28, %dma_wait3A_29] : memref<2x32x25x400xi32, #tpu.memory_space<hbm>> -> memref<1x1x25x400xi32, #tpu.memory_space<hbm>>
    %dma_wait3A_31 = tpu.memref_squeeze %dma_wait3A_30 : memref<1x1x25x400xi32, #tpu.memory_space<hbm>> -> memref<25x400xi32, #tpu.memory_space<hbm>>
    %dma_wait3A_32 = arith.constant 0 : i32
    %dma_wait3A_33 = arith.constant 0 : i32
    %dma_wait3A_34 = tpu.memref_slice %arg3[%dma_wait3A_27, %add3A, %dma_wait3A_32, %dma_wait3A_33] : memref<2x32x25x400xi32, #tpu.memory_space<hbm>> -> memref<1x1x25x400xi32, #tpu.memory_space<hbm>>
    %dma_wait3A_35 = tpu.memref_squeeze %dma_wait3A_34 : memref<1x1x25x400xi32, #tpu.memory_space<hbm>> -> memref<25x400xi32, #tpu.memory_space<hbm>>
    tpu.wait_dma2 semaphore(%arg11 : memref<!tpu.dma_semaphore, #tpu.memory_space<semaphore_mem>>) src(%dma_wait3A_35 : memref<25x400xi32, #tpu.memory_space<hbm>>) dst(%arg6 : memref<25x400xi32, #tpu.memory_space<vmem>>)
    %dma_wait3A_36 = arith.constant 1 : i32
    %dma_wait3A_37 = arith.constant 0 : i32
    %dma_wait3A_38 = arith.constant 0 : i32
    %dma_wait3A_39 = tpu.memref_slice %arg3[%dma_wait3A_36, %add3A, %dma_wait3A_37, %dma_wait3A_38] : memref<2x32x25x400xi32, #tpu.memory_space<hbm>> -> memref<1x1x25x400xi32, #tpu.memory_space<hbm>>
    %dma_wait3A_40 = tpu.memref_squeeze %dma_wait3A_39 : memref<1x1x25x400xi32, #tpu.memory_space<hbm>> -> memref<25x400xi32, #tpu.memory_space<hbm>>
    %dma_wait3A_41 = arith.constant 0 : i32
    %dma_wait3A_42 = arith.constant 0 : i32
    %dma_wait3A_43 = tpu.memref_slice %arg3[%dma_wait3A_36, %add3A, %dma_wait3A_41, %dma_wait3A_42] : memref<2x32x25x400xi32, #tpu.memory_space<hbm>> -> memref<1x1x25x400xi32, #tpu.memory_space<hbm>>
    %dma_wait3A_44 = tpu.memref_squeeze %dma_wait3A_43 : memref<1x1x25x400xi32, #tpu.memory_space<hbm>> -> memref<25x400xi32, #tpu.memory_space<hbm>>
    tpu.wait_dma2 semaphore(%arg12 : memref<!tpu.dma_semaphore, #tpu.memory_space<semaphore_mem>>) src(%dma_wait3A_44 : memref<25x400xi32, #tpu.memory_space<hbm>>) dst(%arg7 : memref<25x400xi32, #tpu.memory_space<vmem>>)
    %barrier3A = arith.constant 0 : index
    tpu.barrier barrier_id(%barrier3A)
    %dma_start3A_45 = arith.constant 0 : i32
    %dma_start3A_46 = arith.constant 0 : i32
    %dma_start3A_47 = arith.constant 0 : i32
    %dma_start3A_48 = arith.constant 0 : i32
    %dma_start3A_49 = tpu.memref_slice %arg8[%dma_start3A_46, %dma_start3A_47, %dma_start3A_48] : memref<5x400x8xf32, #tpu.memory_space<vmem>> -> memref<1x400x8xf32, #tpu.memory_space<vmem>>
    %dma_start3A_50 = tpu.memref_squeeze %dma_start3A_49 : memref<1x400x8xf32, #tpu.memory_space<vmem>> -> memref<400x8xf32, #tpu.memory_space<vmem>>
    %dma_start3A_51 = arith.constant 0 : i32
    %dma_start3A_52 = tpu.memref_slice %arg6[%dma_start3A_45, %dma_start3A_51] : memref<25x400xi32, #tpu.memory_space<vmem>> -> memref<1x400xi32, #tpu.memory_space<vmem>>
    %dma_start3A_53 = tpu.memref_squeeze %dma_start3A_52 : memref<1x400xi32, #tpu.memory_space<vmem>> -> memref<400xi32, #tpu.memory_space<vmem>>
    %dma_start3A_54 = arith.constant 0 : i32
    %dma_start3A_55 = arith.constant 0 : i32
    %dma_start3A_56 = tpu.memref_slice %arg2[%dma_start3A_54, %dma_start3A_55] : memref<10240x8xf32, #tpu.memory_space<hbm>> -> memref<10240x8xf32, #tpu.memory_space<hbm>>
    tpu.enqueue_indirect_dma source(%dma_start3A_56 : memref<10240x8xf32, #tpu.memory_space<hbm>>) target(%dma_start3A_50 : memref<400x8xf32, #tpu.memory_space<vmem>>) offsets(%dma_start3A_53 : memref<400xi32, #tpu.memory_space<vmem>>) semaphore(%arg10 : memref<!tpu.dma_semaphore, #tpu.memory_space<semaphore_mem>>)
    %dma_start3A_57 = arith.constant 1 : i32
    %dma_start3A_58 = arith.constant 1 : i32
    %dma_start3A_59 = arith.constant 0 : i32
    %dma_start3A_60 = arith.constant 0 : i32
    %dma_start3A_61 = tpu.memref_slice %arg8[%dma_start3A_58, %dma_start3A_59, %dma_start3A_60] : memref<5x400x8xf32, #tpu.memory_space<vmem>> -> memref<1x400x8xf32, #tpu.memory_space<vmem>>
    %dma_start3A_62 = tpu.memref_squeeze %dma_start3A_61 : memref<1x400x8xf32, #tpu.memory_space<vmem>> -> memref<400x8xf32, #tpu.memory_space<vmem>>
    %dma_start3A_63 = arith.constant 0 : i32
    %dma_start3A_64 = tpu.memref_slice %arg6[%dma_start3A_57, %dma_start3A_63] : memref<25x400xi32, #tpu.memory_space<vmem>> -> memref<1x400xi32, #tpu.memory_space<vmem>>
    %dma_start3A_65 = tpu.memref_squeeze %dma_start3A_64 : memref<1x400xi32, #tpu.memory_space<vmem>> -> memref<400xi32, #tpu.memory_space<vmem>>
    %dma_start3A_66 = arith.constant 0 : i32
    %dma_start3A_67 = arith.constant 0 : i32
    %dma_start3A_68 = tpu.memref_slice %arg2[%dma_start3A_66, %dma_start3A_67] : memref<10240x8xf32, #tpu.memory_space<hbm>> -> memref<10240x8xf32, #tpu.memory_space<hbm>>
    tpu.enqueue_indirect_dma source(%dma_start3A_68 : memref<10240x8xf32, #tpu.memory_space<hbm>>) target(%dma_start3A_62 : memref<400x8xf32, #tpu.memory_space<vmem>>) offsets(%dma_start3A_65 : memref<400xi32, #tpu.memory_space<vmem>>) semaphore(%arg11 : memref<!tpu.dma_semaphore, #tpu.memory_space<semaphore_mem>>)
    %dma_start3A_69 = arith.constant 2 : i32
    %dma_start3A_70 = arith.constant 2 : i32
    %dma_start3A_71 = arith.constant 0 : i32
    %dma_start3A_72 = arith.constant 0 : i32
    %dma_start3A_73 = tpu.memref_slice %arg8[%dma_start3A_70, %dma_start3A_71, %dma_start3A_72] : memref<5x400x8xf32, #tpu.memory_space<vmem>> -> memref<1x400x8xf32, #tpu.memory_space<vmem>>
    %dma_start3A_74 = tpu.memref_squeeze %dma_start3A_73 : memref<1x400x8xf32, #tpu.memory_space<vmem>> -> memref<400x8xf32, #tpu.memory_space<vmem>>
    %dma_start3A_75 = arith.constant 0 : i32
    %dma_start3A_76 = tpu.memref_slice %arg6[%dma_start3A_69, %dma_start3A_75] : memref<25x400xi32, #tpu.memory_space<vmem>> -> memref<1x400xi32, #tpu.memory_space<vmem>>
    %dma_start3A_77 = tpu.memref_squeeze %dma_start3A_76 : memref<1x400xi32, #tpu.memory_space<vmem>> -> memref<400xi32, #tpu.memory_space<vmem>>
    %dma_start3A_78 = arith.constant 0 : i32
    %dma_start3A_79 = arith.constant 0 : i32
    %dma_start3A_80 = tpu.memref_slice %arg2[%dma_start3A_78, %dma_start3A_79] : memref<10240x8xf32, #tpu.memory_space<hbm>> -> memref<10240x8xf32, #tpu.memory_space<hbm>>
    tpu.enqueue_indirect_dma source(%dma_start3A_80 : memref<10240x8xf32, #tpu.memory_space<hbm>>) target(%dma_start3A_74 : memref<400x8xf32, #tpu.memory_space<vmem>>) offsets(%dma_start3A_77 : memref<400xi32, #tpu.memory_space<vmem>>) semaphore(%arg12 : memref<!tpu.dma_semaphore, #tpu.memory_space<semaphore_mem>>)
    %dma_start3A_81 = arith.constant 3 : i32
    %dma_start3A_82 = arith.constant 3 : i32
    %dma_start3A_83 = arith.constant 0 : i32
    %dma_start3A_84 = arith.constant 0 : i32
    %dma_start3A_85 = tpu.memref_slice %arg8[%dma_start3A_82, %dma_start3A_83, %dma_start3A_84] : memref<5x400x8xf32, #tpu.memory_space<vmem>> -> memref<1x400x8xf32, #tpu.memory_space<vmem>>
    %dma_start3A_86 = tpu.memref_squeeze %dma_start3A_85 : memref<1x400x8xf32, #tpu.memory_space<vmem>> -> memref<400x8xf32, #tpu.memory_space<vmem>>
    %dma_start3A_87 = arith.constant 0 : i32
    %dma_start3A_88 = tpu.memref_slice %arg6[%dma_start3A_81, %dma_start3A_87] : memref<25x400xi32, #tpu.memory_space<vmem>> -> memref<1x400xi32, #tpu.memory_space<vmem>>
    %dma_start3A_89 = tpu.memref_squeeze %dma_start3A_88 : memref<1x400xi32, #tpu.memory_space<vmem>> -> memref<400xi32, #tpu.memory_space<vmem>>
    %dma_start3A_90 = arith.constant 0 : i32
    %dma_start3A_91 = arith.constant 0 : i32
    %dma_start3A_92 = tpu.memref_slice %arg2[%dma_start3A_90, %dma_start3A_91] : memref<10240x8xf32, #tpu.memory_space<hbm>> -> memref<10240x8xf32, #tpu.memory_space<hbm>>
    tpu.enqueue_indirect_dma source(%dma_start3A_92 : memref<10240x8xf32, #tpu.memory_space<hbm>>) target(%dma_start3A_86 : memref<400x8xf32, #tpu.memory_space<vmem>>) offsets(%dma_start3A_89 : memref<400xi32, #tpu.memory_space<vmem>>) semaphore(%arg13 : memref<!tpu.dma_semaphore, #tpu.memory_space<semaphore_mem>>)
    %dma_start3A_93 = arith.constant 4 : i32
    %dma_start3A_94 = arith.constant 4 : i32
    %dma_start3A_95 = arith.constant 0 : i32
    %dma_start3A_96 = arith.constant 0 : i32
    %dma_start3A_97 = tpu.memref_slice %arg8[%dma_start3A_94, %dma_start3A_95, %dma_start3A_96] : memref<5x400x8xf32, #tpu.memory_space<vmem>> -> memref<1x400x8xf32, #tpu.memory_space<vmem>>
    %dma_start3A_98 = tpu.memref_squeeze %dma_start3A_97 : memref<1x400x8xf32, #tpu.memory_space<vmem>> -> memref<400x8xf32, #tpu.memory_space<vmem>>
    %dma_start3A_99 = arith.constant 0 : i32
    %dma_start3A_100 = tpu.memref_slice %arg6[%dma_start3A_93, %dma_start3A_99] : memref<25x400xi32, #tpu.memory_space<vmem>> -> memref<1x400xi32, #tpu.memory_space<vmem>>
    %dma_start3A_101 = tpu.memref_squeeze %dma_start3A_100 : memref<1x400xi32, #tpu.memory_space<vmem>> -> memref<400xi32, #tpu.memory_space<vmem>>
    %dma_start3A_102 = arith.constant 0 : i32
    %dma_start3A_103 = arith.constant 0 : i32
    %dma_start3A_104 = tpu.memref_slice %arg2[%dma_start3A_102, %dma_start3A_103] : memref<10240x8xf32, #tpu.memory_space<hbm>> -> memref<10240x8xf32, #tpu.memory_space<hbm>>
    tpu.enqueue_indirect_dma source(%dma_start3A_104 : memref<10240x8xf32, #tpu.memory_space<hbm>>) target(%dma_start3A_98 : memref<400x8xf32, #tpu.memory_space<vmem>>) offsets(%dma_start3A_101 : memref<400xi32, #tpu.memory_space<vmem>>) semaphore(%arg14 : memref<!tpu.dma_semaphore, #tpu.memory_space<semaphore_mem>>)
    %scan3A = arith.constant 0 : i32
    %scan3A_105 = arith.constant 0 : i32
    %scan3A_106 = arith.constant 4 : i32
    %scan3A_107 = arith.addi %scan3A_105, %scan3A_106 : i32
    %scan3A_108 = arith.constant 1 : i32
    scf.for %scan3A_183 = %scan3A_105 to %scan3A_107 step %scan3A_108  : i32 {
      %mul3A_184 = arith.constant 5 : i32
      %mul3A_185 = arith.muli %scan3A_183, %mul3A_184 : i32
      %add3A_186 = arith.constant 0 : i32
      %add3A_187 = arith.addi %mul3A_185, %add3A_186 : i32
      %dma_wait3A_188 = arith.constant 0 : i32
      %dma_wait3A_189 = arith.constant 0 : i32
      %dma_wait3A_190 = arith.constant 0 : i32
      %dma_wait3A_191 = tpu.memref_slice %arg8[%dma_wait3A_188, %dma_wait3A_189, %dma_wait3A_190] : memref<5x400x8xf32, #tpu.memory_space<vmem>> -> memref<1x400x8xf32, #tpu.memory_space<vmem>>
      %dma_wait3A_192 = tpu.memref_squeeze %dma_wait3A_191 : memref<1x400x8xf32, #tpu.memory_space<vmem>> -> memref<400x8xf32, #tpu.memory_space<vmem>>
      %dma_wait3A_193 = arith.constant 0 : i32
      %dma_wait3A_194 = tpu.memref_slice %arg6[%add3A_187, %dma_wait3A_193] : memref<25x400xi32, #tpu.memory_space<vmem>> -> memref<1x400xi32, #tpu.memory_space<vmem>>
      %dma_wait3A_195 = tpu.memref_squeeze %dma_wait3A_194 : memref<1x400xi32, #tpu.memory_space<vmem>> -> memref<400xi32, #tpu.memory_space<vmem>>
      %dma_wait3A_196 = arith.constant 0 : i32
      %dma_wait3A_197 = arith.constant 0 : i32
      %dma_wait3A_198 = tpu.memref_slice %arg2[%dma_wait3A_196, %dma_wait3A_197] : memref<10240x8xf32, #tpu.memory_space<hbm>> -> memref<10240x8xf32, #tpu.memory_space<hbm>>
      tpu.wait_indirect_dma semaphore(%arg10 : memref<!tpu.dma_semaphore, #tpu.memory_space<semaphore_mem>>) src(%dma_wait3A_198 : memref<10240x8xf32, #tpu.memory_space<hbm>>) dst(%dma_wait3A_192 : memref<400x8xf32, #tpu.memory_space<vmem>>)
      %run_scoped3A_199 = arith.constant 0 : i32
      "tpu.region"() ({
        %run_scoped3A_321 = tpu.sem_alloc : memref<!tpu.dma_semaphore, #tpu.memory_space<semaphore_mem>>
        %dma_start3A_322 = arith.constant 0 : i32
        %dma_start3A_323 = arith.constant 0 : i32
        %dma_start3A_324 = tpu.memref_slice %arg8[%run_scoped3A_199, %dma_start3A_322, %dma_start3A_323] : memref<5x400x8xf32, #tpu.memory_space<vmem>> -> memref<1x400x8xf32, #tpu.memory_space<vmem>>
        %dma_start3A_325 = tpu.memref_squeeze %dma_start3A_324 : memref<1x400x8xf32, #tpu.memory_space<vmem>> -> memref<400x8xf32, #tpu.memory_space<vmem>>
        %dma_start3A_326 = arith.constant 0 : i32
        %dma_start3A_327 = tpu.memref_slice %arg7[%add3A_187, %dma_start3A_326] : memref<25x400xi32, #tpu.memory_space<vmem>> -> memref<1x400xi32, #tpu.memory_space<vmem>>
        %dma_start3A_328 = tpu.memref_squeeze %dma_start3A_327 : memref<1x400xi32, #tpu.memory_space<vmem>> -> memref<400xi32, #tpu.memory_space<vmem>>
        %dma_start3A_329 = arith.constant 0 : i32
        %dma_start3A_330 = arith.constant 0 : i32
        %dma_start3A_331 = tpu.memref_slice %arg9[%dma_start3A_329, %dma_start3A_330] : memref<10240x8xf32, #tpu.memory_space<vmem_shared>> -> memref<10240x8xf32, #tpu.memory_space<vmem_shared>>
        tpu.enqueue_indirect_dma source(%dma_start3A_325 : memref<400x8xf32, #tpu.memory_space<vmem>>) target(%dma_start3A_331 : memref<10240x8xf32, #tpu.memory_space<vmem_shared>>) offsets(%dma_start3A_328 : memref<400xi32, #tpu.memory_space<vmem>>) semaphore(%run_scoped3A_321 : memref<!tpu.dma_semaphore, #tpu.memory_space<semaphore_mem>>) {add = true}
        %dma_wait3A_332 = arith.constant 0 : i32
        %dma_wait3A_333 = arith.constant 0 : i32
        %dma_wait3A_334 = tpu.memref_slice %arg8[%run_scoped3A_199, %dma_wait3A_332, %dma_wait3A_333] : memref<5x400x8xf32, #tpu.memory_space<vmem>> -> memref<1x400x8xf32, #tpu.memory_space<vmem>>
        %dma_wait3A_335 = tpu.memref_squeeze %dma_wait3A_334 : memref<1x400x8xf32, #tpu.memory_space<vmem>> -> memref<400x8xf32, #tpu.memory_space<vmem>>
        %dma_wait3A_336 = arith.constant 0 : i32
        %dma_wait3A_337 = tpu.memref_slice %arg7[%add3A_187, %dma_wait3A_336] : memref<25x400xi32, #tpu.memory_space<vmem>> -> memref<1x400xi32, #tpu.memory_space<vmem>>
        %dma_wait3A_338 = tpu.memref_squeeze %dma_wait3A_337 : memref<1x400xi32, #tpu.memory_space<vmem>> -> memref<400xi32, #tpu.memory_space<vmem>>
        %dma_wait3A_339 = arith.constant 0 : i32
        %dma_wait3A_340 = arith.constant 0 : i32
        %dma_wait3A_341 = tpu.memref_slice %arg9[%dma_wait3A_339, %dma_wait3A_340] : memref<10240x8xf32, #tpu.memory_space<vmem_shared>> -> memref<10240x8xf32, #tpu.memory_space<vmem_shared>>
        tpu.wait_indirect_dma semaphore(%run_scoped3A_321 : memref<!tpu.dma_semaphore, #tpu.memory_space<semaphore_mem>>) src(%dma_wait3A_335 : memref<400x8xf32, #tpu.memory_space<vmem>>) dst(%dma_wait3A_341 : memref<10240x8xf32, #tpu.memory_space<vmem_shared>>)
        tpu.yield
      }) : () -> ()
      %add3A_200 = arith.constant 5 : i32
      %add3A_201 = arith.addi %add3A_187, %add3A_200 : i32
      %dma_start3A_202 = arith.constant 0 : i32
      %dma_start3A_203 = arith.constant 0 : i32
      %dma_start3A_204 = arith.constant 0 : i32
      %dma_start3A_205 = tpu.memref_slice %arg8[%dma_start3A_202, %dma_start3A_203, %dma_start3A_204] : memref<5x400x8xf32, #tpu.memory_space<vmem>> -> memref<1x400x8xf32, #tpu.memory_space<vmem>>
      %dma_start3A_206 = tpu.memref_squeeze %dma_start3A_205 : memref<1x400x8xf32, #tpu.memory_space<vmem>> -> memref<400x8xf32, #tpu.memory_space<vmem>>
      %dma_start3A_207 = arith.constant 0 : i32
      %dma_start3A_208 = tpu.memref_slice %arg6[%add3A_201, %dma_start3A_207] : memref<25x400xi32, #tpu.memory_space<vmem>> -> memref<1x400xi32, #tpu.memory_space<vmem>>
      %dma_start3A_209 = tpu.memref_squeeze %dma_start3A_208 : memref<1x400xi32, #tpu.memory_space<vmem>> -> memref<400xi32, #tpu.memory_space<vmem>>
      %dma_start3A_210 = arith.constant 0 : i32
      %dma_start3A_211 = arith.constant 0 : i32
      %dma_start3A_212 = tpu.memref_slice %arg2[%dma_start3A_210, %dma_start3A_211] : memref<10240x8xf32, #tpu.memory_space<hbm>> -> memref<10240x8xf32, #tpu.memory_space<hbm>>
      tpu.enqueue_indirect_dma source(%dma_start3A_212 : memref<10240x8xf32, #tpu.memory_space<hbm>>) target(%dma_start3A_206 : memref<400x8xf32, #tpu.memory_space<vmem>>) offsets(%dma_start3A_209 : memref<400xi32, #tpu.memory_space<vmem>>) semaphore(%arg10 : memref<!tpu.dma_semaphore, #tpu.memory_space<semaphore_mem>>)
      %add3A_213 = arith.constant 1 : i32
      %add3A_214 = arith.addi %mul3A_185, %add3A_213 : i32
      %dma_wait3A_215 = arith.constant 1 : i32
      %dma_wait3A_216 = arith.constant 0 : i32
      %dma_wait3A_217 = arith.constant 0 : i32
      %dma_wait3A_218 = tpu.memref_slice %arg8[%dma_wait3A_215, %dma_wait3A_216, %dma_wait3A_217] : memref<5x400x8xf32, #tpu.memory_space<vmem>> -> memref<1x400x8xf32, #tpu.memory_space<vmem>>
      %dma_wait3A_219 = tpu.memref_squeeze %dma_wait3A_218 : memref<1x400x8xf32, #tpu.memory_space<vmem>> -> memref<400x8xf32, #tpu.memory_space<vmem>>
      %dma_wait3A_220 = arith.constant 0 : i32
      %dma_wait3A_221 = tpu.memref_slice %arg6[%add3A_214, %dma_wait3A_220] : memref<25x400xi32, #tpu.memory_space<vmem>> -> memref<1x400xi32, #tpu.memory_space<vmem>>
      %dma_wait3A_222 = tpu.memref_squeeze %dma_wait3A_221 : memref<1x400xi32, #tpu.memory_space<vmem>> -> memref<400xi32, #tpu.memory_space<vmem>>
      %dma_wait3A_223 = arith.constant 0 : i32
      %dma_wait3A_224 = arith.constant 0 : i32
      %dma_wait3A_225 = tpu.memref_slice %arg2[%dma_wait3A_223, %dma_wait3A_224] : memref<10240x8xf32, #tpu.memory_space<hbm>> -> memref<10240x8xf32, #tpu.memory_space<hbm>>
      tpu.wait_indirect_dma semaphore(%arg11 : memref<!tpu.dma_semaphore, #tpu.memory_space<semaphore_mem>>) src(%dma_wait3A_225 : memref<10240x8xf32, #tpu.memory_space<hbm>>) dst(%dma_wait3A_219 : memref<400x8xf32, #tpu.memory_space<vmem>>)
      %run_scoped3A_226 = arith.constant 1 : i32
      "tpu.region"() ({
        %run_scoped3A_321 = tpu.sem_alloc : memref<!tpu.dma_semaphore, #tpu.memory_space<semaphore_mem>>
        %dma_start3A_322 = arith.constant 0 : i32
        %dma_start3A_323 = arith.constant 0 : i32
        %dma_start3A_324 = tpu.memref_slice %arg8[%run_scoped3A_226, %dma_start3A_322, %dma_start3A_323] : memref<5x400x8xf32, #tpu.memory_space<vmem>> -> memref<1x400x8xf32, #tpu.memory_space<vmem>>
        %dma_start3A_325 = tpu.memref_squeeze %dma_start3A_324 : memref<1x400x8xf32, #tpu.memory_space<vmem>> -> memref<400x8xf32, #tpu.memory_space<vmem>>
        %dma_start3A_326 = arith.constant 0 : i32
        %dma_start3A_327 = tpu.memref_slice %arg7[%add3A_214, %dma_start3A_326] : memref<25x400xi32, #tpu.memory_space<vmem>> -> memref<1x400xi32, #tpu.memory_space<vmem>>
        %dma_start3A_328 = tpu.memref_squeeze %dma_start3A_327 : memref<1x400xi32, #tpu.memory_space<vmem>> -> memref<400xi32, #tpu.memory_space<vmem>>
        %dma_start3A_329 = arith.constant 0 : i32
        %dma_start3A_330 = arith.constant 0 : i32
        %dma_start3A_331 = tpu.memref_slice %arg9[%dma_start3A_329, %dma_start3A_330] : memref<10240x8xf32, #tpu.memory_space<vmem_shared>> -> memref<10240x8xf32, #tpu.memory_space<vmem_shared>>
        tpu.enqueue_indirect_dma source(%dma_start3A_325 : memref<400x8xf32, #tpu.memory_space<vmem>>) target(%dma_start3A_331 : memref<10240x8xf32, #tpu.memory_space<vmem_shared>>) offsets(%dma_start3A_328 : memref<400xi32, #tpu.memory_space<vmem>>) semaphore(%run_scoped3A_321 : memref<!tpu.dma_semaphore, #tpu.memory_space<semaphore_mem>>) {add = true}
        %dma_wait3A_332 = arith.constant 0 : i32
        %dma_wait3A_333 = arith.constant 0 : i32
        %dma_wait3A_334 = tpu.memref_slice %arg8[%run_scoped3A_226, %dma_wait3A_332, %dma_wait3A_333] : memref<5x400x8xf32, #tpu.memory_space<vmem>> -> memref<1x400x8xf32, #tpu.memory_space<vmem>>
        %dma_wait3A_335 = tpu.memref_squeeze %dma_wait3A_334 : memref<1x400x8xf32, #tpu.memory_space<vmem>> -> memref<400x8xf32, #tpu.memory_space<vmem>>
        %dma_wait3A_336 = arith.constant 0 : i32
        %dma_wait3A_337 = tpu.memref_slice %arg7[%add3A_214, %dma_wait3A_336] : memref<25x400xi32, #tpu.memory_space<vmem>> -> memref<1x400xi32, #tpu.memory_space<vmem>>
        %dma_wait3A_338 = tpu.memref_squeeze %dma_wait3A_337 : memref<1x400xi32, #tpu.memory_space<vmem>> -> memref<400xi32, #tpu.memory_space<vmem>>
        %dma_wait3A_339 = arith.constant 0 : i32
        %dma_wait3A_340 = arith.constant 0 : i32
        %dma_wait3A_341 = tpu.memref_slice %arg9[%dma_wait3A_339, %dma_wait3A_340] : memref<10240x8xf32, #tpu.memory_space<vmem_shared>> -> memref<10240x8xf32, #tpu.memory_space<vmem_shared>>
        tpu.wait_indirect_dma semaphore(%run_scoped3A_321 : memref<!tpu.dma_semaphore, #tpu.memory_space<semaphore_mem>>) src(%dma_wait3A_335 : memref<400x8xf32, #tpu.memory_space<vmem>>) dst(%dma_wait3A_341 : memref<10240x8xf32, #tpu.memory_space<vmem_shared>>)
        tpu.yield
      }) : () -> ()
      %add3A_227 = arith.constant 5 : i32
      %add3A_228 = arith.addi %add3A_214, %add3A_227 : i32
      %dma_start3A_229 = arith.constant 1 : i32
      %dma_start3A_230 = arith.constant 0 : i32
      %dma_start3A_231 = arith.constant 0 : i32
      %dma_start3A_232 = tpu.memref_slice %arg8[%dma_start3A_229, %dma_start3A_230, %dma_start3A_231] : memref<5x400x8xf32, #tpu.memory_space<vmem>> -> memref<1x400x8xf32, #tpu.memory_space<vmem>>
      %dma_start3A_233 = tpu.memref_squeeze %dma_start3A_232 : memref<1x400x8xf32, #tpu.memory_space<vmem>> -> memref<400x8xf32, #tpu.memory_space<vmem>>
      %dma_start3A_234 = arith.constant 0 : i32
      %dma_start3A_235 = tpu.memref_slice %arg6[%add3A_228, %dma_start3A_234] : memref<25x400xi32, #tpu.memory_space<vmem>> -> memref<1x400xi32, #tpu.memory_space<vmem>>
      %dma_start3A_236 = tpu.memref_squeeze %dma_start3A_235 : memref<1x400xi32, #tpu.memory_space<vmem>> -> memref<400xi32, #tpu.memory_space<vmem>>
      %dma_start3A_237 = arith.constant 0 : i32
      %dma_start3A_238 = arith.constant 0 : i32
      %dma_start3A_239 = tpu.memref_slice %arg2[%dma_start3A_237, %dma_start3A_238] : memref<10240x8xf32, #tpu.memory_space<hbm>> -> memref<10240x8xf32, #tpu.memory_space<hbm>>
      tpu.enqueue_indirect_dma source(%dma_start3A_239 : memref<10240x8xf32, #tpu.memory_space<hbm>>) target(%dma_start3A_233 : memref<400x8xf32, #tpu.memory_space<vmem>>) offsets(%dma_start3A_236 : memref<400xi32, #tpu.memory_space<vmem>>) semaphore(%arg11 : memref<!tpu.dma_semaphore, #tpu.memory_space<semaphore_mem>>)
      %add3A_240 = arith.constant 2 : i32
      %add3A_241 = arith.addi %mul3A_185, %add3A_240 : i32
      %dma_wait3A_242 = arith.constant 2 : i32
      %dma_wait3A_243 = arith.constant 0 : i32
      %dma_wait3A_244 = arith.constant 0 : i32
      %dma_wait3A_245 = tpu.memref_slice %arg8[%dma_wait3A_242, %dma_wait3A_243, %dma_wait3A_244] : memref<5x400x8xf32, #tpu.memory_space<vmem>> -> memref<1x400x8xf32, #tpu.memory_space<vmem>>
      %dma_wait3A_246 = tpu.memref_squeeze %dma_wait3A_245 : memref<1x400x8xf32, #tpu.memory_space<vmem>> -> memref<400x8xf32, #tpu.memory_space<vmem>>
      %dma_wait3A_247 = arith.constant 0 : i32
      %dma_wait3A_248 = tpu.memref_slice %arg6[%add3A_241, %dma_wait3A_247] : memref<25x400xi32, #tpu.memory_space<vmem>> -> memref<1x400xi32, #tpu.memory_space<vmem>>
      %dma_wait3A_249 = tpu.memref_squeeze %dma_wait3A_248 : memref<1x400xi32, #tpu.memory_space<vmem>> -> memref<400xi32, #tpu.memory_space<vmem>>
      %dma_wait3A_250 = arith.constant 0 : i32
      %dma_wait3A_251 = arith.constant 0 : i32
      %dma_wait3A_252 = tpu.memref_slice %arg2[%dma_wait3A_250, %dma_wait3A_251] : memref<10240x8xf32, #tpu.memory_space<hbm>> -> memref<10240x8xf32, #tpu.memory_space<hbm>>
      tpu.wait_indirect_dma semaphore(%arg12 : memref<!tpu.dma_semaphore, #tpu.memory_space<semaphore_mem>>) src(%dma_wait3A_252 : memref<10240x8xf32, #tpu.memory_space<hbm>>) dst(%dma_wait3A_246 : memref<400x8xf32, #tpu.memory_space<vmem>>)
      %run_scoped3A_253 = arith.constant 2 : i32
      "tpu.region"() ({
        %run_scoped3A_321 = tpu.sem_alloc : memref<!tpu.dma_semaphore, #tpu.memory_space<semaphore_mem>>
        %dma_start3A_322 = arith.constant 0 : i32
        %dma_start3A_323 = arith.constant 0 : i32
        %dma_start3A_324 = tpu.memref_slice %arg8[%run_scoped3A_253, %dma_start3A_322, %dma_start3A_323] : memref<5x400x8xf32, #tpu.memory_space<vmem>> -> memref<1x400x8xf32, #tpu.memory_space<vmem>>
        %dma_start3A_325 = tpu.memref_squeeze %dma_start3A_324 : memref<1x400x8xf32, #tpu.memory_space<vmem>> -> memref<400x8xf32, #tpu.memory_space<vmem>>
        %dma_start3A_326 = arith.constant 0 : i32
        %dma_start3A_327 = tpu.memref_slice %arg7[%add3A_241, %dma_start3A_326] : memref<25x400xi32, #tpu.memory_space<vmem>> -> memref<1x400xi32, #tpu.memory_space<vmem>>
        %dma_start3A_328 = tpu.memref_squeeze %dma_start3A_327 : memref<1x400xi32, #tpu.memory_space<vmem>> -> memref<400xi32, #tpu.memory_space<vmem>>
        %dma_start3A_329 = arith.constant 0 : i32
        %dma_start3A_330 = arith.constant 0 : i32
        %dma_start3A_331 = tpu.memref_slice %arg9[%dma_start3A_329, %dma_start3A_330] : memref<10240x8xf32, #tpu.memory_space<vmem_shared>> -> memref<10240x8xf32, #tpu.memory_space<vmem_shared>>
        tpu.enqueue_indirect_dma source(%dma_start3A_325 : memref<400x8xf32, #tpu.memory_space<vmem>>) target(%dma_start3A_331 : memref<10240x8xf32, #tpu.memory_space<vmem_shared>>) offsets(%dma_start3A_328 : memref<400xi32, #tpu.memory_space<vmem>>) semaphore(%run_scoped3A_321 : memref<!tpu.dma_semaphore, #tpu.memory_space<semaphore_mem>>) {add = true}
        %dma_wait3A_332 = arith.constant 0 : i32
        %dma_wait3A_333 = arith.constant 0 : i32
        %dma_wait3A_334 = tpu.memref_slice %arg8[%run_scoped3A_253, %dma_wait3A_332, %dma_wait3A_333] : memref<5x400x8xf32, #tpu.memory_space<vmem>> -> memref<1x400x8xf32, #tpu.memory_space<vmem>>
        %dma_wait3A_335 = tpu.memref_squeeze %dma_wait3A_334 : memref<1x400x8xf32, #tpu.memory_space<vmem>> -> memref<400x8xf32, #tpu.memory_space<vmem>>
        %dma_wait3A_336 = arith.constant 0 : i32
        %dma_wait3A_337 = tpu.memref_slice %arg7[%add3A_241, %dma_wait3A_336] : memref<25x400xi32, #tpu.memory_space<vmem>> -> memref<1x400xi32, #tpu.memory_space<vmem>>
        %dma_wait3A_338 = tpu.memref_squeeze %dma_wait3A_337 : memref<1x400xi32, #tpu.memory_space<vmem>> -> memref<400xi32, #tpu.memory_space<vmem>>
        %dma_wait3A_339 = arith.constant 0 : i32
        %dma_wait3A_340 = arith.constant 0 : i32
        %dma_wait3A_341 = tpu.memref_slice %arg9[%dma_wait3A_339, %dma_wait3A_340] : memref<10240x8xf32, #tpu.memory_space<vmem_shared>> -> memref<10240x8xf32, #tpu.memory_space<vmem_shared>>
        tpu.wait_indirect_dma semaphore(%run_scoped3A_321 : memref<!tpu.dma_semaphore, #tpu.memory_space<semaphore_mem>>) src(%dma_wait3A_335 : memref<400x8xf32, #tpu.memory_space<vmem>>) dst(%dma_wait3A_341 : memref<10240x8xf32, #tpu.memory_space<vmem_shared>>)
        tpu.yield
      }) : () -> ()
      %add3A_254 = arith.constant 5 : i32
      %add3A_255 = arith.addi %add3A_241, %add3A_254 : i32
      %dma_start3A_256 = arith.constant 2 : i32
      %dma_start3A_257 = arith.constant 0 : i32
      %dma_start3A_258 = arith.constant 0 : i32
      %dma_start3A_259 = tpu.memref_slice %arg8[%dma_start3A_256, %dma_start3A_257, %dma_start3A_258] : memref<5x400x8xf32, #tpu.memory_space<vmem>> -> memref<1x400x8xf32, #tpu.memory_space<vmem>>
      %dma_start3A_260 = tpu.memref_squeeze %dma_start3A_259 : memref<1x400x8xf32, #tpu.memory_space<vmem>> -> memref<400x8xf32, #tpu.memory_space<vmem>>
      %dma_start3A_261 = arith.constant 0 : i32
      %dma_start3A_262 = tpu.memref_slice %arg6[%add3A_255, %dma_start3A_261] : memref<25x400xi32, #tpu.memory_space<vmem>> -> memref<1x400xi32, #tpu.memory_space<vmem>>
      %dma_start3A_263 = tpu.memref_squeeze %dma_start3A_262 : memref<1x400xi32, #tpu.memory_space<vmem>> -> memref<400xi32, #tpu.memory_space<vmem>>
      %dma_start3A_264 = arith.constant 0 : i32
      %dma_start3A_265 = arith.constant 0 : i32
      %dma_start3A_266 = tpu.memref_slice %arg2[%dma_start3A_264, %dma_start3A_265] : memref<10240x8xf32, #tpu.memory_space<hbm>> -> memref<10240x8xf32, #tpu.memory_space<hbm>>
      tpu.enqueue_indirect_dma source(%dma_start3A_266 : memref<10240x8xf32, #tpu.memory_space<hbm>>) target(%dma_start3A_260 : memref<400x8xf32, #tpu.memory_space<vmem>>) offsets(%dma_start3A_263 : memref<400xi32, #tpu.memory_space<vmem>>) semaphore(%arg12 : memref<!tpu.dma_semaphore, #tpu.memory_space<semaphore_mem>>)
      %add3A_267 = arith.constant 3 : i32
      %add3A_268 = arith.addi %mul3A_185, %add3A_267 : i32
      %dma_wait3A_269 = arith.constant 3 : i32
      %dma_wait3A_270 = arith.constant 0 : i32
      %dma_wait3A_271 = arith.constant 0 : i32
      %dma_wait3A_272 = tpu.memref_slice %arg8[%dma_wait3A_269, %dma_wait3A_270, %dma_wait3A_271] : memref<5x400x8xf32, #tpu.memory_space<vmem>> -> memref<1x400x8xf32, #tpu.memory_space<vmem>>
      %dma_wait3A_273 = tpu.memref_squeeze %dma_wait3A_272 : memref<1x400x8xf32, #tpu.memory_space<vmem>> -> memref<400x8xf32, #tpu.memory_space<vmem>>
      %dma_wait3A_274 = arith.constant 0 : i32
      %dma_wait3A_275 = tpu.memref_slice %arg6[%add3A_268, %dma_wait3A_274] : memref<25x400xi32, #tpu.memory_space<vmem>> -> memref<1x400xi32, #tpu.memory_space<vmem>>
      %dma_wait3A_276 = tpu.memref_squeeze %dma_wait3A_275 : memref<1x400xi32, #tpu.memory_space<vmem>> -> memref<400xi32, #tpu.memory_space<vmem>>
      %dma_wait3A_277 = arith.constant 0 : i32
      %dma_wait3A_278 = arith.constant 0 : i32
      %dma_wait3A_279 = tpu.memref_slice %arg2[%dma_wait3A_277, %dma_wait3A_278] : memref<10240x8xf32, #tpu.memory_space<hbm>> -> memref<10240x8xf32, #tpu.memory_space<hbm>>
      tpu.wait_indirect_dma semaphore(%arg13 : memref<!tpu.dma_semaphore, #tpu.memory_space<semaphore_mem>>) src(%dma_wait3A_279 : memref<10240x8xf32, #tpu.memory_space<hbm>>) dst(%dma_wait3A_273 : memref<400x8xf32, #tpu.memory_space<vmem>>)
      %run_scoped3A_280 = arith.constant 3 : i32
      "tpu.region"() ({
        %run_scoped3A_321 = tpu.sem_alloc : memref<!tpu.dma_semaphore, #tpu.memory_space<semaphore_mem>>
        %dma_start3A_322 = arith.constant 0 : i32
        %dma_start3A_323 = arith.constant 0 : i32
        %dma_start3A_324 = tpu.memref_slice %arg8[%run_scoped3A_280, %dma_start3A_322, %dma_start3A_323] : memref<5x400x8xf32, #tpu.memory_space<vmem>> -> memref<1x400x8xf32, #tpu.memory_space<vmem>>
        %dma_start3A_325 = tpu.memref_squeeze %dma_start3A_324 : memref<1x400x8xf32, #tpu.memory_space<vmem>> -> memref<400x8xf32, #tpu.memory_space<vmem>>
        %dma_start3A_326 = arith.constant 0 : i32
        %dma_start3A_327 = tpu.memref_slice %arg7[%add3A_268, %dma_start3A_326] : memref<25x400xi32, #tpu.memory_space<vmem>> -> memref<1x400xi32, #tpu.memory_space<vmem>>
        %dma_start3A_328 = tpu.memref_squeeze %dma_start3A_327 : memref<1x400xi32, #tpu.memory_space<vmem>> -> memref<400xi32, #tpu.memory_space<vmem>>
        %dma_start3A_329 = arith.constant 0 : i32
        %dma_start3A_330 = arith.constant 0 : i32
        %dma_start3A_331 = tpu.memref_slice %arg9[%dma_start3A_329, %dma_start3A_330] : memref<10240x8xf32, #tpu.memory_space<vmem_shared>> -> memref<10240x8xf32, #tpu.memory_space<vmem_shared>>
        tpu.enqueue_indirect_dma source(%dma_start3A_325 : memref<400x8xf32, #tpu.memory_space<vmem>>) target(%dma_start3A_331 : memref<10240x8xf32, #tpu.memory_space<vmem_shared>>) offsets(%dma_start3A_328 : memref<400xi32, #tpu.memory_space<vmem>>) semaphore(%run_scoped3A_321 : memref<!tpu.dma_semaphore, #tpu.memory_space<semaphore_mem>>) {add = true}
        %dma_wait3A_332 = arith.constant 0 : i32
        %dma_wait3A_333 = arith.constant 0 : i32
        %dma_wait3A_334 = tpu.memref_slice %arg8[%run_scoped3A_280, %dma_wait3A_332, %dma_wait3A_333] : memref<5x400x8xf32, #tpu.memory_space<vmem>> -> memref<1x400x8xf32, #tpu.memory_space<vmem>>
        %dma_wait3A_335 = tpu.memref_squeeze %dma_wait3A_334 : memref<1x400x8xf32, #tpu.memory_space<vmem>> -> memref<400x8xf32, #tpu.memory_space<vmem>>
        %dma_wait3A_336 = arith.constant 0 : i32
        %dma_wait3A_337 = tpu.memref_slice %arg7[%add3A_268, %dma_wait3A_336] : memref<25x400xi32, #tpu.memory_space<vmem>> -> memref<1x400xi32, #tpu.memory_space<vmem>>
        %dma_wait3A_338 = tpu.memref_squeeze %dma_wait3A_337 : memref<1x400xi32, #tpu.memory_space<vmem>> -> memref<400xi32, #tpu.memory_space<vmem>>
        %dma_wait3A_339 = arith.constant 0 : i32
        %dma_wait3A_340 = arith.constant 0 : i32
        %dma_wait3A_341 = tpu.memref_slice %arg9[%dma_wait3A_339, %dma_wait3A_340] : memref<10240x8xf32, #tpu.memory_space<vmem_shared>> -> memref<10240x8xf32, #tpu.memory_space<vmem_shared>>
        tpu.wait_indirect_dma semaphore(%run_scoped3A_321 : memref<!tpu.dma_semaphore, #tpu.memory_space<semaphore_mem>>) src(%dma_wait3A_335 : memref<400x8xf32, #tpu.memory_space<vmem>>) dst(%dma_wait3A_341 : memref<10240x8xf32, #tpu.memory_space<vmem_shared>>)
        tpu.yield
      }) : () -> ()
      %add3A_281 = arith.constant 5 : i32
      %add3A_282 = arith.addi %add3A_268, %add3A_281 : i32
      %dma_start3A_283 = arith.constant 3 : i32
      %dma_start3A_284 = arith.constant 0 : i32
      %dma_start3A_285 = arith.constant 0 : i32
      %dma_start3A_286 = tpu.memref_slice %arg8[%dma_start3A_283, %dma_start3A_284, %dma_start3A_285] : memref<5x400x8xf32, #tpu.memory_space<vmem>> -> memref<1x400x8xf32, #tpu.memory_space<vmem>>
      %dma_start3A_287 = tpu.memref_squeeze %dma_start3A_286 : memref<1x400x8xf32, #tpu.memory_space<vmem>> -> memref<400x8xf32, #tpu.memory_space<vmem>>
      %dma_start3A_288 = arith.constant 0 : i32
      %dma_start3A_289 = tpu.memref_slice %arg6[%add3A_282, %dma_start3A_288] : memref<25x400xi32, #tpu.memory_space<vmem>> -> memref<1x400xi32, #tpu.memory_space<vmem>>
      %dma_start3A_290 = tpu.memref_squeeze %dma_start3A_289 : memref<1x400xi32, #tpu.memory_space<vmem>> -> memref<400xi32, #tpu.memory_space<vmem>>
      %dma_start3A_291 = arith.constant 0 : i32
      %dma_start3A_292 = arith.constant 0 : i32
      %dma_start3A_293 = tpu.memref_slice %arg2[%dma_start3A_291, %dma_start3A_292] : memref<10240x8xf32, #tpu.memory_space<hbm>> -> memref<10240x8xf32, #tpu.memory_space<hbm>>
      tpu.enqueue_indirect_dma source(%dma_start3A_293 : memref<10240x8xf32, #tpu.memory_space<hbm>>) target(%dma_start3A_287 : memref<400x8xf32, #tpu.memory_space<vmem>>) offsets(%dma_start3A_290 : memref<400xi32, #tpu.memory_space<vmem>>) semaphore(%arg13 : memref<!tpu.dma_semaphore, #tpu.memory_space<semaphore_mem>>)
      %add3A_294 = arith.constant 4 : i32
      %add3A_295 = arith.addi %mul3A_185, %add3A_294 : i32
      %dma_wait3A_296 = arith.constant 4 : i32
      %dma_wait3A_297 = arith.constant 0 : i32
      %dma_wait3A_298 = arith.constant 0 : i32
      %dma_wait3A_299 = tpu.memref_slice %arg8[%dma_wait3A_296, %dma_wait3A_297, %dma_wait3A_298] : memref<5x400x8xf32, #tpu.memory_space<vmem>> -> memref<1x400x8xf32, #tpu.memory_space<vmem>>
      %dma_wait3A_300 = tpu.memref_squeeze %dma_wait3A_299 : memref<1x400x8xf32, #tpu.memory_space<vmem>> -> memref<400x8xf32, #tpu.memory_space<vmem>>
      %dma_wait3A_301 = arith.constant 0 : i32
      %dma_wait3A_302 = tpu.memref_slice %arg6[%add3A_295, %dma_wait3A_301] : memref<25x400xi32, #tpu.memory_space<vmem>> -> memref<1x400xi32, #tpu.memory_space<vmem>>
      %dma_wait3A_303 = tpu.memref_squeeze %dma_wait3A_302 : memref<1x400xi32, #tpu.memory_space<vmem>> -> memref<400xi32, #tpu.memory_space<vmem>>
      %dma_wait3A_304 = arith.constant 0 : i32
      %dma_wait3A_305 = arith.constant 0 : i32
      %dma_wait3A_306 = tpu.memref_slice %arg2[%dma_wait3A_304, %dma_wait3A_305] : memref<10240x8xf32, #tpu.memory_space<hbm>> -> memref<10240x8xf32, #tpu.memory_space<hbm>>
      tpu.wait_indirect_dma semaphore(%arg14 : memref<!tpu.dma_semaphore, #tpu.memory_space<semaphore_mem>>) src(%dma_wait3A_306 : memref<10240x8xf32, #tpu.memory_space<hbm>>) dst(%dma_wait3A_300 : memref<400x8xf32, #tpu.memory_space<vmem>>)
      %run_scoped3A_307 = arith.constant 4 : i32
      "tpu.region"() ({
        %run_scoped3A_321 = tpu.sem_alloc : memref<!tpu.dma_semaphore, #tpu.memory_space<semaphore_mem>>
        %dma_start3A_322 = arith.constant 0 : i32
        %dma_start3A_323 = arith.constant 0 : i32
        %dma_start3A_324 = tpu.memref_slice %arg8[%run_scoped3A_307, %dma_start3A_322, %dma_start3A_323] : memref<5x400x8xf32, #tpu.memory_space<vmem>> -> memref<1x400x8xf32, #tpu.memory_space<vmem>>
        %dma_start3A_325 = tpu.memref_squeeze %dma_start3A_324 : memref<1x400x8xf32, #tpu.memory_space<vmem>> -> memref<400x8xf32, #tpu.memory_space<vmem>>
        %dma_start3A_326 = arith.constant 0 : i32
        %dma_start3A_327 = tpu.memref_slice %arg7[%add3A_295, %dma_start3A_326] : memref<25x400xi32, #tpu.memory_space<vmem>> -> memref<1x400xi32, #tpu.memory_space<vmem>>
        %dma_start3A_328 = tpu.memref_squeeze %dma_start3A_327 : memref<1x400xi32, #tpu.memory_space<vmem>> -> memref<400xi32, #tpu.memory_space<vmem>>
        %dma_start3A_329 = arith.constant 0 : i32
        %dma_start3A_330 = arith.constant 0 : i32
        %dma_start3A_331 = tpu.memref_slice %arg9[%dma_start3A_329, %dma_start3A_330] : memref<10240x8xf32, #tpu.memory_space<vmem_shared>> -> memref<10240x8xf32, #tpu.memory_space<vmem_shared>>
        tpu.enqueue_indirect_dma source(%dma_start3A_325 : memref<400x8xf32, #tpu.memory_space<vmem>>) target(%dma_start3A_331 : memref<10240x8xf32, #tpu.memory_space<vmem_shared>>) offsets(%dma_start3A_328 : memref<400xi32, #tpu.memory_space<vmem>>) semaphore(%run_scoped3A_321 : memref<!tpu.dma_semaphore, #tpu.memory_space<semaphore_mem>>) {add = true}
        %dma_wait3A_332 = arith.constant 0 : i32
        %dma_wait3A_333 = arith.constant 0 : i32
        %dma_wait3A_334 = tpu.memref_slice %arg8[%run_scoped3A_307, %dma_wait3A_332, %dma_wait3A_333] : memref<5x400x8xf32, #tpu.memory_space<vmem>> -> memref<1x400x8xf32, #tpu.memory_space<vmem>>
        %dma_wait3A_335 = tpu.memref_squeeze %dma_wait3A_334 : memref<1x400x8xf32, #tpu.memory_space<vmem>> -> memref<400x8xf32, #tpu.memory_space<vmem>>
        %dma_wait3A_336 = arith.constant 0 : i32
        %dma_wait3A_337 = tpu.memref_slice %arg7[%add3A_295, %dma_wait3A_336] : memref<25x400xi32, #tpu.memory_space<vmem>> -> memref<1x400xi32, #tpu.memory_space<vmem>>
        %dma_wait3A_338 = tpu.memref_squeeze %dma_wait3A_337 : memref<1x400xi32, #tpu.memory_space<vmem>> -> memref<400xi32, #tpu.memory_space<vmem>>
        %dma_wait3A_339 = arith.constant 0 : i32
        %dma_wait3A_340 = arith.constant 0 : i32
        %dma_wait3A_341 = tpu.memref_slice %arg9[%dma_wait3A_339, %dma_wait3A_340] : memref<10240x8xf32, #tpu.memory_space<vmem_shared>> -> memref<10240x8xf32, #tpu.memory_space<vmem_shared>>
        tpu.wait_indirect_dma semaphore(%run_scoped3A_321 : memref<!tpu.dma_semaphore, #tpu.memory_space<semaphore_mem>>) src(%dma_wait3A_335 : memref<400x8xf32, #tpu.memory_space<vmem>>) dst(%dma_wait3A_341 : memref<10240x8xf32, #tpu.memory_space<vmem_shared>>)
        tpu.yield
      }) : () -> ()
      %add3A_308 = arith.constant 5 : i32
      %add3A_309 = arith.addi %add3A_295, %add3A_308 : i32
      %dma_start3A_310 = arith.constant 4 : i32
      %dma_start3A_311 = arith.constant 0 : i32
      %dma_start3A_312 = arith.constant 0 : i32
      %dma_start3A_313 = tpu.memref_slice %arg8[%dma_start3A_310, %dma_start3A_311, %dma_start3A_312] : memref<5x400x8xf32, #tpu.memory_space<vmem>> -> memref<1x400x8xf32, #tpu.memory_space<vmem>>
      %dma_start3A_314 = tpu.memref_squeeze %dma_start3A_313 : memref<1x400x8xf32, #tpu.memory_space<vmem>> -> memref<400x8xf32, #tpu.memory_space<vmem>>
      %dma_start3A_315 = arith.constant 0 : i32
      %dma_start3A_316 = tpu.memref_slice %arg6[%add3A_309, %dma_start3A_315] : memref<25x400xi32, #tpu.memory_space<vmem>> -> memref<1x400xi32, #tpu.memory_space<vmem>>
      %dma_start3A_317 = tpu.memref_squeeze %dma_start3A_316 : memref<1x400xi32, #tpu.memory_space<vmem>> -> memref<400xi32, #tpu.memory_space<vmem>>
      %dma_start3A_318 = arith.constant 0 : i32
      %dma_start3A_319 = arith.constant 0 : i32
      %dma_start3A_320 = tpu.memref_slice %arg2[%dma_start3A_318, %dma_start3A_319] : memref<10240x8xf32, #tpu.memory_space<hbm>> -> memref<10240x8xf32, #tpu.memory_space<hbm>>
      tpu.enqueue_indirect_dma source(%dma_start3A_320 : memref<10240x8xf32, #tpu.memory_space<hbm>>) target(%dma_start3A_314 : memref<400x8xf32, #tpu.memory_space<vmem>>) offsets(%dma_start3A_317 : memref<400xi32, #tpu.memory_space<vmem>>) semaphore(%arg14 : memref<!tpu.dma_semaphore, #tpu.memory_space<semaphore_mem>>)
    }
    %scan3A_109 = arith.constant 4 : i32
    %dma_wait3A_110 = arith.constant 20 : i32
    %dma_wait3A_111 = arith.constant 0 : i32
    %dma_wait3A_112 = arith.constant 0 : i32
    %dma_wait3A_113 = arith.constant 0 : i32
    %dma_wait3A_114 = tpu.memref_slice %arg8[%dma_wait3A_111, %dma_wait3A_112, %dma_wait3A_113] : memref<5x400x8xf32, #tpu.memory_space<vmem>> -> memref<1x400x8xf32, #tpu.memory_space<vmem>>
    %dma_wait3A_115 = tpu.memref_squeeze %dma_wait3A_114 : memref<1x400x8xf32, #tpu.memory_space<vmem>> -> memref<400x8xf32, #tpu.memory_space<vmem>>
    %dma_wait3A_116 = arith.constant 0 : i32
    %dma_wait3A_117 = tpu.memref_slice %arg6[%dma_wait3A_110, %dma_wait3A_116] : memref<25x400xi32, #tpu.memory_space<vmem>> -> memref<1x400xi32, #tpu.memory_space<vmem>>
    %dma_wait3A_118 = tpu.memref_squeeze %dma_wait3A_117 : memref<1x400xi32, #tpu.memory_space<vmem>> -> memref<400xi32, #tpu.memory_space<vmem>>
    %dma_wait3A_119 = arith.constant 0 : i32
    %dma_wait3A_120 = arith.constant 0 : i32
    %dma_wait3A_121 = tpu.memref_slice %arg2[%dma_wait3A_119, %dma_wait3A_120] : memref<10240x8xf32, #tpu.memory_space<hbm>> -> memref<10240x8xf32, #tpu.memory_space<hbm>>
    tpu.wait_indirect_dma semaphore(%arg10 : memref<!tpu.dma_semaphore, #tpu.memory_space<semaphore_mem>>) src(%dma_wait3A_121 : memref<10240x8xf32, #tpu.memory_space<hbm>>) dst(%dma_wait3A_115 : memref<400x8xf32, #tpu.memory_space<vmem>>)
    %run_scoped3A = arith.constant 0 : i32
    %run_scoped3A_122 = arith.constant 20 : i32
    "tpu.region"() ({
      %run_scoped3A_183 = tpu.sem_alloc : memref<!tpu.dma_semaphore, #tpu.memory_space<semaphore_mem>>
      %dma_start3A_184 = arith.constant 0 : i32
      %dma_start3A_185 = arith.constant 0 : i32
      %dma_start3A_186 = tpu.memref_slice %arg8[%run_scoped3A, %dma_start3A_184, %dma_start3A_185] : memref<5x400x8xf32, #tpu.memory_space<vmem>> -> memref<1x400x8xf32, #tpu.memory_space<vmem>>
      %dma_start3A_187 = tpu.memref_squeeze %dma_start3A_186 : memref<1x400x8xf32, #tpu.memory_space<vmem>> -> memref<400x8xf32, #tpu.memory_space<vmem>>
      %dma_start3A_188 = arith.constant 0 : i32
      %dma_start3A_189 = tpu.memref_slice %arg7[%run_scoped3A_122, %dma_start3A_188] : memref<25x400xi32, #tpu.memory_space<vmem>> -> memref<1x400xi32, #tpu.memory_space<vmem>>
      %dma_start3A_190 = tpu.memref_squeeze %dma_start3A_189 : memref<1x400xi32, #tpu.memory_space<vmem>> -> memref<400xi32, #tpu.memory_space<vmem>>
      %dma_start3A_191 = arith.constant 0 : i32
      %dma_start3A_192 = arith.constant 0 : i32
      %dma_start3A_193 = tpu.memref_slice %arg9[%dma_start3A_191, %dma_start3A_192] : memref<10240x8xf32, #tpu.memory_space<vmem_shared>> -> memref<10240x8xf32, #tpu.memory_space<vmem_shared>>
      tpu.enqueue_indirect_dma source(%dma_start3A_187 : memref<400x8xf32, #tpu.memory_space<vmem>>) target(%dma_start3A_193 : memref<10240x8xf32, #tpu.memory_space<vmem_shared>>) offsets(%dma_start3A_190 : memref<400xi32, #tpu.memory_space<vmem>>) semaphore(%run_scoped3A_183 : memref<!tpu.dma_semaphore, #tpu.memory_space<semaphore_mem>>) {add = true}
      %dma_wait3A_194 = arith.constant 0 : i32
      %dma_wait3A_195 = arith.constant 0 : i32
      %dma_wait3A_196 = tpu.memref_slice %arg8[%run_scoped3A, %dma_wait3A_194, %dma_wait3A_195] : memref<5x400x8xf32, #tpu.memory_space<vmem>> -> memref<1x400x8xf32, #tpu.memory_space<vmem>>
      %dma_wait3A_197 = tpu.memref_squeeze %dma_wait3A_196 : memref<1x400x8xf32, #tpu.memory_space<vmem>> -> memref<400x8xf32, #tpu.memory_space<vmem>>
      %dma_wait3A_198 = arith.constant 0 : i32
      %dma_wait3A_199 = tpu.memref_slice %arg7[%run_scoped3A_122, %dma_wait3A_198] : memref<25x400xi32, #tpu.memory_space<vmem>> -> memref<1x400xi32, #tpu.memory_space<vmem>>
      %dma_wait3A_200 = tpu.memref_squeeze %dma_wait3A_199 : memref<1x400xi32, #tpu.memory_space<vmem>> -> memref<400xi32, #tpu.memory_space<vmem>>
      %dma_wait3A_201 = arith.constant 0 : i32
      %dma_wait3A_202 = arith.constant 0 : i32
      %dma_wait3A_203 = tpu.memref_slice %arg9[%dma_wait3A_201, %dma_wait3A_202] : memref<10240x8xf32, #tpu.memory_space<vmem_shared>> -> memref<10240x8xf32, #tpu.memory_space<vmem_shared>>
      tpu.wait_indirect_dma semaphore(%run_scoped3A_183 : memref<!tpu.dma_semaphore, #tpu.memory_space<semaphore_mem>>) src(%dma_wait3A_197 : memref<400x8xf32, #tpu.memory_space<vmem>>) dst(%dma_wait3A_203 : memref<10240x8xf32, #tpu.memory_space<vmem_shared>>)
      tpu.yield
    }) : () -> ()
    %dma_wait3A_123 = arith.constant 21 : i32
    %dma_wait3A_124 = arith.constant 1 : i32
    %dma_wait3A_125 = arith.constant 0 : i32
    %dma_wait3A_126 = arith.constant 0 : i32
    %dma_wait3A_127 = tpu.memref_slice %arg8[%dma_wait3A_124, %dma_wait3A_125, %dma_wait3A_126] : memref<5x400x8xf32, #tpu.memory_space<vmem>> -> memref<1x400x8xf32, #tpu.memory_space<vmem>>
    %dma_wait3A_128 = tpu.memref_squeeze %dma_wait3A_127 : memref<1x400x8xf32, #tpu.memory_space<vmem>> -> memref<400x8xf32, #tpu.memory_space<vmem>>
    %dma_wait3A_129 = arith.constant 0 : i32
    %dma_wait3A_130 = tpu.memref_slice %arg6[%dma_wait3A_123, %dma_wait3A_129] : memref<25x400xi32, #tpu.memory_space<vmem>> -> memref<1x400xi32, #tpu.memory_space<vmem>>
    %dma_wait3A_131 = tpu.memref_squeeze %dma_wait3A_130 : memref<1x400xi32, #tpu.memory_space<vmem>> -> memref<400xi32, #tpu.memory_space<vmem>>
    %dma_wait3A_132 = arith.constant 0 : i32
    %dma_wait3A_133 = arith.constant 0 : i32
    %dma_wait3A_134 = tpu.memref_slice %arg2[%dma_wait3A_132, %dma_wait3A_133] : memref<10240x8xf32, #tpu.memory_space<hbm>> -> memref<10240x8xf32, #tpu.memory_space<hbm>>
    tpu.wait_indirect_dma semaphore(%arg11 : memref<!tpu.dma_semaphore, #tpu.memory_space<semaphore_mem>>) src(%dma_wait3A_134 : memref<10240x8xf32, #tpu.memory_space<hbm>>) dst(%dma_wait3A_128 : memref<400x8xf32, #tpu.memory_space<vmem>>)
    %run_scoped3A_135 = arith.constant 1 : i32
    %run_scoped3A_136 = arith.constant 21 : i32
    "tpu.region"() ({
      %run_scoped3A_183 = tpu.sem_alloc : memref<!tpu.dma_semaphore, #tpu.memory_space<semaphore_mem>>
      %dma_start3A_184 = arith.constant 0 : i32
      %dma_start3A_185 = arith.constant 0 : i32
      %dma_start3A_186 = tpu.memref_slice %arg8[%run_scoped3A_135, %dma_start3A_184, %dma_start3A_185] : memref<5x400x8xf32, #tpu.memory_space<vmem>> -> memref<1x400x8xf32, #tpu.memory_space<vmem>>
      %dma_start3A_187 = tpu.memref_squeeze %dma_start3A_186 : memref<1x400x8xf32, #tpu.memory_space<vmem>> -> memref<400x8xf32, #tpu.memory_space<vmem>>
      %dma_start3A_188 = arith.constant 0 : i32
      %dma_start3A_189 = tpu.memref_slice %arg7[%run_scoped3A_136, %dma_start3A_188] : memref<25x400xi32, #tpu.memory_space<vmem>> -> memref<1x400xi32, #tpu.memory_space<vmem>>
      %dma_start3A_190 = tpu.memref_squeeze %dma_start3A_189 : memref<1x400xi32, #tpu.memory_space<vmem>> -> memref<400xi32, #tpu.memory_space<vmem>>
      %dma_start3A_191 = arith.constant 0 : i32
      %dma_start3A_192 = arith.constant 0 : i32
      %dma_start3A_193 = tpu.memref_slice %arg9[%dma_start3A_191, %dma_start3A_192] : memref<10240x8xf32, #tpu.memory_space<vmem_shared>> -> memref<10240x8xf32, #tpu.memory_space<vmem_shared>>
      tpu.enqueue_indirect_dma source(%dma_start3A_187 : memref<400x8xf32, #tpu.memory_space<vmem>>) target(%dma_start3A_193 : memref<10240x8xf32, #tpu.memory_space<vmem_shared>>) offsets(%dma_start3A_190 : memref<400xi32, #tpu.memory_space<vmem>>) semaphore(%run_scoped3A_183 : memref<!tpu.dma_semaphore, #tpu.memory_space<semaphore_mem>>) {add = true}
      %dma_wait3A_194 = arith.constant 0 : i32
      %dma_wait3A_195 = arith.constant 0 : i32
      %dma_wait3A_196 = tpu.memref_slice %arg8[%run_scoped3A_135, %dma_wait3A_194, %dma_wait3A_195] : memref<5x400x8xf32, #tpu.memory_space<vmem>> -> memref<1x400x8xf32, #tpu.memory_space<vmem>>
      %dma_wait3A_197 = tpu.memref_squeeze %dma_wait3A_196 : memref<1x400x8xf32, #tpu.memory_space<vmem>> -> memref<400x8xf32, #tpu.memory_space<vmem>>
      %dma_wait3A_198 = arith.constant 0 : i32
      %dma_wait3A_199 = tpu.memref_slice %arg7[%run_scoped3A_136, %dma_wait3A_198] : memref<25x400xi32, #tpu.memory_space<vmem>> -> memref<1x400xi32, #tpu.memory_space<vmem>>
      %dma_wait3A_200 = tpu.memref_squeeze %dma_wait3A_199 : memref<1x400xi32, #tpu.memory_space<vmem>> -> memref<400xi32, #tpu.memory_space<vmem>>
      %dma_wait3A_201 = arith.constant 0 : i32
      %dma_wait3A_202 = arith.constant 0 : i32
      %dma_wait3A_203 = tpu.memref_slice %arg9[%dma_wait3A_201, %dma_wait3A_202] : memref<10240x8xf32, #tpu.memory_space<vmem_shared>> -> memref<10240x8xf32, #tpu.memory_space<vmem_shared>>
      tpu.wait_indirect_dma semaphore(%run_scoped3A_183 : memref<!tpu.dma_semaphore, #tpu.memory_space<semaphore_mem>>) src(%dma_wait3A_197 : memref<400x8xf32, #tpu.memory_space<vmem>>) dst(%dma_wait3A_203 : memref<10240x8xf32, #tpu.memory_space<vmem_shared>>)
      tpu.yield
    }) : () -> ()
    %dma_wait3A_137 = arith.constant 22 : i32
    %dma_wait3A_138 = arith.constant 2 : i32
    %dma_wait3A_139 = arith.constant 0 : i32
    %dma_wait3A_140 = arith.constant 0 : i32
    %dma_wait3A_141 = tpu.memref_slice %arg8[%dma_wait3A_138, %dma_wait3A_139, %dma_wait3A_140] : memref<5x400x8xf32, #tpu.memory_space<vmem>> -> memref<1x400x8xf32, #tpu.memory_space<vmem>>
    %dma_wait3A_142 = tpu.memref_squeeze %dma_wait3A_141 : memref<1x400x8xf32, #tpu.memory_space<vmem>> -> memref<400x8xf32, #tpu.memory_space<vmem>>
    %dma_wait3A_143 = arith.constant 0 : i32
    %dma_wait3A_144 = tpu.memref_slice %arg6[%dma_wait3A_137, %dma_wait3A_143] : memref<25x400xi32, #tpu.memory_space<vmem>> -> memref<1x400xi32, #tpu.memory_space<vmem>>
    %dma_wait3A_145 = tpu.memref_squeeze %dma_wait3A_144 : memref<1x400xi32, #tpu.memory_space<vmem>> -> memref<400xi32, #tpu.memory_space<vmem>>
    %dma_wait3A_146 = arith.constant 0 : i32
    %dma_wait3A_147 = arith.constant 0 : i32
    %dma_wait3A_148 = tpu.memref_slice %arg2[%dma_wait3A_146, %dma_wait3A_147] : memref<10240x8xf32, #tpu.memory_space<hbm>> -> memref<10240x8xf32, #tpu.memory_space<hbm>>
    tpu.wait_indirect_dma semaphore(%arg12 : memref<!tpu.dma_semaphore, #tpu.memory_space<semaphore_mem>>) src(%dma_wait3A_148 : memref<10240x8xf32, #tpu.memory_space<hbm>>) dst(%dma_wait3A_142 : memref<400x8xf32, #tpu.memory_space<vmem>>)
    %run_scoped3A_149 = arith.constant 2 : i32
    %run_scoped3A_150 = arith.constant 22 : i32
    "tpu.region"() ({
      %run_scoped3A_183 = tpu.sem_alloc : memref<!tpu.dma_semaphore, #tpu.memory_space<semaphore_mem>>
      %dma_start3A_184 = arith.constant 0 : i32
      %dma_start3A_185 = arith.constant 0 : i32
      %dma_start3A_186 = tpu.memref_slice %arg8[%run_scoped3A_149, %dma_start3A_184, %dma_start3A_185] : memref<5x400x8xf32, #tpu.memory_space<vmem>> -> memref<1x400x8xf32, #tpu.memory_space<vmem>>
      %dma_start3A_187 = tpu.memref_squeeze %dma_start3A_186 : memref<1x400x8xf32, #tpu.memory_space<vmem>> -> memref<400x8xf32, #tpu.memory_space<vmem>>
      %dma_start3A_188 = arith.constant 0 : i32
      %dma_start3A_189 = tpu.memref_slice %arg7[%run_scoped3A_150, %dma_start3A_188] : memref<25x400xi32, #tpu.memory_space<vmem>> -> memref<1x400xi32, #tpu.memory_space<vmem>>
      %dma_start3A_190 = tpu.memref_squeeze %dma_start3A_189 : memref<1x400xi32, #tpu.memory_space<vmem>> -> memref<400xi32, #tpu.memory_space<vmem>>
      %dma_start3A_191 = arith.constant 0 : i32
      %dma_start3A_192 = arith.constant 0 : i32
      %dma_start3A_193 = tpu.memref_slice %arg9[%dma_start3A_191, %dma_start3A_192] : memref<10240x8xf32, #tpu.memory_space<vmem_shared>> -> memref<10240x8xf32, #tpu.memory_space<vmem_shared>>
      tpu.enqueue_indirect_dma source(%dma_start3A_187 : memref<400x8xf32, #tpu.memory_space<vmem>>) target(%dma_start3A_193 : memref<10240x8xf32, #tpu.memory_space<vmem_shared>>) offsets(%dma_start3A_190 : memref<400xi32, #tpu.memory_space<vmem>>) semaphore(%run_scoped3A_183 : memref<!tpu.dma_semaphore, #tpu.memory_space<semaphore_mem>>) {add = true}
      %dma_wait3A_194 = arith.constant 0 : i32
      %dma_wait3A_195 = arith.constant 0 : i32
      %dma_wait3A_196 = tpu.memref_slice %arg8[%run_scoped3A_149, %dma_wait3A_194, %dma_wait3A_195] : memref<5x400x8xf32, #tpu.memory_space<vmem>> -> memref<1x400x8xf32, #tpu.memory_space<vmem>>
      %dma_wait3A_197 = tpu.memref_squeeze %dma_wait3A_196 : memref<1x400x8xf32, #tpu.memory_space<vmem>> -> memref<400x8xf32, #tpu.memory_space<vmem>>
      %dma_wait3A_198 = arith.constant 0 : i32
      %dma_wait3A_199 = tpu.memref_slice %arg7[%run_scoped3A_150, %dma_wait3A_198] : memref<25x400xi32, #tpu.memory_space<vmem>> -> memref<1x400xi32, #tpu.memory_space<vmem>>
      %dma_wait3A_200 = tpu.memref_squeeze %dma_wait3A_199 : memref<1x400xi32, #tpu.memory_space<vmem>> -> memref<400xi32, #tpu.memory_space<vmem>>
      %dma_wait3A_201 = arith.constant 0 : i32
      %dma_wait3A_202 = arith.constant 0 : i32
      %dma_wait3A_203 = tpu.memref_slice %arg9[%dma_wait3A_201, %dma_wait3A_202] : memref<10240x8xf32, #tpu.memory_space<vmem_shared>> -> memref<10240x8xf32, #tpu.memory_space<vmem_shared>>
      tpu.wait_indirect_dma semaphore(%run_scoped3A_183 : memref<!tpu.dma_semaphore, #tpu.memory_space<semaphore_mem>>) src(%dma_wait3A_197 : memref<400x8xf32, #tpu.memory_space<vmem>>) dst(%dma_wait3A_203 : memref<10240x8xf32, #tpu.memory_space<vmem_shared>>)
      tpu.yield
    }) : () -> ()
    %dma_wait3A_151 = arith.constant 23 : i32
    %dma_wait3A_152 = arith.constant 3 : i32
    %dma_wait3A_153 = arith.constant 0 : i32
    %dma_wait3A_154 = arith.constant 0 : i32
    %dma_wait3A_155 = tpu.memref_slice %arg8[%dma_wait3A_152, %dma_wait3A_153, %dma_wait3A_154] : memref<5x400x8xf32, #tpu.memory_space<vmem>> -> memref<1x400x8xf32, #tpu.memory_space<vmem>>
    %dma_wait3A_156 = tpu.memref_squeeze %dma_wait3A_155 : memref<1x400x8xf32, #tpu.memory_space<vmem>> -> memref<400x8xf32, #tpu.memory_space<vmem>>
    %dma_wait3A_157 = arith.constant 0 : i32
    %dma_wait3A_158 = tpu.memref_slice %arg6[%dma_wait3A_151, %dma_wait3A_157] : memref<25x400xi32, #tpu.memory_space<vmem>> -> memref<1x400xi32, #tpu.memory_space<vmem>>
    %dma_wait3A_159 = tpu.memref_squeeze %dma_wait3A_158 : memref<1x400xi32, #tpu.memory_space<vmem>> -> memref<400xi32, #tpu.memory_space<vmem>>
    %dma_wait3A_160 = arith.constant 0 : i32
    %dma_wait3A_161 = arith.constant 0 : i32
    %dma_wait3A_162 = tpu.memref_slice %arg2[%dma_wait3A_160, %dma_wait3A_161] : memref<10240x8xf32, #tpu.memory_space<hbm>> -> memref<10240x8xf32, #tpu.memory_space<hbm>>
    tpu.wait_indirect_dma semaphore(%arg13 : memref<!tpu.dma_semaphore, #tpu.memory_space<semaphore_mem>>) src(%dma_wait3A_162 : memref<10240x8xf32, #tpu.memory_space<hbm>>) dst(%dma_wait3A_156 : memref<400x8xf32, #tpu.memory_space<vmem>>)
    %run_scoped3A_163 = arith.constant 3 : i32
    %run_scoped3A_164 = arith.constant 23 : i32
    "tpu.region"() ({
      %run_scoped3A_183 = tpu.sem_alloc : memref<!tpu.dma_semaphore, #tpu.memory_space<semaphore_mem>>
      %dma_start3A_184 = arith.constant 0 : i32
      %dma_start3A_185 = arith.constant 0 : i32
      %dma_start3A_186 = tpu.memref_slice %arg8[%run_scoped3A_163, %dma_start3A_184, %dma_start3A_185] : memref<5x400x8xf32, #tpu.memory_space<vmem>> -> memref<1x400x8xf32, #tpu.memory_space<vmem>>
      %dma_start3A_187 = tpu.memref_squeeze %dma_start3A_186 : memref<1x400x8xf32, #tpu.memory_space<vmem>> -> memref<400x8xf32, #tpu.memory_space<vmem>>
      %dma_start3A_188 = arith.constant 0 : i32
      %dma_start3A_189 = tpu.memref_slice %arg7[%run_scoped3A_164, %dma_start3A_188] : memref<25x400xi32, #tpu.memory_space<vmem>> -> memref<1x400xi32, #tpu.memory_space<vmem>>
      %dma_start3A_190 = tpu.memref_squeeze %dma_start3A_189 : memref<1x400xi32, #tpu.memory_space<vmem>> -> memref<400xi32, #tpu.memory_space<vmem>>
      %dma_start3A_191 = arith.constant 0 : i32
      %dma_start3A_192 = arith.constant 0 : i32
      %dma_start3A_193 = tpu.memref_slice %arg9[%dma_start3A_191, %dma_start3A_192] : memref<10240x8xf32, #tpu.memory_space<vmem_shared>> -> memref<10240x8xf32, #tpu.memory_space<vmem_shared>>
      tpu.enqueue_indirect_dma source(%dma_start3A_187 : memref<400x8xf32, #tpu.memory_space<vmem>>) target(%dma_start3A_193 : memref<10240x8xf32, #tpu.memory_space<vmem_shared>>) offsets(%dma_start3A_190 : memref<400xi32, #tpu.memory_space<vmem>>) semaphore(%run_scoped3A_183 : memref<!tpu.dma_semaphore, #tpu.memory_space<semaphore_mem>>) {add = true}
      %dma_wait3A_194 = arith.constant 0 : i32
      %dma_wait3A_195 = arith.constant 0 : i32
      %dma_wait3A_196 = tpu.memref_slice %arg8[%run_scoped3A_163, %dma_wait3A_194, %dma_wait3A_195] : memref<5x400x8xf32, #tpu.memory_space<vmem>> -> memref<1x400x8xf32, #tpu.memory_space<vmem>>
      %dma_wait3A_197 = tpu.memref_squeeze %dma_wait3A_196 : memref<1x400x8xf32, #tpu.memory_space<vmem>> -> memref<400x8xf32, #tpu.memory_space<vmem>>
      %dma_wait3A_198 = arith.constant 0 : i32
      %dma_wait3A_199 = tpu.memref_slice %arg7[%run_scoped3A_164, %dma_wait3A_198] : memref<25x400xi32, #tpu.memory_space<vmem>> -> memref<1x400xi32, #tpu.memory_space<vmem>>
      %dma_wait3A_200 = tpu.memref_squeeze %dma_wait3A_199 : memref<1x400xi32, #tpu.memory_space<vmem>> -> memref<400xi32, #tpu.memory_space<vmem>>
      %dma_wait3A_201 = arith.constant 0 : i32
      %dma_wait3A_202 = arith.constant 0 : i32
      %dma_wait3A_203 = tpu.memref_slice %arg9[%dma_wait3A_201, %dma_wait3A_202] : memref<10240x8xf32, #tpu.memory_space<vmem_shared>> -> memref<10240x8xf32, #tpu.memory_space<vmem_shared>>
      tpu.wait_indirect_dma semaphore(%run_scoped3A_183 : memref<!tpu.dma_semaphore, #tpu.memory_space<semaphore_mem>>) src(%dma_wait3A_197 : memref<400x8xf32, #tpu.memory_space<vmem>>) dst(%dma_wait3A_203 : memref<10240x8xf32, #tpu.memory_space<vmem_shared>>)
      tpu.yield
    }) : () -> ()
    %dma_wait3A_165 = arith.constant 24 : i32
    %dma_wait3A_166 = arith.constant 4 : i32
    %dma_wait3A_167 = arith.constant 0 : i32
    %dma_wait3A_168 = arith.constant 0 : i32
    %dma_wait3A_169 = tpu.memref_slice %arg8[%dma_wait3A_166, %dma_wait3A_167, %dma_wait3A_168] : memref<5x400x8xf32, #tpu.memory_space<vmem>> -> memref<1x400x8xf32, #tpu.memory_space<vmem>>
    %dma_wait3A_170 = tpu.memref_squeeze %dma_wait3A_169 : memref<1x400x8xf32, #tpu.memory_space<vmem>> -> memref<400x8xf32, #tpu.memory_space<vmem>>
    %dma_wait3A_171 = arith.constant 0 : i32
    %dma_wait3A_172 = tpu.memref_slice %arg6[%dma_wait3A_165, %dma_wait3A_171] : memref<25x400xi32, #tpu.memory_space<vmem>> -> memref<1x400xi32, #tpu.memory_space<vmem>>
    %dma_wait3A_173 = tpu.memref_squeeze %dma_wait3A_172 : memref<1x400xi32, #tpu.memory_space<vmem>> -> memref<400xi32, #tpu.memory_space<vmem>>
    %dma_wait3A_174 = arith.constant 0 : i32
    %dma_wait3A_175 = arith.constant 0 : i32
    %dma_wait3A_176 = tpu.memref_slice %arg2[%dma_wait3A_174, %dma_wait3A_175] : memref<10240x8xf32, #tpu.memory_space<hbm>> -> memref<10240x8xf32, #tpu.memory_space<hbm>>
    tpu.wait_indirect_dma semaphore(%arg14 : memref<!tpu.dma_semaphore, #tpu.memory_space<semaphore_mem>>) src(%dma_wait3A_176 : memref<10240x8xf32, #tpu.memory_space<hbm>>) dst(%dma_wait3A_170 : memref<400x8xf32, #tpu.memory_space<vmem>>)
    %run_scoped3A_177 = arith.constant 4 : i32
    %run_scoped3A_178 = arith.constant 24 : i32
    "tpu.region"() ({
      %run_scoped3A_183 = tpu.sem_alloc : memref<!tpu.dma_semaphore, #tpu.memory_space<semaphore_mem>>
      %dma_start3A_184 = arith.constant 0 : i32
      %dma_start3A_185 = arith.constant 0 : i32
      %dma_start3A_186 = tpu.memref_slice %arg8[%run_scoped3A_177, %dma_start3A_184, %dma_start3A_185] : memref<5x400x8xf32, #tpu.memory_space<vmem>> -> memref<1x400x8xf32, #tpu.memory_space<vmem>>
      %dma_start3A_187 = tpu.memref_squeeze %dma_start3A_186 : memref<1x400x8xf32, #tpu.memory_space<vmem>> -> memref<400x8xf32, #tpu.memory_space<vmem>>
      %dma_start3A_188 = arith.constant 0 : i32
      %dma_start3A_189 = tpu.memref_slice %arg7[%run_scoped3A_178, %dma_start3A_188] : memref<25x400xi32, #tpu.memory_space<vmem>> -> memref<1x400xi32, #tpu.memory_space<vmem>>
      %dma_start3A_190 = tpu.memref_squeeze %dma_start3A_189 : memref<1x400xi32, #tpu.memory_space<vmem>> -> memref<400xi32, #tpu.memory_space<vmem>>
      %dma_start3A_191 = arith.constant 0 : i32
      %dma_start3A_192 = arith.constant 0 : i32
      %dma_start3A_193 = tpu.memref_slice %arg9[%dma_start3A_191, %dma_start3A_192] : memref<10240x8xf32, #tpu.memory_space<vmem_shared>> -> memref<10240x8xf32, #tpu.memory_space<vmem_shared>>
      tpu.enqueue_indirect_dma source(%dma_start3A_187 : memref<400x8xf32, #tpu.memory_space<vmem>>) target(%dma_start3A_193 : memref<10240x8xf32, #tpu.memory_space<vmem_shared>>) offsets(%dma_start3A_190 : memref<400xi32, #tpu.memory_space<vmem>>) semaphore(%run_scoped3A_183 : memref<!tpu.dma_semaphore, #tpu.memory_space<semaphore_mem>>) {add = true}
      %dma_wait3A_194 = arith.constant 0 : i32
      %dma_wait3A_195 = arith.constant 0 : i32
      %dma_wait3A_196 = tpu.memref_slice %arg8[%run_scoped3A_177, %dma_wait3A_194, %dma_wait3A_195] : memref<5x400x8xf32, #tpu.memory_space<vmem>> -> memref<1x400x8xf32, #tpu.memory_space<vmem>>
      %dma_wait3A_197 = tpu.memref_squeeze %dma_wait3A_196 : memref<1x400x8xf32, #tpu.memory_space<vmem>> -> memref<400x8xf32, #tpu.memory_space<vmem>>
      %dma_wait3A_198 = arith.constant 0 : i32
      %dma_wait3A_199 = tpu.memref_slice %arg7[%run_scoped3A_178, %dma_wait3A_198] : memref<25x400xi32, #tpu.memory_space<vmem>> -> memref<1x400xi32, #tpu.memory_space<vmem>>
      %dma_wait3A_200 = tpu.memref_squeeze %dma_wait3A_199 : memref<1x400xi32, #tpu.memory_space<vmem>> -> memref<400xi32, #tpu.memory_space<vmem>>
      %dma_wait3A_201 = arith.constant 0 : i32
      %dma_wait3A_202 = arith.constant 0 : i32
      %dma_wait3A_203 = tpu.memref_slice %arg9[%dma_wait3A_201, %dma_wait3A_202] : memref<10240x8xf32, #tpu.memory_space<vmem_shared>> -> memref<10240x8xf32, #tpu.memory_space<vmem_shared>>
      tpu.wait_indirect_dma semaphore(%run_scoped3A_183 : memref<!tpu.dma_semaphore, #tpu.memory_space<semaphore_mem>>) src(%dma_wait3A_197 : memref<400x8xf32, #tpu.memory_space<vmem>>) dst(%dma_wait3A_203 : memref<10240x8xf32, #tpu.memory_space<vmem_shared>>)
      tpu.yield
    }) : () -> ()
    %barrier3A_179 = arith.constant 0 : index
    tpu.barrier barrier_id(%barrier3A_179)
    %mul3A_180 = arith.constant 10240 : i32
    %mul3A_181 = arith.muli %arg0, %mul3A_180 : i32
    %add3A_182 = arith.addi %mul3A_181, %mul3A_2 : i32
    "tpu.region"() ({
      %run_scoped3A_183 = tpu.sem_alloc : memref<!tpu.dma_semaphore, #tpu.memory_space<semaphore_mem>>
      %dma_start3A_184 = arith.constant 0 : i32
      %dma_start3A_185 = tpu.memref_slice %arg5[%add3A_182, %dma_start3A_184] : memref<20480x8xf32, #tpu.memory_space<hbm>> -> memref<640x8xf32, #tpu.memory_space<hbm>>
      %dma_start3A_186 = arith.constant 0 : i32
      %dma_start3A_187 = tpu.memref_slice %arg9[%mul3A_2, %dma_start3A_186] : memref<10240x8xf32, #tpu.memory_space<vmem_shared>> -> memref<640x8xf32, #tpu.memory_space<vmem_shared>>
      tpu.enqueue_dma source(%dma_start3A_187 : memref<640x8xf32, #tpu.memory_space<vmem_shared>>) target(%dma_start3A_185 : memref<640x8xf32, #tpu.memory_space<hbm>>) target_semaphore(%run_scoped3A_183 : memref<!tpu.dma_semaphore, #tpu.memory_space<semaphore_mem>>)
      %dma_wait3A_188 = arith.constant 0 : i32
      %dma_wait3A_189 = tpu.memref_slice %arg5[%add3A_182, %dma_wait3A_188] : memref<20480x8xf32, #tpu.memory_space<hbm>> -> memref<640x8xf32, #tpu.memory_space<hbm>>
      %dma_wait3A_190 = arith.constant 0 : i32
      %dma_wait3A_191 = tpu.memref_slice %arg9[%mul3A_2, %dma_wait3A_190] : memref<10240x8xf32, #tpu.memory_space<vmem_shared>> -> memref<640x8xf32, #tpu.memory_space<vmem_shared>>
      tpu.wait_dma2 semaphore(%run_scoped3A_183 : memref<!tpu.dma_semaphore, #tpu.memory_space<semaphore_mem>>) src(%dma_wait3A_191 : memref<640x8xf32, #tpu.memory_space<vmem_shared>>) dst(%dma_wait3A_189 : memref<640x8xf32, #tpu.memory_space<hbm>>)
      tpu.yield
    }) : () -> ()
    return
  }
}

#map = affine_map<(d0, d1) -> (0, 0)>
#map1 = affine_map<(d0, d1) -> (0, 0, 0, 0)>
module attributes {stable_mosaic.version = 14 : i64} {
  func.func @_prop_body(%arg0: i32, %arg1: i32, %arg2: memref<10240x8xf32, #tpu.memory_space<hbm>>, %arg3: memref<2x32x25x400xi32, #tpu.memory_space<hbm>>, %arg4: memref<10240x8xf32, #tpu.memory_space<hbm>>, %arg5: memref<20480x8xf32, #tpu.memory_space<hbm>>, %arg6: memref<25x400xi32, #tpu.memory_space<vmem>>, %arg7: memref<25x400xi32, #tpu.memory_space<vmem>>, %arg8: memref<5x400x8xf32, #tpu.memory_space<vmem>>, %arg9: memref<10240x8xf32, #tpu.memory_space<vmem_shared>>, %arg10: memref<!tpu.dma_semaphore, #tpu.memory_space<semaphore_mem>>, %arg11: memref<!tpu.dma_semaphore, #tpu.memory_space<semaphore_mem>>, %arg12: memref<!tpu.dma_semaphore, #tpu.memory_space<semaphore_mem>>, %arg13: memref<!tpu.dma_semaphore, #tpu.memory_space<semaphore_mem>>, %arg14: memref<!tpu.dma_semaphore, #tpu.memory_space<semaphore_mem>>) attributes {dimension_semantics = [#tpu.dimension_semantics<core_parallel>, #tpu.dimension_semantics<subcore_parallel>], iteration_bounds = array<i64: 2, 16>, scalar_prefetch = 0 : i64, scratch_operands = 9 : i64, tpu.core_type = #tpu.core_type<sc_vector_subcore>, window_params = [{transform_indices = #map}, {transform_indices = #map1}, {transform_indices = #map}, {transform_indices = #map}]} {
    %mul3A = arith.constant 16 : i32
    %mul3A_0 = arith.muli %arg0, %mul3A : i32
    %add3A = arith.addi %mul3A_0, %arg1 : i32
    %mul3A_1 = arith.constant 640 : i32
    %mul3A_2 = arith.muli %arg1, %mul3A_1 : i32
    %dma_start3A = arith.constant 0 : i32
    %dma_start3A_3 = tpu.memref_slice %arg9[%mul3A_2, %dma_start3A] : memref<10240x8xf32, #tpu.memory_space<vmem_shared>> -> memref<640x8xf32, #tpu.memory_space<vmem_shared>>
    %dma_start3A_4 = arith.constant 0 : i32
    %dma_start3A_5 = tpu.memref_slice %arg4[%mul3A_2, %dma_start3A_4] : memref<10240x8xf32, #tpu.memory_space<hbm>> -> memref<640x8xf32, #tpu.memory_space<hbm>>
    tpu.enqueue_dma source(%dma_start3A_5 : memref<640x8xf32, #tpu.memory_space<hbm>>) target(%dma_start3A_3 : memref<640x8xf32, #tpu.memory_space<vmem_shared>>) target_semaphore(%arg10 : memref<!tpu.dma_semaphore, #tpu.memory_space<semaphore_mem>>)
    %dma_start3A_6 = arith.constant 0 : i32
    %dma_start3A_7 = arith.constant 0 : i32
    %dma_start3A_8 = arith.constant 0 : i32
    %dma_start3A_9 = tpu.memref_slice %arg3[%dma_start3A_6, %add3A, %dma_start3A_7, %dma_start3A_8] : memref<2x32x25x400xi32, #tpu.memory_space<hbm>> -> memref<1x1x25x400xi32, #tpu.memory_space<hbm>>
    %dma_start3A_10 = tpu.memref_squeeze %dma_start3A_9 : memref<1x1x25x400xi32, #tpu.memory_space<hbm>> -> memref<25x400xi32, #tpu.memory_space<hbm>>
    %dma_start3A_11 = arith.constant 0 : i32
    %dma_start3A_12 = arith.constant 0 : i32
    %dma_start3A_13 = tpu.memref_slice %arg3[%dma_start3A_6, %add3A, %dma_start3A_11, %dma_start3A_12] : memref<2x32x25x400xi32, #tpu.memory_space<hbm>> -> memref<1x1x25x400xi32, #tpu.memory_space<hbm>>
    %dma_start3A_14 = tpu.memref_squeeze %dma_start3A_13 : memref<1x1x25x400xi32, #tpu.memory_space<hbm>> -> memref<25x400xi32, #tpu.memory_space<hbm>>
    tpu.enqueue_dma source(%dma_start3A_14 : memref<25x400xi32, #tpu.memory_space<hbm>>) target(%arg6 : memref<25x400xi32, #tpu.memory_space<vmem>>) target_semaphore(%arg11 : memref<!tpu.dma_semaphore, #tpu.memory_space<semaphore_mem>>)
    %dma_start3A_15 = arith.constant 1 : i32
    %dma_start3A_16 = arith.constant 0 : i32
    %dma_start3A_17 = arith.constant 0 : i32
    %dma_start3A_18 = tpu.memref_slice %arg3[%dma_start3A_15, %add3A, %dma_start3A_16, %dma_start3A_17] : memref<2x32x25x400xi32, #tpu.memory_space<hbm>> -> memref<1x1x25x400xi32, #tpu.memory_space<hbm>>
    %dma_start3A_19 = tpu.memref_squeeze %dma_start3A_18 : memref<1x1x25x400xi32, #tpu.memory_space<hbm>> -> memref<25x400xi32, #tpu.memory_space<hbm>>
    %dma_start3A_20 = arith.constant 0 : i32
    %dma_start3A_21 = arith.constant 0 : i32
    %dma_start3A_22 = tpu.memref_slice %arg3[%dma_start3A_15, %add3A, %dma_start3A_20, %dma_start3A_21] : memref<2x32x25x400xi32, #tpu.memory_space<hbm>> -> memref<1x1x25x400xi32, #tpu.memory_space<hbm>>
    %dma_start3A_23 = tpu.memref_squeeze %dma_start3A_22 : memref<1x1x25x400xi32, #tpu.memory_space<hbm>> -> memref<25x400xi32, #tpu.memory_space<hbm>>
    tpu.enqueue_dma source(%dma_start3A_23 : memref<25x400xi32, #tpu.memory_space<hbm>>) target(%arg7 : memref<25x400xi32, #tpu.memory_space<vmem>>) target_semaphore(%arg12 : memref<!tpu.dma_semaphore, #tpu.memory_space<semaphore_mem>>)
    %dma_wait3A = arith.constant 0 : i32
    %dma_wait3A_24 = tpu.memref_slice %arg9[%mul3A_2, %dma_wait3A] : memref<10240x8xf32, #tpu.memory_space<vmem_shared>> -> memref<640x8xf32, #tpu.memory_space<vmem_shared>>
    %dma_wait3A_25 = arith.constant 0 : i32
    %dma_wait3A_26 = tpu.memref_slice %arg4[%mul3A_2, %dma_wait3A_25] : memref<10240x8xf32, #tpu.memory_space<hbm>> -> memref<640x8xf32, #tpu.memory_space<hbm>>
    tpu.wait_dma2 semaphore(%arg10 : memref<!tpu.dma_semaphore, #tpu.memory_space<semaphore_mem>>) src(%dma_wait3A_26 : memref<640x8xf32, #tpu.memory_space<hbm>>) dst(%dma_wait3A_24 : memref<640x8xf32, #tpu.memory_space<vmem_shared>>)
    %dma_wait3A_27 = arith.constant 0 : i32
    %dma_wait3A_28 = arith.constant 0 : i32
    %dma_wait3A_29 = arith.constant 0 : i32
    %dma_wait3A_30 = tpu.memref_slice %arg3[%dma_wait3A_27, %add3A, %dma_wait3A_28, %dma_wait3A_29] : memref<2x32x25x400xi32, #tpu.memory_space<hbm>> -> memref<1x1x25x400xi32, #tpu.memory_space<hbm>>
    %dma_wait3A_31 = tpu.memref_squeeze %dma_wait3A_30 : memref<1x1x25x400xi32, #tpu.memory_space<hbm>> -> memref<25x400xi32, #tpu.memory_space<hbm>>
    %dma_wait3A_32 = arith.constant 0 : i32
    %dma_wait3A_33 = arith.constant 0 : i32
    %dma_wait3A_34 = tpu.memref_slice %arg3[%dma_wait3A_27, %add3A, %dma_wait3A_32, %dma_wait3A_33] : memref<2x32x25x400xi32, #tpu.memory_space<hbm>> -> memref<1x1x25x400xi32, #tpu.memory_space<hbm>>
    %dma_wait3A_35 = tpu.memref_squeeze %dma_wait3A_34 : memref<1x1x25x400xi32, #tpu.memory_space<hbm>> -> memref<25x400xi32, #tpu.memory_space<hbm>>
    tpu.wait_dma2 semaphore(%arg11 : memref<!tpu.dma_semaphore, #tpu.memory_space<semaphore_mem>>) src(%dma_wait3A_35 : memref<25x400xi32, #tpu.memory_space<hbm>>) dst(%arg6 : memref<25x400xi32, #tpu.memory_space<vmem>>)
    %dma_wait3A_36 = arith.constant 1 : i32
    %dma_wait3A_37 = arith.constant 0 : i32
    %dma_wait3A_38 = arith.constant 0 : i32
    %dma_wait3A_39 = tpu.memref_slice %arg3[%dma_wait3A_36, %add3A, %dma_wait3A_37, %dma_wait3A_38] : memref<2x32x25x400xi32, #tpu.memory_space<hbm>> -> memref<1x1x25x400xi32, #tpu.memory_space<hbm>>
    %dma_wait3A_40 = tpu.memref_squeeze %dma_wait3A_39 : memref<1x1x25x400xi32, #tpu.memory_space<hbm>> -> memref<25x400xi32, #tpu.memory_space<hbm>>
    %dma_wait3A_41 = arith.constant 0 : i32
    %dma_wait3A_42 = arith.constant 0 : i32
    %dma_wait3A_43 = tpu.memref_slice %arg3[%dma_wait3A_36, %add3A, %dma_wait3A_41, %dma_wait3A_42] : memref<2x32x25x400xi32, #tpu.memory_space<hbm>> -> memref<1x1x25x400xi32, #tpu.memory_space<hbm>>
    %dma_wait3A_44 = tpu.memref_squeeze %dma_wait3A_43 : memref<1x1x25x400xi32, #tpu.memory_space<hbm>> -> memref<25x400xi32, #tpu.memory_space<hbm>>
    tpu.wait_dma2 semaphore(%arg12 : memref<!tpu.dma_semaphore, #tpu.memory_space<semaphore_mem>>) src(%dma_wait3A_44 : memref<25x400xi32, #tpu.memory_space<hbm>>) dst(%arg7 : memref<25x400xi32, #tpu.memory_space<vmem>>)
    %barrier3A = arith.constant 0 : index
    tpu.barrier barrier_id(%barrier3A)
    %dma_start3A_45 = arith.constant 0 : i32
    %dma_start3A_46 = arith.constant 0 : i32
    %dma_start3A_47 = arith.constant 0 : i32
    %dma_start3A_48 = arith.constant 0 : i32
    %dma_start3A_49 = tpu.memref_slice %arg8[%dma_start3A_46, %dma_start3A_47, %dma_start3A_48] : memref<5x400x8xf32, #tpu.memory_space<vmem>> -> memref<1x400x8xf32, #tpu.memory_space<vmem>>
    %dma_start3A_50 = tpu.memref_squeeze %dma_start3A_49 : memref<1x400x8xf32, #tpu.memory_space<vmem>> -> memref<400x8xf32, #tpu.memory_space<vmem>>
    %dma_start3A_51 = arith.constant 0 : i32
    %dma_start3A_52 = tpu.memref_slice %arg6[%dma_start3A_45, %dma_start3A_51] : memref<25x400xi32, #tpu.memory_space<vmem>> -> memref<1x400xi32, #tpu.memory_space<vmem>>
    %dma_start3A_53 = tpu.memref_squeeze %dma_start3A_52 : memref<1x400xi32, #tpu.memory_space<vmem>> -> memref<400xi32, #tpu.memory_space<vmem>>
    %dma_start3A_54 = arith.constant 0 : i32
    %dma_start3A_55 = arith.constant 0 : i32
    %dma_start3A_56 = tpu.memref_slice %arg2[%dma_start3A_54, %dma_start3A_55] : memref<10240x8xf32, #tpu.memory_space<hbm>> -> memref<10240x8xf32, #tpu.memory_space<hbm>>
    tpu.enqueue_indirect_dma source(%dma_start3A_56 : memref<10240x8xf32, #tpu.memory_space<hbm>>) target(%dma_start3A_50 : memref<400x8xf32, #tpu.memory_space<vmem>>) offsets(%dma_start3A_53 : memref<400xi32, #tpu.memory_space<vmem>>) semaphore(%arg10 : memref<!tpu.dma_semaphore, #tpu.memory_space<semaphore_mem>>)
    %dma_start3A_57 = arith.constant 1 : i32
    %dma_start3A_58 = arith.constant 1 : i32
    %dma_start3A_59 = arith.constant 0 : i32
    %dma_start3A_60 = arith.constant 0 : i32
    %dma_start3A_61 = tpu.memref_slice %arg8[%dma_start3A_58, %dma_start3A_59, %dma_start3A_60] : memref<5x400x8xf32, #tpu.memory_space<vmem>> -> memref<1x400x8xf32, #tpu.memory_space<vmem>>
    %dma_start3A_62 = tpu.memref_squeeze %dma_start3A_61 : memref<1x400x8xf32, #tpu.memory_space<vmem>> -> memref<400x8xf32, #tpu.memory_space<vmem>>
    %dma_start3A_63 = arith.constant 0 : i32
    %dma_start3A_64 = tpu.memref_slice %arg6[%dma_start3A_57, %dma_start3A_63] : memref<25x400xi32, #tpu.memory_space<vmem>> -> memref<1x400xi32, #tpu.memory_space<vmem>>
    %dma_start3A_65 = tpu.memref_squeeze %dma_start3A_64 : memref<1x400xi32, #tpu.memory_space<vmem>> -> memref<400xi32, #tpu.memory_space<vmem>>
    %dma_start3A_66 = arith.constant 0 : i32
    %dma_start3A_67 = arith.constant 0 : i32
    %dma_start3A_68 = tpu.memref_slice %arg2[%dma_start3A_66, %dma_start3A_67] : memref<10240x8xf32, #tpu.memory_space<hbm>> -> memref<10240x8xf32, #tpu.memory_space<hbm>>
    tpu.enqueue_indirect_dma source(%dma_start3A_68 : memref<10240x8xf32, #tpu.memory_space<hbm>>) target(%dma_start3A_62 : memref<400x8xf32, #tpu.memory_space<vmem>>) offsets(%dma_start3A_65 : memref<400xi32, #tpu.memory_space<vmem>>) semaphore(%arg11 : memref<!tpu.dma_semaphore, #tpu.memory_space<semaphore_mem>>)
    %dma_start3A_69 = arith.constant 2 : i32
    %dma_start3A_70 = arith.constant 2 : i32
    %dma_start3A_71 = arith.constant 0 : i32
    %dma_start3A_72 = arith.constant 0 : i32
    %dma_start3A_73 = tpu.memref_slice %arg8[%dma_start3A_70, %dma_start3A_71, %dma_start3A_72] : memref<5x400x8xf32, #tpu.memory_space<vmem>> -> memref<1x400x8xf32, #tpu.memory_space<vmem>>
    %dma_start3A_74 = tpu.memref_squeeze %dma_start3A_73 : memref<1x400x8xf32, #tpu.memory_space<vmem>> -> memref<400x8xf32, #tpu.memory_space<vmem>>
    %dma_start3A_75 = arith.constant 0 : i32
    %dma_start3A_76 = tpu.memref_slice %arg6[%dma_start3A_69, %dma_start3A_75] : memref<25x400xi32, #tpu.memory_space<vmem>> -> memref<1x400xi32, #tpu.memory_space<vmem>>
    %dma_start3A_77 = tpu.memref_squeeze %dma_start3A_76 : memref<1x400xi32, #tpu.memory_space<vmem>> -> memref<400xi32, #tpu.memory_space<vmem>>
    %dma_start3A_78 = arith.constant 0 : i32
    %dma_start3A_79 = arith.constant 0 : i32
    %dma_start3A_80 = tpu.memref_slice %arg2[%dma_start3A_78, %dma_start3A_79] : memref<10240x8xf32, #tpu.memory_space<hbm>> -> memref<10240x8xf32, #tpu.memory_space<hbm>>
    tpu.enqueue_indirect_dma source(%dma_start3A_80 : memref<10240x8xf32, #tpu.memory_space<hbm>>) target(%dma_start3A_74 : memref<400x8xf32, #tpu.memory_space<vmem>>) offsets(%dma_start3A_77 : memref<400xi32, #tpu.memory_space<vmem>>) semaphore(%arg12 : memref<!tpu.dma_semaphore, #tpu.memory_space<semaphore_mem>>)
    %dma_start3A_81 = arith.constant 3 : i32
    %dma_start3A_82 = arith.constant 3 : i32
    %dma_start3A_83 = arith.constant 0 : i32
    %dma_start3A_84 = arith.constant 0 : i32
    %dma_start3A_85 = tpu.memref_slice %arg8[%dma_start3A_82, %dma_start3A_83, %dma_start3A_84] : memref<5x400x8xf32, #tpu.memory_space<vmem>> -> memref<1x400x8xf32, #tpu.memory_space<vmem>>
    %dma_start3A_86 = tpu.memref_squeeze %dma_start3A_85 : memref<1x400x8xf32, #tpu.memory_space<vmem>> -> memref<400x8xf32, #tpu.memory_space<vmem>>
    %dma_start3A_87 = arith.constant 0 : i32
    %dma_start3A_88 = tpu.memref_slice %arg6[%dma_start3A_81, %dma_start3A_87] : memref<25x400xi32, #tpu.memory_space<vmem>> -> memref<1x400xi32, #tpu.memory_space<vmem>>
    %dma_start3A_89 = tpu.memref_squeeze %dma_start3A_88 : memref<1x400xi32, #tpu.memory_space<vmem>> -> memref<400xi32, #tpu.memory_space<vmem>>
    %dma_start3A_90 = arith.constant 0 : i32
    %dma_start3A_91 = arith.constant 0 : i32
    %dma_start3A_92 = tpu.memref_slice %arg2[%dma_start3A_90, %dma_start3A_91] : memref<10240x8xf32, #tpu.memory_space<hbm>> -> memref<10240x8xf32, #tpu.memory_space<hbm>>
    tpu.enqueue_indirect_dma source(%dma_start3A_92 : memref<10240x8xf32, #tpu.memory_space<hbm>>) target(%dma_start3A_86 : memref<400x8xf32, #tpu.memory_space<vmem>>) offsets(%dma_start3A_89 : memref<400xi32, #tpu.memory_space<vmem>>) semaphore(%arg13 : memref<!tpu.dma_semaphore, #tpu.memory_space<semaphore_mem>>)
    %dma_start3A_93 = arith.constant 4 : i32
    %dma_start3A_94 = arith.constant 4 : i32
    %dma_start3A_95 = arith.constant 0 : i32
    %dma_start3A_96 = arith.constant 0 : i32
    %dma_start3A_97 = tpu.memref_slice %arg8[%dma_start3A_94, %dma_start3A_95, %dma_start3A_96] : memref<5x400x8xf32, #tpu.memory_space<vmem>> -> memref<1x400x8xf32, #tpu.memory_space<vmem>>
    %dma_start3A_98 = tpu.memref_squeeze %dma_start3A_97 : memref<1x400x8xf32, #tpu.memory_space<vmem>> -> memref<400x8xf32, #tpu.memory_space<vmem>>
    %dma_start3A_99 = arith.constant 0 : i32
    %dma_start3A_100 = tpu.memref_slice %arg6[%dma_start3A_93, %dma_start3A_99] : memref<25x400xi32, #tpu.memory_space<vmem>> -> memref<1x400xi32, #tpu.memory_space<vmem>>
    %dma_start3A_101 = tpu.memref_squeeze %dma_start3A_100 : memref<1x400xi32, #tpu.memory_space<vmem>> -> memref<400xi32, #tpu.memory_space<vmem>>
    %dma_start3A_102 = arith.constant 0 : i32
    %dma_start3A_103 = arith.constant 0 : i32
    %dma_start3A_104 = tpu.memref_slice %arg2[%dma_start3A_102, %dma_start3A_103] : memref<10240x8xf32, #tpu.memory_space<hbm>> -> memref<10240x8xf32, #tpu.memory_space<hbm>>
    tpu.enqueue_indirect_dma source(%dma_start3A_104 : memref<10240x8xf32, #tpu.memory_space<hbm>>) target(%dma_start3A_98 : memref<400x8xf32, #tpu.memory_space<vmem>>) offsets(%dma_start3A_101 : memref<400xi32, #tpu.memory_space<vmem>>) semaphore(%arg14 : memref<!tpu.dma_semaphore, #tpu.memory_space<semaphore_mem>>)
    %scan3A = arith.constant 0 : i32
    %scan3A_105 = arith.constant 0 : i32
    %scan3A_106 = arith.constant 4 : i32
    %scan3A_107 = arith.addi %scan3A_105, %scan3A_106 : i32
    %scan3A_108 = arith.constant 1 : i32
    scf.for %scan3A_183 = %scan3A_105 to %scan3A_107 step %scan3A_108  : i32 {
      %mul3A_184 = arith.constant 5 : i32
      %mul3A_185 = arith.muli %scan3A_183, %mul3A_184 : i32
      %add3A_186 = arith.constant 0 : i32
      %add3A_187 = arith.addi %mul3A_185, %add3A_186 : i32
      %dma_wait3A_188 = arith.constant 0 : i32
      %dma_wait3A_189 = arith.constant 0 : i32
      %dma_wait3A_190 = arith.constant 0 : i32
      %dma_wait3A_191 = tpu.memref_slice %arg8[%dma_wait3A_188, %dma_wait3A_189, %dma_wait3A_190] : memref<5x400x8xf32, #tpu.memory_space<vmem>> -> memref<1x400x8xf32, #tpu.memory_space<vmem>>
      %dma_wait3A_192 = tpu.memref_squeeze %dma_wait3A_191 : memref<1x400x8xf32, #tpu.memory_space<vmem>> -> memref<400x8xf32, #tpu.memory_space<vmem>>
      %dma_wait3A_193 = arith.constant 0 : i32
      %dma_wait3A_194 = tpu.memref_slice %arg6[%add3A_187, %dma_wait3A_193] : memref<25x400xi32, #tpu.memory_space<vmem>> -> memref<1x400xi32, #tpu.memory_space<vmem>>
      %dma_wait3A_195 = tpu.memref_squeeze %dma_wait3A_194 : memref<1x400xi32, #tpu.memory_space<vmem>> -> memref<400xi32, #tpu.memory_space<vmem>>
      %dma_wait3A_196 = arith.constant 0 : i32
      %dma_wait3A_197 = arith.constant 0 : i32
      %dma_wait3A_198 = tpu.memref_slice %arg2[%dma_wait3A_196, %dma_wait3A_197] : memref<10240x8xf32, #tpu.memory_space<hbm>> -> memref<10240x8xf32, #tpu.memory_space<hbm>>
      tpu.wait_indirect_dma semaphore(%arg10 : memref<!tpu.dma_semaphore, #tpu.memory_space<semaphore_mem>>) src(%dma_wait3A_198 : memref<10240x8xf32, #tpu.memory_space<hbm>>) dst(%dma_wait3A_192 : memref<400x8xf32, #tpu.memory_space<vmem>>)
      %run_scoped3A_199 = arith.constant 0 : i32
      "tpu.region"() ({
        %run_scoped3A_321 = tpu.sem_alloc : memref<!tpu.dma_semaphore, #tpu.memory_space<semaphore_mem>>
        %dma_start3A_322 = arith.constant 0 : i32
        %dma_start3A_323 = arith.constant 0 : i32
        %dma_start3A_324 = tpu.memref_slice %arg8[%run_scoped3A_199, %dma_start3A_322, %dma_start3A_323] : memref<5x400x8xf32, #tpu.memory_space<vmem>> -> memref<1x400x8xf32, #tpu.memory_space<vmem>>
        %dma_start3A_325 = tpu.memref_squeeze %dma_start3A_324 : memref<1x400x8xf32, #tpu.memory_space<vmem>> -> memref<400x8xf32, #tpu.memory_space<vmem>>
        %dma_start3A_326 = arith.constant 0 : i32
        %dma_start3A_327 = tpu.memref_slice %arg7[%add3A_187, %dma_start3A_326] : memref<25x400xi32, #tpu.memory_space<vmem>> -> memref<1x400xi32, #tpu.memory_space<vmem>>
        %dma_start3A_328 = tpu.memref_squeeze %dma_start3A_327 : memref<1x400xi32, #tpu.memory_space<vmem>> -> memref<400xi32, #tpu.memory_space<vmem>>
        %dma_start3A_329 = arith.constant 0 : i32
        %dma_start3A_330 = arith.constant 0 : i32
        %dma_start3A_331 = tpu.memref_slice %arg9[%dma_start3A_329, %dma_start3A_330] : memref<10240x8xf32, #tpu.memory_space<vmem_shared>> -> memref<10240x8xf32, #tpu.memory_space<vmem_shared>>
        tpu.enqueue_indirect_dma source(%dma_start3A_325 : memref<400x8xf32, #tpu.memory_space<vmem>>) target(%dma_start3A_331 : memref<10240x8xf32, #tpu.memory_space<vmem_shared>>) offsets(%dma_start3A_328 : memref<400xi32, #tpu.memory_space<vmem>>) semaphore(%run_scoped3A_321 : memref<!tpu.dma_semaphore, #tpu.memory_space<semaphore_mem>>) {add = true}
        %dma_wait3A_332 = arith.constant 0 : i32
        %dma_wait3A_333 = arith.constant 0 : i32
        %dma_wait3A_334 = tpu.memref_slice %arg8[%run_scoped3A_199, %dma_wait3A_332, %dma_wait3A_333] : memref<5x400x8xf32, #tpu.memory_space<vmem>> -> memref<1x400x8xf32, #tpu.memory_space<vmem>>
        %dma_wait3A_335 = tpu.memref_squeeze %dma_wait3A_334 : memref<1x400x8xf32, #tpu.memory_space<vmem>> -> memref<400x8xf32, #tpu.memory_space<vmem>>
        %dma_wait3A_336 = arith.constant 0 : i32
        %dma_wait3A_337 = tpu.memref_slice %arg7[%add3A_187, %dma_wait3A_336] : memref<25x400xi32, #tpu.memory_space<vmem>> -> memref<1x400xi32, #tpu.memory_space<vmem>>
        %dma_wait3A_338 = tpu.memref_squeeze %dma_wait3A_337 : memref<1x400xi32, #tpu.memory_space<vmem>> -> memref<400xi32, #tpu.memory_space<vmem>>
        %dma_wait3A_339 = arith.constant 0 : i32
        %dma_wait3A_340 = arith.constant 0 : i32
        %dma_wait3A_341 = tpu.memref_slice %arg9[%dma_wait3A_339, %dma_wait3A_340] : memref<10240x8xf32, #tpu.memory_space<vmem_shared>> -> memref<10240x8xf32, #tpu.memory_space<vmem_shared>>
        tpu.wait_indirect_dma semaphore(%run_scoped3A_321 : memref<!tpu.dma_semaphore, #tpu.memory_space<semaphore_mem>>) src(%dma_wait3A_335 : memref<400x8xf32, #tpu.memory_space<vmem>>) dst(%dma_wait3A_341 : memref<10240x8xf32, #tpu.memory_space<vmem_shared>>)
        tpu.yield
      }) : () -> ()
      %add3A_200 = arith.constant 5 : i32
      %add3A_201 = arith.addi %add3A_187, %add3A_200 : i32
      %dma_start3A_202 = arith.constant 0 : i32
      %dma_start3A_203 = arith.constant 0 : i32
      %dma_start3A_204 = arith.constant 0 : i32
      %dma_start3A_205 = tpu.memref_slice %arg8[%dma_start3A_202, %dma_start3A_203, %dma_start3A_204] : memref<5x400x8xf32, #tpu.memory_space<vmem>> -> memref<1x400x8xf32, #tpu.memory_space<vmem>>
      %dma_start3A_206 = tpu.memref_squeeze %dma_start3A_205 : memref<1x400x8xf32, #tpu.memory_space<vmem>> -> memref<400x8xf32, #tpu.memory_space<vmem>>
      %dma_start3A_207 = arith.constant 0 : i32
      %dma_start3A_208 = tpu.memref_slice %arg6[%add3A_201, %dma_start3A_207] : memref<25x400xi32, #tpu.memory_space<vmem>> -> memref<1x400xi32, #tpu.memory_space<vmem>>
      %dma_start3A_209 = tpu.memref_squeeze %dma_start3A_208 : memref<1x400xi32, #tpu.memory_space<vmem>> -> memref<400xi32, #tpu.memory_space<vmem>>
      %dma_start3A_210 = arith.constant 0 : i32
      %dma_start3A_211 = arith.constant 0 : i32
      %dma_start3A_212 = tpu.memref_slice %arg2[%dma_start3A_210, %dma_start3A_211] : memref<10240x8xf32, #tpu.memory_space<hbm>> -> memref<10240x8xf32, #tpu.memory_space<hbm>>
      tpu.enqueue_indirect_dma source(%dma_start3A_212 : memref<10240x8xf32, #tpu.memory_space<hbm>>) target(%dma_start3A_206 : memref<400x8xf32, #tpu.memory_space<vmem>>) offsets(%dma_start3A_209 : memref<400xi32, #tpu.memory_space<vmem>>) semaphore(%arg10 : memref<!tpu.dma_semaphore, #tpu.memory_space<semaphore_mem>>)
      %add3A_213 = arith.constant 1 : i32
      %add3A_214 = arith.addi %mul3A_185, %add3A_213 : i32
      %dma_wait3A_215 = arith.constant 1 : i32
      %dma_wait3A_216 = arith.constant 0 : i32
      %dma_wait3A_217 = arith.constant 0 : i32
      %dma_wait3A_218 = tpu.memref_slice %arg8[%dma_wait3A_215, %dma_wait3A_216, %dma_wait3A_217] : memref<5x400x8xf32, #tpu.memory_space<vmem>> -> memref<1x400x8xf32, #tpu.memory_space<vmem>>
      %dma_wait3A_219 = tpu.memref_squeeze %dma_wait3A_218 : memref<1x400x8xf32, #tpu.memory_space<vmem>> -> memref<400x8xf32, #tpu.memory_space<vmem>>
      %dma_wait3A_220 = arith.constant 0 : i32
      %dma_wait3A_221 = tpu.memref_slice %arg6[%add3A_214, %dma_wait3A_220] : memref<25x400xi32, #tpu.memory_space<vmem>> -> memref<1x400xi32, #tpu.memory_space<vmem>>
      %dma_wait3A_222 = tpu.memref_squeeze %dma_wait3A_221 : memref<1x400xi32, #tpu.memory_space<vmem>> -> memref<400xi32, #tpu.memory_space<vmem>>
      %dma_wait3A_223 = arith.constant 0 : i32
      %dma_wait3A_224 = arith.constant 0 : i32
      %dma_wait3A_225 = tpu.memref_slice %arg2[%dma_wait3A_223, %dma_wait3A_224] : memref<10240x8xf32, #tpu.memory_space<hbm>> -> memref<10240x8xf32, #tpu.memory_space<hbm>>
      tpu.wait_indirect_dma semaphore(%arg11 : memref<!tpu.dma_semaphore, #tpu.memory_space<semaphore_mem>>) src(%dma_wait3A_225 : memref<10240x8xf32, #tpu.memory_space<hbm>>) dst(%dma_wait3A_219 : memref<400x8xf32, #tpu.memory_space<vmem>>)
      %run_scoped3A_226 = arith.constant 1 : i32
      "tpu.region"() ({
        %run_scoped3A_321 = tpu.sem_alloc : memref<!tpu.dma_semaphore, #tpu.memory_space<semaphore_mem>>
        %dma_start3A_322 = arith.constant 0 : i32
        %dma_start3A_323 = arith.constant 0 : i32
        %dma_start3A_324 = tpu.memref_slice %arg8[%run_scoped3A_226, %dma_start3A_322, %dma_start3A_323] : memref<5x400x8xf32, #tpu.memory_space<vmem>> -> memref<1x400x8xf32, #tpu.memory_space<vmem>>
        %dma_start3A_325 = tpu.memref_squeeze %dma_start3A_324 : memref<1x400x8xf32, #tpu.memory_space<vmem>> -> memref<400x8xf32, #tpu.memory_space<vmem>>
        %dma_start3A_326 = arith.constant 0 : i32
        %dma_start3A_327 = tpu.memref_slice %arg7[%add3A_214, %dma_start3A_326] : memref<25x400xi32, #tpu.memory_space<vmem>> -> memref<1x400xi32, #tpu.memory_space<vmem>>
        %dma_start3A_328 = tpu.memref_squeeze %dma_start3A_327 : memref<1x400xi32, #tpu.memory_space<vmem>> -> memref<400xi32, #tpu.memory_space<vmem>>
        %dma_start3A_329 = arith.constant 0 : i32
        %dma_start3A_330 = arith.constant 0 : i32
        %dma_start3A_331 = tpu.memref_slice %arg9[%dma_start3A_329, %dma_start3A_330] : memref<10240x8xf32, #tpu.memory_space<vmem_shared>> -> memref<10240x8xf32, #tpu.memory_space<vmem_shared>>
        tpu.enqueue_indirect_dma source(%dma_start3A_325 : memref<400x8xf32, #tpu.memory_space<vmem>>) target(%dma_start3A_331 : memref<10240x8xf32, #tpu.memory_space<vmem_shared>>) offsets(%dma_start3A_328 : memref<400xi32, #tpu.memory_space<vmem>>) semaphore(%run_scoped3A_321 : memref<!tpu.dma_semaphore, #tpu.memory_space<semaphore_mem>>) {add = true}
        %dma_wait3A_332 = arith.constant 0 : i32
        %dma_wait3A_333 = arith.constant 0 : i32
        %dma_wait3A_334 = tpu.memref_slice %arg8[%run_scoped3A_226, %dma_wait3A_332, %dma_wait3A_333] : memref<5x400x8xf32, #tpu.memory_space<vmem>> -> memref<1x400x8xf32, #tpu.memory_space<vmem>>
        %dma_wait3A_335 = tpu.memref_squeeze %dma_wait3A_334 : memref<1x400x8xf32, #tpu.memory_space<vmem>> -> memref<400x8xf32, #tpu.memory_space<vmem>>
        %dma_wait3A_336 = arith.constant 0 : i32
        %dma_wait3A_337 = tpu.memref_slice %arg7[%add3A_214, %dma_wait3A_336] : memref<25x400xi32, #tpu.memory_space<vmem>> -> memref<1x400xi32, #tpu.memory_space<vmem>>
        %dma_wait3A_338 = tpu.memref_squeeze %dma_wait3A_337 : memref<1x400xi32, #tpu.memory_space<vmem>> -> memref<400xi32, #tpu.memory_space<vmem>>
        %dma_wait3A_339 = arith.constant 0 : i32
        %dma_wait3A_340 = arith.constant 0 : i32
        %dma_wait3A_341 = tpu.memref_slice %arg9[%dma_wait3A_339, %dma_wait3A_340] : memref<10240x8xf32, #tpu.memory_space<vmem_shared>> -> memref<10240x8xf32, #tpu.memory_space<vmem_shared>>
        tpu.wait_indirect_dma semaphore(%run_scoped3A_321 : memref<!tpu.dma_semaphore, #tpu.memory_space<semaphore_mem>>) src(%dma_wait3A_335 : memref<400x8xf32, #tpu.memory_space<vmem>>) dst(%dma_wait3A_341 : memref<10240x8xf32, #tpu.memory_space<vmem_shared>>)
        tpu.yield
      }) : () -> ()
      %add3A_227 = arith.constant 5 : i32
      %add3A_228 = arith.addi %add3A_214, %add3A_227 : i32
      %dma_start3A_229 = arith.constant 1 : i32
      %dma_start3A_230 = arith.constant 0 : i32
      %dma_start3A_231 = arith.constant 0 : i32
      %dma_start3A_232 = tpu.memref_slice %arg8[%dma_start3A_229, %dma_start3A_230, %dma_start3A_231] : memref<5x400x8xf32, #tpu.memory_space<vmem>> -> memref<1x400x8xf32, #tpu.memory_space<vmem>>
      %dma_start3A_233 = tpu.memref_squeeze %dma_start3A_232 : memref<1x400x8xf32, #tpu.memory_space<vmem>> -> memref<400x8xf32, #tpu.memory_space<vmem>>
      %dma_start3A_234 = arith.constant 0 : i32
      %dma_start3A_235 = tpu.memref_slice %arg6[%add3A_228, %dma_start3A_234] : memref<25x400xi32, #tpu.memory_space<vmem>> -> memref<1x400xi32, #tpu.memory_space<vmem>>
      %dma_start3A_236 = tpu.memref_squeeze %dma_start3A_235 : memref<1x400xi32, #tpu.memory_space<vmem>> -> memref<400xi32, #tpu.memory_space<vmem>>
      %dma_start3A_237 = arith.constant 0 : i32
      %dma_start3A_238 = arith.constant 0 : i32
      %dma_start3A_239 = tpu.memref_slice %arg2[%dma_start3A_237, %dma_start3A_238] : memref<10240x8xf32, #tpu.memory_space<hbm>> -> memref<10240x8xf32, #tpu.memory_space<hbm>>
      tpu.enqueue_indirect_dma source(%dma_start3A_239 : memref<10240x8xf32, #tpu.memory_space<hbm>>) target(%dma_start3A_233 : memref<400x8xf32, #tpu.memory_space<vmem>>) offsets(%dma_start3A_236 : memref<400xi32, #tpu.memory_space<vmem>>) semaphore(%arg11 : memref<!tpu.dma_semaphore, #tpu.memory_space<semaphore_mem>>)
      %add3A_240 = arith.constant 2 : i32
      %add3A_241 = arith.addi %mul3A_185, %add3A_240 : i32
      %dma_wait3A_242 = arith.constant 2 : i32
      %dma_wait3A_243 = arith.constant 0 : i32
      %dma_wait3A_244 = arith.constant 0 : i32
      %dma_wait3A_245 = tpu.memref_slice %arg8[%dma_wait3A_242, %dma_wait3A_243, %dma_wait3A_244] : memref<5x400x8xf32, #tpu.memory_space<vmem>> -> memref<1x400x8xf32, #tpu.memory_space<vmem>>
      %dma_wait3A_246 = tpu.memref_squeeze %dma_wait3A_245 : memref<1x400x8xf32, #tpu.memory_space<vmem>> -> memref<400x8xf32, #tpu.memory_space<vmem>>
      %dma_wait3A_247 = arith.constant 0 : i32
      %dma_wait3A_248 = tpu.memref_slice %arg6[%add3A_241, %dma_wait3A_247] : memref<25x400xi32, #tpu.memory_space<vmem>> -> memref<1x400xi32, #tpu.memory_space<vmem>>
      %dma_wait3A_249 = tpu.memref_squeeze %dma_wait3A_248 : memref<1x400xi32, #tpu.memory_space<vmem>> -> memref<400xi32, #tpu.memory_space<vmem>>
      %dma_wait3A_250 = arith.constant 0 : i32
      %dma_wait3A_251 = arith.constant 0 : i32
      %dma_wait3A_252 = tpu.memref_slice %arg2[%dma_wait3A_250, %dma_wait3A_251] : memref<10240x8xf32, #tpu.memory_space<hbm>> -> memref<10240x8xf32, #tpu.memory_space<hbm>>
      tpu.wait_indirect_dma semaphore(%arg12 : memref<!tpu.dma_semaphore, #tpu.memory_space<semaphore_mem>>) src(%dma_wait3A_252 : memref<10240x8xf32, #tpu.memory_space<hbm>>) dst(%dma_wait3A_246 : memref<400x8xf32, #tpu.memory_space<vmem>>)
      %run_scoped3A_253 = arith.constant 2 : i32
      "tpu.region"() ({
        %run_scoped3A_321 = tpu.sem_alloc : memref<!tpu.dma_semaphore, #tpu.memory_space<semaphore_mem>>
        %dma_start3A_322 = arith.constant 0 : i32
        %dma_start3A_323 = arith.constant 0 : i32
        %dma_start3A_324 = tpu.memref_slice %arg8[%run_scoped3A_253, %dma_start3A_322, %dma_start3A_323] : memref<5x400x8xf32, #tpu.memory_space<vmem>> -> memref<1x400x8xf32, #tpu.memory_space<vmem>>
        %dma_start3A_325 = tpu.memref_squeeze %dma_start3A_324 : memref<1x400x8xf32, #tpu.memory_space<vmem>> -> memref<400x8xf32, #tpu.memory_space<vmem>>
        %dma_start3A_326 = arith.constant 0 : i32
        %dma_start3A_327 = tpu.memref_slice %arg7[%add3A_241, %dma_start3A_326] : memref<25x400xi32, #tpu.memory_space<vmem>> -> memref<1x400xi32, #tpu.memory_space<vmem>>
        %dma_start3A_328 = tpu.memref_squeeze %dma_start3A_327 : memref<1x400xi32, #tpu.memory_space<vmem>> -> memref<400xi32, #tpu.memory_space<vmem>>
        %dma_start3A_329 = arith.constant 0 : i32
        %dma_start3A_330 = arith.constant 0 : i32
        %dma_start3A_331 = tpu.memref_slice %arg9[%dma_start3A_329, %dma_start3A_330] : memref<10240x8xf32, #tpu.memory_space<vmem_shared>> -> memref<10240x8xf32, #tpu.memory_space<vmem_shared>>
        tpu.enqueue_indirect_dma source(%dma_start3A_325 : memref<400x8xf32, #tpu.memory_space<vmem>>) target(%dma_start3A_331 : memref<10240x8xf32, #tpu.memory_space<vmem_shared>>) offsets(%dma_start3A_328 : memref<400xi32, #tpu.memory_space<vmem>>) semaphore(%run_scoped3A_321 : memref<!tpu.dma_semaphore, #tpu.memory_space<semaphore_mem>>) {add = true}
        %dma_wait3A_332 = arith.constant 0 : i32
        %dma_wait3A_333 = arith.constant 0 : i32
        %dma_wait3A_334 = tpu.memref_slice %arg8[%run_scoped3A_253, %dma_wait3A_332, %dma_wait3A_333] : memref<5x400x8xf32, #tpu.memory_space<vmem>> -> memref<1x400x8xf32, #tpu.memory_space<vmem>>
        %dma_wait3A_335 = tpu.memref_squeeze %dma_wait3A_334 : memref<1x400x8xf32, #tpu.memory_space<vmem>> -> memref<400x8xf32, #tpu.memory_space<vmem>>
        %dma_wait3A_336 = arith.constant 0 : i32
        %dma_wait3A_337 = tpu.memref_slice %arg7[%add3A_241, %dma_wait3A_336] : memref<25x400xi32, #tpu.memory_space<vmem>> -> memref<1x400xi32, #tpu.memory_space<vmem>>
        %dma_wait3A_338 = tpu.memref_squeeze %dma_wait3A_337 : memref<1x400xi32, #tpu.memory_space<vmem>> -> memref<400xi32, #tpu.memory_space<vmem>>
        %dma_wait3A_339 = arith.constant 0 : i32
        %dma_wait3A_340 = arith.constant 0 : i32
        %dma_wait3A_341 = tpu.memref_slice %arg9[%dma_wait3A_339, %dma_wait3A_340] : memref<10240x8xf32, #tpu.memory_space<vmem_shared>> -> memref<10240x8xf32, #tpu.memory_space<vmem_shared>>
        tpu.wait_indirect_dma semaphore(%run_scoped3A_321 : memref<!tpu.dma_semaphore, #tpu.memory_space<semaphore_mem>>) src(%dma_wait3A_335 : memref<400x8xf32, #tpu.memory_space<vmem>>) dst(%dma_wait3A_341 : memref<10240x8xf32, #tpu.memory_space<vmem_shared>>)
        tpu.yield
      }) : () -> ()
      %add3A_254 = arith.constant 5 : i32
      %add3A_255 = arith.addi %add3A_241, %add3A_254 : i32
      %dma_start3A_256 = arith.constant 2 : i32
      %dma_start3A_257 = arith.constant 0 : i32
      %dma_start3A_258 = arith.constant 0 : i32
      %dma_start3A_259 = tpu.memref_slice %arg8[%dma_start3A_256, %dma_start3A_257, %dma_start3A_258] : memref<5x400x8xf32, #tpu.memory_space<vmem>> -> memref<1x400x8xf32, #tpu.memory_space<vmem>>
      %dma_start3A_260 = tpu.memref_squeeze %dma_start3A_259 : memref<1x400x8xf32, #tpu.memory_space<vmem>> -> memref<400x8xf32, #tpu.memory_space<vmem>>
      %dma_start3A_261 = arith.constant 0 : i32
      %dma_start3A_262 = tpu.memref_slice %arg6[%add3A_255, %dma_start3A_261] : memref<25x400xi32, #tpu.memory_space<vmem>> -> memref<1x400xi32, #tpu.memory_space<vmem>>
      %dma_start3A_263 = tpu.memref_squeeze %dma_start3A_262 : memref<1x400xi32, #tpu.memory_space<vmem>> -> memref<400xi32, #tpu.memory_space<vmem>>
      %dma_start3A_264 = arith.constant 0 : i32
      %dma_start3A_265 = arith.constant 0 : i32
      %dma_start3A_266 = tpu.memref_slice %arg2[%dma_start3A_264, %dma_start3A_265] : memref<10240x8xf32, #tpu.memory_space<hbm>> -> memref<10240x8xf32, #tpu.memory_space<hbm>>
      tpu.enqueue_indirect_dma source(%dma_start3A_266 : memref<10240x8xf32, #tpu.memory_space<hbm>>) target(%dma_start3A_260 : memref<400x8xf32, #tpu.memory_space<vmem>>) offsets(%dma_start3A_263 : memref<400xi32, #tpu.memory_space<vmem>>) semaphore(%arg12 : memref<!tpu.dma_semaphore, #tpu.memory_space<semaphore_mem>>)
      %add3A_267 = arith.constant 3 : i32
      %add3A_268 = arith.addi %mul3A_185, %add3A_267 : i32
      %dma_wait3A_269 = arith.constant 3 : i32
      %dma_wait3A_270 = arith.constant 0 : i32
      %dma_wait3A_271 = arith.constant 0 : i32
      %dma_wait3A_272 = tpu.memref_slice %arg8[%dma_wait3A_269, %dma_wait3A_270, %dma_wait3A_271] : memref<5x400x8xf32, #tpu.memory_space<vmem>> -> memref<1x400x8xf32, #tpu.memory_space<vmem>>
      %dma_wait3A_273 = tpu.memref_squeeze %dma_wait3A_272 : memref<1x400x8xf32, #tpu.memory_space<vmem>> -> memref<400x8xf32, #tpu.memory_space<vmem>>
      %dma_wait3A_274 = arith.constant 0 : i32
      %dma_wait3A_275 = tpu.memref_slice %arg6[%add3A_268, %dma_wait3A_274] : memref<25x400xi32, #tpu.memory_space<vmem>> -> memref<1x400xi32, #tpu.memory_space<vmem>>
      %dma_wait3A_276 = tpu.memref_squeeze %dma_wait3A_275 : memref<1x400xi32, #tpu.memory_space<vmem>> -> memref<400xi32, #tpu.memory_space<vmem>>
      %dma_wait3A_277 = arith.constant 0 : i32
      %dma_wait3A_278 = arith.constant 0 : i32
      %dma_wait3A_279 = tpu.memref_slice %arg2[%dma_wait3A_277, %dma_wait3A_278] : memref<10240x8xf32, #tpu.memory_space<hbm>> -> memref<10240x8xf32, #tpu.memory_space<hbm>>
      tpu.wait_indirect_dma semaphore(%arg13 : memref<!tpu.dma_semaphore, #tpu.memory_space<semaphore_mem>>) src(%dma_wait3A_279 : memref<10240x8xf32, #tpu.memory_space<hbm>>) dst(%dma_wait3A_273 : memref<400x8xf32, #tpu.memory_space<vmem>>)
      %run_scoped3A_280 = arith.constant 3 : i32
      "tpu.region"() ({
        %run_scoped3A_321 = tpu.sem_alloc : memref<!tpu.dma_semaphore, #tpu.memory_space<semaphore_mem>>
        %dma_start3A_322 = arith.constant 0 : i32
        %dma_start3A_323 = arith.constant 0 : i32
        %dma_start3A_324 = tpu.memref_slice %arg8[%run_scoped3A_280, %dma_start3A_322, %dma_start3A_323] : memref<5x400x8xf32, #tpu.memory_space<vmem>> -> memref<1x400x8xf32, #tpu.memory_space<vmem>>
        %dma_start3A_325 = tpu.memref_squeeze %dma_start3A_324 : memref<1x400x8xf32, #tpu.memory_space<vmem>> -> memref<400x8xf32, #tpu.memory_space<vmem>>
        %dma_start3A_326 = arith.constant 0 : i32
        %dma_start3A_327 = tpu.memref_slice %arg7[%add3A_268, %dma_start3A_326] : memref<25x400xi32, #tpu.memory_space<vmem>> -> memref<1x400xi32, #tpu.memory_space<vmem>>
        %dma_start3A_328 = tpu.memref_squeeze %dma_start3A_327 : memref<1x400xi32, #tpu.memory_space<vmem>> -> memref<400xi32, #tpu.memory_space<vmem>>
        %dma_start3A_329 = arith.constant 0 : i32
        %dma_start3A_330 = arith.constant 0 : i32
        %dma_start3A_331 = tpu.memref_slice %arg9[%dma_start3A_329, %dma_start3A_330] : memref<10240x8xf32, #tpu.memory_space<vmem_shared>> -> memref<10240x8xf32, #tpu.memory_space<vmem_shared>>
        tpu.enqueue_indirect_dma source(%dma_start3A_325 : memref<400x8xf32, #tpu.memory_space<vmem>>) target(%dma_start3A_331 : memref<10240x8xf32, #tpu.memory_space<vmem_shared>>) offsets(%dma_start3A_328 : memref<400xi32, #tpu.memory_space<vmem>>) semaphore(%run_scoped3A_321 : memref<!tpu.dma_semaphore, #tpu.memory_space<semaphore_mem>>) {add = true}
        %dma_wait3A_332 = arith.constant 0 : i32
        %dma_wait3A_333 = arith.constant 0 : i32
        %dma_wait3A_334 = tpu.memref_slice %arg8[%run_scoped3A_280, %dma_wait3A_332, %dma_wait3A_333] : memref<5x400x8xf32, #tpu.memory_space<vmem>> -> memref<1x400x8xf32, #tpu.memory_space<vmem>>
        %dma_wait3A_335 = tpu.memref_squeeze %dma_wait3A_334 : memref<1x400x8xf32, #tpu.memory_space<vmem>> -> memref<400x8xf32, #tpu.memory_space<vmem>>
        %dma_wait3A_336 = arith.constant 0 : i32
        %dma_wait3A_337 = tpu.memref_slice %arg7[%add3A_268, %dma_wait3A_336] : memref<25x400xi32, #tpu.memory_space<vmem>> -> memref<1x400xi32, #tpu.memory_space<vmem>>
        %dma_wait3A_338 = tpu.memref_squeeze %dma_wait3A_337 : memref<1x400xi32, #tpu.memory_space<vmem>> -> memref<400xi32, #tpu.memory_space<vmem>>
        %dma_wait3A_339 = arith.constant 0 : i32
        %dma_wait3A_340 = arith.constant 0 : i32
        %dma_wait3A_341 = tpu.memref_slice %arg9[%dma_wait3A_339, %dma_wait3A_340] : memref<10240x8xf32, #tpu.memory_space<vmem_shared>> -> memref<10240x8xf32, #tpu.memory_space<vmem_shared>>
        tpu.wait_indirect_dma semaphore(%run_scoped3A_321 : memref<!tpu.dma_semaphore, #tpu.memory_space<semaphore_mem>>) src(%dma_wait3A_335 : memref<400x8xf32, #tpu.memory_space<vmem>>) dst(%dma_wait3A_341 : memref<10240x8xf32, #tpu.memory_space<vmem_shared>>)
        tpu.yield
      }) : () -> ()
      %add3A_281 = arith.constant 5 : i32
      %add3A_282 = arith.addi %add3A_268, %add3A_281 : i32
      %dma_start3A_283 = arith.constant 3 : i32
      %dma_start3A_284 = arith.constant 0 : i32
      %dma_start3A_285 = arith.constant 0 : i32
      %dma_start3A_286 = tpu.memref_slice %arg8[%dma_start3A_283, %dma_start3A_284, %dma_start3A_285] : memref<5x400x8xf32, #tpu.memory_space<vmem>> -> memref<1x400x8xf32, #tpu.memory_space<vmem>>
      %dma_start3A_287 = tpu.memref_squeeze %dma_start3A_286 : memref<1x400x8xf32, #tpu.memory_space<vmem>> -> memref<400x8xf32, #tpu.memory_space<vmem>>
      %dma_start3A_288 = arith.constant 0 : i32
      %dma_start3A_289 = tpu.memref_slice %arg6[%add3A_282, %dma_start3A_288] : memref<25x400xi32, #tpu.memory_space<vmem>> -> memref<1x400xi32, #tpu.memory_space<vmem>>
      %dma_start3A_290 = tpu.memref_squeeze %dma_start3A_289 : memref<1x400xi32, #tpu.memory_space<vmem>> -> memref<400xi32, #tpu.memory_space<vmem>>
      %dma_start3A_291 = arith.constant 0 : i32
      %dma_start3A_292 = arith.constant 0 : i32
      %dma_start3A_293 = tpu.memref_slice %arg2[%dma_start3A_291, %dma_start3A_292] : memref<10240x8xf32, #tpu.memory_space<hbm>> -> memref<10240x8xf32, #tpu.memory_space<hbm>>
      tpu.enqueue_indirect_dma source(%dma_start3A_293 : memref<10240x8xf32, #tpu.memory_space<hbm>>) target(%dma_start3A_287 : memref<400x8xf32, #tpu.memory_space<vmem>>) offsets(%dma_start3A_290 : memref<400xi32, #tpu.memory_space<vmem>>) semaphore(%arg13 : memref<!tpu.dma_semaphore, #tpu.memory_space<semaphore_mem>>)
      %add3A_294 = arith.constant 4 : i32
      %add3A_295 = arith.addi %mul3A_185, %add3A_294 : i32
      %dma_wait3A_296 = arith.constant 4 : i32
      %dma_wait3A_297 = arith.constant 0 : i32
      %dma_wait3A_298 = arith.constant 0 : i32
      %dma_wait3A_299 = tpu.memref_slice %arg8[%dma_wait3A_296, %dma_wait3A_297, %dma_wait3A_298] : memref<5x400x8xf32, #tpu.memory_space<vmem>> -> memref<1x400x8xf32, #tpu.memory_space<vmem>>
      %dma_wait3A_300 = tpu.memref_squeeze %dma_wait3A_299 : memref<1x400x8xf32, #tpu.memory_space<vmem>> -> memref<400x8xf32, #tpu.memory_space<vmem>>
      %dma_wait3A_301 = arith.constant 0 : i32
      %dma_wait3A_302 = tpu.memref_slice %arg6[%add3A_295, %dma_wait3A_301] : memref<25x400xi32, #tpu.memory_space<vmem>> -> memref<1x400xi32, #tpu.memory_space<vmem>>
      %dma_wait3A_303 = tpu.memref_squeeze %dma_wait3A_302 : memref<1x400xi32, #tpu.memory_space<vmem>> -> memref<400xi32, #tpu.memory_space<vmem>>
      %dma_wait3A_304 = arith.constant 0 : i32
      %dma_wait3A_305 = arith.constant 0 : i32
      %dma_wait3A_306 = tpu.memref_slice %arg2[%dma_wait3A_304, %dma_wait3A_305] : memref<10240x8xf32, #tpu.memory_space<hbm>> -> memref<10240x8xf32, #tpu.memory_space<hbm>>
      tpu.wait_indirect_dma semaphore(%arg14 : memref<!tpu.dma_semaphore, #tpu.memory_space<semaphore_mem>>) src(%dma_wait3A_306 : memref<10240x8xf32, #tpu.memory_space<hbm>>) dst(%dma_wait3A_300 : memref<400x8xf32, #tpu.memory_space<vmem>>)
      %run_scoped3A_307 = arith.constant 4 : i32
      "tpu.region"() ({
        %run_scoped3A_321 = tpu.sem_alloc : memref<!tpu.dma_semaphore, #tpu.memory_space<semaphore_mem>>
        %dma_start3A_322 = arith.constant 0 : i32
        %dma_start3A_323 = arith.constant 0 : i32
        %dma_start3A_324 = tpu.memref_slice %arg8[%run_scoped3A_307, %dma_start3A_322, %dma_start3A_323] : memref<5x400x8xf32, #tpu.memory_space<vmem>> -> memref<1x400x8xf32, #tpu.memory_space<vmem>>
        %dma_start3A_325 = tpu.memref_squeeze %dma_start3A_324 : memref<1x400x8xf32, #tpu.memory_space<vmem>> -> memref<400x8xf32, #tpu.memory_space<vmem>>
        %dma_start3A_326 = arith.constant 0 : i32
        %dma_start3A_327 = tpu.memref_slice %arg7[%add3A_295, %dma_start3A_326] : memref<25x400xi32, #tpu.memory_space<vmem>> -> memref<1x400xi32, #tpu.memory_space<vmem>>
        %dma_start3A_328 = tpu.memref_squeeze %dma_start3A_327 : memref<1x400xi32, #tpu.memory_space<vmem>> -> memref<400xi32, #tpu.memory_space<vmem>>
        %dma_start3A_329 = arith.constant 0 : i32
        %dma_start3A_330 = arith.constant 0 : i32
        %dma_start3A_331 = tpu.memref_slice %arg9[%dma_start3A_329, %dma_start3A_330] : memref<10240x8xf32, #tpu.memory_space<vmem_shared>> -> memref<10240x8xf32, #tpu.memory_space<vmem_shared>>
        tpu.enqueue_indirect_dma source(%dma_start3A_325 : memref<400x8xf32, #tpu.memory_space<vmem>>) target(%dma_start3A_331 : memref<10240x8xf32, #tpu.memory_space<vmem_shared>>) offsets(%dma_start3A_328 : memref<400xi32, #tpu.memory_space<vmem>>) semaphore(%run_scoped3A_321 : memref<!tpu.dma_semaphore, #tpu.memory_space<semaphore_mem>>) {add = true}
        %dma_wait3A_332 = arith.constant 0 : i32
        %dma_wait3A_333 = arith.constant 0 : i32
        %dma_wait3A_334 = tpu.memref_slice %arg8[%run_scoped3A_307, %dma_wait3A_332, %dma_wait3A_333] : memref<5x400x8xf32, #tpu.memory_space<vmem>> -> memref<1x400x8xf32, #tpu.memory_space<vmem>>
        %dma_wait3A_335 = tpu.memref_squeeze %dma_wait3A_334 : memref<1x400x8xf32, #tpu.memory_space<vmem>> -> memref<400x8xf32, #tpu.memory_space<vmem>>
        %dma_wait3A_336 = arith.constant 0 : i32
        %dma_wait3A_337 = tpu.memref_slice %arg7[%add3A_295, %dma_wait3A_336] : memref<25x400xi32, #tpu.memory_space<vmem>> -> memref<1x400xi32, #tpu.memory_space<vmem>>
        %dma_wait3A_338 = tpu.memref_squeeze %dma_wait3A_337 : memref<1x400xi32, #tpu.memory_space<vmem>> -> memref<400xi32, #tpu.memory_space<vmem>>
        %dma_wait3A_339 = arith.constant 0 : i32
        %dma_wait3A_340 = arith.constant 0 : i32
        %dma_wait3A_341 = tpu.memref_slice %arg9[%dma_wait3A_339, %dma_wait3A_340] : memref<10240x8xf32, #tpu.memory_space<vmem_shared>> -> memref<10240x8xf32, #tpu.memory_space<vmem_shared>>
        tpu.wait_indirect_dma semaphore(%run_scoped3A_321 : memref<!tpu.dma_semaphore, #tpu.memory_space<semaphore_mem>>) src(%dma_wait3A_335 : memref<400x8xf32, #tpu.memory_space<vmem>>) dst(%dma_wait3A_341 : memref<10240x8xf32, #tpu.memory_space<vmem_shared>>)
        tpu.yield
      }) : () -> ()
      %add3A_308 = arith.constant 5 : i32
      %add3A_309 = arith.addi %add3A_295, %add3A_308 : i32
      %dma_start3A_310 = arith.constant 4 : i32
      %dma_start3A_311 = arith.constant 0 : i32
      %dma_start3A_312 = arith.constant 0 : i32
      %dma_start3A_313 = tpu.memref_slice %arg8[%dma_start3A_310, %dma_start3A_311, %dma_start3A_312] : memref<5x400x8xf32, #tpu.memory_space<vmem>> -> memref<1x400x8xf32, #tpu.memory_space<vmem>>
      %dma_start3A_314 = tpu.memref_squeeze %dma_start3A_313 : memref<1x400x8xf32, #tpu.memory_space<vmem>> -> memref<400x8xf32, #tpu.memory_space<vmem>>
      %dma_start3A_315 = arith.constant 0 : i32
      %dma_start3A_316 = tpu.memref_slice %arg6[%add3A_309, %dma_start3A_315] : memref<25x400xi32, #tpu.memory_space<vmem>> -> memref<1x400xi32, #tpu.memory_space<vmem>>
      %dma_start3A_317 = tpu.memref_squeeze %dma_start3A_316 : memref<1x400xi32, #tpu.memory_space<vmem>> -> memref<400xi32, #tpu.memory_space<vmem>>
      %dma_start3A_318 = arith.constant 0 : i32
      %dma_start3A_319 = arith.constant 0 : i32
      %dma_start3A_320 = tpu.memref_slice %arg2[%dma_start3A_318, %dma_start3A_319] : memref<10240x8xf32, #tpu.memory_space<hbm>> -> memref<10240x8xf32, #tpu.memory_space<hbm>>
      tpu.enqueue_indirect_dma source(%dma_start3A_320 : memref<10240x8xf32, #tpu.memory_space<hbm>>) target(%dma_start3A_314 : memref<400x8xf32, #tpu.memory_space<vmem>>) offsets(%dma_start3A_317 : memref<400xi32, #tpu.memory_space<vmem>>) semaphore(%arg14 : memref<!tpu.dma_semaphore, #tpu.memory_space<semaphore_mem>>)
    }
    %scan3A_109 = arith.constant 4 : i32
    %dma_wait3A_110 = arith.constant 20 : i32
    %dma_wait3A_111 = arith.constant 0 : i32
    %dma_wait3A_112 = arith.constant 0 : i32
    %dma_wait3A_113 = arith.constant 0 : i32
    %dma_wait3A_114 = tpu.memref_slice %arg8[%dma_wait3A_111, %dma_wait3A_112, %dma_wait3A_113] : memref<5x400x8xf32, #tpu.memory_space<vmem>> -> memref<1x400x8xf32, #tpu.memory_space<vmem>>
    %dma_wait3A_115 = tpu.memref_squeeze %dma_wait3A_114 : memref<1x400x8xf32, #tpu.memory_space<vmem>> -> memref<400x8xf32, #tpu.memory_space<vmem>>
    %dma_wait3A_116 = arith.constant 0 : i32
    %dma_wait3A_117 = tpu.memref_slice %arg6[%dma_wait3A_110, %dma_wait3A_116] : memref<25x400xi32, #tpu.memory_space<vmem>> -> memref<1x400xi32, #tpu.memory_space<vmem>>
    %dma_wait3A_118 = tpu.memref_squeeze %dma_wait3A_117 : memref<1x400xi32, #tpu.memory_space<vmem>> -> memref<400xi32, #tpu.memory_space<vmem>>
    %dma_wait3A_119 = arith.constant 0 : i32
    %dma_wait3A_120 = arith.constant 0 : i32
    %dma_wait3A_121 = tpu.memref_slice %arg2[%dma_wait3A_119, %dma_wait3A_120] : memref<10240x8xf32, #tpu.memory_space<hbm>> -> memref<10240x8xf32, #tpu.memory_space<hbm>>
    tpu.wait_indirect_dma semaphore(%arg10 : memref<!tpu.dma_semaphore, #tpu.memory_space<semaphore_mem>>) src(%dma_wait3A_121 : memref<10240x8xf32, #tpu.memory_space<hbm>>) dst(%dma_wait3A_115 : memref<400x8xf32, #tpu.memory_space<vmem>>)
    %run_scoped3A = arith.constant 0 : i32
    %run_scoped3A_122 = arith.constant 20 : i32
    "tpu.region"() ({
      %run_scoped3A_183 = tpu.sem_alloc : memref<!tpu.dma_semaphore, #tpu.memory_space<semaphore_mem>>
      %dma_start3A_184 = arith.constant 0 : i32
      %dma_start3A_185 = arith.constant 0 : i32
      %dma_start3A_186 = tpu.memref_slice %arg8[%run_scoped3A, %dma_start3A_184, %dma_start3A_185] : memref<5x400x8xf32, #tpu.memory_space<vmem>> -> memref<1x400x8xf32, #tpu.memory_space<vmem>>
      %dma_start3A_187 = tpu.memref_squeeze %dma_start3A_186 : memref<1x400x8xf32, #tpu.memory_space<vmem>> -> memref<400x8xf32, #tpu.memory_space<vmem>>
      %dma_start3A_188 = arith.constant 0 : i32
      %dma_start3A_189 = tpu.memref_slice %arg7[%run_scoped3A_122, %dma_start3A_188] : memref<25x400xi32, #tpu.memory_space<vmem>> -> memref<1x400xi32, #tpu.memory_space<vmem>>
      %dma_start3A_190 = tpu.memref_squeeze %dma_start3A_189 : memref<1x400xi32, #tpu.memory_space<vmem>> -> memref<400xi32, #tpu.memory_space<vmem>>
      %dma_start3A_191 = arith.constant 0 : i32
      %dma_start3A_192 = arith.constant 0 : i32
      %dma_start3A_193 = tpu.memref_slice %arg9[%dma_start3A_191, %dma_start3A_192] : memref<10240x8xf32, #tpu.memory_space<vmem_shared>> -> memref<10240x8xf32, #tpu.memory_space<vmem_shared>>
      tpu.enqueue_indirect_dma source(%dma_start3A_187 : memref<400x8xf32, #tpu.memory_space<vmem>>) target(%dma_start3A_193 : memref<10240x8xf32, #tpu.memory_space<vmem_shared>>) offsets(%dma_start3A_190 : memref<400xi32, #tpu.memory_space<vmem>>) semaphore(%run_scoped3A_183 : memref<!tpu.dma_semaphore, #tpu.memory_space<semaphore_mem>>) {add = true}
      %dma_wait3A_194 = arith.constant 0 : i32
      %dma_wait3A_195 = arith.constant 0 : i32
      %dma_wait3A_196 = tpu.memref_slice %arg8[%run_scoped3A, %dma_wait3A_194, %dma_wait3A_195] : memref<5x400x8xf32, #tpu.memory_space<vmem>> -> memref<1x400x8xf32, #tpu.memory_space<vmem>>
      %dma_wait3A_197 = tpu.memref_squeeze %dma_wait3A_196 : memref<1x400x8xf32, #tpu.memory_space<vmem>> -> memref<400x8xf32, #tpu.memory_space<vmem>>
      %dma_wait3A_198 = arith.constant 0 : i32
      %dma_wait3A_199 = tpu.memref_slice %arg7[%run_scoped3A_122, %dma_wait3A_198] : memref<25x400xi32, #tpu.memory_space<vmem>> -> memref<1x400xi32, #tpu.memory_space<vmem>>
      %dma_wait3A_200 = tpu.memref_squeeze %dma_wait3A_199 : memref<1x400xi32, #tpu.memory_space<vmem>> -> memref<400xi32, #tpu.memory_space<vmem>>
      %dma_wait3A_201 = arith.constant 0 : i32
      %dma_wait3A_202 = arith.constant 0 : i32
      %dma_wait3A_203 = tpu.memref_slice %arg9[%dma_wait3A_201, %dma_wait3A_202] : memref<10240x8xf32, #tpu.memory_space<vmem_shared>> -> memref<10240x8xf32, #tpu.memory_space<vmem_shared>>
      tpu.wait_indirect_dma semaphore(%run_scoped3A_183 : memref<!tpu.dma_semaphore, #tpu.memory_space<semaphore_mem>>) src(%dma_wait3A_197 : memref<400x8xf32, #tpu.memory_space<vmem>>) dst(%dma_wait3A_203 : memref<10240x8xf32, #tpu.memory_space<vmem_shared>>)
      tpu.yield
    }) : () -> ()
    %dma_wait3A_123 = arith.constant 21 : i32
    %dma_wait3A_124 = arith.constant 1 : i32
    %dma_wait3A_125 = arith.constant 0 : i32
    %dma_wait3A_126 = arith.constant 0 : i32
    %dma_wait3A_127 = tpu.memref_slice %arg8[%dma_wait3A_124, %dma_wait3A_125, %dma_wait3A_126] : memref<5x400x8xf32, #tpu.memory_space<vmem>> -> memref<1x400x8xf32, #tpu.memory_space<vmem>>
    %dma_wait3A_128 = tpu.memref_squeeze %dma_wait3A_127 : memref<1x400x8xf32, #tpu.memory_space<vmem>> -> memref<400x8xf32, #tpu.memory_space<vmem>>
    %dma_wait3A_129 = arith.constant 0 : i32
    %dma_wait3A_130 = tpu.memref_slice %arg6[%dma_wait3A_123, %dma_wait3A_129] : memref<25x400xi32, #tpu.memory_space<vmem>> -> memref<1x400xi32, #tpu.memory_space<vmem>>
    %dma_wait3A_131 = tpu.memref_squeeze %dma_wait3A_130 : memref<1x400xi32, #tpu.memory_space<vmem>> -> memref<400xi32, #tpu.memory_space<vmem>>
    %dma_wait3A_132 = arith.constant 0 : i32
    %dma_wait3A_133 = arith.constant 0 : i32
    %dma_wait3A_134 = tpu.memref_slice %arg2[%dma_wait3A_132, %dma_wait3A_133] : memref<10240x8xf32, #tpu.memory_space<hbm>> -> memref<10240x8xf32, #tpu.memory_space<hbm>>
    tpu.wait_indirect_dma semaphore(%arg11 : memref<!tpu.dma_semaphore, #tpu.memory_space<semaphore_mem>>) src(%dma_wait3A_134 : memref<10240x8xf32, #tpu.memory_space<hbm>>) dst(%dma_wait3A_128 : memref<400x8xf32, #tpu.memory_space<vmem>>)
    %run_scoped3A_135 = arith.constant 1 : i32
    %run_scoped3A_136 = arith.constant 21 : i32
    "tpu.region"() ({
      %run_scoped3A_183 = tpu.sem_alloc : memref<!tpu.dma_semaphore, #tpu.memory_space<semaphore_mem>>
      %dma_start3A_184 = arith.constant 0 : i32
      %dma_start3A_185 = arith.constant 0 : i32
      %dma_start3A_186 = tpu.memref_slice %arg8[%run_scoped3A_135, %dma_start3A_184, %dma_start3A_185] : memref<5x400x8xf32, #tpu.memory_space<vmem>> -> memref<1x400x8xf32, #tpu.memory_space<vmem>>
      %dma_start3A_187 = tpu.memref_squeeze %dma_start3A_186 : memref<1x400x8xf32, #tpu.memory_space<vmem>> -> memref<400x8xf32, #tpu.memory_space<vmem>>
      %dma_start3A_188 = arith.constant 0 : i32
      %dma_start3A_189 = tpu.memref_slice %arg7[%run_scoped3A_136, %dma_start3A_188] : memref<25x400xi32, #tpu.memory_space<vmem>> -> memref<1x400xi32, #tpu.memory_space<vmem>>
      %dma_start3A_190 = tpu.memref_squeeze %dma_start3A_189 : memref<1x400xi32, #tpu.memory_space<vmem>> -> memref<400xi32, #tpu.memory_space<vmem>>
      %dma_start3A_191 = arith.constant 0 : i32
      %dma_start3A_192 = arith.constant 0 : i32
      %dma_start3A_193 = tpu.memref_slice %arg9[%dma_start3A_191, %dma_start3A_192] : memref<10240x8xf32, #tpu.memory_space<vmem_shared>> -> memref<10240x8xf32, #tpu.memory_space<vmem_shared>>
      tpu.enqueue_indirect_dma source(%dma_start3A_187 : memref<400x8xf32, #tpu.memory_space<vmem>>) target(%dma_start3A_193 : memref<10240x8xf32, #tpu.memory_space<vmem_shared>>) offsets(%dma_start3A_190 : memref<400xi32, #tpu.memory_space<vmem>>) semaphore(%run_scoped3A_183 : memref<!tpu.dma_semaphore, #tpu.memory_space<semaphore_mem>>) {add = true}
      %dma_wait3A_194 = arith.constant 0 : i32
      %dma_wait3A_195 = arith.constant 0 : i32
      %dma_wait3A_196 = tpu.memref_slice %arg8[%run_scoped3A_135, %dma_wait3A_194, %dma_wait3A_195] : memref<5x400x8xf32, #tpu.memory_space<vmem>> -> memref<1x400x8xf32, #tpu.memory_space<vmem>>
      %dma_wait3A_197 = tpu.memref_squeeze %dma_wait3A_196 : memref<1x400x8xf32, #tpu.memory_space<vmem>> -> memref<400x8xf32, #tpu.memory_space<vmem>>
      %dma_wait3A_198 = arith.constant 0 : i32
      %dma_wait3A_199 = tpu.memref_slice %arg7[%run_scoped3A_136, %dma_wait3A_198] : memref<25x400xi32, #tpu.memory_space<vmem>> -> memref<1x400xi32, #tpu.memory_space<vmem>>
      %dma_wait3A_200 = tpu.memref_squeeze %dma_wait3A_199 : memref<1x400xi32, #tpu.memory_space<vmem>> -> memref<400xi32, #tpu.memory_space<vmem>>
      %dma_wait3A_201 = arith.constant 0 : i32
      %dma_wait3A_202 = arith.constant 0 : i32
      %dma_wait3A_203 = tpu.memref_slice %arg9[%dma_wait3A_201, %dma_wait3A_202] : memref<10240x8xf32, #tpu.memory_space<vmem_shared>> -> memref<10240x8xf32, #tpu.memory_space<vmem_shared>>
      tpu.wait_indirect_dma semaphore(%run_scoped3A_183 : memref<!tpu.dma_semaphore, #tpu.memory_space<semaphore_mem>>) src(%dma_wait3A_197 : memref<400x8xf32, #tpu.memory_space<vmem>>) dst(%dma_wait3A_203 : memref<10240x8xf32, #tpu.memory_space<vmem_shared>>)
      tpu.yield
    }) : () -> ()
    %dma_wait3A_137 = arith.constant 22 : i32
    %dma_wait3A_138 = arith.constant 2 : i32
    %dma_wait3A_139 = arith.constant 0 : i32
    %dma_wait3A_140 = arith.constant 0 : i32
    %dma_wait3A_141 = tpu.memref_slice %arg8[%dma_wait3A_138, %dma_wait3A_139, %dma_wait3A_140] : memref<5x400x8xf32, #tpu.memory_space<vmem>> -> memref<1x400x8xf32, #tpu.memory_space<vmem>>
    %dma_wait3A_142 = tpu.memref_squeeze %dma_wait3A_141 : memref<1x400x8xf32, #tpu.memory_space<vmem>> -> memref<400x8xf32, #tpu.memory_space<vmem>>
    %dma_wait3A_143 = arith.constant 0 : i32
    %dma_wait3A_144 = tpu.memref_slice %arg6[%dma_wait3A_137, %dma_wait3A_143] : memref<25x400xi32, #tpu.memory_space<vmem>> -> memref<1x400xi32, #tpu.memory_space<vmem>>
    %dma_wait3A_145 = tpu.memref_squeeze %dma_wait3A_144 : memref<1x400xi32, #tpu.memory_space<vmem>> -> memref<400xi32, #tpu.memory_space<vmem>>
    %dma_wait3A_146 = arith.constant 0 : i32
    %dma_wait3A_147 = arith.constant 0 : i32
    %dma_wait3A_148 = tpu.memref_slice %arg2[%dma_wait3A_146, %dma_wait3A_147] : memref<10240x8xf32, #tpu.memory_space<hbm>> -> memref<10240x8xf32, #tpu.memory_space<hbm>>
    tpu.wait_indirect_dma semaphore(%arg12 : memref<!tpu.dma_semaphore, #tpu.memory_space<semaphore_mem>>) src(%dma_wait3A_148 : memref<10240x8xf32, #tpu.memory_space<hbm>>) dst(%dma_wait3A_142 : memref<400x8xf32, #tpu.memory_space<vmem>>)
    %run_scoped3A_149 = arith.constant 2 : i32
    %run_scoped3A_150 = arith.constant 22 : i32
    "tpu.region"() ({
      %run_scoped3A_183 = tpu.sem_alloc : memref<!tpu.dma_semaphore, #tpu.memory_space<semaphore_mem>>
      %dma_start3A_184 = arith.constant 0 : i32
      %dma_start3A_185 = arith.constant 0 : i32
      %dma_start3A_186 = tpu.memref_slice %arg8[%run_scoped3A_149, %dma_start3A_184, %dma_start3A_185] : memref<5x400x8xf32, #tpu.memory_space<vmem>> -> memref<1x400x8xf32, #tpu.memory_space<vmem>>
      %dma_start3A_187 = tpu.memref_squeeze %dma_start3A_186 : memref<1x400x8xf32, #tpu.memory_space<vmem>> -> memref<400x8xf32, #tpu.memory_space<vmem>>
      %dma_start3A_188 = arith.constant 0 : i32
      %dma_start3A_189 = tpu.memref_slice %arg7[%run_scoped3A_150, %dma_start3A_188] : memref<25x400xi32, #tpu.memory_space<vmem>> -> memref<1x400xi32, #tpu.memory_space<vmem>>
      %dma_start3A_190 = tpu.memref_squeeze %dma_start3A_189 : memref<1x400xi32, #tpu.memory_space<vmem>> -> memref<400xi32, #tpu.memory_space<vmem>>
      %dma_start3A_191 = arith.constant 0 : i32
      %dma_start3A_192 = arith.constant 0 : i32
      %dma_start3A_193 = tpu.memref_slice %arg9[%dma_start3A_191, %dma_start3A_192] : memref<10240x8xf32, #tpu.memory_space<vmem_shared>> -> memref<10240x8xf32, #tpu.memory_space<vmem_shared>>
      tpu.enqueue_indirect_dma source(%dma_start3A_187 : memref<400x8xf32, #tpu.memory_space<vmem>>) target(%dma_start3A_193 : memref<10240x8xf32, #tpu.memory_space<vmem_shared>>) offsets(%dma_start3A_190 : memref<400xi32, #tpu.memory_space<vmem>>) semaphore(%run_scoped3A_183 : memref<!tpu.dma_semaphore, #tpu.memory_space<semaphore_mem>>) {add = true}
      %dma_wait3A_194 = arith.constant 0 : i32
      %dma_wait3A_195 = arith.constant 0 : i32
      %dma_wait3A_196 = tpu.memref_slice %arg8[%run_scoped3A_149, %dma_wait3A_194, %dma_wait3A_195] : memref<5x400x8xf32, #tpu.memory_space<vmem>> -> memref<1x400x8xf32, #tpu.memory_space<vmem>>
      %dma_wait3A_197 = tpu.memref_squeeze %dma_wait3A_196 : memref<1x400x8xf32, #tpu.memory_space<vmem>> -> memref<400x8xf32, #tpu.memory_space<vmem>>
      %dma_wait3A_198 = arith.constant 0 : i32
      %dma_wait3A_199 = tpu.memref_slice %arg7[%run_scoped3A_150, %dma_wait3A_198] : memref<25x400xi32, #tpu.memory_space<vmem>> -> memref<1x400xi32, #tpu.memory_space<vmem>>
      %dma_wait3A_200 = tpu.memref_squeeze %dma_wait3A_199 : memref<1x400xi32, #tpu.memory_space<vmem>> -> memref<400xi32, #tpu.memory_space<vmem>>
      %dma_wait3A_201 = arith.constant 0 : i32
      %dma_wait3A_202 = arith.constant 0 : i32
      %dma_wait3A_203 = tpu.memref_slice %arg9[%dma_wait3A_201, %dma_wait3A_202] : memref<10240x8xf32, #tpu.memory_space<vmem_shared>> -> memref<10240x8xf32, #tpu.memory_space<vmem_shared>>
      tpu.wait_indirect_dma semaphore(%run_scoped3A_183 : memref<!tpu.dma_semaphore, #tpu.memory_space<semaphore_mem>>) src(%dma_wait3A_197 : memref<400x8xf32, #tpu.memory_space<vmem>>) dst(%dma_wait3A_203 : memref<10240x8xf32, #tpu.memory_space<vmem_shared>>)
      tpu.yield
    }) : () -> ()
    %dma_wait3A_151 = arith.constant 23 : i32
    %dma_wait3A_152 = arith.constant 3 : i32
    %dma_wait3A_153 = arith.constant 0 : i32
    %dma_wait3A_154 = arith.constant 0 : i32
    %dma_wait3A_155 = tpu.memref_slice %arg8[%dma_wait3A_152, %dma_wait3A_153, %dma_wait3A_154] : memref<5x400x8xf32, #tpu.memory_space<vmem>> -> memref<1x400x8xf32, #tpu.memory_space<vmem>>
    %dma_wait3A_156 = tpu.memref_squeeze %dma_wait3A_155 : memref<1x400x8xf32, #tpu.memory_space<vmem>> -> memref<400x8xf32, #tpu.memory_space<vmem>>
    %dma_wait3A_157 = arith.constant 0 : i32
    %dma_wait3A_158 = tpu.memref_slice %arg6[%dma_wait3A_151, %dma_wait3A_157] : memref<25x400xi32, #tpu.memory_space<vmem>> -> memref<1x400xi32, #tpu.memory_space<vmem>>
    %dma_wait3A_159 = tpu.memref_squeeze %dma_wait3A_158 : memref<1x400xi32, #tpu.memory_space<vmem>> -> memref<400xi32, #tpu.memory_space<vmem>>
    %dma_wait3A_160 = arith.constant 0 : i32
    %dma_wait3A_161 = arith.constant 0 : i32
    %dma_wait3A_162 = tpu.memref_slice %arg2[%dma_wait3A_160, %dma_wait3A_161] : memref<10240x8xf32, #tpu.memory_space<hbm>> -> memref<10240x8xf32, #tpu.memory_space<hbm>>
    tpu.wait_indirect_dma semaphore(%arg13 : memref<!tpu.dma_semaphore, #tpu.memory_space<semaphore_mem>>) src(%dma_wait3A_162 : memref<10240x8xf32, #tpu.memory_space<hbm>>) dst(%dma_wait3A_156 : memref<400x8xf32, #tpu.memory_space<vmem>>)
    %run_scoped3A_163 = arith.constant 3 : i32
    %run_scoped3A_164 = arith.constant 23 : i32
    "tpu.region"() ({
      %run_scoped3A_183 = tpu.sem_alloc : memref<!tpu.dma_semaphore, #tpu.memory_space<semaphore_mem>>
      %dma_start3A_184 = arith.constant 0 : i32
      %dma_start3A_185 = arith.constant 0 : i32
      %dma_start3A_186 = tpu.memref_slice %arg8[%run_scoped3A_163, %dma_start3A_184, %dma_start3A_185] : memref<5x400x8xf32, #tpu.memory_space<vmem>> -> memref<1x400x8xf32, #tpu.memory_space<vmem>>
      %dma_start3A_187 = tpu.memref_squeeze %dma_start3A_186 : memref<1x400x8xf32, #tpu.memory_space<vmem>> -> memref<400x8xf32, #tpu.memory_space<vmem>>
      %dma_start3A_188 = arith.constant 0 : i32
      %dma_start3A_189 = tpu.memref_slice %arg7[%run_scoped3A_164, %dma_start3A_188] : memref<25x400xi32, #tpu.memory_space<vmem>> -> memref<1x400xi32, #tpu.memory_space<vmem>>
      %dma_start3A_190 = tpu.memref_squeeze %dma_start3A_189 : memref<1x400xi32, #tpu.memory_space<vmem>> -> memref<400xi32, #tpu.memory_space<vmem>>
      %dma_start3A_191 = arith.constant 0 : i32
      %dma_start3A_192 = arith.constant 0 : i32
      %dma_start3A_193 = tpu.memref_slice %arg9[%dma_start3A_191, %dma_start3A_192] : memref<10240x8xf32, #tpu.memory_space<vmem_shared>> -> memref<10240x8xf32, #tpu.memory_space<vmem_shared>>
      tpu.enqueue_indirect_dma source(%dma_start3A_187 : memref<400x8xf32, #tpu.memory_space<vmem>>) target(%dma_start3A_193 : memref<10240x8xf32, #tpu.memory_space<vmem_shared>>) offsets(%dma_start3A_190 : memref<400xi32, #tpu.memory_space<vmem>>) semaphore(%run_scoped3A_183 : memref<!tpu.dma_semaphore, #tpu.memory_space<semaphore_mem>>) {add = true}
      %dma_wait3A_194 = arith.constant 0 : i32
      %dma_wait3A_195 = arith.constant 0 : i32
      %dma_wait3A_196 = tpu.memref_slice %arg8[%run_scoped3A_163, %dma_wait3A_194, %dma_wait3A_195] : memref<5x400x8xf32, #tpu.memory_space<vmem>> -> memref<1x400x8xf32, #tpu.memory_space<vmem>>
      %dma_wait3A_197 = tpu.memref_squeeze %dma_wait3A_196 : memref<1x400x8xf32, #tpu.memory_space<vmem>> -> memref<400x8xf32, #tpu.memory_space<vmem>>
      %dma_wait3A_198 = arith.constant 0 : i32
      %dma_wait3A_199 = tpu.memref_slice %arg7[%run_scoped3A_164, %dma_wait3A_198] : memref<25x400xi32, #tpu.memory_space<vmem>> -> memref<1x400xi32, #tpu.memory_space<vmem>>
      %dma_wait3A_200 = tpu.memref_squeeze %dma_wait3A_199 : memref<1x400xi32, #tpu.memory_space<vmem>> -> memref<400xi32, #tpu.memory_space<vmem>>
      %dma_wait3A_201 = arith.constant 0 : i32
      %dma_wait3A_202 = arith.constant 0 : i32
      %dma_wait3A_203 = tpu.memref_slice %arg9[%dma_wait3A_201, %dma_wait3A_202] : memref<10240x8xf32, #tpu.memory_space<vmem_shared>> -> memref<10240x8xf32, #tpu.memory_space<vmem_shared>>
      tpu.wait_indirect_dma semaphore(%run_scoped3A_183 : memref<!tpu.dma_semaphore, #tpu.memory_space<semaphore_mem>>) src(%dma_wait3A_197 : memref<400x8xf32, #tpu.memory_space<vmem>>) dst(%dma_wait3A_203 : memref<10240x8xf32, #tpu.memory_space<vmem_shared>>)
      tpu.yield
    }) : () -> ()
    %dma_wait3A_165 = arith.constant 24 : i32
    %dma_wait3A_166 = arith.constant 4 : i32
    %dma_wait3A_167 = arith.constant 0 : i32
    %dma_wait3A_168 = arith.constant 0 : i32
    %dma_wait3A_169 = tpu.memref_slice %arg8[%dma_wait3A_166, %dma_wait3A_167, %dma_wait3A_168] : memref<5x400x8xf32, #tpu.memory_space<vmem>> -> memref<1x400x8xf32, #tpu.memory_space<vmem>>
    %dma_wait3A_170 = tpu.memref_squeeze %dma_wait3A_169 : memref<1x400x8xf32, #tpu.memory_space<vmem>> -> memref<400x8xf32, #tpu.memory_space<vmem>>
    %dma_wait3A_171 = arith.constant 0 : i32
    %dma_wait3A_172 = tpu.memref_slice %arg6[%dma_wait3A_165, %dma_wait3A_171] : memref<25x400xi32, #tpu.memory_space<vmem>> -> memref<1x400xi32, #tpu.memory_space<vmem>>
    %dma_wait3A_173 = tpu.memref_squeeze %dma_wait3A_172 : memref<1x400xi32, #tpu.memory_space<vmem>> -> memref<400xi32, #tpu.memory_space<vmem>>
    %dma_wait3A_174 = arith.constant 0 : i32
    %dma_wait3A_175 = arith.constant 0 : i32
    %dma_wait3A_176 = tpu.memref_slice %arg2[%dma_wait3A_174, %dma_wait3A_175] : memref<10240x8xf32, #tpu.memory_space<hbm>> -> memref<10240x8xf32, #tpu.memory_space<hbm>>
    tpu.wait_indirect_dma semaphore(%arg14 : memref<!tpu.dma_semaphore, #tpu.memory_space<semaphore_mem>>) src(%dma_wait3A_176 : memref<10240x8xf32, #tpu.memory_space<hbm>>) dst(%dma_wait3A_170 : memref<400x8xf32, #tpu.memory_space<vmem>>)
    %run_scoped3A_177 = arith.constant 4 : i32
    %run_scoped3A_178 = arith.constant 24 : i32
    "tpu.region"() ({
      %run_scoped3A_183 = tpu.sem_alloc : memref<!tpu.dma_semaphore, #tpu.memory_space<semaphore_mem>>
      %dma_start3A_184 = arith.constant 0 : i32
      %dma_start3A_185 = arith.constant 0 : i32
      %dma_start3A_186 = tpu.memref_slice %arg8[%run_scoped3A_177, %dma_start3A_184, %dma_start3A_185] : memref<5x400x8xf32, #tpu.memory_space<vmem>> -> memref<1x400x8xf32, #tpu.memory_space<vmem>>
      %dma_start3A_187 = tpu.memref_squeeze %dma_start3A_186 : memref<1x400x8xf32, #tpu.memory_space<vmem>> -> memref<400x8xf32, #tpu.memory_space<vmem>>
      %dma_start3A_188 = arith.constant 0 : i32
      %dma_start3A_189 = tpu.memref_slice %arg7[%run_scoped3A_178, %dma_start3A_188] : memref<25x400xi32, #tpu.memory_space<vmem>> -> memref<1x400xi32, #tpu.memory_space<vmem>>
      %dma_start3A_190 = tpu.memref_squeeze %dma_start3A_189 : memref<1x400xi32, #tpu.memory_space<vmem>> -> memref<400xi32, #tpu.memory_space<vmem>>
      %dma_start3A_191 = arith.constant 0 : i32
      %dma_start3A_192 = arith.constant 0 : i32
      %dma_start3A_193 = tpu.memref_slice %arg9[%dma_start3A_191, %dma_start3A_192] : memref<10240x8xf32, #tpu.memory_space<vmem_shared>> -> memref<10240x8xf32, #tpu.memory_space<vmem_shared>>
      tpu.enqueue_indirect_dma source(%dma_start3A_187 : memref<400x8xf32, #tpu.memory_space<vmem>>) target(%dma_start3A_193 : memref<10240x8xf32, #tpu.memory_space<vmem_shared>>) offsets(%dma_start3A_190 : memref<400xi32, #tpu.memory_space<vmem>>) semaphore(%run_scoped3A_183 : memref<!tpu.dma_semaphore, #tpu.memory_space<semaphore_mem>>) {add = true}
      %dma_wait3A_194 = arith.constant 0 : i32
      %dma_wait3A_195 = arith.constant 0 : i32
      %dma_wait3A_196 = tpu.memref_slice %arg8[%run_scoped3A_177, %dma_wait3A_194, %dma_wait3A_195] : memref<5x400x8xf32, #tpu.memory_space<vmem>> -> memref<1x400x8xf32, #tpu.memory_space<vmem>>
      %dma_wait3A_197 = tpu.memref_squeeze %dma_wait3A_196 : memref<1x400x8xf32, #tpu.memory_space<vmem>> -> memref<400x8xf32, #tpu.memory_space<vmem>>
      %dma_wait3A_198 = arith.constant 0 : i32
      %dma_wait3A_199 = tpu.memref_slice %arg7[%run_scoped3A_178, %dma_wait3A_198] : memref<25x400xi32, #tpu.memory_space<vmem>> -> memref<1x400xi32, #tpu.memory_space<vmem>>
      %dma_wait3A_200 = tpu.memref_squeeze %dma_wait3A_199 : memref<1x400xi32, #tpu.memory_space<vmem>> -> memref<400xi32, #tpu.memory_space<vmem>>
      %dma_wait3A_201 = arith.constant 0 : i32
      %dma_wait3A_202 = arith.constant 0 : i32
      %dma_wait3A_203 = tpu.memref_slice %arg9[%dma_wait3A_201, %dma_wait3A_202] : memref<10240x8xf32, #tpu.memory_space<vmem_shared>> -> memref<10240x8xf32, #tpu.memory_space<vmem_shared>>
      tpu.wait_indirect_dma semaphore(%run_scoped3A_183 : memref<!tpu.dma_semaphore, #tpu.memory_space<semaphore_mem>>) src(%dma_wait3A_197 : memref<400x8xf32, #tpu.memory_space<vmem>>) dst(%dma_wait3A_203 : memref<10240x8xf32, #tpu.memory_space<vmem_shared>>)
      tpu.yield
    }) : () -> ()
    %barrier3A_179 = arith.constant 0 : index
    tpu.barrier barrier_id(%barrier3A_179)
    %mul3A_180 = arith.constant 10240 : i32
    %mul3A_181 = arith.muli %arg0, %mul3A_180 : i32
    %add3A_182 = arith.addi %mul3A_181, %mul3A_2 : i32
    "tpu.region"() ({
      %run_scoped3A_183 = tpu.sem_alloc : memref<!tpu.dma_semaphore, #tpu.memory_space<semaphore_mem>>
      %dma_start3A_184 = arith.constant 0 : i32
      %dma_start3A_185 = tpu.memref_slice %arg5[%add3A_182, %dma_start3A_184] : memref<20480x8xf32, #tpu.memory_space<hbm>> -> memref<640x8xf32, #tpu.memory_space<hbm>>
      %dma_start3A_186 = arith.constant 0 : i32
      %dma_start3A_187 = tpu.memref_slice %arg9[%mul3A_2, %dma_start3A_186] : memref<10240x8xf32, #tpu.memory_space<vmem_shared>> -> memref<640x8xf32, #tpu.memory_space<vmem_shared>>
      tpu.enqueue_dma source(%dma_start3A_187 : memref<640x8xf32, #tpu.memory_space<vmem_shared>>) target(%dma_start3A_185 : memref<640x8xf32, #tpu.memory_space<hbm>>) target_semaphore(%run_scoped3A_183 : memref<!tpu.dma_semaphore, #tpu.memory_space<semaphore_mem>>)
      %dma_wait3A_188 = arith.constant 0 : i32
      %dma_wait3A_189 = tpu.memref_slice %arg5[%add3A_182, %dma_wait3A_188] : memref<20480x8xf32, #tpu.memory_space<hbm>> -> memref<640x8xf32, #tpu.memory_space<hbm>>
      %dma_wait3A_190 = arith.constant 0 : i32
      %dma_wait3A_191 = tpu.memref_slice %arg9[%mul3A_2, %dma_wait3A_190] : memref<10240x8xf32, #tpu.memory_space<vmem_shared>> -> memref<640x8xf32, #tpu.memory_space<vmem_shared>>
      tpu.wait_dma2 semaphore(%run_scoped3A_183 : memref<!tpu.dma_semaphore, #tpu.memory_space<semaphore_mem>>) src(%dma_wait3A_191 : memref<640x8xf32, #tpu.memory_space<vmem_shared>>) dst(%dma_wait3A_189 : memref<640x8xf32, #tpu.memory_space<hbm>>)
      tpu.yield
    }) : () -> ()
    return
  }
}

#map = affine_map<(d0, d1) -> (0, 0)>
#map1 = affine_map<(d0, d1) -> (0, 0, 0, 0)>
module attributes {stable_mosaic.version = 14 : i64} {
  func.func @_prop_body(%arg0: i32, %arg1: i32, %arg2: memref<10240x8xf32, #tpu.memory_space<hbm>>, %arg3: memref<2x32x25x400xi32, #tpu.memory_space<hbm>>, %arg4: memref<10240x8xf32, #tpu.memory_space<hbm>>, %arg5: memref<20480x8xf32, #tpu.memory_space<hbm>>, %arg6: memref<25x400xi32, #tpu.memory_space<vmem>>, %arg7: memref<25x400xi32, #tpu.memory_space<vmem>>, %arg8: memref<5x400x8xf32, #tpu.memory_space<vmem>>, %arg9: memref<10240x8xf32, #tpu.memory_space<vmem_shared>>, %arg10: memref<!tpu.dma_semaphore, #tpu.memory_space<semaphore_mem>>, %arg11: memref<!tpu.dma_semaphore, #tpu.memory_space<semaphore_mem>>, %arg12: memref<!tpu.dma_semaphore, #tpu.memory_space<semaphore_mem>>, %arg13: memref<!tpu.dma_semaphore, #tpu.memory_space<semaphore_mem>>, %arg14: memref<!tpu.dma_semaphore, #tpu.memory_space<semaphore_mem>>) attributes {dimension_semantics = [#tpu.dimension_semantics<core_parallel>, #tpu.dimension_semantics<subcore_parallel>], iteration_bounds = array<i64: 2, 16>, scalar_prefetch = 0 : i64, scratch_operands = 9 : i64, tpu.core_type = #tpu.core_type<sc_vector_subcore>, window_params = [{transform_indices = #map}, {transform_indices = #map1}, {transform_indices = #map}, {transform_indices = #map}]} {
    %mul3A = arith.constant 16 : i32
    %mul3A_0 = arith.muli %arg0, %mul3A : i32
    %add3A = arith.addi %mul3A_0, %arg1 : i32
    %mul3A_1 = arith.constant 640 : i32
    %mul3A_2 = arith.muli %arg1, %mul3A_1 : i32
    %dma_start3A = arith.constant 0 : i32
    %dma_start3A_3 = tpu.memref_slice %arg9[%mul3A_2, %dma_start3A] : memref<10240x8xf32, #tpu.memory_space<vmem_shared>> -> memref<640x8xf32, #tpu.memory_space<vmem_shared>>
    %dma_start3A_4 = arith.constant 0 : i32
    %dma_start3A_5 = tpu.memref_slice %arg4[%mul3A_2, %dma_start3A_4] : memref<10240x8xf32, #tpu.memory_space<hbm>> -> memref<640x8xf32, #tpu.memory_space<hbm>>
    tpu.enqueue_dma source(%dma_start3A_5 : memref<640x8xf32, #tpu.memory_space<hbm>>) target(%dma_start3A_3 : memref<640x8xf32, #tpu.memory_space<vmem_shared>>) target_semaphore(%arg10 : memref<!tpu.dma_semaphore, #tpu.memory_space<semaphore_mem>>)
    %dma_start3A_6 = arith.constant 0 : i32
    %dma_start3A_7 = arith.constant 0 : i32
    %dma_start3A_8 = arith.constant 0 : i32
    %dma_start3A_9 = tpu.memref_slice %arg3[%dma_start3A_6, %add3A, %dma_start3A_7, %dma_start3A_8] : memref<2x32x25x400xi32, #tpu.memory_space<hbm>> -> memref<1x1x25x400xi32, #tpu.memory_space<hbm>>
    %dma_start3A_10 = tpu.memref_squeeze %dma_start3A_9 : memref<1x1x25x400xi32, #tpu.memory_space<hbm>> -> memref<25x400xi32, #tpu.memory_space<hbm>>
    %dma_start3A_11 = arith.constant 0 : i32
    %dma_start3A_12 = arith.constant 0 : i32
    %dma_start3A_13 = tpu.memref_slice %arg3[%dma_start3A_6, %add3A, %dma_start3A_11, %dma_start3A_12] : memref<2x32x25x400xi32, #tpu.memory_space<hbm>> -> memref<1x1x25x400xi32, #tpu.memory_space<hbm>>
    %dma_start3A_14 = tpu.memref_squeeze %dma_start3A_13 : memref<1x1x25x400xi32, #tpu.memory_space<hbm>> -> memref<25x400xi32, #tpu.memory_space<hbm>>
    tpu.enqueue_dma source(%dma_start3A_14 : memref<25x400xi32, #tpu.memory_space<hbm>>) target(%arg6 : memref<25x400xi32, #tpu.memory_space<vmem>>) target_semaphore(%arg11 : memref<!tpu.dma_semaphore, #tpu.memory_space<semaphore_mem>>)
    %dma_start3A_15 = arith.constant 1 : i32
    %dma_start3A_16 = arith.constant 0 : i32
    %dma_start3A_17 = arith.constant 0 : i32
    %dma_start3A_18 = tpu.memref_slice %arg3[%dma_start3A_15, %add3A, %dma_start3A_16, %dma_start3A_17] : memref<2x32x25x400xi32, #tpu.memory_space<hbm>> -> memref<1x1x25x400xi32, #tpu.memory_space<hbm>>
    %dma_start3A_19 = tpu.memref_squeeze %dma_start3A_18 : memref<1x1x25x400xi32, #tpu.memory_space<hbm>> -> memref<25x400xi32, #tpu.memory_space<hbm>>
    %dma_start3A_20 = arith.constant 0 : i32
    %dma_start3A_21 = arith.constant 0 : i32
    %dma_start3A_22 = tpu.memref_slice %arg3[%dma_start3A_15, %add3A, %dma_start3A_20, %dma_start3A_21] : memref<2x32x25x400xi32, #tpu.memory_space<hbm>> -> memref<1x1x25x400xi32, #tpu.memory_space<hbm>>
    %dma_start3A_23 = tpu.memref_squeeze %dma_start3A_22 : memref<1x1x25x400xi32, #tpu.memory_space<hbm>> -> memref<25x400xi32, #tpu.memory_space<hbm>>
    tpu.enqueue_dma source(%dma_start3A_23 : memref<25x400xi32, #tpu.memory_space<hbm>>) target(%arg7 : memref<25x400xi32, #tpu.memory_space<vmem>>) target_semaphore(%arg12 : memref<!tpu.dma_semaphore, #tpu.memory_space<semaphore_mem>>)
    %dma_wait3A = arith.constant 0 : i32
    %dma_wait3A_24 = tpu.memref_slice %arg9[%mul3A_2, %dma_wait3A] : memref<10240x8xf32, #tpu.memory_space<vmem_shared>> -> memref<640x8xf32, #tpu.memory_space<vmem_shared>>
    %dma_wait3A_25 = arith.constant 0 : i32
    %dma_wait3A_26 = tpu.memref_slice %arg4[%mul3A_2, %dma_wait3A_25] : memref<10240x8xf32, #tpu.memory_space<hbm>> -> memref<640x8xf32, #tpu.memory_space<hbm>>
    tpu.wait_dma2 semaphore(%arg10 : memref<!tpu.dma_semaphore, #tpu.memory_space<semaphore_mem>>) src(%dma_wait3A_26 : memref<640x8xf32, #tpu.memory_space<hbm>>) dst(%dma_wait3A_24 : memref<640x8xf32, #tpu.memory_space<vmem_shared>>)
    %dma_wait3A_27 = arith.constant 0 : i32
    %dma_wait3A_28 = arith.constant 0 : i32
    %dma_wait3A_29 = arith.constant 0 : i32
    %dma_wait3A_30 = tpu.memref_slice %arg3[%dma_wait3A_27, %add3A, %dma_wait3A_28, %dma_wait3A_29] : memref<2x32x25x400xi32, #tpu.memory_space<hbm>> -> memref<1x1x25x400xi32, #tpu.memory_space<hbm>>
    %dma_wait3A_31 = tpu.memref_squeeze %dma_wait3A_30 : memref<1x1x25x400xi32, #tpu.memory_space<hbm>> -> memref<25x400xi32, #tpu.memory_space<hbm>>
    %dma_wait3A_32 = arith.constant 0 : i32
    %dma_wait3A_33 = arith.constant 0 : i32
    %dma_wait3A_34 = tpu.memref_slice %arg3[%dma_wait3A_27, %add3A, %dma_wait3A_32, %dma_wait3A_33] : memref<2x32x25x400xi32, #tpu.memory_space<hbm>> -> memref<1x1x25x400xi32, #tpu.memory_space<hbm>>
    %dma_wait3A_35 = tpu.memref_squeeze %dma_wait3A_34 : memref<1x1x25x400xi32, #tpu.memory_space<hbm>> -> memref<25x400xi32, #tpu.memory_space<hbm>>
    tpu.wait_dma2 semaphore(%arg11 : memref<!tpu.dma_semaphore, #tpu.memory_space<semaphore_mem>>) src(%dma_wait3A_35 : memref<25x400xi32, #tpu.memory_space<hbm>>) dst(%arg6 : memref<25x400xi32, #tpu.memory_space<vmem>>)
    %dma_wait3A_36 = arith.constant 1 : i32
    %dma_wait3A_37 = arith.constant 0 : i32
    %dma_wait3A_38 = arith.constant 0 : i32
    %dma_wait3A_39 = tpu.memref_slice %arg3[%dma_wait3A_36, %add3A, %dma_wait3A_37, %dma_wait3A_38] : memref<2x32x25x400xi32, #tpu.memory_space<hbm>> -> memref<1x1x25x400xi32, #tpu.memory_space<hbm>>
    %dma_wait3A_40 = tpu.memref_squeeze %dma_wait3A_39 : memref<1x1x25x400xi32, #tpu.memory_space<hbm>> -> memref<25x400xi32, #tpu.memory_space<hbm>>
    %dma_wait3A_41 = arith.constant 0 : i32
    %dma_wait3A_42 = arith.constant 0 : i32
    %dma_wait3A_43 = tpu.memref_slice %arg3[%dma_wait3A_36, %add3A, %dma_wait3A_41, %dma_wait3A_42] : memref<2x32x25x400xi32, #tpu.memory_space<hbm>> -> memref<1x1x25x400xi32, #tpu.memory_space<hbm>>
    %dma_wait3A_44 = tpu.memref_squeeze %dma_wait3A_43 : memref<1x1x25x400xi32, #tpu.memory_space<hbm>> -> memref<25x400xi32, #tpu.memory_space<hbm>>
    tpu.wait_dma2 semaphore(%arg12 : memref<!tpu.dma_semaphore, #tpu.memory_space<semaphore_mem>>) src(%dma_wait3A_44 : memref<25x400xi32, #tpu.memory_space<hbm>>) dst(%arg7 : memref<25x400xi32, #tpu.memory_space<vmem>>)
    %barrier3A = arith.constant 0 : index
    tpu.barrier barrier_id(%barrier3A)
    %dma_start3A_45 = arith.constant 0 : i32
    %dma_start3A_46 = arith.constant 0 : i32
    %dma_start3A_47 = arith.constant 0 : i32
    %dma_start3A_48 = arith.constant 0 : i32
    %dma_start3A_49 = tpu.memref_slice %arg8[%dma_start3A_46, %dma_start3A_47, %dma_start3A_48] : memref<5x400x8xf32, #tpu.memory_space<vmem>> -> memref<1x400x8xf32, #tpu.memory_space<vmem>>
    %dma_start3A_50 = tpu.memref_squeeze %dma_start3A_49 : memref<1x400x8xf32, #tpu.memory_space<vmem>> -> memref<400x8xf32, #tpu.memory_space<vmem>>
    %dma_start3A_51 = arith.constant 0 : i32
    %dma_start3A_52 = tpu.memref_slice %arg6[%dma_start3A_45, %dma_start3A_51] : memref<25x400xi32, #tpu.memory_space<vmem>> -> memref<1x400xi32, #tpu.memory_space<vmem>>
    %dma_start3A_53 = tpu.memref_squeeze %dma_start3A_52 : memref<1x400xi32, #tpu.memory_space<vmem>> -> memref<400xi32, #tpu.memory_space<vmem>>
    %dma_start3A_54 = arith.constant 0 : i32
    %dma_start3A_55 = arith.constant 0 : i32
    %dma_start3A_56 = tpu.memref_slice %arg2[%dma_start3A_54, %dma_start3A_55] : memref<10240x8xf32, #tpu.memory_space<hbm>> -> memref<10240x8xf32, #tpu.memory_space<hbm>>
    tpu.enqueue_indirect_dma source(%dma_start3A_56 : memref<10240x8xf32, #tpu.memory_space<hbm>>) target(%dma_start3A_50 : memref<400x8xf32, #tpu.memory_space<vmem>>) offsets(%dma_start3A_53 : memref<400xi32, #tpu.memory_space<vmem>>) semaphore(%arg10 : memref<!tpu.dma_semaphore, #tpu.memory_space<semaphore_mem>>)
    %dma_start3A_57 = arith.constant 1 : i32
    %dma_start3A_58 = arith.constant 1 : i32
    %dma_start3A_59 = arith.constant 0 : i32
    %dma_start3A_60 = arith.constant 0 : i32
    %dma_start3A_61 = tpu.memref_slice %arg8[%dma_start3A_58, %dma_start3A_59, %dma_start3A_60] : memref<5x400x8xf32, #tpu.memory_space<vmem>> -> memref<1x400x8xf32, #tpu.memory_space<vmem>>
    %dma_start3A_62 = tpu.memref_squeeze %dma_start3A_61 : memref<1x400x8xf32, #tpu.memory_space<vmem>> -> memref<400x8xf32, #tpu.memory_space<vmem>>
    %dma_start3A_63 = arith.constant 0 : i32
    %dma_start3A_64 = tpu.memref_slice %arg6[%dma_start3A_57, %dma_start3A_63] : memref<25x400xi32, #tpu.memory_space<vmem>> -> memref<1x400xi32, #tpu.memory_space<vmem>>
    %dma_start3A_65 = tpu.memref_squeeze %dma_start3A_64 : memref<1x400xi32, #tpu.memory_space<vmem>> -> memref<400xi32, #tpu.memory_space<vmem>>
    %dma_start3A_66 = arith.constant 0 : i32
    %dma_start3A_67 = arith.constant 0 : i32
    %dma_start3A_68 = tpu.memref_slice %arg2[%dma_start3A_66, %dma_start3A_67] : memref<10240x8xf32, #tpu.memory_space<hbm>> -> memref<10240x8xf32, #tpu.memory_space<hbm>>
    tpu.enqueue_indirect_dma source(%dma_start3A_68 : memref<10240x8xf32, #tpu.memory_space<hbm>>) target(%dma_start3A_62 : memref<400x8xf32, #tpu.memory_space<vmem>>) offsets(%dma_start3A_65 : memref<400xi32, #tpu.memory_space<vmem>>) semaphore(%arg11 : memref<!tpu.dma_semaphore, #tpu.memory_space<semaphore_mem>>)
    %dma_start3A_69 = arith.constant 2 : i32
    %dma_start3A_70 = arith.constant 2 : i32
    %dma_start3A_71 = arith.constant 0 : i32
    %dma_start3A_72 = arith.constant 0 : i32
    %dma_start3A_73 = tpu.memref_slice %arg8[%dma_start3A_70, %dma_start3A_71, %dma_start3A_72] : memref<5x400x8xf32, #tpu.memory_space<vmem>> -> memref<1x400x8xf32, #tpu.memory_space<vmem>>
    %dma_start3A_74 = tpu.memref_squeeze %dma_start3A_73 : memref<1x400x8xf32, #tpu.memory_space<vmem>> -> memref<400x8xf32, #tpu.memory_space<vmem>>
    %dma_start3A_75 = arith.constant 0 : i32
    %dma_start3A_76 = tpu.memref_slice %arg6[%dma_start3A_69, %dma_start3A_75] : memref<25x400xi32, #tpu.memory_space<vmem>> -> memref<1x400xi32, #tpu.memory_space<vmem>>
    %dma_start3A_77 = tpu.memref_squeeze %dma_start3A_76 : memref<1x400xi32, #tpu.memory_space<vmem>> -> memref<400xi32, #tpu.memory_space<vmem>>
    %dma_start3A_78 = arith.constant 0 : i32
    %dma_start3A_79 = arith.constant 0 : i32
    %dma_start3A_80 = tpu.memref_slice %arg2[%dma_start3A_78, %dma_start3A_79] : memref<10240x8xf32, #tpu.memory_space<hbm>> -> memref<10240x8xf32, #tpu.memory_space<hbm>>
    tpu.enqueue_indirect_dma source(%dma_start3A_80 : memref<10240x8xf32, #tpu.memory_space<hbm>>) target(%dma_start3A_74 : memref<400x8xf32, #tpu.memory_space<vmem>>) offsets(%dma_start3A_77 : memref<400xi32, #tpu.memory_space<vmem>>) semaphore(%arg12 : memref<!tpu.dma_semaphore, #tpu.memory_space<semaphore_mem>>)
    %dma_start3A_81 = arith.constant 3 : i32
    %dma_start3A_82 = arith.constant 3 : i32
    %dma_start3A_83 = arith.constant 0 : i32
    %dma_start3A_84 = arith.constant 0 : i32
    %dma_start3A_85 = tpu.memref_slice %arg8[%dma_start3A_82, %dma_start3A_83, %dma_start3A_84] : memref<5x400x8xf32, #tpu.memory_space<vmem>> -> memref<1x400x8xf32, #tpu.memory_space<vmem>>
    %dma_start3A_86 = tpu.memref_squeeze %dma_start3A_85 : memref<1x400x8xf32, #tpu.memory_space<vmem>> -> memref<400x8xf32, #tpu.memory_space<vmem>>
    %dma_start3A_87 = arith.constant 0 : i32
    %dma_start3A_88 = tpu.memref_slice %arg6[%dma_start3A_81, %dma_start3A_87] : memref<25x400xi32, #tpu.memory_space<vmem>> -> memref<1x400xi32, #tpu.memory_space<vmem>>
    %dma_start3A_89 = tpu.memref_squeeze %dma_start3A_88 : memref<1x400xi32, #tpu.memory_space<vmem>> -> memref<400xi32, #tpu.memory_space<vmem>>
    %dma_start3A_90 = arith.constant 0 : i32
    %dma_start3A_91 = arith.constant 0 : i32
    %dma_start3A_92 = tpu.memref_slice %arg2[%dma_start3A_90, %dma_start3A_91] : memref<10240x8xf32, #tpu.memory_space<hbm>> -> memref<10240x8xf32, #tpu.memory_space<hbm>>
    tpu.enqueue_indirect_dma source(%dma_start3A_92 : memref<10240x8xf32, #tpu.memory_space<hbm>>) target(%dma_start3A_86 : memref<400x8xf32, #tpu.memory_space<vmem>>) offsets(%dma_start3A_89 : memref<400xi32, #tpu.memory_space<vmem>>) semaphore(%arg13 : memref<!tpu.dma_semaphore, #tpu.memory_space<semaphore_mem>>)
    %dma_start3A_93 = arith.constant 4 : i32
    %dma_start3A_94 = arith.constant 4 : i32
    %dma_start3A_95 = arith.constant 0 : i32
    %dma_start3A_96 = arith.constant 0 : i32
    %dma_start3A_97 = tpu.memref_slice %arg8[%dma_start3A_94, %dma_start3A_95, %dma_start3A_96] : memref<5x400x8xf32, #tpu.memory_space<vmem>> -> memref<1x400x8xf32, #tpu.memory_space<vmem>>
    %dma_start3A_98 = tpu.memref_squeeze %dma_start3A_97 : memref<1x400x8xf32, #tpu.memory_space<vmem>> -> memref<400x8xf32, #tpu.memory_space<vmem>>
    %dma_start3A_99 = arith.constant 0 : i32
    %dma_start3A_100 = tpu.memref_slice %arg6[%dma_start3A_93, %dma_start3A_99] : memref<25x400xi32, #tpu.memory_space<vmem>> -> memref<1x400xi32, #tpu.memory_space<vmem>>
    %dma_start3A_101 = tpu.memref_squeeze %dma_start3A_100 : memref<1x400xi32, #tpu.memory_space<vmem>> -> memref<400xi32, #tpu.memory_space<vmem>>
    %dma_start3A_102 = arith.constant 0 : i32
    %dma_start3A_103 = arith.constant 0 : i32
    %dma_start3A_104 = tpu.memref_slice %arg2[%dma_start3A_102, %dma_start3A_103] : memref<10240x8xf32, #tpu.memory_space<hbm>> -> memref<10240x8xf32, #tpu.memory_space<hbm>>
    tpu.enqueue_indirect_dma source(%dma_start3A_104 : memref<10240x8xf32, #tpu.memory_space<hbm>>) target(%dma_start3A_98 : memref<400x8xf32, #tpu.memory_space<vmem>>) offsets(%dma_start3A_101 : memref<400xi32, #tpu.memory_space<vmem>>) semaphore(%arg14 : memref<!tpu.dma_semaphore, #tpu.memory_space<semaphore_mem>>)
    %scan3A = arith.constant 0 : i32
    %scan3A_105 = arith.constant 0 : i32
    %scan3A_106 = arith.constant 4 : i32
    %scan3A_107 = arith.addi %scan3A_105, %scan3A_106 : i32
    %scan3A_108 = arith.constant 1 : i32
    scf.for %scan3A_183 = %scan3A_105 to %scan3A_107 step %scan3A_108  : i32 {
      %mul3A_184 = arith.constant 5 : i32
      %mul3A_185 = arith.muli %scan3A_183, %mul3A_184 : i32
      %add3A_186 = arith.constant 0 : i32
      %add3A_187 = arith.addi %mul3A_185, %add3A_186 : i32
      %dma_wait3A_188 = arith.constant 0 : i32
      %dma_wait3A_189 = arith.constant 0 : i32
      %dma_wait3A_190 = arith.constant 0 : i32
      %dma_wait3A_191 = tpu.memref_slice %arg8[%dma_wait3A_188, %dma_wait3A_189, %dma_wait3A_190] : memref<5x400x8xf32, #tpu.memory_space<vmem>> -> memref<1x400x8xf32, #tpu.memory_space<vmem>>
      %dma_wait3A_192 = tpu.memref_squeeze %dma_wait3A_191 : memref<1x400x8xf32, #tpu.memory_space<vmem>> -> memref<400x8xf32, #tpu.memory_space<vmem>>
      %dma_wait3A_193 = arith.constant 0 : i32
      %dma_wait3A_194 = tpu.memref_slice %arg6[%add3A_187, %dma_wait3A_193] : memref<25x400xi32, #tpu.memory_space<vmem>> -> memref<1x400xi32, #tpu.memory_space<vmem>>
      %dma_wait3A_195 = tpu.memref_squeeze %dma_wait3A_194 : memref<1x400xi32, #tpu.memory_space<vmem>> -> memref<400xi32, #tpu.memory_space<vmem>>
      %dma_wait3A_196 = arith.constant 0 : i32
      %dma_wait3A_197 = arith.constant 0 : i32
      %dma_wait3A_198 = tpu.memref_slice %arg2[%dma_wait3A_196, %dma_wait3A_197] : memref<10240x8xf32, #tpu.memory_space<hbm>> -> memref<10240x8xf32, #tpu.memory_space<hbm>>
      tpu.wait_indirect_dma semaphore(%arg10 : memref<!tpu.dma_semaphore, #tpu.memory_space<semaphore_mem>>) src(%dma_wait3A_198 : memref<10240x8xf32, #tpu.memory_space<hbm>>) dst(%dma_wait3A_192 : memref<400x8xf32, #tpu.memory_space<vmem>>)
      %run_scoped3A_199 = arith.constant 0 : i32
      "tpu.region"() ({
        %run_scoped3A_321 = tpu.sem_alloc : memref<!tpu.dma_semaphore, #tpu.memory_space<semaphore_mem>>
        %dma_start3A_322 = arith.constant 0 : i32
        %dma_start3A_323 = arith.constant 0 : i32
        %dma_start3A_324 = tpu.memref_slice %arg8[%run_scoped3A_199, %dma_start3A_322, %dma_start3A_323] : memref<5x400x8xf32, #tpu.memory_space<vmem>> -> memref<1x400x8xf32, #tpu.memory_space<vmem>>
        %dma_start3A_325 = tpu.memref_squeeze %dma_start3A_324 : memref<1x400x8xf32, #tpu.memory_space<vmem>> -> memref<400x8xf32, #tpu.memory_space<vmem>>
        %dma_start3A_326 = arith.constant 0 : i32
        %dma_start3A_327 = tpu.memref_slice %arg7[%add3A_187, %dma_start3A_326] : memref<25x400xi32, #tpu.memory_space<vmem>> -> memref<1x400xi32, #tpu.memory_space<vmem>>
        %dma_start3A_328 = tpu.memref_squeeze %dma_start3A_327 : memref<1x400xi32, #tpu.memory_space<vmem>> -> memref<400xi32, #tpu.memory_space<vmem>>
        %dma_start3A_329 = arith.constant 0 : i32
        %dma_start3A_330 = arith.constant 0 : i32
        %dma_start3A_331 = tpu.memref_slice %arg9[%dma_start3A_329, %dma_start3A_330] : memref<10240x8xf32, #tpu.memory_space<vmem_shared>> -> memref<10240x8xf32, #tpu.memory_space<vmem_shared>>
        tpu.enqueue_indirect_dma source(%dma_start3A_325 : memref<400x8xf32, #tpu.memory_space<vmem>>) target(%dma_start3A_331 : memref<10240x8xf32, #tpu.memory_space<vmem_shared>>) offsets(%dma_start3A_328 : memref<400xi32, #tpu.memory_space<vmem>>) semaphore(%run_scoped3A_321 : memref<!tpu.dma_semaphore, #tpu.memory_space<semaphore_mem>>) {add = true}
        %dma_wait3A_332 = arith.constant 0 : i32
        %dma_wait3A_333 = arith.constant 0 : i32
        %dma_wait3A_334 = tpu.memref_slice %arg8[%run_scoped3A_199, %dma_wait3A_332, %dma_wait3A_333] : memref<5x400x8xf32, #tpu.memory_space<vmem>> -> memref<1x400x8xf32, #tpu.memory_space<vmem>>
        %dma_wait3A_335 = tpu.memref_squeeze %dma_wait3A_334 : memref<1x400x8xf32, #tpu.memory_space<vmem>> -> memref<400x8xf32, #tpu.memory_space<vmem>>
        %dma_wait3A_336 = arith.constant 0 : i32
        %dma_wait3A_337 = tpu.memref_slice %arg7[%add3A_187, %dma_wait3A_336] : memref<25x400xi32, #tpu.memory_space<vmem>> -> memref<1x400xi32, #tpu.memory_space<vmem>>
        %dma_wait3A_338 = tpu.memref_squeeze %dma_wait3A_337 : memref<1x400xi32, #tpu.memory_space<vmem>> -> memref<400xi32, #tpu.memory_space<vmem>>
        %dma_wait3A_339 = arith.constant 0 : i32
        %dma_wait3A_340 = arith.constant 0 : i32
        %dma_wait3A_341 = tpu.memref_slice %arg9[%dma_wait3A_339, %dma_wait3A_340] : memref<10240x8xf32, #tpu.memory_space<vmem_shared>> -> memref<10240x8xf32, #tpu.memory_space<vmem_shared>>
        tpu.wait_indirect_dma semaphore(%run_scoped3A_321 : memref<!tpu.dma_semaphore, #tpu.memory_space<semaphore_mem>>) src(%dma_wait3A_335 : memref<400x8xf32, #tpu.memory_space<vmem>>) dst(%dma_wait3A_341 : memref<10240x8xf32, #tpu.memory_space<vmem_shared>>)
        tpu.yield
      }) : () -> ()
      %add3A_200 = arith.constant 5 : i32
      %add3A_201 = arith.addi %add3A_187, %add3A_200 : i32
      %dma_start3A_202 = arith.constant 0 : i32
      %dma_start3A_203 = arith.constant 0 : i32
      %dma_start3A_204 = arith.constant 0 : i32
      %dma_start3A_205 = tpu.memref_slice %arg8[%dma_start3A_202, %dma_start3A_203, %dma_start3A_204] : memref<5x400x8xf32, #tpu.memory_space<vmem>> -> memref<1x400x8xf32, #tpu.memory_space<vmem>>
      %dma_start3A_206 = tpu.memref_squeeze %dma_start3A_205 : memref<1x400x8xf32, #tpu.memory_space<vmem>> -> memref<400x8xf32, #tpu.memory_space<vmem>>
      %dma_start3A_207 = arith.constant 0 : i32
      %dma_start3A_208 = tpu.memref_slice %arg6[%add3A_201, %dma_start3A_207] : memref<25x400xi32, #tpu.memory_space<vmem>> -> memref<1x400xi32, #tpu.memory_space<vmem>>
      %dma_start3A_209 = tpu.memref_squeeze %dma_start3A_208 : memref<1x400xi32, #tpu.memory_space<vmem>> -> memref<400xi32, #tpu.memory_space<vmem>>
      %dma_start3A_210 = arith.constant 0 : i32
      %dma_start3A_211 = arith.constant 0 : i32
      %dma_start3A_212 = tpu.memref_slice %arg2[%dma_start3A_210, %dma_start3A_211] : memref<10240x8xf32, #tpu.memory_space<hbm>> -> memref<10240x8xf32, #tpu.memory_space<hbm>>
      tpu.enqueue_indirect_dma source(%dma_start3A_212 : memref<10240x8xf32, #tpu.memory_space<hbm>>) target(%dma_start3A_206 : memref<400x8xf32, #tpu.memory_space<vmem>>) offsets(%dma_start3A_209 : memref<400xi32, #tpu.memory_space<vmem>>) semaphore(%arg10 : memref<!tpu.dma_semaphore, #tpu.memory_space<semaphore_mem>>)
      %add3A_213 = arith.constant 1 : i32
      %add3A_214 = arith.addi %mul3A_185, %add3A_213 : i32
      %dma_wait3A_215 = arith.constant 1 : i32
      %dma_wait3A_216 = arith.constant 0 : i32
      %dma_wait3A_217 = arith.constant 0 : i32
      %dma_wait3A_218 = tpu.memref_slice %arg8[%dma_wait3A_215, %dma_wait3A_216, %dma_wait3A_217] : memref<5x400x8xf32, #tpu.memory_space<vmem>> -> memref<1x400x8xf32, #tpu.memory_space<vmem>>
      %dma_wait3A_219 = tpu.memref_squeeze %dma_wait3A_218 : memref<1x400x8xf32, #tpu.memory_space<vmem>> -> memref<400x8xf32, #tpu.memory_space<vmem>>
      %dma_wait3A_220 = arith.constant 0 : i32
      %dma_wait3A_221 = tpu.memref_slice %arg6[%add3A_214, %dma_wait3A_220] : memref<25x400xi32, #tpu.memory_space<vmem>> -> memref<1x400xi32, #tpu.memory_space<vmem>>
      %dma_wait3A_222 = tpu.memref_squeeze %dma_wait3A_221 : memref<1x400xi32, #tpu.memory_space<vmem>> -> memref<400xi32, #tpu.memory_space<vmem>>
      %dma_wait3A_223 = arith.constant 0 : i32
      %dma_wait3A_224 = arith.constant 0 : i32
      %dma_wait3A_225 = tpu.memref_slice %arg2[%dma_wait3A_223, %dma_wait3A_224] : memref<10240x8xf32, #tpu.memory_space<hbm>> -> memref<10240x8xf32, #tpu.memory_space<hbm>>
      tpu.wait_indirect_dma semaphore(%arg11 : memref<!tpu.dma_semaphore, #tpu.memory_space<semaphore_mem>>) src(%dma_wait3A_225 : memref<10240x8xf32, #tpu.memory_space<hbm>>) dst(%dma_wait3A_219 : memref<400x8xf32, #tpu.memory_space<vmem>>)
      %run_scoped3A_226 = arith.constant 1 : i32
      "tpu.region"() ({
        %run_scoped3A_321 = tpu.sem_alloc : memref<!tpu.dma_semaphore, #tpu.memory_space<semaphore_mem>>
        %dma_start3A_322 = arith.constant 0 : i32
        %dma_start3A_323 = arith.constant 0 : i32
        %dma_start3A_324 = tpu.memref_slice %arg8[%run_scoped3A_226, %dma_start3A_322, %dma_start3A_323] : memref<5x400x8xf32, #tpu.memory_space<vmem>> -> memref<1x400x8xf32, #tpu.memory_space<vmem>>
        %dma_start3A_325 = tpu.memref_squeeze %dma_start3A_324 : memref<1x400x8xf32, #tpu.memory_space<vmem>> -> memref<400x8xf32, #tpu.memory_space<vmem>>
        %dma_start3A_326 = arith.constant 0 : i32
        %dma_start3A_327 = tpu.memref_slice %arg7[%add3A_214, %dma_start3A_326] : memref<25x400xi32, #tpu.memory_space<vmem>> -> memref<1x400xi32, #tpu.memory_space<vmem>>
        %dma_start3A_328 = tpu.memref_squeeze %dma_start3A_327 : memref<1x400xi32, #tpu.memory_space<vmem>> -> memref<400xi32, #tpu.memory_space<vmem>>
        %dma_start3A_329 = arith.constant 0 : i32
        %dma_start3A_330 = arith.constant 0 : i32
        %dma_start3A_331 = tpu.memref_slice %arg9[%dma_start3A_329, %dma_start3A_330] : memref<10240x8xf32, #tpu.memory_space<vmem_shared>> -> memref<10240x8xf32, #tpu.memory_space<vmem_shared>>
        tpu.enqueue_indirect_dma source(%dma_start3A_325 : memref<400x8xf32, #tpu.memory_space<vmem>>) target(%dma_start3A_331 : memref<10240x8xf32, #tpu.memory_space<vmem_shared>>) offsets(%dma_start3A_328 : memref<400xi32, #tpu.memory_space<vmem>>) semaphore(%run_scoped3A_321 : memref<!tpu.dma_semaphore, #tpu.memory_space<semaphore_mem>>) {add = true}
        %dma_wait3A_332 = arith.constant 0 : i32
        %dma_wait3A_333 = arith.constant 0 : i32
        %dma_wait3A_334 = tpu.memref_slice %arg8[%run_scoped3A_226, %dma_wait3A_332, %dma_wait3A_333] : memref<5x400x8xf32, #tpu.memory_space<vmem>> -> memref<1x400x8xf32, #tpu.memory_space<vmem>>
        %dma_wait3A_335 = tpu.memref_squeeze %dma_wait3A_334 : memref<1x400x8xf32, #tpu.memory_space<vmem>> -> memref<400x8xf32, #tpu.memory_space<vmem>>
        %dma_wait3A_336 = arith.constant 0 : i32
        %dma_wait3A_337 = tpu.memref_slice %arg7[%add3A_214, %dma_wait3A_336] : memref<25x400xi32, #tpu.memory_space<vmem>> -> memref<1x400xi32, #tpu.memory_space<vmem>>
        %dma_wait3A_338 = tpu.memref_squeeze %dma_wait3A_337 : memref<1x400xi32, #tpu.memory_space<vmem>> -> memref<400xi32, #tpu.memory_space<vmem>>
        %dma_wait3A_339 = arith.constant 0 : i32
        %dma_wait3A_340 = arith.constant 0 : i32
        %dma_wait3A_341 = tpu.memref_slice %arg9[%dma_wait3A_339, %dma_wait3A_340] : memref<10240x8xf32, #tpu.memory_space<vmem_shared>> -> memref<10240x8xf32, #tpu.memory_space<vmem_shared>>
        tpu.wait_indirect_dma semaphore(%run_scoped3A_321 : memref<!tpu.dma_semaphore, #tpu.memory_space<semaphore_mem>>) src(%dma_wait3A_335 : memref<400x8xf32, #tpu.memory_space<vmem>>) dst(%dma_wait3A_341 : memref<10240x8xf32, #tpu.memory_space<vmem_shared>>)
        tpu.yield
      }) : () -> ()
      %add3A_227 = arith.constant 5 : i32
      %add3A_228 = arith.addi %add3A_214, %add3A_227 : i32
      %dma_start3A_229 = arith.constant 1 : i32
      %dma_start3A_230 = arith.constant 0 : i32
      %dma_start3A_231 = arith.constant 0 : i32
      %dma_start3A_232 = tpu.memref_slice %arg8[%dma_start3A_229, %dma_start3A_230, %dma_start3A_231] : memref<5x400x8xf32, #tpu.memory_space<vmem>> -> memref<1x400x8xf32, #tpu.memory_space<vmem>>
      %dma_start3A_233 = tpu.memref_squeeze %dma_start3A_232 : memref<1x400x8xf32, #tpu.memory_space<vmem>> -> memref<400x8xf32, #tpu.memory_space<vmem>>
      %dma_start3A_234 = arith.constant 0 : i32
      %dma_start3A_235 = tpu.memref_slice %arg6[%add3A_228, %dma_start3A_234] : memref<25x400xi32, #tpu.memory_space<vmem>> -> memref<1x400xi32, #tpu.memory_space<vmem>>
      %dma_start3A_236 = tpu.memref_squeeze %dma_start3A_235 : memref<1x400xi32, #tpu.memory_space<vmem>> -> memref<400xi32, #tpu.memory_space<vmem>>
      %dma_start3A_237 = arith.constant 0 : i32
      %dma_start3A_238 = arith.constant 0 : i32
      %dma_start3A_239 = tpu.memref_slice %arg2[%dma_start3A_237, %dma_start3A_238] : memref<10240x8xf32, #tpu.memory_space<hbm>> -> memref<10240x8xf32, #tpu.memory_space<hbm>>
      tpu.enqueue_indirect_dma source(%dma_start3A_239 : memref<10240x8xf32, #tpu.memory_space<hbm>>) target(%dma_start3A_233 : memref<400x8xf32, #tpu.memory_space<vmem>>) offsets(%dma_start3A_236 : memref<400xi32, #tpu.memory_space<vmem>>) semaphore(%arg11 : memref<!tpu.dma_semaphore, #tpu.memory_space<semaphore_mem>>)
      %add3A_240 = arith.constant 2 : i32
      %add3A_241 = arith.addi %mul3A_185, %add3A_240 : i32
      %dma_wait3A_242 = arith.constant 2 : i32
      %dma_wait3A_243 = arith.constant 0 : i32
      %dma_wait3A_244 = arith.constant 0 : i32
      %dma_wait3A_245 = tpu.memref_slice %arg8[%dma_wait3A_242, %dma_wait3A_243, %dma_wait3A_244] : memref<5x400x8xf32, #tpu.memory_space<vmem>> -> memref<1x400x8xf32, #tpu.memory_space<vmem>>
      %dma_wait3A_246 = tpu.memref_squeeze %dma_wait3A_245 : memref<1x400x8xf32, #tpu.memory_space<vmem>> -> memref<400x8xf32, #tpu.memory_space<vmem>>
      %dma_wait3A_247 = arith.constant 0 : i32
      %dma_wait3A_248 = tpu.memref_slice %arg6[%add3A_241, %dma_wait3A_247] : memref<25x400xi32, #tpu.memory_space<vmem>> -> memref<1x400xi32, #tpu.memory_space<vmem>>
      %dma_wait3A_249 = tpu.memref_squeeze %dma_wait3A_248 : memref<1x400xi32, #tpu.memory_space<vmem>> -> memref<400xi32, #tpu.memory_space<vmem>>
      %dma_wait3A_250 = arith.constant 0 : i32
      %dma_wait3A_251 = arith.constant 0 : i32
      %dma_wait3A_252 = tpu.memref_slice %arg2[%dma_wait3A_250, %dma_wait3A_251] : memref<10240x8xf32, #tpu.memory_space<hbm>> -> memref<10240x8xf32, #tpu.memory_space<hbm>>
      tpu.wait_indirect_dma semaphore(%arg12 : memref<!tpu.dma_semaphore, #tpu.memory_space<semaphore_mem>>) src(%dma_wait3A_252 : memref<10240x8xf32, #tpu.memory_space<hbm>>) dst(%dma_wait3A_246 : memref<400x8xf32, #tpu.memory_space<vmem>>)
      %run_scoped3A_253 = arith.constant 2 : i32
      "tpu.region"() ({
        %run_scoped3A_321 = tpu.sem_alloc : memref<!tpu.dma_semaphore, #tpu.memory_space<semaphore_mem>>
        %dma_start3A_322 = arith.constant 0 : i32
        %dma_start3A_323 = arith.constant 0 : i32
        %dma_start3A_324 = tpu.memref_slice %arg8[%run_scoped3A_253, %dma_start3A_322, %dma_start3A_323] : memref<5x400x8xf32, #tpu.memory_space<vmem>> -> memref<1x400x8xf32, #tpu.memory_space<vmem>>
        %dma_start3A_325 = tpu.memref_squeeze %dma_start3A_324 : memref<1x400x8xf32, #tpu.memory_space<vmem>> -> memref<400x8xf32, #tpu.memory_space<vmem>>
        %dma_start3A_326 = arith.constant 0 : i32
        %dma_start3A_327 = tpu.memref_slice %arg7[%add3A_241, %dma_start3A_326] : memref<25x400xi32, #tpu.memory_space<vmem>> -> memref<1x400xi32, #tpu.memory_space<vmem>>
        %dma_start3A_328 = tpu.memref_squeeze %dma_start3A_327 : memref<1x400xi32, #tpu.memory_space<vmem>> -> memref<400xi32, #tpu.memory_space<vmem>>
        %dma_start3A_329 = arith.constant 0 : i32
        %dma_start3A_330 = arith.constant 0 : i32
        %dma_start3A_331 = tpu.memref_slice %arg9[%dma_start3A_329, %dma_start3A_330] : memref<10240x8xf32, #tpu.memory_space<vmem_shared>> -> memref<10240x8xf32, #tpu.memory_space<vmem_shared>>
        tpu.enqueue_indirect_dma source(%dma_start3A_325 : memref<400x8xf32, #tpu.memory_space<vmem>>) target(%dma_start3A_331 : memref<10240x8xf32, #tpu.memory_space<vmem_shared>>) offsets(%dma_start3A_328 : memref<400xi32, #tpu.memory_space<vmem>>) semaphore(%run_scoped3A_321 : memref<!tpu.dma_semaphore, #tpu.memory_space<semaphore_mem>>) {add = true}
        %dma_wait3A_332 = arith.constant 0 : i32
        %dma_wait3A_333 = arith.constant 0 : i32
        %dma_wait3A_334 = tpu.memref_slice %arg8[%run_scoped3A_253, %dma_wait3A_332, %dma_wait3A_333] : memref<5x400x8xf32, #tpu.memory_space<vmem>> -> memref<1x400x8xf32, #tpu.memory_space<vmem>>
        %dma_wait3A_335 = tpu.memref_squeeze %dma_wait3A_334 : memref<1x400x8xf32, #tpu.memory_space<vmem>> -> memref<400x8xf32, #tpu.memory_space<vmem>>
        %dma_wait3A_336 = arith.constant 0 : i32
        %dma_wait3A_337 = tpu.memref_slice %arg7[%add3A_241, %dma_wait3A_336] : memref<25x400xi32, #tpu.memory_space<vmem>> -> memref<1x400xi32, #tpu.memory_space<vmem>>
        %dma_wait3A_338 = tpu.memref_squeeze %dma_wait3A_337 : memref<1x400xi32, #tpu.memory_space<vmem>> -> memref<400xi32, #tpu.memory_space<vmem>>
        %dma_wait3A_339 = arith.constant 0 : i32
        %dma_wait3A_340 = arith.constant 0 : i32
        %dma_wait3A_341 = tpu.memref_slice %arg9[%dma_wait3A_339, %dma_wait3A_340] : memref<10240x8xf32, #tpu.memory_space<vmem_shared>> -> memref<10240x8xf32, #tpu.memory_space<vmem_shared>>
        tpu.wait_indirect_dma semaphore(%run_scoped3A_321 : memref<!tpu.dma_semaphore, #tpu.memory_space<semaphore_mem>>) src(%dma_wait3A_335 : memref<400x8xf32, #tpu.memory_space<vmem>>) dst(%dma_wait3A_341 : memref<10240x8xf32, #tpu.memory_space<vmem_shared>>)
        tpu.yield
      }) : () -> ()
      %add3A_254 = arith.constant 5 : i32
      %add3A_255 = arith.addi %add3A_241, %add3A_254 : i32
      %dma_start3A_256 = arith.constant 2 : i32
      %dma_start3A_257 = arith.constant 0 : i32
      %dma_start3A_258 = arith.constant 0 : i32
      %dma_start3A_259 = tpu.memref_slice %arg8[%dma_start3A_256, %dma_start3A_257, %dma_start3A_258] : memref<5x400x8xf32, #tpu.memory_space<vmem>> -> memref<1x400x8xf32, #tpu.memory_space<vmem>>
      %dma_start3A_260 = tpu.memref_squeeze %dma_start3A_259 : memref<1x400x8xf32, #tpu.memory_space<vmem>> -> memref<400x8xf32, #tpu.memory_space<vmem>>
      %dma_start3A_261 = arith.constant 0 : i32
      %dma_start3A_262 = tpu.memref_slice %arg6[%add3A_255, %dma_start3A_261] : memref<25x400xi32, #tpu.memory_space<vmem>> -> memref<1x400xi32, #tpu.memory_space<vmem>>
      %dma_start3A_263 = tpu.memref_squeeze %dma_start3A_262 : memref<1x400xi32, #tpu.memory_space<vmem>> -> memref<400xi32, #tpu.memory_space<vmem>>
      %dma_start3A_264 = arith.constant 0 : i32
      %dma_start3A_265 = arith.constant 0 : i32
      %dma_start3A_266 = tpu.memref_slice %arg2[%dma_start3A_264, %dma_start3A_265] : memref<10240x8xf32, #tpu.memory_space<hbm>> -> memref<10240x8xf32, #tpu.memory_space<hbm>>
      tpu.enqueue_indirect_dma source(%dma_start3A_266 : memref<10240x8xf32, #tpu.memory_space<hbm>>) target(%dma_start3A_260 : memref<400x8xf32, #tpu.memory_space<vmem>>) offsets(%dma_start3A_263 : memref<400xi32, #tpu.memory_space<vmem>>) semaphore(%arg12 : memref<!tpu.dma_semaphore, #tpu.memory_space<semaphore_mem>>)
      %add3A_267 = arith.constant 3 : i32
      %add3A_268 = arith.addi %mul3A_185, %add3A_267 : i32
      %dma_wait3A_269 = arith.constant 3 : i32
      %dma_wait3A_270 = arith.constant 0 : i32
      %dma_wait3A_271 = arith.constant 0 : i32
      %dma_wait3A_272 = tpu.memref_slice %arg8[%dma_wait3A_269, %dma_wait3A_270, %dma_wait3A_271] : memref<5x400x8xf32, #tpu.memory_space<vmem>> -> memref<1x400x8xf32, #tpu.memory_space<vmem>>
      %dma_wait3A_273 = tpu.memref_squeeze %dma_wait3A_272 : memref<1x400x8xf32, #tpu.memory_space<vmem>> -> memref<400x8xf32, #tpu.memory_space<vmem>>
      %dma_wait3A_274 = arith.constant 0 : i32
      %dma_wait3A_275 = tpu.memref_slice %arg6[%add3A_268, %dma_wait3A_274] : memref<25x400xi32, #tpu.memory_space<vmem>> -> memref<1x400xi32, #tpu.memory_space<vmem>>
      %dma_wait3A_276 = tpu.memref_squeeze %dma_wait3A_275 : memref<1x400xi32, #tpu.memory_space<vmem>> -> memref<400xi32, #tpu.memory_space<vmem>>
      %dma_wait3A_277 = arith.constant 0 : i32
      %dma_wait3A_278 = arith.constant 0 : i32
      %dma_wait3A_279 = tpu.memref_slice %arg2[%dma_wait3A_277, %dma_wait3A_278] : memref<10240x8xf32, #tpu.memory_space<hbm>> -> memref<10240x8xf32, #tpu.memory_space<hbm>>
      tpu.wait_indirect_dma semaphore(%arg13 : memref<!tpu.dma_semaphore, #tpu.memory_space<semaphore_mem>>) src(%dma_wait3A_279 : memref<10240x8xf32, #tpu.memory_space<hbm>>) dst(%dma_wait3A_273 : memref<400x8xf32, #tpu.memory_space<vmem>>)
      %run_scoped3A_280 = arith.constant 3 : i32
      "tpu.region"() ({
        %run_scoped3A_321 = tpu.sem_alloc : memref<!tpu.dma_semaphore, #tpu.memory_space<semaphore_mem>>
        %dma_start3A_322 = arith.constant 0 : i32
        %dma_start3A_323 = arith.constant 0 : i32
        %dma_start3A_324 = tpu.memref_slice %arg8[%run_scoped3A_280, %dma_start3A_322, %dma_start3A_323] : memref<5x400x8xf32, #tpu.memory_space<vmem>> -> memref<1x400x8xf32, #tpu.memory_space<vmem>>
        %dma_start3A_325 = tpu.memref_squeeze %dma_start3A_324 : memref<1x400x8xf32, #tpu.memory_space<vmem>> -> memref<400x8xf32, #tpu.memory_space<vmem>>
        %dma_start3A_326 = arith.constant 0 : i32
        %dma_start3A_327 = tpu.memref_slice %arg7[%add3A_268, %dma_start3A_326] : memref<25x400xi32, #tpu.memory_space<vmem>> -> memref<1x400xi32, #tpu.memory_space<vmem>>
        %dma_start3A_328 = tpu.memref_squeeze %dma_start3A_327 : memref<1x400xi32, #tpu.memory_space<vmem>> -> memref<400xi32, #tpu.memory_space<vmem>>
        %dma_start3A_329 = arith.constant 0 : i32
        %dma_start3A_330 = arith.constant 0 : i32
        %dma_start3A_331 = tpu.memref_slice %arg9[%dma_start3A_329, %dma_start3A_330] : memref<10240x8xf32, #tpu.memory_space<vmem_shared>> -> memref<10240x8xf32, #tpu.memory_space<vmem_shared>>
        tpu.enqueue_indirect_dma source(%dma_start3A_325 : memref<400x8xf32, #tpu.memory_space<vmem>>) target(%dma_start3A_331 : memref<10240x8xf32, #tpu.memory_space<vmem_shared>>) offsets(%dma_start3A_328 : memref<400xi32, #tpu.memory_space<vmem>>) semaphore(%run_scoped3A_321 : memref<!tpu.dma_semaphore, #tpu.memory_space<semaphore_mem>>) {add = true}
        %dma_wait3A_332 = arith.constant 0 : i32
        %dma_wait3A_333 = arith.constant 0 : i32
        %dma_wait3A_334 = tpu.memref_slice %arg8[%run_scoped3A_280, %dma_wait3A_332, %dma_wait3A_333] : memref<5x400x8xf32, #tpu.memory_space<vmem>> -> memref<1x400x8xf32, #tpu.memory_space<vmem>>
        %dma_wait3A_335 = tpu.memref_squeeze %dma_wait3A_334 : memref<1x400x8xf32, #tpu.memory_space<vmem>> -> memref<400x8xf32, #tpu.memory_space<vmem>>
        %dma_wait3A_336 = arith.constant 0 : i32
        %dma_wait3A_337 = tpu.memref_slice %arg7[%add3A_268, %dma_wait3A_336] : memref<25x400xi32, #tpu.memory_space<vmem>> -> memref<1x400xi32, #tpu.memory_space<vmem>>
        %dma_wait3A_338 = tpu.memref_squeeze %dma_wait3A_337 : memref<1x400xi32, #tpu.memory_space<vmem>> -> memref<400xi32, #tpu.memory_space<vmem>>
        %dma_wait3A_339 = arith.constant 0 : i32
        %dma_wait3A_340 = arith.constant 0 : i32
        %dma_wait3A_341 = tpu.memref_slice %arg9[%dma_wait3A_339, %dma_wait3A_340] : memref<10240x8xf32, #tpu.memory_space<vmem_shared>> -> memref<10240x8xf32, #tpu.memory_space<vmem_shared>>
        tpu.wait_indirect_dma semaphore(%run_scoped3A_321 : memref<!tpu.dma_semaphore, #tpu.memory_space<semaphore_mem>>) src(%dma_wait3A_335 : memref<400x8xf32, #tpu.memory_space<vmem>>) dst(%dma_wait3A_341 : memref<10240x8xf32, #tpu.memory_space<vmem_shared>>)
        tpu.yield
      }) : () -> ()
      %add3A_281 = arith.constant 5 : i32
      %add3A_282 = arith.addi %add3A_268, %add3A_281 : i32
      %dma_start3A_283 = arith.constant 3 : i32
      %dma_start3A_284 = arith.constant 0 : i32
      %dma_start3A_285 = arith.constant 0 : i32
      %dma_start3A_286 = tpu.memref_slice %arg8[%dma_start3A_283, %dma_start3A_284, %dma_start3A_285] : memref<5x400x8xf32, #tpu.memory_space<vmem>> -> memref<1x400x8xf32, #tpu.memory_space<vmem>>
      %dma_start3A_287 = tpu.memref_squeeze %dma_start3A_286 : memref<1x400x8xf32, #tpu.memory_space<vmem>> -> memref<400x8xf32, #tpu.memory_space<vmem>>
      %dma_start3A_288 = arith.constant 0 : i32
      %dma_start3A_289 = tpu.memref_slice %arg6[%add3A_282, %dma_start3A_288] : memref<25x400xi32, #tpu.memory_space<vmem>> -> memref<1x400xi32, #tpu.memory_space<vmem>>
      %dma_start3A_290 = tpu.memref_squeeze %dma_start3A_289 : memref<1x400xi32, #tpu.memory_space<vmem>> -> memref<400xi32, #tpu.memory_space<vmem>>
      %dma_start3A_291 = arith.constant 0 : i32
      %dma_start3A_292 = arith.constant 0 : i32
      %dma_start3A_293 = tpu.memref_slice %arg2[%dma_start3A_291, %dma_start3A_292] : memref<10240x8xf32, #tpu.memory_space<hbm>> -> memref<10240x8xf32, #tpu.memory_space<hbm>>
      tpu.enqueue_indirect_dma source(%dma_start3A_293 : memref<10240x8xf32, #tpu.memory_space<hbm>>) target(%dma_start3A_287 : memref<400x8xf32, #tpu.memory_space<vmem>>) offsets(%dma_start3A_290 : memref<400xi32, #tpu.memory_space<vmem>>) semaphore(%arg13 : memref<!tpu.dma_semaphore, #tpu.memory_space<semaphore_mem>>)
      %add3A_294 = arith.constant 4 : i32
      %add3A_295 = arith.addi %mul3A_185, %add3A_294 : i32
      %dma_wait3A_296 = arith.constant 4 : i32
      %dma_wait3A_297 = arith.constant 0 : i32
      %dma_wait3A_298 = arith.constant 0 : i32
      %dma_wait3A_299 = tpu.memref_slice %arg8[%dma_wait3A_296, %dma_wait3A_297, %dma_wait3A_298] : memref<5x400x8xf32, #tpu.memory_space<vmem>> -> memref<1x400x8xf32, #tpu.memory_space<vmem>>
      %dma_wait3A_300 = tpu.memref_squeeze %dma_wait3A_299 : memref<1x400x8xf32, #tpu.memory_space<vmem>> -> memref<400x8xf32, #tpu.memory_space<vmem>>
      %dma_wait3A_301 = arith.constant 0 : i32
      %dma_wait3A_302 = tpu.memref_slice %arg6[%add3A_295, %dma_wait3A_301] : memref<25x400xi32, #tpu.memory_space<vmem>> -> memref<1x400xi32, #tpu.memory_space<vmem>>
      %dma_wait3A_303 = tpu.memref_squeeze %dma_wait3A_302 : memref<1x400xi32, #tpu.memory_space<vmem>> -> memref<400xi32, #tpu.memory_space<vmem>>
      %dma_wait3A_304 = arith.constant 0 : i32
      %dma_wait3A_305 = arith.constant 0 : i32
      %dma_wait3A_306 = tpu.memref_slice %arg2[%dma_wait3A_304, %dma_wait3A_305] : memref<10240x8xf32, #tpu.memory_space<hbm>> -> memref<10240x8xf32, #tpu.memory_space<hbm>>
      tpu.wait_indirect_dma semaphore(%arg14 : memref<!tpu.dma_semaphore, #tpu.memory_space<semaphore_mem>>) src(%dma_wait3A_306 : memref<10240x8xf32, #tpu.memory_space<hbm>>) dst(%dma_wait3A_300 : memref<400x8xf32, #tpu.memory_space<vmem>>)
      %run_scoped3A_307 = arith.constant 4 : i32
      "tpu.region"() ({
        %run_scoped3A_321 = tpu.sem_alloc : memref<!tpu.dma_semaphore, #tpu.memory_space<semaphore_mem>>
        %dma_start3A_322 = arith.constant 0 : i32
        %dma_start3A_323 = arith.constant 0 : i32
        %dma_start3A_324 = tpu.memref_slice %arg8[%run_scoped3A_307, %dma_start3A_322, %dma_start3A_323] : memref<5x400x8xf32, #tpu.memory_space<vmem>> -> memref<1x400x8xf32, #tpu.memory_space<vmem>>
        %dma_start3A_325 = tpu.memref_squeeze %dma_start3A_324 : memref<1x400x8xf32, #tpu.memory_space<vmem>> -> memref<400x8xf32, #tpu.memory_space<vmem>>
        %dma_start3A_326 = arith.constant 0 : i32
        %dma_start3A_327 = tpu.memref_slice %arg7[%add3A_295, %dma_start3A_326] : memref<25x400xi32, #tpu.memory_space<vmem>> -> memref<1x400xi32, #tpu.memory_space<vmem>>
        %dma_start3A_328 = tpu.memref_squeeze %dma_start3A_327 : memref<1x400xi32, #tpu.memory_space<vmem>> -> memref<400xi32, #tpu.memory_space<vmem>>
        %dma_start3A_329 = arith.constant 0 : i32
        %dma_start3A_330 = arith.constant 0 : i32
        %dma_start3A_331 = tpu.memref_slice %arg9[%dma_start3A_329, %dma_start3A_330] : memref<10240x8xf32, #tpu.memory_space<vmem_shared>> -> memref<10240x8xf32, #tpu.memory_space<vmem_shared>>
        tpu.enqueue_indirect_dma source(%dma_start3A_325 : memref<400x8xf32, #tpu.memory_space<vmem>>) target(%dma_start3A_331 : memref<10240x8xf32, #tpu.memory_space<vmem_shared>>) offsets(%dma_start3A_328 : memref<400xi32, #tpu.memory_space<vmem>>) semaphore(%run_scoped3A_321 : memref<!tpu.dma_semaphore, #tpu.memory_space<semaphore_mem>>) {add = true}
        %dma_wait3A_332 = arith.constant 0 : i32
        %dma_wait3A_333 = arith.constant 0 : i32
        %dma_wait3A_334 = tpu.memref_slice %arg8[%run_scoped3A_307, %dma_wait3A_332, %dma_wait3A_333] : memref<5x400x8xf32, #tpu.memory_space<vmem>> -> memref<1x400x8xf32, #tpu.memory_space<vmem>>
        %dma_wait3A_335 = tpu.memref_squeeze %dma_wait3A_334 : memref<1x400x8xf32, #tpu.memory_space<vmem>> -> memref<400x8xf32, #tpu.memory_space<vmem>>
        %dma_wait3A_336 = arith.constant 0 : i32
        %dma_wait3A_337 = tpu.memref_slice %arg7[%add3A_295, %dma_wait3A_336] : memref<25x400xi32, #tpu.memory_space<vmem>> -> memref<1x400xi32, #tpu.memory_space<vmem>>
        %dma_wait3A_338 = tpu.memref_squeeze %dma_wait3A_337 : memref<1x400xi32, #tpu.memory_space<vmem>> -> memref<400xi32, #tpu.memory_space<vmem>>
        %dma_wait3A_339 = arith.constant 0 : i32
        %dma_wait3A_340 = arith.constant 0 : i32
        %dma_wait3A_341 = tpu.memref_slice %arg9[%dma_wait3A_339, %dma_wait3A_340] : memref<10240x8xf32, #tpu.memory_space<vmem_shared>> -> memref<10240x8xf32, #tpu.memory_space<vmem_shared>>
        tpu.wait_indirect_dma semaphore(%run_scoped3A_321 : memref<!tpu.dma_semaphore, #tpu.memory_space<semaphore_mem>>) src(%dma_wait3A_335 : memref<400x8xf32, #tpu.memory_space<vmem>>) dst(%dma_wait3A_341 : memref<10240x8xf32, #tpu.memory_space<vmem_shared>>)
        tpu.yield
      }) : () -> ()
      %add3A_308 = arith.constant 5 : i32
      %add3A_309 = arith.addi %add3A_295, %add3A_308 : i32
      %dma_start3A_310 = arith.constant 4 : i32
      %dma_start3A_311 = arith.constant 0 : i32
      %dma_start3A_312 = arith.constant 0 : i32
      %dma_start3A_313 = tpu.memref_slice %arg8[%dma_start3A_310, %dma_start3A_311, %dma_start3A_312] : memref<5x400x8xf32, #tpu.memory_space<vmem>> -> memref<1x400x8xf32, #tpu.memory_space<vmem>>
      %dma_start3A_314 = tpu.memref_squeeze %dma_start3A_313 : memref<1x400x8xf32, #tpu.memory_space<vmem>> -> memref<400x8xf32, #tpu.memory_space<vmem>>
      %dma_start3A_315 = arith.constant 0 : i32
      %dma_start3A_316 = tpu.memref_slice %arg6[%add3A_309, %dma_start3A_315] : memref<25x400xi32, #tpu.memory_space<vmem>> -> memref<1x400xi32, #tpu.memory_space<vmem>>
      %dma_start3A_317 = tpu.memref_squeeze %dma_start3A_316 : memref<1x400xi32, #tpu.memory_space<vmem>> -> memref<400xi32, #tpu.memory_space<vmem>>
      %dma_start3A_318 = arith.constant 0 : i32
      %dma_start3A_319 = arith.constant 0 : i32
      %dma_start3A_320 = tpu.memref_slice %arg2[%dma_start3A_318, %dma_start3A_319] : memref<10240x8xf32, #tpu.memory_space<hbm>> -> memref<10240x8xf32, #tpu.memory_space<hbm>>
      tpu.enqueue_indirect_dma source(%dma_start3A_320 : memref<10240x8xf32, #tpu.memory_space<hbm>>) target(%dma_start3A_314 : memref<400x8xf32, #tpu.memory_space<vmem>>) offsets(%dma_start3A_317 : memref<400xi32, #tpu.memory_space<vmem>>) semaphore(%arg14 : memref<!tpu.dma_semaphore, #tpu.memory_space<semaphore_mem>>)
    }
    %scan3A_109 = arith.constant 4 : i32
    %dma_wait3A_110 = arith.constant 20 : i32
    %dma_wait3A_111 = arith.constant 0 : i32
    %dma_wait3A_112 = arith.constant 0 : i32
    %dma_wait3A_113 = arith.constant 0 : i32
    %dma_wait3A_114 = tpu.memref_slice %arg8[%dma_wait3A_111, %dma_wait3A_112, %dma_wait3A_113] : memref<5x400x8xf32, #tpu.memory_space<vmem>> -> memref<1x400x8xf32, #tpu.memory_space<vmem>>
    %dma_wait3A_115 = tpu.memref_squeeze %dma_wait3A_114 : memref<1x400x8xf32, #tpu.memory_space<vmem>> -> memref<400x8xf32, #tpu.memory_space<vmem>>
    %dma_wait3A_116 = arith.constant 0 : i32
    %dma_wait3A_117 = tpu.memref_slice %arg6[%dma_wait3A_110, %dma_wait3A_116] : memref<25x400xi32, #tpu.memory_space<vmem>> -> memref<1x400xi32, #tpu.memory_space<vmem>>
    %dma_wait3A_118 = tpu.memref_squeeze %dma_wait3A_117 : memref<1x400xi32, #tpu.memory_space<vmem>> -> memref<400xi32, #tpu.memory_space<vmem>>
    %dma_wait3A_119 = arith.constant 0 : i32
    %dma_wait3A_120 = arith.constant 0 : i32
    %dma_wait3A_121 = tpu.memref_slice %arg2[%dma_wait3A_119, %dma_wait3A_120] : memref<10240x8xf32, #tpu.memory_space<hbm>> -> memref<10240x8xf32, #tpu.memory_space<hbm>>
    tpu.wait_indirect_dma semaphore(%arg10 : memref<!tpu.dma_semaphore, #tpu.memory_space<semaphore_mem>>) src(%dma_wait3A_121 : memref<10240x8xf32, #tpu.memory_space<hbm>>) dst(%dma_wait3A_115 : memref<400x8xf32, #tpu.memory_space<vmem>>)
    %run_scoped3A = arith.constant 0 : i32
    %run_scoped3A_122 = arith.constant 20 : i32
    "tpu.region"() ({
      %run_scoped3A_183 = tpu.sem_alloc : memref<!tpu.dma_semaphore, #tpu.memory_space<semaphore_mem>>
      %dma_start3A_184 = arith.constant 0 : i32
      %dma_start3A_185 = arith.constant 0 : i32
      %dma_start3A_186 = tpu.memref_slice %arg8[%run_scoped3A, %dma_start3A_184, %dma_start3A_185] : memref<5x400x8xf32, #tpu.memory_space<vmem>> -> memref<1x400x8xf32, #tpu.memory_space<vmem>>
      %dma_start3A_187 = tpu.memref_squeeze %dma_start3A_186 : memref<1x400x8xf32, #tpu.memory_space<vmem>> -> memref<400x8xf32, #tpu.memory_space<vmem>>
      %dma_start3A_188 = arith.constant 0 : i32
      %dma_start3A_189 = tpu.memref_slice %arg7[%run_scoped3A_122, %dma_start3A_188] : memref<25x400xi32, #tpu.memory_space<vmem>> -> memref<1x400xi32, #tpu.memory_space<vmem>>
      %dma_start3A_190 = tpu.memref_squeeze %dma_start3A_189 : memref<1x400xi32, #tpu.memory_space<vmem>> -> memref<400xi32, #tpu.memory_space<vmem>>
      %dma_start3A_191 = arith.constant 0 : i32
      %dma_start3A_192 = arith.constant 0 : i32
      %dma_start3A_193 = tpu.memref_slice %arg9[%dma_start3A_191, %dma_start3A_192] : memref<10240x8xf32, #tpu.memory_space<vmem_shared>> -> memref<10240x8xf32, #tpu.memory_space<vmem_shared>>
      tpu.enqueue_indirect_dma source(%dma_start3A_187 : memref<400x8xf32, #tpu.memory_space<vmem>>) target(%dma_start3A_193 : memref<10240x8xf32, #tpu.memory_space<vmem_shared>>) offsets(%dma_start3A_190 : memref<400xi32, #tpu.memory_space<vmem>>) semaphore(%run_scoped3A_183 : memref<!tpu.dma_semaphore, #tpu.memory_space<semaphore_mem>>) {add = true}
      %dma_wait3A_194 = arith.constant 0 : i32
      %dma_wait3A_195 = arith.constant 0 : i32
      %dma_wait3A_196 = tpu.memref_slice %arg8[%run_scoped3A, %dma_wait3A_194, %dma_wait3A_195] : memref<5x400x8xf32, #tpu.memory_space<vmem>> -> memref<1x400x8xf32, #tpu.memory_space<vmem>>
      %dma_wait3A_197 = tpu.memref_squeeze %dma_wait3A_196 : memref<1x400x8xf32, #tpu.memory_space<vmem>> -> memref<400x8xf32, #tpu.memory_space<vmem>>
      %dma_wait3A_198 = arith.constant 0 : i32
      %dma_wait3A_199 = tpu.memref_slice %arg7[%run_scoped3A_122, %dma_wait3A_198] : memref<25x400xi32, #tpu.memory_space<vmem>> -> memref<1x400xi32, #tpu.memory_space<vmem>>
      %dma_wait3A_200 = tpu.memref_squeeze %dma_wait3A_199 : memref<1x400xi32, #tpu.memory_space<vmem>> -> memref<400xi32, #tpu.memory_space<vmem>>
      %dma_wait3A_201 = arith.constant 0 : i32
      %dma_wait3A_202 = arith.constant 0 : i32
      %dma_wait3A_203 = tpu.memref_slice %arg9[%dma_wait3A_201, %dma_wait3A_202] : memref<10240x8xf32, #tpu.memory_space<vmem_shared>> -> memref<10240x8xf32, #tpu.memory_space<vmem_shared>>
      tpu.wait_indirect_dma semaphore(%run_scoped3A_183 : memref<!tpu.dma_semaphore, #tpu.memory_space<semaphore_mem>>) src(%dma_wait3A_197 : memref<400x8xf32, #tpu.memory_space<vmem>>) dst(%dma_wait3A_203 : memref<10240x8xf32, #tpu.memory_space<vmem_shared>>)
      tpu.yield
    }) : () -> ()
    %dma_wait3A_123 = arith.constant 21 : i32
    %dma_wait3A_124 = arith.constant 1 : i32
    %dma_wait3A_125 = arith.constant 0 : i32
    %dma_wait3A_126 = arith.constant 0 : i32
    %dma_wait3A_127 = tpu.memref_slice %arg8[%dma_wait3A_124, %dma_wait3A_125, %dma_wait3A_126] : memref<5x400x8xf32, #tpu.memory_space<vmem>> -> memref<1x400x8xf32, #tpu.memory_space<vmem>>
    %dma_wait3A_128 = tpu.memref_squeeze %dma_wait3A_127 : memref<1x400x8xf32, #tpu.memory_space<vmem>> -> memref<400x8xf32, #tpu.memory_space<vmem>>
    %dma_wait3A_129 = arith.constant 0 : i32
    %dma_wait3A_130 = tpu.memref_slice %arg6[%dma_wait3A_123, %dma_wait3A_129] : memref<25x400xi32, #tpu.memory_space<vmem>> -> memref<1x400xi32, #tpu.memory_space<vmem>>
    %dma_wait3A_131 = tpu.memref_squeeze %dma_wait3A_130 : memref<1x400xi32, #tpu.memory_space<vmem>> -> memref<400xi32, #tpu.memory_space<vmem>>
    %dma_wait3A_132 = arith.constant 0 : i32
    %dma_wait3A_133 = arith.constant 0 : i32
    %dma_wait3A_134 = tpu.memref_slice %arg2[%dma_wait3A_132, %dma_wait3A_133] : memref<10240x8xf32, #tpu.memory_space<hbm>> -> memref<10240x8xf32, #tpu.memory_space<hbm>>
    tpu.wait_indirect_dma semaphore(%arg11 : memref<!tpu.dma_semaphore, #tpu.memory_space<semaphore_mem>>) src(%dma_wait3A_134 : memref<10240x8xf32, #tpu.memory_space<hbm>>) dst(%dma_wait3A_128 : memref<400x8xf32, #tpu.memory_space<vmem>>)
    %run_scoped3A_135 = arith.constant 1 : i32
    %run_scoped3A_136 = arith.constant 21 : i32
    "tpu.region"() ({
      %run_scoped3A_183 = tpu.sem_alloc : memref<!tpu.dma_semaphore, #tpu.memory_space<semaphore_mem>>
      %dma_start3A_184 = arith.constant 0 : i32
      %dma_start3A_185 = arith.constant 0 : i32
      %dma_start3A_186 = tpu.memref_slice %arg8[%run_scoped3A_135, %dma_start3A_184, %dma_start3A_185] : memref<5x400x8xf32, #tpu.memory_space<vmem>> -> memref<1x400x8xf32, #tpu.memory_space<vmem>>
      %dma_start3A_187 = tpu.memref_squeeze %dma_start3A_186 : memref<1x400x8xf32, #tpu.memory_space<vmem>> -> memref<400x8xf32, #tpu.memory_space<vmem>>
      %dma_start3A_188 = arith.constant 0 : i32
      %dma_start3A_189 = tpu.memref_slice %arg7[%run_scoped3A_136, %dma_start3A_188] : memref<25x400xi32, #tpu.memory_space<vmem>> -> memref<1x400xi32, #tpu.memory_space<vmem>>
      %dma_start3A_190 = tpu.memref_squeeze %dma_start3A_189 : memref<1x400xi32, #tpu.memory_space<vmem>> -> memref<400xi32, #tpu.memory_space<vmem>>
      %dma_start3A_191 = arith.constant 0 : i32
      %dma_start3A_192 = arith.constant 0 : i32
      %dma_start3A_193 = tpu.memref_slice %arg9[%dma_start3A_191, %dma_start3A_192] : memref<10240x8xf32, #tpu.memory_space<vmem_shared>> -> memref<10240x8xf32, #tpu.memory_space<vmem_shared>>
      tpu.enqueue_indirect_dma source(%dma_start3A_187 : memref<400x8xf32, #tpu.memory_space<vmem>>) target(%dma_start3A_193 : memref<10240x8xf32, #tpu.memory_space<vmem_shared>>) offsets(%dma_start3A_190 : memref<400xi32, #tpu.memory_space<vmem>>) semaphore(%run_scoped3A_183 : memref<!tpu.dma_semaphore, #tpu.memory_space<semaphore_mem>>) {add = true}
      %dma_wait3A_194 = arith.constant 0 : i32
      %dma_wait3A_195 = arith.constant 0 : i32
      %dma_wait3A_196 = tpu.memref_slice %arg8[%run_scoped3A_135, %dma_wait3A_194, %dma_wait3A_195] : memref<5x400x8xf32, #tpu.memory_space<vmem>> -> memref<1x400x8xf32, #tpu.memory_space<vmem>>
      %dma_wait3A_197 = tpu.memref_squeeze %dma_wait3A_196 : memref<1x400x8xf32, #tpu.memory_space<vmem>> -> memref<400x8xf32, #tpu.memory_space<vmem>>
      %dma_wait3A_198 = arith.constant 0 : i32
      %dma_wait3A_199 = tpu.memref_slice %arg7[%run_scoped3A_136, %dma_wait3A_198] : memref<25x400xi32, #tpu.memory_space<vmem>> -> memref<1x400xi32, #tpu.memory_space<vmem>>
      %dma_wait3A_200 = tpu.memref_squeeze %dma_wait3A_199 : memref<1x400xi32, #tpu.memory_space<vmem>> -> memref<400xi32, #tpu.memory_space<vmem>>
      %dma_wait3A_201 = arith.constant 0 : i32
      %dma_wait3A_202 = arith.constant 0 : i32
      %dma_wait3A_203 = tpu.memref_slice %arg9[%dma_wait3A_201, %dma_wait3A_202] : memref<10240x8xf32, #tpu.memory_space<vmem_shared>> -> memref<10240x8xf32, #tpu.memory_space<vmem_shared>>
      tpu.wait_indirect_dma semaphore(%run_scoped3A_183 : memref<!tpu.dma_semaphore, #tpu.memory_space<semaphore_mem>>) src(%dma_wait3A_197 : memref<400x8xf32, #tpu.memory_space<vmem>>) dst(%dma_wait3A_203 : memref<10240x8xf32, #tpu.memory_space<vmem_shared>>)
      tpu.yield
    }) : () -> ()
    %dma_wait3A_137 = arith.constant 22 : i32
    %dma_wait3A_138 = arith.constant 2 : i32
    %dma_wait3A_139 = arith.constant 0 : i32
    %dma_wait3A_140 = arith.constant 0 : i32
    %dma_wait3A_141 = tpu.memref_slice %arg8[%dma_wait3A_138, %dma_wait3A_139, %dma_wait3A_140] : memref<5x400x8xf32, #tpu.memory_space<vmem>> -> memref<1x400x8xf32, #tpu.memory_space<vmem>>
    %dma_wait3A_142 = tpu.memref_squeeze %dma_wait3A_141 : memref<1x400x8xf32, #tpu.memory_space<vmem>> -> memref<400x8xf32, #tpu.memory_space<vmem>>
    %dma_wait3A_143 = arith.constant 0 : i32
    %dma_wait3A_144 = tpu.memref_slice %arg6[%dma_wait3A_137, %dma_wait3A_143] : memref<25x400xi32, #tpu.memory_space<vmem>> -> memref<1x400xi32, #tpu.memory_space<vmem>>
    %dma_wait3A_145 = tpu.memref_squeeze %dma_wait3A_144 : memref<1x400xi32, #tpu.memory_space<vmem>> -> memref<400xi32, #tpu.memory_space<vmem>>
    %dma_wait3A_146 = arith.constant 0 : i32
    %dma_wait3A_147 = arith.constant 0 : i32
    %dma_wait3A_148 = tpu.memref_slice %arg2[%dma_wait3A_146, %dma_wait3A_147] : memref<10240x8xf32, #tpu.memory_space<hbm>> -> memref<10240x8xf32, #tpu.memory_space<hbm>>
    tpu.wait_indirect_dma semaphore(%arg12 : memref<!tpu.dma_semaphore, #tpu.memory_space<semaphore_mem>>) src(%dma_wait3A_148 : memref<10240x8xf32, #tpu.memory_space<hbm>>) dst(%dma_wait3A_142 : memref<400x8xf32, #tpu.memory_space<vmem>>)
    %run_scoped3A_149 = arith.constant 2 : i32
    %run_scoped3A_150 = arith.constant 22 : i32
    "tpu.region"() ({
      %run_scoped3A_183 = tpu.sem_alloc : memref<!tpu.dma_semaphore, #tpu.memory_space<semaphore_mem>>
      %dma_start3A_184 = arith.constant 0 : i32
      %dma_start3A_185 = arith.constant 0 : i32
      %dma_start3A_186 = tpu.memref_slice %arg8[%run_scoped3A_149, %dma_start3A_184, %dma_start3A_185] : memref<5x400x8xf32, #tpu.memory_space<vmem>> -> memref<1x400x8xf32, #tpu.memory_space<vmem>>
      %dma_start3A_187 = tpu.memref_squeeze %dma_start3A_186 : memref<1x400x8xf32, #tpu.memory_space<vmem>> -> memref<400x8xf32, #tpu.memory_space<vmem>>
      %dma_start3A_188 = arith.constant 0 : i32
      %dma_start3A_189 = tpu.memref_slice %arg7[%run_scoped3A_150, %dma_start3A_188] : memref<25x400xi32, #tpu.memory_space<vmem>> -> memref<1x400xi32, #tpu.memory_space<vmem>>
      %dma_start3A_190 = tpu.memref_squeeze %dma_start3A_189 : memref<1x400xi32, #tpu.memory_space<vmem>> -> memref<400xi32, #tpu.memory_space<vmem>>
      %dma_start3A_191 = arith.constant 0 : i32
      %dma_start3A_192 = arith.constant 0 : i32
      %dma_start3A_193 = tpu.memref_slice %arg9[%dma_start3A_191, %dma_start3A_192] : memref<10240x8xf32, #tpu.memory_space<vmem_shared>> -> memref<10240x8xf32, #tpu.memory_space<vmem_shared>>
      tpu.enqueue_indirect_dma source(%dma_start3A_187 : memref<400x8xf32, #tpu.memory_space<vmem>>) target(%dma_start3A_193 : memref<10240x8xf32, #tpu.memory_space<vmem_shared>>) offsets(%dma_start3A_190 : memref<400xi32, #tpu.memory_space<vmem>>) semaphore(%run_scoped3A_183 : memref<!tpu.dma_semaphore, #tpu.memory_space<semaphore_mem>>) {add = true}
      %dma_wait3A_194 = arith.constant 0 : i32
      %dma_wait3A_195 = arith.constant 0 : i32
      %dma_wait3A_196 = tpu.memref_slice %arg8[%run_scoped3A_149, %dma_wait3A_194, %dma_wait3A_195] : memref<5x400x8xf32, #tpu.memory_space<vmem>> -> memref<1x400x8xf32, #tpu.memory_space<vmem>>
      %dma_wait3A_197 = tpu.memref_squeeze %dma_wait3A_196 : memref<1x400x8xf32, #tpu.memory_space<vmem>> -> memref<400x8xf32, #tpu.memory_space<vmem>>
      %dma_wait3A_198 = arith.constant 0 : i32
      %dma_wait3A_199 = tpu.memref_slice %arg7[%run_scoped3A_150, %dma_wait3A_198] : memref<25x400xi32, #tpu.memory_space<vmem>> -> memref<1x400xi32, #tpu.memory_space<vmem>>
      %dma_wait3A_200 = tpu.memref_squeeze %dma_wait3A_199 : memref<1x400xi32, #tpu.memory_space<vmem>> -> memref<400xi32, #tpu.memory_space<vmem>>
      %dma_wait3A_201 = arith.constant 0 : i32
      %dma_wait3A_202 = arith.constant 0 : i32
      %dma_wait3A_203 = tpu.memref_slice %arg9[%dma_wait3A_201, %dma_wait3A_202] : memref<10240x8xf32, #tpu.memory_space<vmem_shared>> -> memref<10240x8xf32, #tpu.memory_space<vmem_shared>>
      tpu.wait_indirect_dma semaphore(%run_scoped3A_183 : memref<!tpu.dma_semaphore, #tpu.memory_space<semaphore_mem>>) src(%dma_wait3A_197 : memref<400x8xf32, #tpu.memory_space<vmem>>) dst(%dma_wait3A_203 : memref<10240x8xf32, #tpu.memory_space<vmem_shared>>)
      tpu.yield
    }) : () -> ()
    %dma_wait3A_151 = arith.constant 23 : i32
    %dma_wait3A_152 = arith.constant 3 : i32
    %dma_wait3A_153 = arith.constant 0 : i32
    %dma_wait3A_154 = arith.constant 0 : i32
    %dma_wait3A_155 = tpu.memref_slice %arg8[%dma_wait3A_152, %dma_wait3A_153, %dma_wait3A_154] : memref<5x400x8xf32, #tpu.memory_space<vmem>> -> memref<1x400x8xf32, #tpu.memory_space<vmem>>
    %dma_wait3A_156 = tpu.memref_squeeze %dma_wait3A_155 : memref<1x400x8xf32, #tpu.memory_space<vmem>> -> memref<400x8xf32, #tpu.memory_space<vmem>>
    %dma_wait3A_157 = arith.constant 0 : i32
    %dma_wait3A_158 = tpu.memref_slice %arg6[%dma_wait3A_151, %dma_wait3A_157] : memref<25x400xi32, #tpu.memory_space<vmem>> -> memref<1x400xi32, #tpu.memory_space<vmem>>
    %dma_wait3A_159 = tpu.memref_squeeze %dma_wait3A_158 : memref<1x400xi32, #tpu.memory_space<vmem>> -> memref<400xi32, #tpu.memory_space<vmem>>
    %dma_wait3A_160 = arith.constant 0 : i32
    %dma_wait3A_161 = arith.constant 0 : i32
    %dma_wait3A_162 = tpu.memref_slice %arg2[%dma_wait3A_160, %dma_wait3A_161] : memref<10240x8xf32, #tpu.memory_space<hbm>> -> memref<10240x8xf32, #tpu.memory_space<hbm>>
    tpu.wait_indirect_dma semaphore(%arg13 : memref<!tpu.dma_semaphore, #tpu.memory_space<semaphore_mem>>) src(%dma_wait3A_162 : memref<10240x8xf32, #tpu.memory_space<hbm>>) dst(%dma_wait3A_156 : memref<400x8xf32, #tpu.memory_space<vmem>>)
    %run_scoped3A_163 = arith.constant 3 : i32
    %run_scoped3A_164 = arith.constant 23 : i32
    "tpu.region"() ({
      %run_scoped3A_183 = tpu.sem_alloc : memref<!tpu.dma_semaphore, #tpu.memory_space<semaphore_mem>>
      %dma_start3A_184 = arith.constant 0 : i32
      %dma_start3A_185 = arith.constant 0 : i32
      %dma_start3A_186 = tpu.memref_slice %arg8[%run_scoped3A_163, %dma_start3A_184, %dma_start3A_185] : memref<5x400x8xf32, #tpu.memory_space<vmem>> -> memref<1x400x8xf32, #tpu.memory_space<vmem>>
      %dma_start3A_187 = tpu.memref_squeeze %dma_start3A_186 : memref<1x400x8xf32, #tpu.memory_space<vmem>> -> memref<400x8xf32, #tpu.memory_space<vmem>>
      %dma_start3A_188 = arith.constant 0 : i32
      %dma_start3A_189 = tpu.memref_slice %arg7[%run_scoped3A_164, %dma_start3A_188] : memref<25x400xi32, #tpu.memory_space<vmem>> -> memref<1x400xi32, #tpu.memory_space<vmem>>
      %dma_start3A_190 = tpu.memref_squeeze %dma_start3A_189 : memref<1x400xi32, #tpu.memory_space<vmem>> -> memref<400xi32, #tpu.memory_space<vmem>>
      %dma_start3A_191 = arith.constant 0 : i32
      %dma_start3A_192 = arith.constant 0 : i32
      %dma_start3A_193 = tpu.memref_slice %arg9[%dma_start3A_191, %dma_start3A_192] : memref<10240x8xf32, #tpu.memory_space<vmem_shared>> -> memref<10240x8xf32, #tpu.memory_space<vmem_shared>>
      tpu.enqueue_indirect_dma source(%dma_start3A_187 : memref<400x8xf32, #tpu.memory_space<vmem>>) target(%dma_start3A_193 : memref<10240x8xf32, #tpu.memory_space<vmem_shared>>) offsets(%dma_start3A_190 : memref<400xi32, #tpu.memory_space<vmem>>) semaphore(%run_scoped3A_183 : memref<!tpu.dma_semaphore, #tpu.memory_space<semaphore_mem>>) {add = true}
      %dma_wait3A_194 = arith.constant 0 : i32
      %dma_wait3A_195 = arith.constant 0 : i32
      %dma_wait3A_196 = tpu.memref_slice %arg8[%run_scoped3A_163, %dma_wait3A_194, %dma_wait3A_195] : memref<5x400x8xf32, #tpu.memory_space<vmem>> -> memref<1x400x8xf32, #tpu.memory_space<vmem>>
      %dma_wait3A_197 = tpu.memref_squeeze %dma_wait3A_196 : memref<1x400x8xf32, #tpu.memory_space<vmem>> -> memref<400x8xf32, #tpu.memory_space<vmem>>
      %dma_wait3A_198 = arith.constant 0 : i32
      %dma_wait3A_199 = tpu.memref_slice %arg7[%run_scoped3A_164, %dma_wait3A_198] : memref<25x400xi32, #tpu.memory_space<vmem>> -> memref<1x400xi32, #tpu.memory_space<vmem>>
      %dma_wait3A_200 = tpu.memref_squeeze %dma_wait3A_199 : memref<1x400xi32, #tpu.memory_space<vmem>> -> memref<400xi32, #tpu.memory_space<vmem>>
      %dma_wait3A_201 = arith.constant 0 : i32
      %dma_wait3A_202 = arith.constant 0 : i32
      %dma_wait3A_203 = tpu.memref_slice %arg9[%dma_wait3A_201, %dma_wait3A_202] : memref<10240x8xf32, #tpu.memory_space<vmem_shared>> -> memref<10240x8xf32, #tpu.memory_space<vmem_shared>>
      tpu.wait_indirect_dma semaphore(%run_scoped3A_183 : memref<!tpu.dma_semaphore, #tpu.memory_space<semaphore_mem>>) src(%dma_wait3A_197 : memref<400x8xf32, #tpu.memory_space<vmem>>) dst(%dma_wait3A_203 : memref<10240x8xf32, #tpu.memory_space<vmem_shared>>)
      tpu.yield
    }) : () -> ()
    %dma_wait3A_165 = arith.constant 24 : i32
    %dma_wait3A_166 = arith.constant 4 : i32
    %dma_wait3A_167 = arith.constant 0 : i32
    %dma_wait3A_168 = arith.constant 0 : i32
    %dma_wait3A_169 = tpu.memref_slice %arg8[%dma_wait3A_166, %dma_wait3A_167, %dma_wait3A_168] : memref<5x400x8xf32, #tpu.memory_space<vmem>> -> memref<1x400x8xf32, #tpu.memory_space<vmem>>
    %dma_wait3A_170 = tpu.memref_squeeze %dma_wait3A_169 : memref<1x400x8xf32, #tpu.memory_space<vmem>> -> memref<400x8xf32, #tpu.memory_space<vmem>>
    %dma_wait3A_171 = arith.constant 0 : i32
    %dma_wait3A_172 = tpu.memref_slice %arg6[%dma_wait3A_165, %dma_wait3A_171] : memref<25x400xi32, #tpu.memory_space<vmem>> -> memref<1x400xi32, #tpu.memory_space<vmem>>
    %dma_wait3A_173 = tpu.memref_squeeze %dma_wait3A_172 : memref<1x400xi32, #tpu.memory_space<vmem>> -> memref<400xi32, #tpu.memory_space<vmem>>
    %dma_wait3A_174 = arith.constant 0 : i32
    %dma_wait3A_175 = arith.constant 0 : i32
    %dma_wait3A_176 = tpu.memref_slice %arg2[%dma_wait3A_174, %dma_wait3A_175] : memref<10240x8xf32, #tpu.memory_space<hbm>> -> memref<10240x8xf32, #tpu.memory_space<hbm>>
    tpu.wait_indirect_dma semaphore(%arg14 : memref<!tpu.dma_semaphore, #tpu.memory_space<semaphore_mem>>) src(%dma_wait3A_176 : memref<10240x8xf32, #tpu.memory_space<hbm>>) dst(%dma_wait3A_170 : memref<400x8xf32, #tpu.memory_space<vmem>>)
    %run_scoped3A_177 = arith.constant 4 : i32
    %run_scoped3A_178 = arith.constant 24 : i32
    "tpu.region"() ({
      %run_scoped3A_183 = tpu.sem_alloc : memref<!tpu.dma_semaphore, #tpu.memory_space<semaphore_mem>>
      %dma_start3A_184 = arith.constant 0 : i32
      %dma_start3A_185 = arith.constant 0 : i32
      %dma_start3A_186 = tpu.memref_slice %arg8[%run_scoped3A_177, %dma_start3A_184, %dma_start3A_185] : memref<5x400x8xf32, #tpu.memory_space<vmem>> -> memref<1x400x8xf32, #tpu.memory_space<vmem>>
      %dma_start3A_187 = tpu.memref_squeeze %dma_start3A_186 : memref<1x400x8xf32, #tpu.memory_space<vmem>> -> memref<400x8xf32, #tpu.memory_space<vmem>>
      %dma_start3A_188 = arith.constant 0 : i32
      %dma_start3A_189 = tpu.memref_slice %arg7[%run_scoped3A_178, %dma_start3A_188] : memref<25x400xi32, #tpu.memory_space<vmem>> -> memref<1x400xi32, #tpu.memory_space<vmem>>
      %dma_start3A_190 = tpu.memref_squeeze %dma_start3A_189 : memref<1x400xi32, #tpu.memory_space<vmem>> -> memref<400xi32, #tpu.memory_space<vmem>>
      %dma_start3A_191 = arith.constant 0 : i32
      %dma_start3A_192 = arith.constant 0 : i32
      %dma_start3A_193 = tpu.memref_slice %arg9[%dma_start3A_191, %dma_start3A_192] : memref<10240x8xf32, #tpu.memory_space<vmem_shared>> -> memref<10240x8xf32, #tpu.memory_space<vmem_shared>>
      tpu.enqueue_indirect_dma source(%dma_start3A_187 : memref<400x8xf32, #tpu.memory_space<vmem>>) target(%dma_start3A_193 : memref<10240x8xf32, #tpu.memory_space<vmem_shared>>) offsets(%dma_start3A_190 : memref<400xi32, #tpu.memory_space<vmem>>) semaphore(%run_scoped3A_183 : memref<!tpu.dma_semaphore, #tpu.memory_space<semaphore_mem>>) {add = true}
      %dma_wait3A_194 = arith.constant 0 : i32
      %dma_wait3A_195 = arith.constant 0 : i32
      %dma_wait3A_196 = tpu.memref_slice %arg8[%run_scoped3A_177, %dma_wait3A_194, %dma_wait3A_195] : memref<5x400x8xf32, #tpu.memory_space<vmem>> -> memref<1x400x8xf32, #tpu.memory_space<vmem>>
      %dma_wait3A_197 = tpu.memref_squeeze %dma_wait3A_196 : memref<1x400x8xf32, #tpu.memory_space<vmem>> -> memref<400x8xf32, #tpu.memory_space<vmem>>
      %dma_wait3A_198 = arith.constant 0 : i32
      %dma_wait3A_199 = tpu.memref_slice %arg7[%run_scoped3A_178, %dma_wait3A_198] : memref<25x400xi32, #tpu.memory_space<vmem>> -> memref<1x400xi32, #tpu.memory_space<vmem>>
      %dma_wait3A_200 = tpu.memref_squeeze %dma_wait3A_199 : memref<1x400xi32, #tpu.memory_space<vmem>> -> memref<400xi32, #tpu.memory_space<vmem>>
      %dma_wait3A_201 = arith.constant 0 : i32
      %dma_wait3A_202 = arith.constant 0 : i32
      %dma_wait3A_203 = tpu.memref_slice %arg9[%dma_wait3A_201, %dma_wait3A_202] : memref<10240x8xf32, #tpu.memory_space<vmem_shared>> -> memref<10240x8xf32, #tpu.memory_space<vmem_shared>>
      tpu.wait_indirect_dma semaphore(%run_scoped3A_183 : memref<!tpu.dma_semaphore, #tpu.memory_space<semaphore_mem>>) src(%dma_wait3A_197 : memref<400x8xf32, #tpu.memory_space<vmem>>) dst(%dma_wait3A_203 : memref<10240x8xf32, #tpu.memory_space<vmem_shared>>)
      tpu.yield
    }) : () -> ()
    %barrier3A_179 = arith.constant 0 : index
    tpu.barrier barrier_id(%barrier3A_179)
    %mul3A_180 = arith.constant 10240 : i32
    %mul3A_181 = arith.muli %arg0, %mul3A_180 : i32
    %add3A_182 = arith.addi %mul3A_181, %mul3A_2 : i32
    "tpu.region"() ({
      %run_scoped3A_183 = tpu.sem_alloc : memref<!tpu.dma_semaphore, #tpu.memory_space<semaphore_mem>>
      %dma_start3A_184 = arith.constant 0 : i32
      %dma_start3A_185 = tpu.memref_slice %arg5[%add3A_182, %dma_start3A_184] : memref<20480x8xf32, #tpu.memory_space<hbm>> -> memref<640x8xf32, #tpu.memory_space<hbm>>
      %dma_start3A_186 = arith.constant 0 : i32
      %dma_start3A_187 = tpu.memref_slice %arg9[%mul3A_2, %dma_start3A_186] : memref<10240x8xf32, #tpu.memory_space<vmem_shared>> -> memref<640x8xf32, #tpu.memory_space<vmem_shared>>
      tpu.enqueue_dma source(%dma_start3A_187 : memref<640x8xf32, #tpu.memory_space<vmem_shared>>) target(%dma_start3A_185 : memref<640x8xf32, #tpu.memory_space<hbm>>) target_semaphore(%run_scoped3A_183 : memref<!tpu.dma_semaphore, #tpu.memory_space<semaphore_mem>>)
      %dma_wait3A_188 = arith.constant 0 : i32
      %dma_wait3A_189 = tpu.memref_slice %arg5[%add3A_182, %dma_wait3A_188] : memref<20480x8xf32, #tpu.memory_space<hbm>> -> memref<640x8xf32, #tpu.memory_space<hbm>>
      %dma_wait3A_190 = arith.constant 0 : i32
      %dma_wait3A_191 = tpu.memref_slice %arg9[%mul3A_2, %dma_wait3A_190] : memref<10240x8xf32, #tpu.memory_space<vmem_shared>> -> memref<640x8xf32, #tpu.memory_space<vmem_shared>>
      tpu.wait_dma2 semaphore(%run_scoped3A_183 : memref<!tpu.dma_semaphore, #tpu.memory_space<semaphore_mem>>) src(%dma_wait3A_191 : memref<640x8xf32, #tpu.memory_space<vmem_shared>>) dst(%dma_wait3A_189 : memref<640x8xf32, #tpu.memory_space<hbm>>)
      tpu.yield
    }) : () -> ()
    return
  }
}

module attributes {stable_mosaic.version = 14 : i64} {
  func.func @_t1_body(%arg0: i32, %arg1: memref<2x10240xf32, #tpu.memory_space<vmem>>, %arg2: memref<10240x128xf32, #tpu.memory_space<vmem>>, %arg3: memref<128x8xf32, #tpu.memory_space<vmem>>, %arg4: memref<10240x1xf32, #tpu.memory_space<vmem>>, %arg5: memref<10240x8xf32, #tpu.memory_space<vmem>>) attributes {dimension_semantics = [#tpu.dimension_semantics<arbitrary>], iteration_bounds = array<i64: 1>, scalar_prefetch = 0 : i64, scratch_operands = 0 : i64, tpu.core_type = #tpu.core_type<tc>, window_params = [{pipeline_mode = #tpu.pipeline_mode<synchronous>, transform_indices = @transform_0, window_bounds = array<i64: 2, 10240>}, {transform_indices = @transform_1, window_bounds = array<i64: 10240, 128>}, {pipeline_mode = #tpu.pipeline_mode<synchronous>, transform_indices = @transform_2, window_bounds = array<i64: 128, 8>}, {pipeline_mode = #tpu.pipeline_mode<synchronous>, transform_indices = @transform_3, window_bounds = array<i64: 10240, 1>}, {pipeline_mode = #tpu.pipeline_mode<synchronous>, transform_indices = @transform_4, window_bounds = array<i64: 10240, 8>}]} {
    %get3A = arith.constant 0 : index
    %get3A_0 = arith.constant 0 : index
    %get3A_1 = vector.load %arg1[%get3A, %get3A_0] : memref<2x10240xf32, #tpu.memory_space<vmem>>, vector<2x10240xf32>
    %slice3A = vector.extract_strided_slice %get3A_1 {offsets = [0, 0], sizes = [1, 10240], strides = [1, 1]} : vector<2x10240xf32> to vector<1x10240xf32>
    %squeeze3A = vector.shape_cast %slice3A : vector<1x10240xf32> to vector<10240xf32>
    %slice3A_2 = vector.extract_strided_slice %get3A_1 {offsets = [1, 0], sizes = [1, 10240], strides = [1, 1]} : vector<2x10240xf32> to vector<1x10240xf32>
    %squeeze3A_3 = vector.shape_cast %slice3A_2 : vector<1x10240xf32> to vector<10240xf32>
    %add3A = arith.addf %squeeze3A, %squeeze3A_3 : vector<10240xf32>
    %add3A_4 = arith.constant 1.000000e+00 : f32
    %add3A_5 = vector.broadcast %add3A_4 : f32 to vector<10240xf32>
    %add3A_6 = arith.addf %add3A, %add3A_5 : vector<10240xf32>
    %reshape3A = vector.shape_cast %add3A_6 : vector<10240xf32> to vector<10240x1xf32>
    %sqrt3A = math.sqrt %reshape3A : vector<10240x1xf32>
    %div3A = arith.constant 1.000000e+00 : f32
    %div3A_7 = vector.broadcast %div3A : f32 to vector<10240x1xf32>
    %div3A_8 = arith.divf %div3A_7, %sqrt3A : vector<10240x1xf32>
    %swap3A = arith.constant 0 : index
    %swap3A_9 = arith.constant 0 : index
    %swap3A_10 = vector.load %arg4[%swap3A, %swap3A_9] : memref<10240x1xf32, #tpu.memory_space<vmem>>, vector<10240x1xf32>
    tpu.vector_store %arg4[%swap3A, %swap3A_9], %div3A_8 {strides = array<i32>} : memref<10240x1xf32, #tpu.memory_space<vmem>>, vector<10240x1xf32>,
    %get3A_11 = arith.constant 0 : index
    %get3A_12 = arith.constant 0 : index
    %get3A_13 = vector.load %arg2[%get3A_11, %get3A_12] : memref<10240x128xf32, #tpu.memory_space<vmem>>, vector<10240x128xf32>
    %get3A_14 = arith.constant 0 : index
    %get3A_15 = arith.constant 0 : index
    %get3A_16 = vector.load %arg3[%get3A_14, %get3A_15] : memref<128x8xf32, #tpu.memory_space<vmem>>, vector<128x8xf32>
    %dot_general3A = arith.constant dense<0.000000e+00> : vector<10240x8xf32>
    %dot_general3A_17 = tpu.matmul %get3A_13, %get3A_16, %dot_general3A {dimension_numbers = #tpu.dot_dimension_numbers<[1], [0], [0], [1], [0, 0, 1, 1], [], []>, transpose_lhs_hint = false} : vector<10240x128xf32>, vector<128x8xf32>, vector<10240x8xf32> -> vector<10240x8xf32>
    %mul3A = vector.broadcast %div3A_8 : vector<10240x1xf32> to vector<10240x8xf32>
    %mul3A_18 = arith.mulf %mul3A, %dot_general3A_17 : vector<10240x8xf32>
    %swap3A_19 = arith.constant 0 : index
    %swap3A_20 = arith.constant 0 : index
    %swap3A_21 = vector.load %arg5[%swap3A_19, %swap3A_20] : memref<10240x8xf32, #tpu.memory_space<vmem>>, vector<10240x8xf32>
    tpu.vector_store %arg5[%swap3A_19, %swap3A_20], %mul3A_18 {strides = array<i32>} : memref<10240x8xf32, #tpu.memory_space<vmem>>, vector<10240x8xf32>,
    return
  }
  func.func @transform_0(%arg0: i32) -> (i32, i32) {
    %c0_i32 = arith.constant 0 : i32
    %c0_i32_0 = arith.constant 0 : i32
    %c0_i32_1 = arith.constant 0 : i32
    return %c0_i32, %c0_i32_0 : i32, i32
  }
  func.func @transform_1(%arg0: i32) -> (i32, i32) {
    %c0_i32 = arith.constant 0 : i32
    %c0_i32_0 = arith.constant 0 : i32
    %c0_i32_1 = arith.constant 0 : i32
    return %c0_i32, %c0_i32_0 : i32, i32
  }
  func.func @transform_2(%arg0: i32) -> (i32, i32) {
    %c0_i32 = arith.constant 0 : i32
    %c0_i32_0 = arith.constant 0 : i32
    %c0_i32_1 = arith.constant 0 : i32
    return %c0_i32, %c0_i32_0 : i32, i32
  }
  func.func @transform_3(%arg0: i32) -> (i32, i32) {
    %c0_i32 = arith.constant 0 : i32
    %c0_i32_0 = arith.constant 0 : i32
    %c0_i32_1 = arith.constant 0 : i32
    return %c0_i32, %c0_i32_0 : i32, i32
  }
  func.func @transform_4(%arg0: i32) -> (i32, i32) {
    %c0_i32 = arith.constant 0 : i32
    %c0_i32_0 = arith.constant 0 : i32
    %c0_i32_1 = arith.constant 0 : i32
    return %c0_i32, %c0_i32_0 : i32, i32
  }
}

module attributes {stable_mosaic.version = 14 : i64} {
  func.func @_tpost_body(%arg0: i32, %arg1: memref<20480x8xf32, #tpu.memory_space<vmem>>, %arg2: memref<10240x8xf32, #tpu.memory_space<vmem>>, %arg3: memref<10240x1xf32, #tpu.memory_space<vmem>>, %arg4: memref<1x8xf32, #tpu.memory_space<vmem>>, %arg5: memref<10240x8xf32, #tpu.memory_space<vmem>>) attributes {dimension_semantics = [#tpu.dimension_semantics<arbitrary>], iteration_bounds = array<i64: 1>, scalar_prefetch = 0 : i64, scratch_operands = 0 : i64, tpu.core_type = #tpu.core_type<tc>, window_params = [{pipeline_mode = #tpu.pipeline_mode<synchronous>, transform_indices = @transform_0, window_bounds = array<i64: 20480, 8>}, {pipeline_mode = #tpu.pipeline_mode<synchronous>, transform_indices = @transform_1, window_bounds = array<i64: 10240, 8>}, {pipeline_mode = #tpu.pipeline_mode<synchronous>, transform_indices = @transform_2, window_bounds = array<i64: 10240, 1>}, {pipeline_mode = #tpu.pipeline_mode<synchronous>, transform_indices = @transform_3, window_bounds = array<i64: 1, 8>}, {pipeline_mode = #tpu.pipeline_mode<synchronous>, transform_indices = @transform_4, window_bounds = array<i64: 10240, 8>}]} {
    %get3A = arith.constant 0 : index
    %get3A_0 = arith.constant 0 : index
    %get3A_1 = vector.load %arg3[%get3A, %get3A_0] : memref<10240x1xf32, #tpu.memory_space<vmem>>, vector<10240x1xf32>
    %get3A_2 = arith.constant 0 : index
    %get3A_3 = arith.constant 0 : index
    %get3A_4 = vector.load %arg1[%get3A_2, %get3A_3] : memref<20480x8xf32, #tpu.memory_space<vmem>>, vector<20480x8xf32>
    %reshape3A = vector.shape_cast %get3A_4 : vector<20480x8xf32> to vector<2x10240x8xf32>
    %slice3A = vector.extract_strided_slice %reshape3A {offsets = [0, 0, 0], sizes = [1, 10240, 8], strides = [1, 1, 1]} : vector<2x10240x8xf32> to vector<1x10240x8xf32>
    %squeeze3A = vector.shape_cast %slice3A : vector<1x10240x8xf32> to vector<10240x8xf32>
    %slice3A_5 = vector.extract_strided_slice %reshape3A {offsets = [1, 0, 0], sizes = [1, 10240, 8], strides = [1, 1, 1]} : vector<2x10240x8xf32> to vector<1x10240x8xf32>
    %squeeze3A_6 = vector.shape_cast %slice3A_5 : vector<1x10240x8xf32> to vector<10240x8xf32>
    %add3A = arith.addf %squeeze3A, %squeeze3A_6 : vector<10240x8xf32>
    %get3A_7 = arith.constant 0 : index
    %get3A_8 = arith.constant 0 : index
    %get3A_9 = vector.load %arg2[%get3A_7, %get3A_8] : memref<10240x8xf32, #tpu.memory_space<vmem>>, vector<10240x8xf32>
    %add3A_10 = arith.addf %add3A, %get3A_9 : vector<10240x8xf32>
    %mul3A = vector.broadcast %get3A_1 : vector<10240x1xf32> to vector<10240x8xf32>
    %mul3A_11 = arith.mulf %mul3A, %add3A_10 : vector<10240x8xf32>
    %get3A_12 = arith.constant 0 : index
    %get3A_13 = arith.constant 0 : index
    %get3A_14 = vector.load %arg4[%get3A_12, %get3A_13] : memref<1x8xf32, #tpu.memory_space<vmem>>, vector<1x8xf32>
    %add3A_15 = vector.broadcast %get3A_14 : vector<1x8xf32> to vector<10240x8xf32>
    %add3A_16 = arith.addf %mul3A_11, %add3A_15 : vector<10240x8xf32>
    %gt3A = arith.constant 0.000000e+00 : f32
    %gt3A_17 = vector.broadcast %gt3A : f32 to vector<10240x8xf32>
    %gt3A_18 = arith.cmpf ogt, %add3A_16, %gt3A_17 : vector<10240x8xf32>
    %exp3A = math.exp %add3A_16 : vector<10240x8xf32>
    %sub3A = arith.constant 1.000000e+00 : f32
    %sub3A_19 = vector.broadcast %sub3A : f32 to vector<10240x8xf32>
    %sub3A_20 = arith.subf %exp3A, %sub3A_19 : vector<10240x8xf32>
    %select_n3A = arith.select %gt3A_18, %add3A_16, %sub3A_20 : vector<10240x8xi1>, vector<10240x8xf32>
    %mul3A_21 = vector.broadcast %get3A_1 : vector<10240x1xf32> to vector<10240x8xf32>
    %mul3A_22 = arith.mulf %mul3A_21, %select_n3A : vector<10240x8xf32>
    %swap3A = arith.constant 0 : index
    %swap3A_23 = arith.constant 0 : index
    %swap3A_24 = vector.load %arg5[%swap3A, %swap3A_23] : memref<10240x8xf32, #tpu.memory_space<vmem>>, vector<10240x8xf32>
    tpu.vector_store %arg5[%swap3A, %swap3A_23], %mul3A_22 {strides = array<i32>} : memref<10240x8xf32, #tpu.memory_space<vmem>>, vector<10240x8xf32>,
    return
  }
  func.func @transform_0(%arg0: i32) -> (i32, i32) {
    %c0_i32 = arith.constant 0 : i32
    %c0_i32_0 = arith.constant 0 : i32
    %c0_i32_1 = arith.constant 0 : i32
    return %c0_i32, %c0_i32_0 : i32, i32
  }
  func.func @transform_1(%arg0: i32) -> (i32, i32) {
    %c0_i32 = arith.constant 0 : i32
    %c0_i32_0 = arith.constant 0 : i32
    %c0_i32_1 = arith.constant 0 : i32
    return %c0_i32, %c0_i32_0 : i32, i32
  }
  func.func @transform_2(%arg0: i32) -> (i32, i32) {
    %c0_i32 = arith.constant 0 : i32
    %c0_i32_0 = arith.constant 0 : i32
    %c0_i32_1 = arith.constant 0 : i32
    return %c0_i32, %c0_i32_0 : i32, i32
  }
  func.func @transform_3(%arg0: i32) -> (i32, i32) {
    %c0_i32 = arith.constant 0 : i32
    %c0_i32_0 = arith.constant 0 : i32
    %c0_i32_1 = arith.constant 0 : i32
    return %c0_i32, %c0_i32_0 : i32, i32
  }
  func.func @transform_4(%arg0: i32) -> (i32, i32) {
    %c0_i32 = arith.constant 0 : i32
    %c0_i32_0 = arith.constant 0 : i32
    %c0_i32_1 = arith.constant 0 : i32
    return %c0_i32, %c0_i32_0 : i32, i32
  }
}

module attributes {stable_mosaic.version = 14 : i64} {
  func.func @_tmm2_body(%arg0: i32, %arg1: memref<20480x8xf32, #tpu.memory_space<vmem>>, %arg2: memref<10240x8xf32, #tpu.memory_space<vmem>>, %arg3: memref<10240x1xf32, #tpu.memory_space<vmem>>, %arg4: memref<1x16xf32, #tpu.memory_space<vmem>>, %arg5: memref<8x16xf32, #tpu.memory_space<vmem>>, %arg6: memref<16x8xf32, #tpu.memory_space<vmem>>, %arg7: memref<10240x8xf32, #tpu.memory_space<vmem>>) attributes {dimension_semantics = [#tpu.dimension_semantics<arbitrary>], iteration_bounds = array<i64: 1>, scalar_prefetch = 0 : i64, scratch_operands = 0 : i64, tpu.core_type = #tpu.core_type<tc>, window_params = [{pipeline_mode = #tpu.pipeline_mode<synchronous>, transform_indices = @transform_0, window_bounds = array<i64: 20480, 8>}, {pipeline_mode = #tpu.pipeline_mode<synchronous>, transform_indices = @transform_1, window_bounds = array<i64: 10240, 8>}, {pipeline_mode = #tpu.pipeline_mode<synchronous>, transform_indices = @transform_2, window_bounds = array<i64: 10240, 1>}, {pipeline_mode = #tpu.pipeline_mode<synchronous>, transform_indices = @transform_3, window_bounds = array<i64: 1, 16>}, {pipeline_mode = #tpu.pipeline_mode<synchronous>, transform_indices = @transform_4, window_bounds = array<i64: 8, 16>}, {pipeline_mode = #tpu.pipeline_mode<synchronous>, transform_indices = @transform_5, window_bounds = array<i64: 16, 8>}, {pipeline_mode = #tpu.pipeline_mode<synchronous>, transform_indices = @transform_6, window_bounds = array<i64: 10240, 8>}]} {
    %get3A = arith.constant 0 : index
    %get3A_0 = arith.constant 0 : index
    %get3A_1 = vector.load %arg3[%get3A, %get3A_0] : memref<10240x1xf32, #tpu.memory_space<vmem>>, vector<10240x1xf32>
    %get3A_2 = arith.constant 0 : index
    %get3A_3 = arith.constant 0 : index
    %get3A_4 = vector.load %arg1[%get3A_2, %get3A_3] : memref<20480x8xf32, #tpu.memory_space<vmem>>, vector<20480x8xf32>
    %reshape3A = vector.shape_cast %get3A_4 : vector<20480x8xf32> to vector<2x10240x8xf32>
    %slice3A = vector.extract_strided_slice %reshape3A {offsets = [0, 0, 0], sizes = [1, 10240, 8], strides = [1, 1, 1]} : vector<2x10240x8xf32> to vector<1x10240x8xf32>
    %squeeze3A = vector.shape_cast %slice3A : vector<1x10240x8xf32> to vector<10240x8xf32>
    %slice3A_5 = vector.extract_strided_slice %reshape3A {offsets = [1, 0, 0], sizes = [1, 10240, 8], strides = [1, 1, 1]} : vector<2x10240x8xf32> to vector<1x10240x8xf32>
    %squeeze3A_6 = vector.shape_cast %slice3A_5 : vector<1x10240x8xf32> to vector<10240x8xf32>
    %add3A = arith.addf %squeeze3A, %squeeze3A_6 : vector<10240x8xf32>
    %get3A_7 = arith.constant 0 : index
    %get3A_8 = arith.constant 0 : index
    %get3A_9 = vector.load %arg2[%get3A_7, %get3A_8] : memref<10240x8xf32, #tpu.memory_space<vmem>>, vector<10240x8xf32>
    %add3A_10 = arith.addf %add3A, %get3A_9 : vector<10240x8xf32>
    %mul3A = vector.broadcast %get3A_1 : vector<10240x1xf32> to vector<10240x8xf32>
    %mul3A_11 = arith.mulf %mul3A, %add3A_10 : vector<10240x8xf32>
    %get3A_12 = arith.constant 0 : index
    %get3A_13 = arith.constant 0 : index
    %get3A_14 = vector.load %arg5[%get3A_12, %get3A_13] : memref<8x16xf32, #tpu.memory_space<vmem>>, vector<8x16xf32>
    %dot_general3A = arith.constant dense<0.000000e+00> : vector<10240x16xf32>
    %dot_general3A_15 = tpu.matmul %mul3A_11, %get3A_14, %dot_general3A {dimension_numbers = #tpu.dot_dimension_numbers<[1], [0], [0], [1], [0, 0, 1, 1], [], []>, transpose_lhs_hint = false} : vector<10240x8xf32>, vector<8x16xf32>, vector<10240x16xf32> -> vector<10240x16xf32>
    %get3A_16 = arith.constant 0 : index
    %get3A_17 = arith.constant 0 : index
    %get3A_18 = vector.load %arg4[%get3A_16, %get3A_17] : memref<1x16xf32, #tpu.memory_space<vmem>>, vector<1x16xf32>
    %add3A_19 = vector.broadcast %get3A_18 : vector<1x16xf32> to vector<10240x16xf32>
    %add3A_20 = arith.addf %dot_general3A_15, %add3A_19 : vector<10240x16xf32>
    %gt3A = arith.constant 0.000000e+00 : f32
    %gt3A_21 = vector.broadcast %gt3A : f32 to vector<10240x16xf32>
    %gt3A_22 = arith.cmpf ogt, %add3A_20, %gt3A_21 : vector<10240x16xf32>
    %exp3A = math.exp %add3A_20 : vector<10240x16xf32>
    %sub3A = arith.constant 1.000000e+00 : f32
    %sub3A_23 = vector.broadcast %sub3A : f32 to vector<10240x16xf32>
    %sub3A_24 = arith.subf %exp3A, %sub3A_23 : vector<10240x16xf32>
    %select_n3A = arith.select %gt3A_22, %add3A_20, %sub3A_24 : vector<10240x16xi1>, vector<10240x16xf32>
    %get3A_25 = arith.constant 0 : index
    %get3A_26 = arith.constant 0 : index
    %get3A_27 = vector.load %arg6[%get3A_25, %get3A_26] : memref<16x8xf32, #tpu.memory_space<vmem>>, vector<16x8xf32>
    %dot_general3A_28 = arith.constant dense<0.000000e+00> : vector<10240x8xf32>
    %dot_general3A_29 = tpu.matmul %select_n3A, %get3A_27, %dot_general3A_28 {dimension_numbers = #tpu.dot_dimension_numbers<[1], [0], [0], [1], [0, 0, 1, 1], [], []>, transpose_lhs_hint = false} : vector<10240x16xf32>, vector<16x8xf32>, vector<10240x8xf32> -> vector<10240x8xf32>
    %mul3A_30 = vector.broadcast %get3A_1 : vector<10240x1xf32> to vector<10240x8xf32>
    %mul3A_31 = arith.mulf %mul3A_30, %dot_general3A_29 : vector<10240x8xf32>
    %swap3A = arith.constant 0 : index
    %swap3A_32 = arith.constant 0 : index
    %swap3A_33 = vector.load %arg7[%swap3A, %swap3A_32] : memref<10240x8xf32, #tpu.memory_space<vmem>>, vector<10240x8xf32>
    tpu.vector_store %arg7[%swap3A, %swap3A_32], %mul3A_31 {strides = array<i32>} : memref<10240x8xf32, #tpu.memory_space<vmem>>, vector<10240x8xf32>,
    return
  }
  func.func @transform_0(%arg0: i32) -> (i32, i32) {
    %c0_i32 = arith.constant 0 : i32
    %c0_i32_0 = arith.constant 0 : i32
    %c0_i32_1 = arith.constant 0 : i32
    return %c0_i32, %c0_i32_0 : i32, i32
  }
  func.func @transform_1(%arg0: i32) -> (i32, i32) {
    %c0_i32 = arith.constant 0 : i32
    %c0_i32_0 = arith.constant 0 : i32
    %c0_i32_1 = arith.constant 0 : i32
    return %c0_i32, %c0_i32_0 : i32, i32
  }
  func.func @transform_2(%arg0: i32) -> (i32, i32) {
    %c0_i32 = arith.constant 0 : i32
    %c0_i32_0 = arith.constant 0 : i32
    %c0_i32_1 = arith.constant 0 : i32
    return %c0_i32, %c0_i32_0 : i32, i32
  }
  func.func @transform_3(%arg0: i32) -> (i32, i32) {
    %c0_i32 = arith.constant 0 : i32
    %c0_i32_0 = arith.constant 0 : i32
    %c0_i32_1 = arith.constant 0 : i32
    return %c0_i32, %c0_i32_0 : i32, i32
  }
  func.func @transform_4(%arg0: i32) -> (i32, i32) {
    %c0_i32 = arith.constant 0 : i32
    %c0_i32_0 = arith.constant 0 : i32
    %c0_i32_1 = arith.constant 0 : i32
    return %c0_i32, %c0_i32_0 : i32, i32
  }
  func.func @transform_5(%arg0: i32) -> (i32, i32) {
    %c0_i32 = arith.constant 0 : i32
    %c0_i32_0 = arith.constant 0 : i32
    %c0_i32_1 = arith.constant 0 : i32
    return %c0_i32, %c0_i32_0 : i32, i32
  }
  func.func @transform_6(%arg0: i32) -> (i32, i32) {
    %c0_i32 = arith.constant 0 : i32
    %c0_i32_0 = arith.constant 0 : i32
    %c0_i32_1 = arith.constant 0 : i32
    return %c0_i32, %c0_i32_0 : i32, i32
  }
}

module attributes {stable_mosaic.version = 14 : i64} {
  func.func @_tfin_body(%arg0: i32, %arg1: memref<20480x8xf32, #tpu.memory_space<vmem>>, %arg2: memref<10240x8xf32, #tpu.memory_space<vmem>>, %arg3: memref<10240x1xf32, #tpu.memory_space<vmem>>, %arg4: memref<1x2xf32, #tpu.memory_space<vmem>>, %arg5: memref<8x2xf32, #tpu.memory_space<vmem>>, %arg6: memref<10240x2xf32, #tpu.memory_space<vmem>>) attributes {dimension_semantics = [#tpu.dimension_semantics<arbitrary>], iteration_bounds = array<i64: 1>, scalar_prefetch = 0 : i64, scratch_operands = 0 : i64, tpu.core_type = #tpu.core_type<tc>, window_params = [{pipeline_mode = #tpu.pipeline_mode<synchronous>, transform_indices = @transform_0, window_bounds = array<i64: 20480, 8>}, {pipeline_mode = #tpu.pipeline_mode<synchronous>, transform_indices = @transform_1, window_bounds = array<i64: 10240, 8>}, {pipeline_mode = #tpu.pipeline_mode<synchronous>, transform_indices = @transform_2, window_bounds = array<i64: 10240, 1>}, {pipeline_mode = #tpu.pipeline_mode<synchronous>, transform_indices = @transform_3, window_bounds = array<i64: 1, 2>}, {pipeline_mode = #tpu.pipeline_mode<synchronous>, transform_indices = @transform_4, window_bounds = array<i64: 8, 2>}, {transform_indices = @transform_5, window_bounds = array<i64: 10240, 2>}]} {
    %get3A = arith.constant 0 : index
    %get3A_0 = arith.constant 0 : index
    %get3A_1 = vector.load %arg3[%get3A, %get3A_0] : memref<10240x1xf32, #tpu.memory_space<vmem>>, vector<10240x1xf32>
    %get3A_2 = arith.constant 0 : index
    %get3A_3 = arith.constant 0 : index
    %get3A_4 = vector.load %arg1[%get3A_2, %get3A_3] : memref<20480x8xf32, #tpu.memory_space<vmem>>, vector<20480x8xf32>
    %reshape3A = vector.shape_cast %get3A_4 : vector<20480x8xf32> to vector<2x10240x8xf32>
    %slice3A = vector.extract_strided_slice %reshape3A {offsets = [0, 0, 0], sizes = [1, 10240, 8], strides = [1, 1, 1]} : vector<2x10240x8xf32> to vector<1x10240x8xf32>
    %squeeze3A = vector.shape_cast %slice3A : vector<1x10240x8xf32> to vector<10240x8xf32>
    %slice3A_5 = vector.extract_strided_slice %reshape3A {offsets = [1, 0, 0], sizes = [1, 10240, 8], strides = [1, 1, 1]} : vector<2x10240x8xf32> to vector<1x10240x8xf32>
    %squeeze3A_6 = vector.shape_cast %slice3A_5 : vector<1x10240x8xf32> to vector<10240x8xf32>
    %add3A = arith.addf %squeeze3A, %squeeze3A_6 : vector<10240x8xf32>
    %get3A_7 = arith.constant 0 : index
    %get3A_8 = arith.constant 0 : index
    %get3A_9 = vector.load %arg2[%get3A_7, %get3A_8] : memref<10240x8xf32, #tpu.memory_space<vmem>>, vector<10240x8xf32>
    %add3A_10 = arith.addf %add3A, %get3A_9 : vector<10240x8xf32>
    %mul3A = vector.broadcast %get3A_1 : vector<10240x1xf32> to vector<10240x8xf32>
    %mul3A_11 = arith.mulf %mul3A, %add3A_10 : vector<10240x8xf32>
    %get3A_12 = arith.constant 0 : index
    %get3A_13 = arith.constant 0 : index
    %get3A_14 = vector.load %arg5[%get3A_12, %get3A_13] : memref<8x2xf32, #tpu.memory_space<vmem>>, vector<8x2xf32>
    %dot_general3A = arith.constant dense<0.000000e+00> : vector<10240x2xf32>
    %dot_general3A_15 = tpu.matmul %mul3A_11, %get3A_14, %dot_general3A {dimension_numbers = #tpu.dot_dimension_numbers<[1], [0], [0], [1], [0, 0, 1, 1], [], []>, transpose_lhs_hint = false} : vector<10240x8xf32>, vector<8x2xf32>, vector<10240x2xf32> -> vector<10240x2xf32>
    %get3A_16 = arith.constant 0 : index
    %get3A_17 = arith.constant 0 : index
    %get3A_18 = vector.load %arg4[%get3A_16, %get3A_17] : memref<1x2xf32, #tpu.memory_space<vmem>>, vector<1x2xf32>
    %add3A_19 = vector.broadcast %get3A_18 : vector<1x2xf32> to vector<10240x2xf32>
    %add3A_20 = arith.addf %dot_general3A_15, %add3A_19 : vector<10240x2xf32>
    %reduce_max3A = arith.constant dense<0xFF800000> : vector<10240xf32>
    %reduce_max3A_21 = vector.multi_reduction <maximumf>, %add3A_20, %reduce_max3A [1] : vector<10240x2xf32> to vector<10240xf32>
    %broadcast_in_dim3A = vector.shape_cast %reduce_max3A_21 : vector<10240xf32> to vector<10240x1xf32>
    %sub3A = vector.broadcast %broadcast_in_dim3A : vector<10240x1xf32> to vector<10240x2xf32>
    %sub3A_22 = arith.subf %add3A_20, %sub3A : vector<10240x2xf32>
    %exp3A = math.exp %sub3A_22 : vector<10240x2xf32>
    %reduce_sum3A = arith.constant dense<0.000000e+00> : vector<10240xf32>
    %reduce_sum3A_23 = vector.multi_reduction <add>, %exp3A, %reduce_sum3A [1] : vector<10240x2xf32> to vector<10240xf32>
    %broadcast_in_dim3A_24 = vector.shape_cast %reduce_sum3A_23 : vector<10240xf32> to vector<10240x1xf32>
    %log3A = math.log %broadcast_in_dim3A_24 : vector<10240x1xf32>
    %sub3A_25 = vector.broadcast %log3A : vector<10240x1xf32> to vector<10240x2xf32>
    %sub3A_26 = arith.subf %sub3A_22, %sub3A_25 : vector<10240x2xf32>
    %swap3A = arith.constant 0 : index
    %swap3A_27 = arith.constant 0 : index
    %swap3A_28 = vector.load %arg6[%swap3A, %swap3A_27] : memref<10240x2xf32, #tpu.memory_space<vmem>>, vector<10240x2xf32>
    tpu.vector_store %arg6[%swap3A, %swap3A_27], %sub3A_26 {strides = array<i32>} : memref<10240x2xf32, #tpu.memory_space<vmem>>, vector<10240x2xf32>,
    return
  }
  func.func @transform_0(%arg0: i32) -> (i32, i32) {
    %c0_i32 = arith.constant 0 : i32
    %c0_i32_0 = arith.constant 0 : i32
    %c0_i32_1 = arith.constant 0 : i32
    return %c0_i32, %c0_i32_0 : i32, i32
  }
  func.func @transform_1(%arg0: i32) -> (i32, i32) {
    %c0_i32 = arith.constant 0 : i32
    %c0_i32_0 = arith.constant 0 : i32
    %c0_i32_1 = arith.constant 0 : i32
    return %c0_i32, %c0_i32_0 : i32, i32
  }
  func.func @transform_2(%arg0: i32) -> (i32, i32) {
    %c0_i32 = arith.constant 0 : i32
    %c0_i32_0 = arith.constant 0 : i32
    %c0_i32_1 = arith.constant 0 : i32
    return %c0_i32, %c0_i32_0 : i32, i32
  }
  func.func @transform_3(%arg0: i32) -> (i32, i32) {
    %c0_i32 = arith.constant 0 : i32
    %c0_i32_0 = arith.constant 0 : i32
    %c0_i32_1 = arith.constant 0 : i32
    return %c0_i32, %c0_i32_0 : i32, i32
  }
  func.func @transform_4(%arg0: i32) -> (i32, i32) {
    %c0_i32 = arith.constant 0 : i32
    %c0_i32_0 = arith.constant 0 : i32
    %c0_i32_1 = arith.constant 0 : i32
    return %c0_i32, %c0_i32_0 : i32, i32
  }
  func.func @transform_5(%arg0: i32) -> (i32, i32) {
    %c0_i32 = arith.constant 0 : i32
    %c0_i32_0 = arith.constant 0 : i32
    %c0_i32_1 = arith.constant 0 : i32
    return %c0_i32, %c0_i32_0 : i32, i32
  }
}

</mosaic_0001>

<sc_bundles>
// kernel: kernel.12.cloned.1.call-start
scs
__scs_entry_jumppad:
0x0: {  	(pc) =	sbr.rel $0x88, $3  }
0x1: {  	(tag) =	ssettag $0x0;
	lr =	simm.s32 $0x1  }
0x2: {  	[smem:$0x3F97] =	sst lr;
	_ =	strace $0xD0000000  }
0x3: {  	_ = 	snop  }
0x4: {  	_ = 	snop  }
0x5: {  	_ = 	snop  }
0x6: {  	_ = 	snop  }
0x7: {  	_ = 	snop  }
__scs_overlays_trampoline_lowered:
0x8: {  	[smem:$0x3FA6] =	sst s0  }
0x9: {  	[smem:$0x3FA7] =	sst s1  }
0xa: {  	[smem:$0x3FA8] =	sst s2  }
0xb: {  	[smem:$0x3FA9] =	sst s3  }
0xc: {  	[smem:$0x3FAA] =	sst s4  }
0xd: {  	[smem:$0x3FAB] =	sst s5  }
0xe: {  	[smem:$0x3FAC] =	sst s6  }
0xf: {  	[smem:$0x3FAD] =	sst s7  }
0x10: {  	[smem:$0x3FAE] =	sst s8  }
0x11: {  	[smem:$0x3FAF] =	sst s9;
	s0 =	simm.s32 @!p0 $0x0  }
0x12: {  	s1 =	sld [smem:$0x3F95];
	s0 =	simm.s32 @p0 $0x1  }
0x13: {  	[smem:$0x3FB0] =	sst s0;
	s0 =	simm.s32 @!p1 $0x0  }
0x14: {  	s2 =	sld [smem:$0x3F94];
	s0 =	simm.s32 @p1 $0x1  }
0x15: {  	[smem:$0x3FB1] =	sst s0;
	s0 =	simm.s32 @!p2 $0x0  }
0x16: {  	s3 =	sld [smem:$0x3FDB];
	s0 =	simm.s32 @p2 $0x1  }
0x17: {  	s4 =	simm.s32 $0x1BF5;
	[smem:$0x3FB3] =	sst s0  }
0x18: {  	s0 =	sld [smem:$0x3F96];
	_ =	swait.ge [sflag:s4], $0x0  }
0x19: {  	s7 =	sld [smem:$0x3F97]  }
0x1a: {  	s8 =	sadd.s32 $0xFFFFE003, lr  }
0x1b: {  	s9 =	sadd.s32 $0xFFFFFEF7, lr;
	s5 =	simm.s32 $0xFFFFFFFF;
	p2 =	slt.u32 s8, $0xFFFFF086  }
0x1c: {  	p1 =	slt.u32 s9, $0xF7A;
	s5 =	simm.s32 @!p2 $0x0  }
0x1d: {  	s5 =	simm.s32 @p1 $0x1;
	p0 =	seq.s32 s7, s2  }
0x1e: {  	s7 =	smul.u32 @!p0 $0xF7A, s2;
	p2 =	seq.s32 @!p0 s5, $0x0  }
0x1f: {  	s9 =	smul.u32 $0xF7A, s1;
	s8 =	simm.s32 @!p0 $0x1BF5;
	p2 =	por !p2, p0  }
0x20: {  	[sflag:s8] =	ssyncset.s32 @!p0 $0xFFFFF086;
	s6 =	sadd.s32 @!p0 s3, s7;
	s7 =	simm.s32 @!p0 $0x108  }
0x21: {  	s3 =	sadd.s32 s3, s9;
	s6 =	sadd.s32 @!p0 $0x88, s6;
	s7 =	simm.s32 @p2 $0x1082  }
0x22: {  	[simem:s7], [sflag:s8] =	dma.local @!p0 [hbm:s6], $0xF7A  }
0x23: {  	s9 =	sor.u32 $0xD0000000, s2;
	s6 =	simm.s32 $0x108;
	_ =	swait.ge @!p0 [sflag:s8], $0x0  }
0x24: {  	s3 =	sadd.s32 $0x88, s3;
	s6 =	simm.s32 @!p1 $0x1082;
	[sflag:s4] =	ssyncset.s32 $0xFFFFF086  }
0x25: {  	[simem:s6], [sflag:s4] =	dma.local [hbm:s3], $0xF7A  }
0x26: {  	[smem:$0x3F97] =	sst s1;
	(tag) =	ssettag s2;
	_ =	strace s9  }
0x27: {  	s1 =	sld [smem:$0x3FA7]  }
0x28: {  	s2 =	sld [smem:$0x3FA8]  }
0x29: {  	s4 =	sld [smem:$0x3FAA]  }
0x2a: {  	p0 =	seq.s32 s5, $0x0;
	s5 =	sld [smem:$0x3FAB]  }
0x2b: {  	s6 =	sld [smem:$0x3FAC]  }
0x2c: {  	s7 =	sld [smem:$0x3FAD]  }
0x2d: {  	s3 =	simm.s32 $0x108;
	s8 =	sld [smem:$0x3FAE]  }
0x2e: {  	s3 =	simm.s32 @!p0 $0x1082;
	s9 =	sld [smem:$0x3FAF]  }
0x2f: {  	lr =	sadd.s32 s0, s3;
	s0 =	sld [smem:$0x3FA6]  }
0x30: {  	s3 =	sld [smem:$0x3FA9]  }
0x31: {  	[smem:$0x3FB2] =	sst s10  }
0x32: {  	s10 =	sld [smem:$0x3FB0];
	_ =	sdelay $0x3  }
0x33: {  	p0 =	seq.s32 s10, $0x1;
	s10 =	sld [smem:$0x3FB2];
	_ =	sdelay $0x3  }
0x34: {  	[smem:$0x3FB2] =	sst s10  }
0x35: {  	s10 =	sld [smem:$0x3FB1];
	_ =	sdelay $0x3  }
0x36: {  	p1 =	seq.s32 s10, $0x1;
	s10 =	sld [smem:$0x3FB2];
	_ =	sdelay $0x3  }
0x37: {  	[smem:$0x3FB2] =	sst s10  }
0x38: {  	s10 =	sld [smem:$0x3FB3]  }
0x39: {  	_ = 	snop;
	(pc) =	sbr.ind lr, $3  }
0x3a: {  	_ = 	snop  }
0x3b: {  	_ = 	snop  }
0x3c: {  	p2 =	seq.s32 s10, $0x1;
	s10 =	sld [smem:$0x3FB2]  }
0x3d: {  	_ =	shalt  }
0x3e: {  	_ =	shalt  }
0x3f: {  	_ =	shalt  }
0x40: {  	_ =	shalt  }
0x41: {  	_ =	shalt  }
0x42: {  	_ =	shalt  }
0x43: {  	_ =	shalt  }
0x44: {  	_ =	shalt  }
0x45: {  	_ =	shalt  }
0x46: {  	_ =	shalt  }
0x47: {  	_ =	shalt  }
0x48: {  	_ =	shalt  }
0x49: {  	_ =	shalt  }
0x4a: {  	_ =	shalt  }
0x4b: {  	_ =	shalt  }
0x4c: {  	_ =	shalt  }
0x4d: {  	_ =	shalt  }
0x4e: {  	_ =	shalt  }
0x4f: {  	_ =	shalt  }
0x50: {  	_ =	shalt  }
0x51: {  	_ =	shalt  }
0x52: {  	_ =	shalt  }
0x53: {  	_ =	shalt  }
0x54: {  	_ =	shalt  }
0x55: {  	_ =	shalt  }
0x56: {  	_ =	shalt  }
0x57: {  	_ =	shalt  }
0x58: {  	_ =	shalt  }
0x59: {  	_ =	shalt  }
0x5a: {  	_ =	shalt  }
0x5b: {  	_ =	shalt  }
0x5c: {  	_ =	shalt  }
0x5d: {  	_ =	shalt  }
0x5e: {  	_ =	shalt  }
0x5f: {  	_ =	shalt  }
0x60: {  	_ =	shalt  }
0x61: {  	_ =	shalt  }
0x62: {  	_ =	shalt  }
0x63: {  	_ =	shalt  }
0x64: {  	_ =	shalt  }
0x65: {  	_ =	shalt  }
0x66: {  	_ =	shalt  }
0x67: {  	_ =	shalt  }
0x68: {  	_ =	shalt  }
0x69: {  	_ =	shalt  }
0x6a: {  	_ =	shalt  }
0x6b: {  	_ =	shalt  }
0x6c: {  	_ =	shalt  }
0x6d: {  	_ =	shalt  }
0x6e: {  	_ =	shalt  }
0x6f: {  	_ =	shalt  }
0x70: {  	_ =	shalt  }
0x71: {  	_ =	shalt  }
0x72: {  	_ =	shalt  }
0x73: {  	_ =	shalt  }
0x74: {  	_ =	shalt  }
0x75: {  	_ =	shalt  }
0x76: {  	_ =	shalt  }
0x77: {  	_ =	shalt  }
0x78: {  	_ =	shalt  }
0x79: {  	_ =	shalt  }
0x7a: {  	_ =	shalt  }
0x7b: {  	_ =	shalt  }
0x7c: {  	_ =	shalt  }
0x7d: {  	_ =	shalt  }
0x7e: {  	_ =	shalt  }
0x7f: {  	_ =	shalt  }
0x80: {  	_ =	shalt  }
0x81: {  	_ =	shalt  }
0x82: {  	_ =	shalt  }
0x83: {  	_ =	shalt  }
0x84: {  	_ =	shalt  }
0x85: {  	_ =	shalt  }
0x86: {  	_ =	shalt  }
0x87: {  	_ =	shalt  }
.Lfunc_end0:
.L_simem_size_0:
called_computation_lowered:
.L_overlay_start_0:
0x88: {  	s2 =	sld [smem:$0x3FD9]  }
0x89: {  	s3 =	sld [smem:$0x3FFE];
	_ =	sdelay $0x1  }
0x8a: {  	s1 =	srdreg.scid  }
0x8b: {  	s0 =	sand.u32 $0x1, s1  }
0x8c: {  	s17 =	sshll.u32 s0, $0xA;
	s2 =	sadd.s32 s3, s2  }
0x8d: {  	s2 =	sadd.s32 s2, s17  }
0x8e: {  	[smem:$0x3FBE] =	sst s2  }
0x8f: {  	_ = 	snop  }
0x90: {  	s2 =	sld [smem:$0x3FD0];
	(tm) =	ssettm $0x1  }
0x91: {  	s18 =	sld [smem:$0x3FFB];
	_ =	sdelay $0x3  }
0x92: {  	_ =	strace s18  }
0x93: {  	s3 =	sld [smem:$0x3FFC];
	_ =	sdelay $0x3  }
0x94: {  	_ =	strace s3  }
0x95: {  	s3 =	sld [smem:$0x3FFD];
	_ =	sdelay $0x3  }
0x96: {  	_ =	strace s3  }
0x97: {  	_ =	strace $0x8FFFFFFF  }
0x98: {  	s19 =	sld [smem:$0x3FDB];
	_ =	sdelay $0x1  }
0x99: {  	s4 =	simm.s32 $_scs_section_size  }
0x9a: {  	s5 =	simm.s32 $_size__tile_overlayer_lowered;
	s6 =	simm.s32 $_tile_overlayer_lowered  }
0x9b: {  	s22 =	simm.s32 $0x1BFF;
	s21 =	sshll.u32 s6, $0x1;
	s3 =	sadd.s32 s4, s19  }
0x9c: {  	s7 =	simm.s32 $0x0;
	s20 =	sshll.u32 s5, $0x1;
	s5 =	sadd.s32 s21, s3  }
0x9d: {  	[timem:s7], [sflag:s22] =	dma.local [hbm:s5], s20  }
0x9e: {  	_ =	swait.ge [sflag:s22], s20  }
0x9f: {  	s4 =	ssub.s32 $0x0, s20;
	[sflag:s22] =	ssyncset.done $0x0  }
0xa0: {  	[sflag:s22] =	ssyncadd.s32 s4;
	_ =	sdelay $0x1  }
0xa1: {  	s23 =	simm.s32 $0x1B8B  }
0xa2: {  	_ =	swait.ge [sflag:s23], $0x1  }
0xa3: {  	[sflag:s23] =	ssyncset.done $0x0  }
0xa4: {  	s25 =	simm.s32 $0x1B8E;
	s24 =	sld [smem:$0x3FFE];
	[sflag:s23] =	ssyncadd.s32 $0xFFFFFFFF  }
0xa5: {  	s26 =	simm.s32 $execute0_lowered;
	[smem:$0x3FD2] =	sst s25  }
0xa6: {  	s5 =	sshll.u32 s26, $0x1;
	_ =	strace $0x80000046;
	[dreg:$0x1] =	wrdreg $0xFFFFFFFF  }
0xa7: {  	s28 =	simm.s32 $_size_execute0_lowered;
	s3 =	sadd.s32 s3, s5;
	[dreg:$0x0] =	wrdreg $0x0  }
0xa8: {  	s5 =	sshll.u32 s28, $0x1;
	[dreg:$0x2] =	wrdreg s3  }
0xa9: {  	[dreg:$0x3] =	wrdreg s5  }
0xaa: {  	[dreg:$0x4] =	wrdreg $0xC0  }
0xab: {  	_ =	task [dreg:s7], $0x5FFFF  }
0xac: {  	[dreg:$0x1] =	wrdreg $0xFFFFFFFF  }
0xad: {  	[dreg:$0x0] =	wrdreg $0x60  }
0xae: {  	[dreg:$0x2] =	wrdreg s24  }
0xaf: {  	[dreg:$0x3] =	wrdreg s2  }
0xb0: {  	[dreg:$0x4] =	wrdreg $0x28A00  }
0xb1: {  	[dreg:$0x5] =	wrdreg $0x9  }
0xb2: {  	_ =	task.clear_ibuf [dreg:s7], $0x6FFFF;
	_ =	strace $0x90000046  }
0xb3: {  	s29 =	simm.s32 $0x9;
	_ =	strace $0x80000048  }
0xb4: {  	_ =	swait.ge [sflag:s29], $0x1  }
0xb5: {  	[sflag:s29] =	ssyncadd.s32 $0xFFFFFFFF  }
0xb6: {  	_ =	strace $0x90000048  }
0xb7: {  	_ =	sfence  }
0xb8: {  	s30 =	sld [smem:$0x0];
	_ =	sdelay $0x2  }
0xb9: {  	s31 =	sshll.u32 s1, $0xD;
	s1 =	sshrl.u32 s1, $0x2  }
0xba: {  	s3 =	sand.u32 $0x4000, s31;
	s1 =	sadd.s32 s1, s30  }
0xbb: {  	s0 =	sor.u32 s3, s0;
	s1 =	sshll.u32 s1, $0x11  }
0xbc: {  	s0 =	sor.u32 s1, s0  }
0xbd: {  	s0 =	sadd.s32 $0x8F2B, s0  }
0xbe: {  	[sflag:s0] =	ssyncadd.remote.s32 $0x1  }
0xbf: {  	_ =	sfence.sel $0xFFFF  }
0xc0: {  	[dreg:$0x0] =	wrdreg $0xFFFFFFFF;
	(pc) =	sbr.abs _section_cstart, $3  }
0xc1: {  	[dreg:$0x1] =	wrdreg $0xFFFFFFFF  }
0xc2: {  	_ =	task.clear_ibuf [dreg:s7], $0x2FFFF;
	_ =	strace $0x9FFFFFFF  }
0xc3: {  	(tm) =	ssettm $0x7FFFFFFF  }
tec
execute0_lowered:
.L_overlay_start_1:
0x0: {  	(tag) =	ssettag $0x1  }
0x1: {  	s5 =	rddreg [dreg:$0x0]  }
0x2: {  	s4 =	rddreg [dreg:$0x1];
	s1 =	srdreg.scid  }
0x3: {  	s0 =	stileid.u32;
	s2 =	rddreg [dreg:$0x2];
	s3 =	simm.s32 $0x0  }
0x4: {  	s12 =	simm.s32 $0x2710;
	s6 =	sand.u32 $0x1, s1;
	s1 =	rddreg [dreg:$0x3]  }
0x5: {  	s13 =	simm.s32 $0x0;
	s7 =	smul.u32 $0x280, s0;
	[smem:$0x7FF] =	sst s3  }
0x6: {  	s31 =	sshll.u32 s0, $0x6;
	s8 =	smul.u32 $0x2800, s6;
	s9 =	sshll.u32 s6, $0x4  }
0x7: {  	s6 =	ssub.s32 $0x2, s6;
	_ =	strace $0x80000047;
	s9 =	sor.u32 s0, s9  }
0x8: {  	s10 =	sshrl.u32 s6, $0x1;
	s11 =	sadd.s32 s7, s2;
	s9 =	smul.u32 $0x2710, s9  }
0x9: {  	s29 =	sshrl.u32 s7, $0x3;
	s8 =	sadd.s32 s7, s8;
	s10 =	ssub.s32 s6, s10  }
0xa: {  	s4 =	sadd.s32 s4, s29;
	s8 =	sshrl.u32 s8, $0x3;
	s30 =	sshrl.u32 s9, $0x3  }
0xb: {  	s8 =	sadd.s32 s8, s5;
	s9 =	sshrl.u32 s11, $0x3;
	s7 =	sadd.s32 s5, s30  }
0xc: {  	s11 =	simm.s32 $0x190;
	s5 =	sor.u32 $0x1C01, s31;
	s6 =	sadd.s32 $0xCA40, s7  }
0xd: {  	v0 =	vimm.f32 $1.000000000e+00;
	s7 =	sadd.s32 $0x16800, s8;
	s8 =	smax.u32 s10, $0x1;
	s10 =	simm.s32 $0x1  }
.LBB2_1:
0xe: {  	[spmem:s9], [sflag:s5] =	dma.local [hbm:s4], $0x50  }
0xf: {  	_ =	swait.ge [sflag:s10], $0x50  }
0x10: {  	[sflag:s10] =	ssyncset.done $0x0  }
0x11: {  	[sflag:s10] =	ssyncadd.s32 $0xFFFFFFB0  }
0x12: {  	[tilespmem:s3], [sflag:$0x1] =	stream.linear.gather [hbm4b:s6+s3], $0x2710, $0x38;
	[tilespmem:$0x2B20] =	vst v63  }
0x13: {  	_ =	swait.ge [sflag:s10], $0x2710  }
0x14: {  	[sflag:s10] =	ssyncset.done $0x0  }
0x15: {  	[sflag:s10] =	ssyncadd.s32 $0xFFFFD8F0  }
0x16: {  	[tilespmem:$0x2710] =	vst v0  }
0x17: {  	[tilespmem:$0x2720] =	vst v0  }
0x18: {  	[tilespmem:$0x2730] =	vst v0  }
0x19: {  	[tilespmem:$0x2740] =	vst v0  }
0x1a: {  	[tilespmem:$0x2750] =	vst v0  }
0x1b: {  	[tilespmem:$0x2760] =	vst v0  }
0x1c: {  	[tilespmem:$0x2770] =	vst v0  }
0x1d: {  	[tilespmem:$0x2780] =	vst v0  }
0x1e: {  	[tilespmem:$0x2790] =	vst v0  }
0x1f: {  	[tilespmem:$0x27A0] =	vst v0  }
0x20: {  	[tilespmem:$0x27B0] =	vst v0  }
0x21: {  	[tilespmem:$0x27C0] =	vst v0  }
0x22: {  	[tilespmem:$0x27D0] =	vst v0  }
0x23: {  	[tilespmem:$0x27E0] =	vst v0  }
0x24: {  	[tilespmem:$0x27F0] =	vst v0  }
0x25: {  	[tilespmem:$0x2800] =	vst v0  }
0x26: {  	[tilespmem:$0x2810] =	vst v0  }
0x27: {  	[tilespmem:$0x2820] =	vst v0  }
0x28: {  	[tilespmem:$0x2830] =	vst v0  }
0x29: {  	[tilespmem:$0x2840] =	vst v0  }
0x2a: {  	[tilespmem:$0x2850] =	vst v0  }
0x2b: {  	[tilespmem:$0x2860] =	vst v0  }
0x2c: {  	[tilespmem:$0x2870] =	vst v0  }
0x2d: {  	[tilespmem:$0x2880] =	vst v0  }
0x2e: {  	[tilespmem:$0x2890] =	vst v0  }
0x2f: {  	s14 =	simm.s32 $0x0;
	[bflag:$0x0] =	sbarrier.arrive $0xFFFF  }
0x30: {  	[spmem:s2] =	stream.indirect.scatter.add.f32 [tilespmem:s12], [sflag:$0x1], $0x1, s14, s11, $0xb8;
	[tilespmem:$0x2B20] =	vst v63  }
0x31: {  	_ =	swait.ge [sflag:s10], $0x190  }
0x32: {  	s14 =	simm.s32 $0x640;
	[sflag:s10] =	ssyncset.done $0x0  }
.LBB2_2:
0x33: {  	s15 =	sshra.s32 s14, $0x2;
	[sflag:s10] =	ssyncadd.s32 $0xFFFFFE70;
	p0 =	sne.s32 s14, $0x9600  }
0x34: {  	[spmem:s2] =	stream.indirect.scatter.add.f32 [tilespmem:s12], [sflag:$0x1], $0x1, s15, s11, $0xb8;
	[tilespmem:$0x2B20] =	vst v63  }
.Ltmp0:
0x35: {  	_ = 	snop;
	(pc) =	sbr.rel @p0 .LBB2_2-.Ltmp0, $4  }
0x36: {  	_ = 	snop  }
0x37: {  	s14 =	sadd.s32 $0x640, s14  }
0x38: {  	_ =	swait.ge [sflag:s10], $0x190  }
0x39: {  	[sflag:s10] =	ssyncset.done $0x0  }
0x3a: {  	s13 =	sadd.s32 $0x1, s13  }
0x3b: {  	[sflag:s10] =	ssyncadd.s32 $0xFFFFFE70;
	p0 =	sne.s32 s13, s8  }
.Ltmp1:
0x3c: {  	[bflag:$0x0] =	sbarrier.arrive $0xFFFF;
	(pc) =	sbr.rel @p0 .LBB2_1-.Ltmp1, $4  }
0x3d: {  	[hbm:s7], [sflag:s5] =	dma.local [spmem:s9], $0x50  }
0x3e: {  	_ =	swait.ge [sflag:s10], $0x50  }
0x3f: {  	[sflag:s10] =	ssyncset.done $0x0  }
0x40: {  	[sflag:s10] =	ssyncadd.s32 $0xFFFFFFB0  }
0x41: {  	_ =	sfence.sel $0x180000  }
0x42: {  	[bflag:$0x0] =	sbarrier.arrive $0xFFFF  }
0x43: {  	p0 =	sne.s32 s0, $0x0;
	_ =	strace $0x90000047  }
0x44: {  	s0 =	sadd.s32 @!p0 $0x100000, s1;
	[bflag:$0x2] =	sbarrier.arrive $0xFFFF  }
0x45: {  	[sflag:s0] =	ssyncadd.tile.s32 @!p0 $0x1;
	_ =	shalt  }
.Lfunc_end2:
_tile_overlayer_lowered:
.L_overlay_start_2:
0x46: {  	(tag) =	ssettag $0x2  }
0x47: {  	s0 =	rddreg [dreg:$0x0];
	s2 =	stileid.u32  }
0x48: {  	s1 =	rddreg [dreg:$0x1];
	p0 =	sne.s32 s2, $0x0  }
0x49: {  	s3 =	rddreg [dreg:$0x2];
	[bflag:$0x3] =	sbarrier.arrive $0xFFFF;
	s2 =	simm.s32 @!p0 $0x1C01  }
0x4a: {  	[timem:s3], [sflag:s2] =	dma.local @!p0 [hbm:s0], s1  }
0x4b: {  	s0 =	simm.s32 @!p0 $0x1  }
0x4c: {  	_ =	swait.ge @!p0 [sflag:s0], s1  }
0x4d: {  	s1 =	ssub.s32 @!p0 $0x0, s1;
	[sflag:s0] =	ssyncset.done @!p0 $0x0  }
0x4e: {  	[sflag:s0] =	ssyncadd.s32 @!p0 s1  }
0x4f: {  	[bflag:$0x3] =	sbarrier.arrive $0xFFFF  }
0x50: {  	_ =	shalt  }

// kernel: kernel.15.cloned.1.call-start
scs
__scs_entry_jumppad:
0x0: {  	(pc) =	sbr.rel $0x88, $3  }
0x1: {  	(tag) =	ssettag $0x0;
	lr =	simm.s32 $0x1  }
0x2: {  	[smem:$0x3F97] =	sst lr;
	_ =	strace $0xD0000000  }
0x3: {  	_ = 	snop  }
0x4: {  	_ = 	snop  }
0x5: {  	_ = 	snop  }
0x6: {  	_ = 	snop  }
0x7: {  	_ = 	snop  }
__scs_overlays_trampoline_lowered:
0x8: {  	[smem:$0x3FA6] =	sst s0  }
0x9: {  	[smem:$0x3FA7] =	sst s1  }
0xa: {  	[smem:$0x3FA8] =	sst s2  }
0xb: {  	[smem:$0x3FA9] =	sst s3  }
0xc: {  	[smem:$0x3FAA] =	sst s4  }
0xd: {  	[smem:$0x3FAB] =	sst s5  }
0xe: {  	[smem:$0x3FAC] =	sst s6  }
0xf: {  	[smem:$0x3FAD] =	sst s7  }
0x10: {  	[smem:$0x3FAE] =	sst s8  }
0x11: {  	[smem:$0x3FAF] =	sst s9;
	s0 =	simm.s32 @!p0 $0x0  }
0x12: {  	s1 =	sld [smem:$0x3F95];
	s0 =	simm.s32 @p0 $0x1  }
0x13: {  	[smem:$0x3FB0] =	sst s0;
	s0 =	simm.s32 @!p1 $0x0  }
0x14: {  	s2 =	sld [smem:$0x3F94];
	s0 =	simm.s32 @p1 $0x1  }
0x15: {  	[smem:$0x3FB1] =	sst s0;
	s0 =	simm.s32 @!p2 $0x0  }
0x16: {  	s3 =	sld [smem:$0x3FDB];
	s0 =	simm.s32 @p2 $0x1  }
0x17: {  	s4 =	simm.s32 $0x1BF5;
	[smem:$0x3FB3] =	sst s0  }
0x18: {  	s0 =	sld [smem:$0x3F96];
	_ =	swait.ge [sflag:s4], $0x0  }
0x19: {  	s7 =	sld [smem:$0x3F97]  }
0x1a: {  	s8 =	sadd.s32 $0xFFFFE003, lr  }
0x1b: {  	s9 =	sadd.s32 $0xFFFFFEF7, lr;
	s5 =	simm.s32 $0xFFFFFFFF;
	p2 =	slt.u32 s8, $0xFFFFF086  }
0x1c: {  	p1 =	slt.u32 s9, $0xF7A;
	s5 =	simm.s32 @!p2 $0x0  }
0x1d: {  	s5 =	simm.s32 @p1 $0x1;
	p0 =	seq.s32 s7, s2  }
0x1e: {  	s7 =	smul.u32 @!p0 $0xF7A, s2;
	p2 =	seq.s32 @!p0 s5, $0x0  }
0x1f: {  	s9 =	smul.u32 $0xF7A, s1;
	s8 =	simm.s32 @!p0 $0x1BF5;
	p2 =	por !p2, p0  }
0x20: {  	[sflag:s8] =	ssyncset.s32 @!p0 $0xFFFFF086;
	s6 =	sadd.s32 @!p0 s3, s7;
	s7 =	simm.s32 @!p0 $0x108  }
0x21: {  	s3 =	sadd.s32 s3, s9;
	s6 =	sadd.s32 @!p0 $0x88, s6;
	s7 =	simm.s32 @p2 $0x1082  }
0x22: {  	[simem:s7], [sflag:s8] =	dma.local @!p0 [hbm:s6], $0xF7A  }
0x23: {  	s9 =	sor.u32 $0xD0000000, s2;
	s6 =	simm.s32 $0x108;
	_ =	swait.ge @!p0 [sflag:s8], $0x0  }
0x24: {  	s3 =	sadd.s32 $0x88, s3;
	s6 =	simm.s32 @!p1 $0x1082;
	[sflag:s4] =	ssyncset.s32 $0xFFFFF086  }
0x25: {  	[simem:s6], [sflag:s4] =	dma.local [hbm:s3], $0xF7A  }
0x26: {  	[smem:$0x3F97] =	sst s1;
	(tag) =	ssettag s2;
	_ =	strace s9  }
0x27: {  	s1 =	sld [smem:$0x3FA7]  }
0x28: {  	s2 =	sld [smem:$0x3FA8]  }
0x29: {  	s4 =	sld [smem:$0x3FAA]  }
0x2a: {  	p0 =	seq.s32 s5, $0x0;
	s5 =	sld [smem:$0x3FAB]  }
0x2b: {  	s6 =	sld [smem:$0x3FAC]  }
0x2c: {  	s7 =	sld [smem:$0x3FAD]  }
0x2d: {  	s3 =	simm.s32 $0x108;
	s8 =	sld [smem:$0x3FAE]  }
0x2e: {  	s3 =	simm.s32 @!p0 $0x1082;
	s9 =	sld [smem:$0x3FAF]  }
0x2f: {  	lr =	sadd.s32 s0, s3;
	s0 =	sld [smem:$0x3FA6]  }
0x30: {  	s3 =	sld [smem:$0x3FA9]  }
0x31: {  	[smem:$0x3FB2] =	sst s10  }
0x32: {  	s10 =	sld [smem:$0x3FB0];
	_ =	sdelay $0x3  }
0x33: {  	p0 =	seq.s32 s10, $0x1;
	s10 =	sld [smem:$0x3FB2];
	_ =	sdelay $0x3  }
0x34: {  	[smem:$0x3FB2] =	sst s10  }
0x35: {  	s10 =	sld [smem:$0x3FB1];
	_ =	sdelay $0x3  }
0x36: {  	p1 =	seq.s32 s10, $0x1;
	s10 =	sld [smem:$0x3FB2];
	_ =	sdelay $0x3  }
0x37: {  	[smem:$0x3FB2] =	sst s10  }
0x38: {  	s10 =	sld [smem:$0x3FB3]  }
0x39: {  	_ = 	snop;
	(pc) =	sbr.ind lr, $3  }
0x3a: {  	_ = 	snop  }
0x3b: {  	_ = 	snop  }
0x3c: {  	p2 =	seq.s32 s10, $0x1;
	s10 =	sld [smem:$0x3FB2]  }
0x3d: {  	_ =	shalt  }
0x3e: {  	_ =	shalt  }
0x3f: {  	_ =	shalt  }
0x40: {  	_ =	shalt  }
0x41: {  	_ =	shalt  }
0x42: {  	_ =	shalt  }
0x43: {  	_ =	shalt  }
0x44: {  	_ =	shalt  }
0x45: {  	_ =	shalt  }
0x46: {  	_ =	shalt  }
0x47: {  	_ =	shalt  }
0x48: {  	_ =	shalt  }
0x49: {  	_ =	shalt  }
0x4a: {  	_ =	shalt  }
0x4b: {  	_ =	shalt  }
0x4c: {  	_ =	shalt  }
0x4d: {  	_ =	shalt  }
0x4e: {  	_ =	shalt  }
0x4f: {  	_ =	shalt  }
0x50: {  	_ =	shalt  }
0x51: {  	_ =	shalt  }
0x52: {  	_ =	shalt  }
0x53: {  	_ =	shalt  }
0x54: {  	_ =	shalt  }
0x55: {  	_ =	shalt  }
0x56: {  	_ =	shalt  }
0x57: {  	_ =	shalt  }
0x58: {  	_ =	shalt  }
0x59: {  	_ =	shalt  }
0x5a: {  	_ =	shalt  }
0x5b: {  	_ =	shalt  }
0x5c: {  	_ =	shalt  }
0x5d: {  	_ =	shalt  }
0x5e: {  	_ =	shalt  }
0x5f: {  	_ =	shalt  }
0x60: {  	_ =	shalt  }
0x61: {  	_ =	shalt  }
0x62: {  	_ =	shalt  }
0x63: {  	_ =	shalt  }
0x64: {  	_ =	shalt  }
0x65: {  	_ =	shalt  }
0x66: {  	_ =	shalt  }
0x67: {  	_ =	shalt  }
0x68: {  	_ =	shalt  }
0x69: {  	_ =	shalt  }
0x6a: {  	_ =	shalt  }
0x6b: {  	_ =	shalt  }
0x6c: {  	_ =	shalt  }
0x6d: {  	_ =	shalt  }
0x6e: {  	_ =	shalt  }
0x6f: {  	_ =	shalt  }
0x70: {  	_ =	shalt  }
0x71: {  	_ =	shalt  }
0x72: {  	_ =	shalt  }
0x73: {  	_ =	shalt  }
0x74: {  	_ =	shalt  }
0x75: {  	_ =	shalt  }
0x76: {  	_ =	shalt  }
0x77: {  	_ =	shalt  }
0x78: {  	_ =	shalt  }
0x79: {  	_ =	shalt  }
0x7a: {  	_ =	shalt  }
0x7b: {  	_ =	shalt  }
0x7c: {  	_ =	shalt  }
0x7d: {  	_ =	shalt  }
0x7e: {  	_ =	shalt  }
0x7f: {  	_ =	shalt  }
0x80: {  	_ =	shalt  }
0x81: {  	_ =	shalt  }
0x82: {  	_ =	shalt  }
0x83: {  	_ =	shalt  }
0x84: {  	_ =	shalt  }
0x85: {  	_ =	shalt  }
0x86: {  	_ =	shalt  }
0x87: {  	_ =	shalt  }
.Lfunc_end0:
.L_simem_size_0:
called_computation.1_lowered:
.L_overlay_start_0:
0x88: {  	s2 =	sld [smem:$0x3FD9]  }
0x89: {  	s3 =	sld [smem:$0x3FFE];
	_ =	sdelay $0x1  }
0x8a: {  	s1 =	srdreg.scid  }
0x8b: {  	s0 =	sand.u32 $0x1, s1  }
0x8c: {  	s16 =	sshll.u32 s0, $0xA;
	s2 =	sadd.s32 s3, s2  }
0x8d: {  	s2 =	sadd.s32 s2, s16  }
0x8e: {  	[smem:$0x3FBE] =	sst s2  }
0x8f: {  	_ = 	snop  }
0x90: {  	(tm) =	ssettm $0x1  }
0x91: {  	s17 =	sld [smem:$0x3FFB];
	_ =	sdelay $0x3  }
0x92: {  	_ =	strace s17  }
0x93: {  	s2 =	sld [smem:$0x3FFC];
	_ =	sdelay $0x3  }
0x94: {  	_ =	strace s2  }
0x95: {  	s2 =	sld [smem:$0x3FFD];
	_ =	sdelay $0x3  }
0x96: {  	_ =	strace s2  }
0x97: {  	_ =	strace $0x8FFFFFFF  }
0x98: {  	s18 =	sld [smem:$0x3FDB];
	_ =	sdelay $0x1  }
0x99: {  	s19 =	simm.s32 $_scs_section_size  }
0x9a: {  	s4 =	simm.s32 $_size__tile_overlayer_lowered;
	s5 =	simm.s32 $_tile_overlayer_lowered  }
0x9b: {  	s22 =	simm.s32 $0x1BFF;
	s21 =	sshll.u32 s5, $0x1;
	s2 =	sadd.s32 s19, s18  }
0x9c: {  	s6 =	simm.s32 $0x0;
	s20 =	sshll.u32 s4, $0x1;
	s4 =	sadd.s32 s21, s2  }
0x9d: {  	[timem:s6], [sflag:s22] =	dma.local [hbm:s4], s20  }
0x9e: {  	_ =	swait.ge [sflag:s22], s20  }
0x9f: {  	s3 =	ssub.s32 $0x0, s20;
	[sflag:s22] =	ssyncset.done $0x0  }
0xa0: {  	[sflag:s22] =	ssyncadd.s32 s3;
	_ =	sdelay $0x1  }
0xa1: {  	s23 =	simm.s32 $0x1B8B  }
0xa2: {  	_ =	swait.ge [sflag:s23], $0x1  }
0xa3: {  	[sflag:s23] =	ssyncset.done $0x0  }
0xa4: {  	s25 =	simm.s32 $0x1B8E;
	s24 =	sld [smem:$0x3FFE];
	[sflag:s23] =	ssyncadd.s32 $0xFFFFFFFF  }
0xa5: {  	s26 =	simm.s32 $execute0_lowered;
	[smem:$0x3FD2] =	sst s25  }
0xa6: {  	s4 =	sshll.u32 s26, $0x1;
	_ =	strace $0x80000049;
	[dreg:$0x1] =	wrdreg $0xFFFFFFFF  }
0xa7: {  	s28 =	simm.s32 $_size_execute0_lowered;
	s2 =	sadd.s32 s2, s4;
	[dreg:$0x0] =	wrdreg $0x0  }
0xa8: {  	s4 =	sshll.u32 s28, $0x1;
	[dreg:$0x2] =	wrdreg s2  }
0xa9: {  	[dreg:$0x3] =	wrdreg s4  }
0xaa: {  	[dreg:$0x4] =	wrdreg $0xC0  }
0xab: {  	_ =	task [dreg:s6], $0x5FFFF  }
0xac: {  	[dreg:$0x1] =	wrdreg $0xFFFFFFFF  }
0xad: {  	[dreg:$0x0] =	wrdreg $0x60  }
0xae: {  	[dreg:$0x2] =	wrdreg s24  }
0xaf: {  	[dreg:$0x3] =	wrdreg $0x8CA00  }
0xb0: {  	[dreg:$0x4] =	wrdreg $0x9  }
0xb1: {  	_ =	task.clear_ibuf [dreg:s6], $0x5FFFF;
	_ =	strace $0x90000049  }
0xb2: {  	s29 =	simm.s32 $0x9;
	_ =	strace $0x8000004B  }
0xb3: {  	_ =	swait.ge [sflag:s29], $0x1  }
0xb4: {  	[sflag:s29] =	ssyncadd.s32 $0xFFFFFFFF  }
0xb5: {  	_ =	strace $0x9000004B  }
0xb6: {  	_ =	sfence  }
0xb7: {  	s30 =	sld [smem:$0x0];
	_ =	sdelay $0x2  }
0xb8: {  	s31 =	sshll.u32 s1, $0xD;
	s1 =	sshrl.u32 s1, $0x2  }
0xb9: {  	s3 =	sand.u32 $0x4000, s31;
	s1 =	sadd.s32 s1, s30  }
0xba: {  	s0 =	sor.u32 s3, s0;
	s1 =	sshll.u32 s1, $0x11  }
0xbb: {  	s0 =	sor.u32 s1, s0  }
0xbc: {  	s0 =	sadd.s32 $0x8F2B, s0  }
0xbd: {  	[sflag:s0] =	ssyncadd.remote.s32 $0x1  }
0xbe: {  	_ =	sfence.sel $0xFFFF  }
0xbf: {  	[dreg:$0x0] =	wrdreg $0xFFFFFFFF;
	(pc) =	sbr.abs _section_cstart, $3  }
0xc0: {  	[dreg:$0x1] =	wrdreg $0xFFFFFFFF  }
0xc1: {  	_ =	task.clear_ibuf [dreg:s6], $0x2FFFF;
	_ =	strace $0x9FFFFFFF  }
0xc2: {  	(tm) =	ssettm $0x7FFFFFFF  }
0xc3: {  	_ =	shalt  }
tec
execute0_lowered:
.L_overlay_start_1:
0x0: {  	(tag) =	ssettag $0x1  }
0x1: {  	s0 =	srdreg.scid;
	s1 =	rddreg [dreg:$0x0]  }
0x2: {  	s10 =	stileid.u32;
	s2 =	rddreg [dreg:$0x1];
	s14 =	simm.s32 $0x1  }
0x3: {  	s15 =	simm.s32 $0x2;
	s16 =	simm.s32 $0x3;
	s17 =	simm.s32 $0x190  }
0x4: {  	s18 =	simm.s32 $0x4E20;
	s19 =	simm.s32 $0x5AA0;
	s21 =	simm.s32 $0x6720  }
0x5: {  	s23 =	simm.s32 $0x73A0;
	s25 =	simm.s32 $0x8020;
	s28 =	simm.s32 $0x4  }
0x6: {  	s29 =	simm.s32 $0x5;
	s31 =	simm.s32 $0x47E0;
	s13 =	simm.s32 $0x4C90  }
0x7: {  	s20 =	simm.s32 $0x0;
	s0 =	sand.u32 $0x1, s0;
	s6 =	smul.u32 $0x1400, s10  }
0x8: {  	s8 =	smul.u32 $0x280, s10;
	s3 =	sshll.u32 s0, $0x4;
	s26 =	ssub.s32 $0x2, s0  }
0x9: {  	s0 =	smul.u32 $0x2800, s0;
	s4 =	sor.u32 s10, s3;
	s3 =	simm.s32 $0x0  }
0xa: {  	s7 =	sshrl.u32 s6, $0x3;
	s30 =	sshrl.u32 s26, $0x1;
	s12 =	sadd.s32 s6, s2  }
0xb: {  	s5 =	smul.u32 $0x2710, s4;
	[smem:$0x7FF] =	sst s3;
	s4 =	sadd.s32 $0x16800, s1  }
0xc: {  	s7 =	sadd.s32 s7, s1;
	s11 =	ssub.s32 s26, s30;
	s12 =	sshrl.u32 s12, $0x3  }
0xd: {  	s26 =	simm.s32 $0x6;
	_ =	strace $0x8000004A;
	s5 =	sshrl.u32 s5, $0x3  }
0xe: {  	s6 =	sadd.s32 $0x19000, s7;
	s9 =	sadd.s32 s5, s1;
	s5 =	sshll.u32 s10, $0x6  }
0xf: {  	s11 =	smax.u32 s11, $0x1;
	s1 =	sadd.s32 s8, s1;
	s7 =	sor.u32 $0x1C01, s5  }
0x10: {  	s0 =	sadd.s32 s0, s1;
	s8 =	sadd.s32 $0x2E00, s9;
	s9 =	sadd.s32 $0xCA40, s9  }
0x11: {  	s1 =	simm.s32 $0x4970;
	s10 =	sadd.s32 $0x1B800, s0;
	s0 =	simm.s32 $0x4B00  }
.LBB2_1:
0x12: {  	[spmem:s12], [sflag:s7] =	dma.local [hbm:s6], $0x280  }
0x13: {  	[tilespmem:s3], [sflag:$0x2] =	stream.linear.gather [hbm4b:s8+s3], $0x2710, $0x38;
	[tilespmem:$0xA0A0] =	vst v63  }
0x14: {  	s22 =	simm.s32 $0x2710  }
0x15: {  	[tilespmem:s22], [sflag:$0x3] =	stream.linear.gather [hbm4b:s9+s3], $0x2710, $0x38;
	[tilespmem:$0xA0A0] =	vst v63  }
0x16: {  	_ =	swait.ge [sflag:s14], $0x280  }
0x17: {  	[sflag:s14] =	ssyncset.done $0x0  }
0x18: {  	[sflag:s14] =	ssyncadd.s32 $0xFFFFFD80  }
0x19: {  	_ =	swait.ge [sflag:s15], $0x2710  }
0x1a: {  	[sflag:s15] =	ssyncset.done $0x0  }
0x1b: {  	[sflag:s15] =	ssyncadd.s32 $0xFFFFD8F0  }
0x1c: {  	_ =	swait.ge [sflag:s16], $0x2710  }
0x1d: {  	[sflag:s16] =	ssyncset.done $0x0  }
0x1e: {  	[sflag:s16] =	ssyncadd.s32 $0xFFFFD8F0  }
0x1f: {  	[bflag:$0x0] =	sbarrier.arrive $0xFFFF  }
0x20: {  	[tilespmem:s18], [sflag:$0x1] =	stream.indirect.gather [hbm4b:s4+s17], $0x8, s3, s17, $0xb8;
	[tilespmem:$0xA0A0] =	vst v63  }
0x21: {  	_ = 	snop  }
0x22: {  	[tilespmem:s19], [sflag:$0x2] =	stream.indirect.gather [hbm4b:s4+s17], $0x8, s17, s17, $0xb8;
	[tilespmem:$0xA0A0] =	vst v63  }
0x23: {  	s24 =	simm.s32 $0x320  }
0x24: {  	[tilespmem:s21], [sflag:$0x3] =	stream.indirect.gather [hbm4b:s4+s17], $0x8, s24, s17, $0xb8;
	[tilespmem:$0xA0A0] =	vst v63  }
0x25: {  	s30 =	simm.s32 $0x4B0  }
0x26: {  	[tilespmem:s23], [sflag:$0x4] =	stream.indirect.gather [hbm4b:s4+s17], $0x8, s30, s17, $0xb8;
	[tilespmem:$0xA0A0] =	vst v63  }
0x27: {  	s24 =	simm.s32 $0x640  }
0x28: {  	[tilespmem:s25], [sflag:$0x5] =	stream.indirect.gather [hbm4b:s4+s17], $0x8, s24, s17, $0xb8;
	[tilespmem:$0xA0A0] =	vst v63  }
0x29: {  	_ =	swait.ge [sflag:s14], $0xC80  }
0x2a: {  	[sflag:s14] =	ssyncset.done $0x0  }
0x2b: {  	s30 =	simm.s32 $0x2710;
	[sflag:s14] =	ssyncadd.s32 $0xFFFFF380  }
0x2c: {  	[spmem:s2] =	stream.indirect.scatter.add.f32 [tilespmem:s18], [sflag:$0x6], $0x8, s30, s17, $0xb8;
	[tilespmem:$0xA0A0] =	vst v63  }
0x2d: {  	_ =	swait.ge [sflag:s26], $0xC80  }
0x2e: {  	[sflag:s26] =	ssyncset.done $0x0  }
0x2f: {  	s24 =	simm.s32 $0x7D0;
	[sflag:s26] =	ssyncadd.s32 $0xFFFFF380  }
0x30: {  	[tilespmem:s18], [sflag:$0x1] =	stream.indirect.gather [hbm4b:s4+s17], $0x8, s24, s17, $0xb8;
	[tilespmem:$0xA0A0] =	vst v63  }
0x31: {  	_ =	swait.ge [sflag:s15], $0xC80  }
0x32: {  	[sflag:s15] =	ssyncset.done $0x0  }
0x33: {  	s30 =	simm.s32 $0x28A0;
	[sflag:s15] =	ssyncadd.s32 $0xFFFFF380  }
0x34: {  	[spmem:s2] =	stream.indirect.scatter.add.f32 [tilespmem:s19], [sflag:$0x6], $0x8, s30, s17, $0xb8;
	[tilespmem:$0xA0A0] =	vst v63  }
0x35: {  	_ =	swait.ge [sflag:s26], $0xC80  }
0x36: {  	[sflag:s26] =	ssyncset.done $0x0  }
0x37: {  	s24 =	simm.s32 $0x960;
	[sflag:s26] =	ssyncadd.s32 $0xFFFFF380  }
0x38: {  	[tilespmem:s19], [sflag:$0x2] =	stream.indirect.gather [hbm4b:s4+s17], $0x8, s24, s17, $0xb8;
	[tilespmem:$0xA0A0] =	vst v63  }
0x39: {  	_ =	swait.ge [sflag:s16], $0xC80  }
0x3a: {  	[sflag:s16] =	ssyncset.done $0x0  }
0x3b: {  	s30 =	simm.s32 $0x2A30;
	[sflag:s16] =	ssyncadd.s32 $0xFFFFF380  }
0x3c: {  	[spmem:s2] =	stream.indirect.scatter.add.f32 [tilespmem:s21], [sflag:$0x6], $0x8, s30, s17, $0xb8;
	[tilespmem:$0xA0A0] =	vst v63  }
0x3d: {  	_ =	swait.ge [sflag:s26], $0xC80  }
0x3e: {  	[sflag:s26] =	ssyncset.done $0x0  }
0x3f: {  	s24 =	simm.s32 $0xAF0;
	[sflag:s26] =	ssyncadd.s32 $0xFFFFF380  }
0x40: {  	[tilespmem:s21], [sflag:$0x3] =	stream.indirect.gather [hbm4b:s4+s17], $0x8, s24, s17, $0xb8;
	[tilespmem:$0xA0A0] =	vst v63  }
0x41: {  	_ =	swait.ge [sflag:s28], $0xC80  }
0x42: {  	[sflag:s28] =	ssyncset.done $0x0  }
0x43: {  	s30 =	simm.s32 $0x2BC0;
	[sflag:s28] =	ssyncadd.s32 $0xFFFFF380  }
0x44: {  	[spmem:s2] =	stream.indirect.scatter.add.f32 [tilespmem:s23], [sflag:$0x6], $0x8, s30, s17, $0xb8;
	[tilespmem:$0xA0A0] =	vst v63  }
0x45: {  	_ =	swait.ge [sflag:s26], $0xC80  }
0x46: {  	[sflag:s26] =	ssyncset.done $0x0  }
0x47: {  	s24 =	simm.s32 $0xC80;
	[sflag:s26] =	ssyncadd.s32 $0xFFFFF380  }
0x48: {  	[tilespmem:s23], [sflag:$0x4] =	stream.indirect.gather [hbm4b:s4+s17], $0x8, s24, s17, $0xb8;
	[tilespmem:$0xA0A0] =	vst v63  }
0x49: {  	_ =	swait.ge [sflag:s29], $0xC80  }
0x4a: {  	[sflag:s29] =	ssyncset.done $0x0  }
0x4b: {  	s30 =	simm.s32 $0x2D50;
	[sflag:s29] =	ssyncadd.s32 $0xFFFFF380  }
0x4c: {  	[spmem:s2] =	stream.indirect.scatter.add.f32 [tilespmem:s25], [sflag:$0x6], $0x8, s30, s17, $0xb8;
	[tilespmem:$0xA0A0] =	vst v63  }
0x4d: {  	_ =	swait.ge [sflag:s26], $0xC80  }
0x4e: {  	[sflag:s26] =	ssyncset.done $0x0  }
0x4f: {  	s22 =	simm.s32 $0x1F40;
	s24 =	simm.s32 $0xE10;
	[sflag:s26] =	ssyncadd.s32 $0xFFFFF380  }
.LBB2_2:
0x50: {  	[tilespmem:s25], [sflag:$0x5] =	stream.indirect.gather [hbm4b:s4+s17], $0x8, s24, s17, $0xb8;
	[tilespmem:$0xA0A0] =	vst v63  }
0x51: {  	s24 =	smov.u32 s22  }
0x52: {  	p0 =	sne.s32 s22, $0x5DC0;
	s22 =	sadd.s32 $0x1F40, s22;
	_ =	swait.ge [sflag:s14], $0xC80  }
0x53: {  	s24 =	sshra.s32 s24, $0x2;
	[sflag:s14] =	ssyncset.done $0x0  }
0x54: {  	s30 =	sadd.s32 $0x2710, s24;
	[sflag:s14] =	ssyncadd.s32 $0xFFFFF380  }
0x55: {  	[spmem:s2] =	stream.indirect.scatter.add.f32 [tilespmem:s18], [sflag:$0x6], $0x8, s30, s17, $0xb8;
	[tilespmem:$0xA0A0] =	vst v63  }
0x56: {  	_ =	swait.ge [sflag:s26], $0xC80  }
0x57: {  	[sflag:s26] =	ssyncset.done $0x0  }
0x58: {  	s30 =	sadd.s32 $0x7D0, s24;
	[sflag:s26] =	ssyncadd.s32 $0xFFFFF380  }
0x59: {  	[tilespmem:s18], [sflag:$0x1] =	stream.indirect.gather [hbm4b:s4+s17], $0x8, s30, s17, $0xb8;
	[tilespmem:$0xA0A0] =	vst v63  }
0x5a: {  	_ =	swait.ge [sflag:s15], $0xC80  }
0x5b: {  	[sflag:s15] =	ssyncset.done $0x0  }
0x5c: {  	s30 =	sadd.s32 $0x28A0, s24;
	[sflag:s15] =	ssyncadd.s32 $0xFFFFF380  }
0x5d: {  	[spmem:s2] =	stream.indirect.scatter.add.f32 [tilespmem:s19], [sflag:$0x6], $0x8, s30, s17, $0xb8;
	[tilespmem:$0xA0A0] =	vst v63  }
0x5e: {  	_ =	swait.ge [sflag:s26], $0xC80  }
0x5f: {  	[sflag:s26] =	ssyncset.done $0x0  }
0x60: {  	s30 =	sadd.s32 $0x960, s24;
	[sflag:s26] =	ssyncadd.s32 $0xFFFFF380  }
0x61: {  	[tilespmem:s19], [sflag:$0x2] =	stream.indirect.gather [hbm4b:s4+s17], $0x8, s30, s17, $0xb8;
	[tilespmem:$0xA0A0] =	vst v63  }
0x62: {  	_ =	swait.ge [sflag:s16], $0xC80  }
0x63: {  	[sflag:s16] =	ssyncset.done $0x0  }
0x64: {  	s30 =	sadd.s32 $0x2A30, s24;
	[sflag:s16] =	ssyncadd.s32 $0xFFFFF380  }
0x65: {  	[spmem:s2] =	stream.indirect.scatter.add.f32 [tilespmem:s21], [sflag:$0x6], $0x8, s30, s17, $0xb8;
	[tilespmem:$0xA0A0] =	vst v63  }
0x66: {  	_ =	swait.ge [sflag:s26], $0xC80  }
0x67: {  	[sflag:s26] =	ssyncset.done $0x0  }
0x68: {  	s30 =	sadd.s32 $0xAF0, s24;
	[sflag:s26] =	ssyncadd.s32 $0xFFFFF380  }
0x69: {  	[tilespmem:s21], [sflag:$0x3] =	stream.indirect.gather [hbm4b:s4+s17], $0x8, s30, s17, $0xb8;
	[tilespmem:$0xA0A0] =	vst v63  }
0x6a: {  	_ =	swait.ge [sflag:s28], $0xC80  }
0x6b: {  	[sflag:s28] =	ssyncset.done $0x0  }
0x6c: {  	s30 =	sadd.s32 $0x2BC0, s24;
	[sflag:s28] =	ssyncadd.s32 $0xFFFFF380  }
0x6d: {  	[spmem:s2] =	stream.indirect.scatter.add.f32 [tilespmem:s23], [sflag:$0x6], $0x8, s30, s17, $0xb8;
	[tilespmem:$0xA0A0] =	vst v63  }
0x6e: {  	_ =	swait.ge [sflag:s26], $0xC80  }
0x6f: {  	[sflag:s26] =	ssyncset.done $0x0  }
0x70: {  	s30 =	sadd.s32 $0xC80, s24;
	[sflag:s26] =	ssyncadd.s32 $0xFFFFF380  }
0x71: {  	[tilespmem:s23], [sflag:$0x4] =	stream.indirect.gather [hbm4b:s4+s17], $0x8, s30, s17, $0xb8;
	[tilespmem:$0xA0A0] =	vst v63  }
0x72: {  	_ =	swait.ge [sflag:s29], $0xC80  }
0x73: {  	[sflag:s29] =	ssyncset.done $0x0  }
.Ltmp0:
0x74: {  	s30 =	sadd.s32 $0x2D50, s24;
	[sflag:s29] =	ssyncadd.s32 $0xFFFFF380;
	(pc) =	sbr.rel @p0 .LBB2_2-.Ltmp0, $4  }
0x75: {  	[spmem:s2] =	stream.indirect.scatter.add.f32 [tilespmem:s25], [sflag:$0x6], $0x8, s30, s17, $0xb8;
	[tilespmem:$0xA0A0] =	vst v63  }
0x76: {  	_ =	swait.ge [sflag:s26], $0xC80  }
0x77: {  	[sflag:s26] =	ssyncset.done $0x0  }
0x78: {  	s24 =	sadd.s32 $0xE10, s24;
	[sflag:s26] =	ssyncadd.s32 $0xFFFFF380  }
0x79: {  	[tilespmem:s25], [sflag:$0x5] =	stream.indirect.gather [hbm4b:s4+s17], $0x8, s24, s17, $0xb8;
	[tilespmem:$0xA0A0] =	vst v63  }
0x7a: {  	_ =	swait.ge [sflag:s14], $0xC80  }
0x7b: {  	[sflag:s14] =	ssyncset.done $0x0  }
0x7c: {  	s22 =	simm.s32 $0x4650;
	[sflag:s14] =	ssyncadd.s32 $0xFFFFF380  }
0x7d: {  	[spmem:s2] =	stream.indirect.scatter.add.f32 [tilespmem:s18], [sflag:$0x6], $0x8, s22, s17, $0xb8;
	[tilespmem:$0xA0A0] =	vst v63  }
0x7e: {  	_ =	swait.ge [sflag:s26], $0xC80  }
0x7f: {  	[sflag:s26] =	ssyncset.done $0x0  }
0x80: {  	[sflag:s26] =	ssyncadd.s32 $0xFFFFF380  }
0x81: {  	_ =	swait.ge [sflag:s15], $0xC80  }
0x82: {  	[sflag:s15] =	ssyncset.done $0x0  }
0x83: {  	[sflag:s15] =	ssyncadd.s32 $0xFFFFF380  }
0x84: {  	[spmem:s2] =	stream.indirect.scatter.add.f32 [tilespmem:s19], [sflag:$0x6], $0x8, s31, s17, $0xb8;
	[tilespmem:$0xA0A0] =	vst v63  }
0x85: {  	_ =	swait.ge [sflag:s26], $0xC80  }
0x86: {  	[sflag:s26] =	ssyncset.done $0x0  }
0x87: {  	[sflag:s26] =	ssyncadd.s32 $0xFFFFF380  }
0x88: {  	_ =	swait.ge [sflag:s16], $0xC80  }
0x89: {  	[sflag:s16] =	ssyncset.done $0x0  }
0x8a: {  	[sflag:s16] =	ssyncadd.s32 $0xFFFFF380  }
0x8b: {  	[spmem:s2] =	stream.indirect.scatter.add.f32 [tilespmem:s21], [sflag:$0x6], $0x8, s1, s17, $0xb8;
	[tilespmem:$0xA0A0] =	vst v63  }
0x8c: {  	_ =	swait.ge [sflag:s26], $0xC80  }
0x8d: {  	[sflag:s26] =	ssyncset.done $0x0  }
0x8e: {  	[sflag:s26] =	ssyncadd.s32 $0xFFFFF380  }
0x8f: {  	_ =	swait.ge [sflag:s28], $0xC80  }
0x90: {  	[sflag:s28] =	ssyncset.done $0x0  }
0x91: {  	[sflag:s28] =	ssyncadd.s32 $0xFFFFF380  }
0x92: {  	[spmem:s2] =	stream.indirect.scatter.add.f32 [tilespmem:s23], [sflag:$0x6], $0x8, s0, s17, $0xb8;
	[tilespmem:$0xA0A0] =	vst v63  }
0x93: {  	_ =	swait.ge [sflag:s26], $0xC80  }
0x94: {  	[sflag:s26] =	ssyncset.done $0x0  }
0x95: {  	[sflag:s26] =	ssyncadd.s32 $0xFFFFF380  }
0x96: {  	_ =	swait.ge [sflag:s29], $0xC80  }
0x97: {  	[sflag:s29] =	ssyncset.done $0x0  }
0x98: {  	[sflag:s29] =	ssyncadd.s32 $0xFFFFF380  }
0x99: {  	[spmem:s2] =	stream.indirect.scatter.add.f32 [tilespmem:s25], [sflag:$0x6], $0x8, s13, s17, $0xb8;
	[tilespmem:$0xA0A0] =	vst v63  }
0x9a: {  	_ =	swait.ge [sflag:s26], $0xC80  }
0x9b: {  	s20 =	sadd.s32 $0x1, s20;
	[sflag:s26] =	ssyncset.done $0x0  }
0x9c: {  	p0 =	sne.s32 s20, s11;
	[sflag:s26] =	ssyncadd.s32 $0xFFFFF380  }
.Ltmp1:
0x9d: {  	s30 =	sor.u32 $0x1C06, s5;
	[bflag:$0x0] =	sbarrier.arrive $0xFFFF;
	(pc) =	sbr.rel @p0 .LBB2_1-.Ltmp1, $4  }
0x9e: {  	[hbm:s10], [sflag:s30] =	dma.local [spmem:s12], $0x280  }
0x9f: {  	_ =	swait.ge [sflag:s26], $0x280  }
0xa0: {  	[sflag:s26] =	ssyncset.done $0x0  }
0xa1: {  	[sflag:s26] =	ssyncadd.s32 $0xFFFFFD80  }
0xa2: {  	_ =	sfence.sel $0x180000  }
0xa3: {  	[bflag:$0x0] =	sbarrier.arrive $0xFFFF  }
0xa4: {  	_ =	strace $0x9000004A  }
0xa5: {  	s0 =	stileid.u32;
	[bflag:$0x2] =	sbarrier.arrive $0xFFFF  }
0xa6: {  	p0 =	sne.s32 s0, $0x0;
	s0 =	rddreg [dreg:$0x2]  }
0xa7: {  	s0 =	sadd.s32 @!p0 $0x100000, s0  }
0xa8: {  	[sflag:s0] =	ssyncadd.tile.s32 @!p0 $0x1;
	_ =	shalt  }
.Lfunc_end2:
_tile_overlayer_lowered:
.L_overlay_start_2:
0xa9: {  	(tag) =	ssettag $0x2  }
0xaa: {  	s0 =	rddreg [dreg:$0x0];
	s2 =	stileid.u32  }
0xab: {  	s1 =	rddreg [dreg:$0x1];
	p0 =	sne.s32 s2, $0x0  }
0xac: {  	s3 =	rddreg [dreg:$0x2];
	[bflag:$0x3] =	sbarrier.arrive $0xFFFF;
	s2 =	simm.s32 @!p0 $0x1C06  }
0xad: {  	[timem:s3], [sflag:s2] =	dma.local @!p0 [hbm:s0], s1  }
0xae: {  	s0 =	simm.s32 @!p0 $0x6  }
0xaf: {  	_ =	swait.ge @!p0 [sflag:s0], s1  }
0xb0: {  	s1 =	ssub.s32 @!p0 $0x0, s1;
	[sflag:s0] =	ssyncset.done @!p0 $0x0  }
0xb1: {  	[sflag:s0] =	ssyncadd.s32 @!p0 s1  }
0xb2: {  	[bflag:$0x3] =	sbarrier.arrive $0xFFFF  }
0xb3: {  	_ =	shalt  }

// kernel: kernel.18.cloned.1.call-start
scs
__scs_entry_jumppad:
0x0: {  	(pc) =	sbr.rel $0x88, $3  }
0x1: {  	(tag) =	ssettag $0x0;
	lr =	simm.s32 $0x1  }
0x2: {  	[smem:$0x3F97] =	sst lr;
	_ =	strace $0xD0000000  }
0x3: {  	_ = 	snop  }
0x4: {  	_ = 	snop  }
0x5: {  	_ = 	snop  }
0x6: {  	_ = 	snop  }
0x7: {  	_ = 	snop  }
__scs_overlays_trampoline_lowered:
0x8: {  	[smem:$0x3FA6] =	sst s0  }
0x9: {  	[smem:$0x3FA7] =	sst s1  }
0xa: {  	[smem:$0x3FA8] =	sst s2  }
0xb: {  	[smem:$0x3FA9] =	sst s3  }
0xc: {  	[smem:$0x3FAA] =	sst s4  }
0xd: {  	[smem:$0x3FAB] =	sst s5  }
0xe: {  	[smem:$0x3FAC] =	sst s6  }
0xf: {  	[smem:$0x3FAD] =	sst s7  }
0x10: {  	[smem:$0x3FAE] =	sst s8  }
0x11: {  	[smem:$0x3FAF] =	sst s9;
	s0 =	simm.s32 @!p0 $0x0  }
0x12: {  	s1 =	sld [smem:$0x3F95];
	s0 =	simm.s32 @p0 $0x1  }
0x13: {  	[smem:$0x3FB0] =	sst s0;
	s0 =	simm.s32 @!p1 $0x0  }
0x14: {  	s2 =	sld [smem:$0x3F94];
	s0 =	simm.s32 @p1 $0x1  }
0x15: {  	[smem:$0x3FB1] =	sst s0;
	s0 =	simm.s32 @!p2 $0x0  }
0x16: {  	s3 =	sld [smem:$0x3FDB];
	s0 =	simm.s32 @p2 $0x1  }
0x17: {  	s4 =	simm.s32 $0x1BF5;
	[smem:$0x3FB3] =	sst s0  }
0x18: {  	s0 =	sld [smem:$0x3F96];
	_ =	swait.ge [sflag:s4], $0x0  }
0x19: {  	s7 =	sld [smem:$0x3F97]  }
0x1a: {  	s8 =	sadd.s32 $0xFFFFE003, lr  }
0x1b: {  	s9 =	sadd.s32 $0xFFFFFEF7, lr;
	s5 =	simm.s32 $0xFFFFFFFF;
	p2 =	slt.u32 s8, $0xFFFFF086  }
0x1c: {  	p1 =	slt.u32 s9, $0xF7A;
	s5 =	simm.s32 @!p2 $0x0  }
0x1d: {  	s5 =	simm.s32 @p1 $0x1;
	p0 =	seq.s32 s7, s2  }
0x1e: {  	s7 =	smul.u32 @!p0 $0xF7A, s2;
	p2 =	seq.s32 @!p0 s5, $0x0  }
0x1f: {  	s9 =	smul.u32 $0xF7A, s1;
	s8 =	simm.s32 @!p0 $0x1BF5;
	p2 =	por !p2, p0  }
0x20: {  	[sflag:s8] =	ssyncset.s32 @!p0 $0xFFFFF086;
	s6 =	sadd.s32 @!p0 s3, s7;
	s7 =	simm.s32 @!p0 $0x108  }
0x21: {  	s3 =	sadd.s32 s3, s9;
	s6 =	sadd.s32 @!p0 $0x88, s6;
	s7 =	simm.s32 @p2 $0x1082  }
0x22: {  	[simem:s7], [sflag:s8] =	dma.local @!p0 [hbm:s6], $0xF7A  }
0x23: {  	s9 =	sor.u32 $0xD0000000, s2;
	s6 =	simm.s32 $0x108;
	_ =	swait.ge @!p0 [sflag:s8], $0x0  }
0x24: {  	s3 =	sadd.s32 $0x88, s3;
	s6 =	simm.s32 @!p1 $0x1082;
	[sflag:s4] =	ssyncset.s32 $0xFFFFF086  }
0x25: {  	[simem:s6], [sflag:s4] =	dma.local [hbm:s3], $0xF7A  }
0x26: {  	[smem:$0x3F97] =	sst s1;
	(tag) =	ssettag s2;
	_ =	strace s9  }
0x27: {  	s1 =	sld [smem:$0x3FA7]  }
0x28: {  	s2 =	sld [smem:$0x3FA8]  }
0x29: {  	s4 =	sld [smem:$0x3FAA]  }
0x2a: {  	p0 =	seq.s32 s5, $0x0;
	s5 =	sld [smem:$0x3FAB]  }
0x2b: {  	s6 =	sld [smem:$0x3FAC]  }
0x2c: {  	s7 =	sld [smem:$0x3FAD]  }
0x2d: {  	s3 =	simm.s32 $0x108;
	s8 =	sld [smem:$0x3FAE]  }
0x2e: {  	s3 =	simm.s32 @!p0 $0x1082;
	s9 =	sld [smem:$0x3FAF]  }
0x2f: {  	lr =	sadd.s32 s0, s3;
	s0 =	sld [smem:$0x3FA6]  }
0x30: {  	s3 =	sld [smem:$0x3FA9]  }
0x31: {  	[smem:$0x3FB2] =	sst s10  }
0x32: {  	s10 =	sld [smem:$0x3FB0];
	_ =	sdelay $0x3  }
0x33: {  	p0 =	seq.s32 s10, $0x1;
	s10 =	sld [smem:$0x3FB2];
	_ =	sdelay $0x3  }
0x34: {  	[smem:$0x3FB2] =	sst s10  }
0x35: {  	s10 =	sld [smem:$0x3FB1];
	_ =	sdelay $0x3  }
0x36: {  	p1 =	seq.s32 s10, $0x1;
	s10 =	sld [smem:$0x3FB2];
	_ =	sdelay $0x3  }
0x37: {  	[smem:$0x3FB2] =	sst s10  }
0x38: {  	s10 =	sld [smem:$0x3FB3]  }
0x39: {  	_ = 	snop;
	(pc) =	sbr.ind lr, $3  }
0x3a: {  	_ = 	snop  }
0x3b: {  	_ = 	snop  }
0x3c: {  	p2 =	seq.s32 s10, $0x1;
	s10 =	sld [smem:$0x3FB2]  }
0x3d: {  	_ =	shalt  }
0x3e: {  	_ =	shalt  }
0x3f: {  	_ =	shalt  }
0x40: {  	_ =	shalt  }
0x41: {  	_ =	shalt  }
0x42: {  	_ =	shalt  }
0x43: {  	_ =	shalt  }
0x44: {  	_ =	shalt  }
0x45: {  	_ =	shalt  }
0x46: {  	_ =	shalt  }
0x47: {  	_ =	shalt  }
0x48: {  	_ =	shalt  }
0x49: {  	_ =	shalt  }
0x4a: {  	_ =	shalt  }
0x4b: {  	_ =	shalt  }
0x4c: {  	_ =	shalt  }
0x4d: {  	_ =	shalt  }
0x4e: {  	_ =	shalt  }
0x4f: {  	_ =	shalt  }
0x50: {  	_ =	shalt  }
0x51: {  	_ =	shalt  }
0x52: {  	_ =	shalt  }
0x53: {  	_ =	shalt  }
0x54: {  	_ =	shalt  }
0x55: {  	_ =	shalt  }
0x56: {  	_ =	shalt  }
0x57: {  	_ =	shalt  }
0x58: {  	_ =	shalt  }
0x59: {  	_ =	shalt  }
0x5a: {  	_ =	shalt  }
0x5b: {  	_ =	shalt  }
0x5c: {  	_ =	shalt  }
0x5d: {  	_ =	shalt  }
0x5e: {  	_ =	shalt  }
0x5f: {  	_ =	shalt  }
0x60: {  	_ =	shalt  }
0x61: {  	_ =	shalt  }
0x62: {  	_ =	shalt  }
0x63: {  	_ =	shalt  }
0x64: {  	_ =	shalt  }
0x65: {  	_ =	shalt  }
0x66: {  	_ =	shalt  }
0x67: {  	_ =	shalt  }
0x68: {  	_ =	shalt  }
0x69: {  	_ =	shalt  }
0x6a: {  	_ =	shalt  }
0x6b: {  	_ =	shalt  }
0x6c: {  	_ =	shalt  }
0x6d: {  	_ =	shalt  }
0x6e: {  	_ =	shalt  }
0x6f: {  	_ =	shalt  }
0x70: {  	_ =	shalt  }
0x71: {  	_ =	shalt  }
0x72: {  	_ =	shalt  }
0x73: {  	_ =	shalt  }
0x74: {  	_ =	shalt  }
0x75: {  	_ =	shalt  }
0x76: {  	_ =	shalt  }
0x77: {  	_ =	shalt  }
0x78: {  	_ =	shalt  }
0x79: {  	_ =	shalt  }
0x7a: {  	_ =	shalt  }
0x7b: {  	_ =	shalt  }
0x7c: {  	_ =	shalt  }
0x7d: {  	_ =	shalt  }
0x7e: {  	_ =	shalt  }
0x7f: {  	_ =	shalt  }
0x80: {  	_ =	shalt  }
0x81: {  	_ =	shalt  }
0x82: {  	_ =	shalt  }
0x83: {  	_ =	shalt  }
0x84: {  	_ =	shalt  }
0x85: {  	_ =	shalt  }
0x86: {  	_ =	shalt  }
0x87: {  	_ =	shalt  }
.Lfunc_end0:
.L_simem_size_0:
called_computation.2_lowered:
.L_overlay_start_0:
0x88: {  	s2 =	sld [smem:$0x3FD9]  }
0x89: {  	s3 =	sld [smem:$0x3FFE];
	_ =	sdelay $0x1  }
0x8a: {  	s1 =	srdreg.scid  }
0x8b: {  	s0 =	sand.u32 $0x1, s1  }
0x8c: {  	s16 =	sshll.u32 s0, $0xA;
	s2 =	sadd.s32 s3, s2  }
0x8d: {  	s2 =	sadd.s32 s2, s16  }
0x8e: {  	[smem:$0x3FBE] =	sst s2  }
0x8f: {  	_ = 	snop  }
0x90: {  	(tm) =	ssettm $0x1  }
0x91: {  	s17 =	sld [smem:$0x3FFB];
	_ =	sdelay $0x3  }
0x92: {  	_ =	strace s17  }
0x93: {  	s2 =	sld [smem:$0x3FFC];
	_ =	sdelay $0x3  }
0x94: {  	_ =	strace s2  }
0x95: {  	s2 =	sld [smem:$0x3FFD];
	_ =	sdelay $0x3  }
0x96: {  	_ =	strace s2  }
0x97: {  	_ =	strace $0x8FFFFFFF  }
0x98: {  	s18 =	sld [smem:$0x3FDB];
	_ =	sdelay $0x1  }
0x99: {  	s19 =	simm.s32 $_scs_section_size  }
0x9a: {  	s4 =	simm.s32 $_size__tile_overlayer_lowered;
	s5 =	simm.s32 $_tile_overlayer_lowered  }
0x9b: {  	s22 =	simm.s32 $0x1BFF;
	s21 =	sshll.u32 s5, $0x1;
	s2 =	sadd.s32 s19, s18  }
0x9c: {  	s6 =	simm.s32 $0x0;
	s20 =	sshll.u32 s4, $0x1;
	s4 =	sadd.s32 s21, s2  }
0x9d: {  	[timem:s6], [sflag:s22] =	dma.local [hbm:s4], s20  }
0x9e: {  	_ =	swait.ge [sflag:s22], s20  }
0x9f: {  	s3 =	ssub.s32 $0x0, s20;
	[sflag:s22] =	ssyncset.done $0x0  }
0xa0: {  	[sflag:s22] =	ssyncadd.s32 s3;
	_ =	sdelay $0x1  }
0xa1: {  	s23 =	simm.s32 $0x1B8B  }
0xa2: {  	_ =	swait.ge [sflag:s23], $0x1  }
0xa3: {  	[sflag:s23] =	ssyncset.done $0x0  }
0xa4: {  	s25 =	simm.s32 $0x1B8E;
	s24 =	sld [smem:$0x3FFE];
	[sflag:s23] =	ssyncadd.s32 $0xFFFFFFFF  }
0xa5: {  	s26 =	simm.s32 $execute0_lowered;
	[smem:$0x3FD2] =	sst s25  }
0xa6: {  	s4 =	sshll.u32 s26, $0x1;
	_ =	strace $0x8000004C;
	[dreg:$0x1] =	wrdreg $0xFFFFFFFF  }
0xa7: {  	s28 =	simm.s32 $_size_execute0_lowered;
	s2 =	sadd.s32 s2, s4;
	[dreg:$0x0] =	wrdreg $0x0  }
0xa8: {  	s4 =	sshll.u32 s28, $0x1;
	[dreg:$0x2] =	wrdreg s2  }
0xa9: {  	[dreg:$0x3] =	wrdreg s4  }
0xaa: {  	[dreg:$0x4] =	wrdreg $0xC0  }
0xab: {  	_ =	task [dreg:s6], $0x5FFFF  }
0xac: {  	[dreg:$0x1] =	wrdreg $0xFFFFFFFF  }
0xad: {  	[dreg:$0x0] =	wrdreg $0x60  }
0xae: {  	[dreg:$0x2] =	wrdreg s24  }
0xaf: {  	[dreg:$0x3] =	wrdreg $0x8CA00  }
0xb0: {  	[dreg:$0x4] =	wrdreg $0x9  }
0xb1: {  	_ =	task.clear_ibuf [dreg:s6], $0x5FFFF;
	_ =	strace $0x9000004C  }
0xb2: {  	s29 =	simm.s32 $0x9;
	_ =	strace $0x8000004E  }
0xb3: {  	_ =	swait.ge [sflag:s29], $0x1  }
0xb4: {  	[sflag:s29] =	ssyncadd.s32 $0xFFFFFFFF  }
0xb5: {  	_ =	strace $0x9000004E  }
0xb6: {  	_ =	sfence  }
0xb7: {  	s30 =	sld [smem:$0x0];
	_ =	sdelay $0x2  }
0xb8: {  	s31 =	sshll.u32 s1, $0xD;
	s1 =	sshrl.u32 s1, $0x2  }
0xb9: {  	s3 =	sand.u32 $0x4000, s31;
	s1 =	sadd.s32 s1, s30  }
0xba: {  	s0 =	sor.u32 s3, s0;
	s1 =	sshll.u32 s1, $0x11  }
0xbb: {  	s0 =	sor.u32 s1, s0  }
0xbc: {  	s0 =	sadd.s32 $0x8F2B, s0  }
0xbd: {  	[sflag:s0] =	ssyncadd.remote.s32 $0x1  }
0xbe: {  	_ =	sfence.sel $0xFFFF  }
0xbf: {  	[dreg:$0x0] =	wrdreg $0xFFFFFFFF;
	(pc) =	sbr.abs _section_cstart, $3  }
0xc0: {  	[dreg:$0x1] =	wrdreg $0xFFFFFFFF  }
0xc1: {  	_ =	task.clear_ibuf [dreg:s6], $0x2FFFF;
	_ =	strace $0x9FFFFFFF  }
0xc2: {  	(tm) =	ssettm $0x7FFFFFFF  }
0xc3: {  	_ =	shalt  }
tec
execute0_lowered:
.L_overlay_start_1:
0x0: {  	(tag) =	ssettag $0x1  }
0x1: {  	s0 =	srdreg.scid;
	s1 =	rddreg [dreg:$0x0]  }
0x2: {  	s10 =	stileid.u32;
	s2 =	rddreg [dreg:$0x1];
	s14 =	simm.s32 $0x1  }
0x3: {  	s15 =	simm.s32 $0x2;
	s16 =	simm.s32 $0x3;
	s17 =	simm.s32 $0x190  }
0x4: {  	s18 =	simm.s32 $0x4E20;
	s19 =	simm.s32 $0x5AA0;
	s21 =	simm.s32 $0x6720  }
0x5: {  	s23 =	simm.s32 $0x73A0;
	s25 =	simm.s32 $0x8020;
	s28 =	simm.s32 $0x4  }
0x6: {  	s29 =	simm.s32 $0x5;
	s31 =	simm.s32 $0x47E0;
	s13 =	simm.s32 $0x4C90  }
0x7: {  	s20 =	simm.s32 $0x0;
	s0 =	sand.u32 $0x1, s0;
	s6 =	smul.u32 $0x1400, s10  }
0x8: {  	s8 =	smul.u32 $0x280, s10;
	s3 =	sshll.u32 s0, $0x4;
	s26 =	ssub.s32 $0x2, s0  }
0x9: {  	s0 =	smul.u32 $0x2800, s0;
	s4 =	sor.u32 s10, s3;
	s3 =	simm.s32 $0x0  }
0xa: {  	s7 =	sshrl.u32 s6, $0x3;
	s30 =	sshrl.u32 s26, $0x1;
	s12 =	sadd.s32 s6, s2  }
0xb: {  	s5 =	smul.u32 $0x2710, s4;
	[smem:$0x7FF] =	sst s3;
	s4 =	sadd.s32 $0x16800, s1  }
0xc: {  	s7 =	sadd.s32 s7, s1;
	s11 =	ssub.s32 s26, s30;
	s12 =	sshrl.u32 s12, $0x3  }
0xd: {  	s26 =	simm.s32 $0x6;
	_ =	strace $0x8000004D;
	s5 =	sshrl.u32 s5, $0x3  }
0xe: {  	s6 =	sadd.s32 $0x19000, s7;
	s9 =	sadd.s32 s5, s1;
	s5 =	sshll.u32 s10, $0x6  }
0xf: {  	s11 =	smax.u32 s11, $0x1;
	s1 =	sadd.s32 s8, s1;
	s7 =	sor.u32 $0x1C01, s5  }
0x10: {  	s0 =	sadd.s32 s0, s1;
	s8 =	sadd.s32 $0x2E00, s9;
	s9 =	sadd.s32 $0xCA40, s9  }
0x11: {  	s1 =	simm.s32 $0x4970;
	s10 =	sadd.s32 $0x1B800, s0;
	s0 =	simm.s32 $0x4B00  }
.LBB2_1:
0x12: {  	[spmem:s12], [sflag:s7] =	dma.local [hbm:s6], $0x280  }
0x13: {  	[tilespmem:s3], [sflag:$0x2] =	stream.linear.gather [hbm4b:s8+s3], $0x2710, $0x38;
	[tilespmem:$0xA0A0] =	vst v63  }
0x14: {  	s22 =	simm.s32 $0x2710  }
0x15: {  	[tilespmem:s22], [sflag:$0x3] =	stream.linear.gather [hbm4b:s9+s3], $0x2710, $0x38;
	[tilespmem:$0xA0A0] =	vst v63  }
0x16: {  	_ =	swait.ge [sflag:s14], $0x280  }
0x17: {  	[sflag:s14] =	ssyncset.done $0x0  }
0x18: {  	[sflag:s14] =	ssyncadd.s32 $0xFFFFFD80  }
0x19: {  	_ =	swait.ge [sflag:s15], $0x2710  }
0x1a: {  	[sflag:s15] =	ssyncset.done $0x0  }
0x1b: {  	[sflag:s15] =	ssyncadd.s32 $0xFFFFD8F0  }
0x1c: {  	_ =	swait.ge [sflag:s16], $0x2710  }
0x1d: {  	[sflag:s16] =	ssyncset.done $0x0  }
0x1e: {  	[sflag:s16] =	ssyncadd.s32 $0xFFFFD8F0  }
0x1f: {  	[bflag:$0x0] =	sbarrier.arrive $0xFFFF  }
0x20: {  	[tilespmem:s18], [sflag:$0x1] =	stream.indirect.gather [hbm4b:s4+s17], $0x8, s3, s17, $0xb8;
	[tilespmem:$0xA0A0] =	vst v63  }
0x21: {  	_ = 	snop  }
0x22: {  	[tilespmem:s19], [sflag:$0x2] =	stream.indirect.gather [hbm4b:s4+s17], $0x8, s17, s17, $0xb8;
	[tilespmem:$0xA0A0] =	vst v63  }
0x23: {  	s24 =	simm.s32 $0x320  }
0x24: {  	[tilespmem:s21], [sflag:$0x3] =	stream.indirect.gather [hbm4b:s4+s17], $0x8, s24, s17, $0xb8;
	[tilespmem:$0xA0A0] =	vst v63  }
0x25: {  	s30 =	simm.s32 $0x4B0  }
0x26: {  	[tilespmem:s23], [sflag:$0x4] =	stream.indirect.gather [hbm4b:s4+s17], $0x8, s30, s17, $0xb8;
	[tilespmem:$0xA0A0] =	vst v63  }
0x27: {  	s24 =	simm.s32 $0x640  }
0x28: {  	[tilespmem:s25], [sflag:$0x5] =	stream.indirect.gather [hbm4b:s4+s17], $0x8, s24, s17, $0xb8;
	[tilespmem:$0xA0A0] =	vst v63  }
0x29: {  	_ =	swait.ge [sflag:s14], $0xC80  }
0x2a: {  	[sflag:s14] =	ssyncset.done $0x0  }
0x2b: {  	s30 =	simm.s32 $0x2710;
	[sflag:s14] =	ssyncadd.s32 $0xFFFFF380  }
0x2c: {  	[spmem:s2] =	stream.indirect.scatter.add.f32 [tilespmem:s18], [sflag:$0x6], $0x8, s30, s17, $0xb8;
	[tilespmem:$0xA0A0] =	vst v63  }
0x2d: {  	_ =	swait.ge [sflag:s26], $0xC80  }
0x2e: {  	[sflag:s26] =	ssyncset.done $0x0  }
0x2f: {  	s24 =	simm.s32 $0x7D0;
	[sflag:s26] =	ssyncadd.s32 $0xFFFFF380  }
0x30: {  	[tilespmem:s18], [sflag:$0x1] =	stream.indirect.gather [hbm4b:s4+s17], $0x8, s24, s17, $0xb8;
	[tilespmem:$0xA0A0] =	vst v63  }
0x31: {  	_ =	swait.ge [sflag:s15], $0xC80  }
0x32: {  	[sflag:s15] =	ssyncset.done $0x0  }
0x33: {  	s30 =	simm.s32 $0x28A0;
	[sflag:s15] =	ssyncadd.s32 $0xFFFFF380  }
0x34: {  	[spmem:s2] =	stream.indirect.scatter.add.f32 [tilespmem:s19], [sflag:$0x6], $0x8, s30, s17, $0xb8;
	[tilespmem:$0xA0A0] =	vst v63  }
0x35: {  	_ =	swait.ge [sflag:s26], $0xC80  }
0x36: {  	[sflag:s26] =	ssyncset.done $0x0  }
0x37: {  	s24 =	simm.s32 $0x960;
	[sflag:s26] =	ssyncadd.s32 $0xFFFFF380  }
0x38: {  	[tilespmem:s19], [sflag:$0x2] =	stream.indirect.gather [hbm4b:s4+s17], $0x8, s24, s17, $0xb8;
	[tilespmem:$0xA0A0] =	vst v63  }
0x39: {  	_ =	swait.ge [sflag:s16], $0xC80  }
0x3a: {  	[sflag:s16] =	ssyncset.done $0x0  }
0x3b: {  	s30 =	simm.s32 $0x2A30;
	[sflag:s16] =	ssyncadd.s32 $0xFFFFF380  }
0x3c: {  	[spmem:s2] =	stream.indirect.scatter.add.f32 [tilespmem:s21], [sflag:$0x6], $0x8, s30, s17, $0xb8;
	[tilespmem:$0xA0A0] =	vst v63  }
0x3d: {  	_ =	swait.ge [sflag:s26], $0xC80  }
0x3e: {  	[sflag:s26] =	ssyncset.done $0x0  }
0x3f: {  	s24 =	simm.s32 $0xAF0;
	[sflag:s26] =	ssyncadd.s32 $0xFFFFF380  }
0x40: {  	[tilespmem:s21], [sflag:$0x3] =	stream.indirect.gather [hbm4b:s4+s17], $0x8, s24, s17, $0xb8;
	[tilespmem:$0xA0A0] =	vst v63  }
0x41: {  	_ =	swait.ge [sflag:s28], $0xC80  }
0x42: {  	[sflag:s28] =	ssyncset.done $0x0  }
0x43: {  	s30 =	simm.s32 $0x2BC0;
	[sflag:s28] =	ssyncadd.s32 $0xFFFFF380  }
0x44: {  	[spmem:s2] =	stream.indirect.scatter.add.f32 [tilespmem:s23], [sflag:$0x6], $0x8, s30, s17, $0xb8;
	[tilespmem:$0xA0A0] =	vst v63  }
0x45: {  	_ =	swait.ge [sflag:s26], $0xC80  }
0x46: {  	[sflag:s26] =	ssyncset.done $0x0  }
0x47: {  	s24 =	simm.s32 $0xC80;
	[sflag:s26] =	ssyncadd.s32 $0xFFFFF380  }
0x48: {  	[tilespmem:s23], [sflag:$0x4] =	stream.indirect.gather [hbm4b:s4+s17], $0x8, s24, s17, $0xb8;
	[tilespmem:$0xA0A0] =	vst v63  }
0x49: {  	_ =	swait.ge [sflag:s29], $0xC80  }
0x4a: {  	[sflag:s29] =	ssyncset.done $0x0  }
0x4b: {  	s30 =	simm.s32 $0x2D50;
	[sflag:s29] =	ssyncadd.s32 $0xFFFFF380  }
0x4c: {  	[spmem:s2] =	stream.indirect.scatter.add.f32 [tilespmem:s25], [sflag:$0x6], $0x8, s30, s17, $0xb8;
	[tilespmem:$0xA0A0] =	vst v63  }
0x4d: {  	_ =	swait.ge [sflag:s26], $0xC80  }
0x4e: {  	[sflag:s26] =	ssyncset.done $0x0  }
0x4f: {  	s22 =	simm.s32 $0x1F40;
	s24 =	simm.s32 $0xE10;
	[sflag:s26] =	ssyncadd.s32 $0xFFFFF380  }
.LBB2_2:
0x50: {  	[tilespmem:s25], [sflag:$0x5] =	stream.indirect.gather [hbm4b:s4+s17], $0x8, s24, s17, $0xb8;
	[tilespmem:$0xA0A0] =	vst v63  }
0x51: {  	s24 =	smov.u32 s22  }
0x52: {  	p0 =	sne.s32 s22, $0x5DC0;
	s22 =	sadd.s32 $0x1F40, s22;
	_ =	swait.ge [sflag:s14], $0xC80  }
0x53: {  	s24 =	sshra.s32 s24, $0x2;
	[sflag:s14] =	ssyncset.done $0x0  }
0x54: {  	s30 =	sadd.s32 $0x2710, s24;
	[sflag:s14] =	ssyncadd.s32 $0xFFFFF380  }
0x55: {  	[spmem:s2] =	stream.indirect.scatter.add.f32 [tilespmem:s18], [sflag:$0x6], $0x8, s30, s17, $0xb8;
	[tilespmem:$0xA0A0] =	vst v63  }
0x56: {  	_ =	swait.ge [sflag:s26], $0xC80  }
0x57: {  	[sflag:s26] =	ssyncset.done $0x0  }
0x58: {  	s30 =	sadd.s32 $0x7D0, s24;
	[sflag:s26] =	ssyncadd.s32 $0xFFFFF380  }
0x59: {  	[tilespmem:s18], [sflag:$0x1] =	stream.indirect.gather [hbm4b:s4+s17], $0x8, s30, s17, $0xb8;
	[tilespmem:$0xA0A0] =	vst v63  }
0x5a: {  	_ =	swait.ge [sflag:s15], $0xC80  }
0x5b: {  	[sflag:s15] =	ssyncset.done $0x0  }
0x5c: {  	s30 =	sadd.s32 $0x28A0, s24;
	[sflag:s15] =	ssyncadd.s32 $0xFFFFF380  }
0x5d: {  	[spmem:s2] =	stream.indirect.scatter.add.f32 [tilespmem:s19], [sflag:$0x6], $0x8, s30, s17, $0xb8;
	[tilespmem:$0xA0A0] =	vst v63  }
0x5e: {  	_ =	swait.ge [sflag:s26], $0xC80  }
0x5f: {  	[sflag:s26] =	ssyncset.done $0x0  }
0x60: {  	s30 =	sadd.s32 $0x960, s24;
	[sflag:s26] =	ssyncadd.s32 $0xFFFFF380  }
0x61: {  	[tilespmem:s19], [sflag:$0x2] =	stream.indirect.gather [hbm4b:s4+s17], $0x8, s30, s17, $0xb8;
	[tilespmem:$0xA0A0] =	vst v63  }
0x62: {  	_ =	swait.ge [sflag:s16], $0xC80  }
0x63: {  	[sflag:s16] =	ssyncset.done $0x0  }
0x64: {  	s30 =	sadd.s32 $0x2A30, s24;
	[sflag:s16] =	ssyncadd.s32 $0xFFFFF380  }
0x65: {  	[spmem:s2] =	stream.indirect.scatter.add.f32 [tilespmem:s21], [sflag:$0x6], $0x8, s30, s17, $0xb8;
	[tilespmem:$0xA0A0] =	vst v63  }
0x66: {  	_ =	swait.ge [sflag:s26], $0xC80  }
0x67: {  	[sflag:s26] =	ssyncset.done $0x0  }
0x68: {  	s30 =	sadd.s32 $0xAF0, s24;
	[sflag:s26] =	ssyncadd.s32 $0xFFFFF380  }
0x69: {  	[tilespmem:s21], [sflag:$0x3] =	stream.indirect.gather [hbm4b:s4+s17], $0x8, s30, s17, $0xb8;
	[tilespmem:$0xA0A0] =	vst v63  }
0x6a: {  	_ =	swait.ge [sflag:s28], $0xC80  }
0x6b: {  	[sflag:s28] =	ssyncset.done $0x0  }
0x6c: {  	s30 =	sadd.s32 $0x2BC0, s24;
	[sflag:s28] =	ssyncadd.s32 $0xFFFFF380  }
0x6d: {  	[spmem:s2] =	stream.indirect.scatter.add.f32 [tilespmem:s23], [sflag:$0x6], $0x8, s30, s17, $0xb8;
	[tilespmem:$0xA0A0] =	vst v63  }
0x6e: {  	_ =	swait.ge [sflag:s26], $0xC80  }
0x6f: {  	[sflag:s26] =	ssyncset.done $0x0  }
0x70: {  	s30 =	sadd.s32 $0xC80, s24;
	[sflag:s26] =	ssyncadd.s32 $0xFFFFF380  }
0x71: {  	[tilespmem:s23], [sflag:$0x4] =	stream.indirect.gather [hbm4b:s4+s17], $0x8, s30, s17, $0xb8;
	[tilespmem:$0xA0A0] =	vst v63  }
0x72: {  	_ =	swait.ge [sflag:s29], $0xC80  }
0x73: {  	[sflag:s29] =	ssyncset.done $0x0  }
.Ltmp0:
0x74: {  	s30 =	sadd.s32 $0x2D50, s24;
	[sflag:s29] =	ssyncadd.s32 $0xFFFFF380;
	(pc) =	sbr.rel @p0 .LBB2_2-.Ltmp0, $4  }
0x75: {  	[spmem:s2] =	stream.indirect.scatter.add.f32 [tilespmem:s25], [sflag:$0x6], $0x8, s30, s17, $0xb8;
	[tilespmem:$0xA0A0] =	vst v63  }
0x76: {  	_ =	swait.ge [sflag:s26], $0xC80  }
0x77: {  	[sflag:s26] =	ssyncset.done $0x0  }
0x78: {  	s24 =	sadd.s32 $0xE10, s24;
	[sflag:s26] =	ssyncadd.s32 $0xFFFFF380  }
0x79: {  	[tilespmem:s25], [sflag:$0x5] =	stream.indirect.gather [hbm4b:s4+s17], $0x8, s24, s17, $0xb8;
	[tilespmem:$0xA0A0] =	vst v63  }
0x7a: {  	_ =	swait.ge [sflag:s14], $0xC80  }
0x7b: {  	[sflag:s14] =	ssyncset.done $0x0  }
0x7c: {  	s22 =	simm.s32 $0x4650;
	[sflag:s14] =	ssyncadd.s32 $0xFFFFF380  }
0x7d: {  	[spmem:s2] =	stream.indirect.scatter.add.f32 [tilespmem:s18], [sflag:$0x6], $0x8, s22, s17, $0xb8;
	[tilespmem:$0xA0A0] =	vst v63  }
0x7e: {  	_ =	swait.ge [sflag:s26], $0xC80  }
0x7f: {  	[sflag:s26] =	ssyncset.done $0x0  }
0x80: {  	[sflag:s26] =	ssyncadd.s32 $0xFFFFF380  }
0x81: {  	_ =	swait.ge [sflag:s15], $0xC80  }
0x82: {  	[sflag:s15] =	ssyncset.done $0x0  }
0x83: {  	[sflag:s15] =	ssyncadd.s32 $0xFFFFF380  }
0x84: {  	[spmem:s2] =	stream.indirect.scatter.add.f32 [tilespmem:s19], [sflag:$0x6], $0x8, s31, s17, $0xb8;
	[tilespmem:$0xA0A0] =	vst v63  }
0x85: {  	_ =	swait.ge [sflag:s26], $0xC80  }
0x86: {  	[sflag:s26] =	ssyncset.done $0x0  }
0x87: {  	[sflag:s26] =	ssyncadd.s32 $0xFFFFF380  }
0x88: {  	_ =	swait.ge [sflag:s16], $0xC80  }
0x89: {  	[sflag:s16] =	ssyncset.done $0x0  }
0x8a: {  	[sflag:s16] =	ssyncadd.s32 $0xFFFFF380  }
0x8b: {  	[spmem:s2] =	stream.indirect.scatter.add.f32 [tilespmem:s21], [sflag:$0x6], $0x8, s1, s17, $0xb8;
	[tilespmem:$0xA0A0] =	vst v63  }
0x8c: {  	_ =	swait.ge [sflag:s26], $0xC80  }
0x8d: {  	[sflag:s26] =	ssyncset.done $0x0  }
0x8e: {  	[sflag:s26] =	ssyncadd.s32 $0xFFFFF380  }
0x8f: {  	_ =	swait.ge [sflag:s28], $0xC80  }
0x90: {  	[sflag:s28] =	ssyncset.done $0x0  }
0x91: {  	[sflag:s28] =	ssyncadd.s32 $0xFFFFF380  }
0x92: {  	[spmem:s2] =	stream.indirect.scatter.add.f32 [tilespmem:s23], [sflag:$0x6], $0x8, s0, s17, $0xb8;
	[tilespmem:$0xA0A0] =	vst v63  }
0x93: {  	_ =	swait.ge [sflag:s26], $0xC80  }
0x94: {  	[sflag:s26] =	ssyncset.done $0x0  }
0x95: {  	[sflag:s26] =	ssyncadd.s32 $0xFFFFF380  }
0x96: {  	_ =	swait.ge [sflag:s29], $0xC80  }
0x97: {  	[sflag:s29] =	ssyncset.done $0x0  }
0x98: {  	[sflag:s29] =	ssyncadd.s32 $0xFFFFF380  }
0x99: {  	[spmem:s2] =	stream.indirect.scatter.add.f32 [tilespmem:s25], [sflag:$0x6], $0x8, s13, s17, $0xb8;
	[tilespmem:$0xA0A0] =	vst v63  }
0x9a: {  	_ =	swait.ge [sflag:s26], $0xC80  }
0x9b: {  	s20 =	sadd.s32 $0x1, s20;
	[sflag:s26] =	ssyncset.done $0x0  }
0x9c: {  	p0 =	sne.s32 s20, s11;
	[sflag:s26] =	ssyncadd.s32 $0xFFFFF380  }
.Ltmp1:
0x9d: {  	s30 =	sor.u32 $0x1C06, s5;
	[bflag:$0x0] =	sbarrier.arrive $0xFFFF;
	(pc) =	sbr.rel @p0 .LBB2_1-.Ltmp1, $4  }
0x9e: {  	[hbm:s10], [sflag:s30] =	dma.local [spmem:s12], $0x280  }
0x9f: {  	_ =	swait.ge [sflag:s26], $0x280  }
0xa0: {  	[sflag:s26] =	ssyncset.done $0x0  }
0xa1: {  	[sflag:s26] =	ssyncadd.s32 $0xFFFFFD80  }
0xa2: {  	_ =	sfence.sel $0x180000  }
0xa3: {  	[bflag:$0x0] =	sbarrier.arrive $0xFFFF  }
0xa4: {  	_ =	strace $0x9000004D  }
0xa5: {  	s0 =	stileid.u32;
	[bflag:$0x2] =	sbarrier.arrive $0xFFFF  }
0xa6: {  	p0 =	sne.s32 s0, $0x0;
	s0 =	rddreg [dreg:$0x2]  }
0xa7: {  	s0 =	sadd.s32 @!p0 $0x100000, s0  }
0xa8: {  	[sflag:s0] =	ssyncadd.tile.s32 @!p0 $0x1;
	_ =	shalt  }
.Lfunc_end2:
_tile_overlayer_lowered:
.L_overlay_start_2:
0xa9: {  	(tag) =	ssettag $0x2  }
0xaa: {  	s0 =	rddreg [dreg:$0x0];
	s2 =	stileid.u32  }
0xab: {  	s1 =	rddreg [dreg:$0x1];
	p0 =	sne.s32 s2, $0x0  }
0xac: {  	s3 =	rddreg [dreg:$0x2];
	[bflag:$0x3] =	sbarrier.arrive $0xFFFF;
	s2 =	simm.s32 @!p0 $0x1C06  }
0xad: {  	[timem:s3], [sflag:s2] =	dma.local @!p0 [hbm:s0], s1  }
0xae: {  	s0 =	simm.s32 @!p0 $0x6  }
0xaf: {  	_ =	swait.ge @!p0 [sflag:s0], s1  }
0xb0: {  	s1 =	ssub.s32 @!p0 $0x0, s1;
	[sflag:s0] =	ssyncset.done @!p0 $0x0  }
0xb1: {  	[sflag:s0] =	ssyncadd.s32 @!p0 s1  }
0xb2: {  	[bflag:$0x3] =	sbarrier.arrive $0xFFFF  }
0xb3: {  	_ =	shalt  }

// kernel: kernel.21.cloned.1.call-start
scs
__scs_entry_jumppad:
0x0: {  	(pc) =	sbr.rel $0x88, $3  }
0x1: {  	(tag) =	ssettag $0x0;
	lr =	simm.s32 $0x1  }
0x2: {  	[smem:$0x3F97] =	sst lr;
	_ =	strace $0xD0000000  }
0x3: {  	_ = 	snop  }
0x4: {  	_ = 	snop  }
0x5: {  	_ = 	snop  }
0x6: {  	_ = 	snop  }
0x7: {  	_ = 	snop  }
__scs_overlays_trampoline_lowered:
0x8: {  	[smem:$0x3FA6] =	sst s0  }
0x9: {  	[smem:$0x3FA7] =	sst s1  }
0xa: {  	[smem:$0x3FA8] =	sst s2  }
0xb: {  	[smem:$0x3FA9] =	sst s3  }
0xc: {  	[smem:$0x3FAA] =	sst s4  }
0xd: {  	[smem:$0x3FAB] =	sst s5  }
0xe: {  	[smem:$0x3FAC] =	sst s6  }
0xf: {  	[smem:$0x3FAD] =	sst s7  }
0x10: {  	[smem:$0x3FAE] =	sst s8  }
0x11: {  	[smem:$0x3FAF] =	sst s9;
	s0 =	simm.s32 @!p0 $0x0  }
0x12: {  	s1 =	sld [smem:$0x3F95];
	s0 =	simm.s32 @p0 $0x1  }
0x13: {  	[smem:$0x3FB0] =	sst s0;
	s0 =	simm.s32 @!p1 $0x0  }
0x14: {  	s2 =	sld [smem:$0x3F94];
	s0 =	simm.s32 @p1 $0x1  }
0x15: {  	[smem:$0x3FB1] =	sst s0;
	s0 =	simm.s32 @!p2 $0x0  }
0x16: {  	s3 =	sld [smem:$0x3FDB];
	s0 =	simm.s32 @p2 $0x1  }
0x17: {  	s4 =	simm.s32 $0x1BF5;
	[smem:$0x3FB3] =	sst s0  }
0x18: {  	s0 =	sld [smem:$0x3F96];
	_ =	swait.ge [sflag:s4], $0x0  }
0x19: {  	s7 =	sld [smem:$0x3F97]  }
0x1a: {  	s8 =	sadd.s32 $0xFFFFE003, lr  }
0x1b: {  	s9 =	sadd.s32 $0xFFFFFEF7, lr;
	s5 =	simm.s32 $0xFFFFFFFF;
	p2 =	slt.u32 s8, $0xFFFFF086  }
0x1c: {  	p1 =	slt.u32 s9, $0xF7A;
	s5 =	simm.s32 @!p2 $0x0  }
0x1d: {  	s5 =	simm.s32 @p1 $0x1;
	p0 =	seq.s32 s7, s2  }
0x1e: {  	s7 =	smul.u32 @!p0 $0xF7A, s2;
	p2 =	seq.s32 @!p0 s5, $0x0  }
0x1f: {  	s9 =	smul.u32 $0xF7A, s1;
	s8 =	simm.s32 @!p0 $0x1BF5;
	p2 =	por !p2, p0  }
0x20: {  	[sflag:s8] =	ssyncset.s32 @!p0 $0xFFFFF086;
	s6 =	sadd.s32 @!p0 s3, s7;
	s7 =	simm.s32 @!p0 $0x108  }
0x21: {  	s3 =	sadd.s32 s3, s9;
	s6 =	sadd.s32 @!p0 $0x88, s6;
	s7 =	simm.s32 @p2 $0x1082  }
0x22: {  	[simem:s7], [sflag:s8] =	dma.local @!p0 [hbm:s6], $0xF7A  }
0x23: {  	s9 =	sor.u32 $0xD0000000, s2;
	s6 =	simm.s32 $0x108;
	_ =	swait.ge @!p0 [sflag:s8], $0x0  }
0x24: {  	s3 =	sadd.s32 $0x88, s3;
	s6 =	simm.s32 @!p1 $0x1082;
	[sflag:s4] =	ssyncset.s32 $0xFFFFF086  }
0x25: {  	[simem:s6], [sflag:s4] =	dma.local [hbm:s3], $0xF7A  }
0x26: {  	[smem:$0x3F97] =	sst s1;
	(tag) =	ssettag s2;
	_ =	strace s9  }
0x27: {  	s1 =	sld [smem:$0x3FA7]  }
0x28: {  	s2 =	sld [smem:$0x3FA8]  }
0x29: {  	s4 =	sld [smem:$0x3FAA]  }
0x2a: {  	p0 =	seq.s32 s5, $0x0;
	s5 =	sld [smem:$0x3FAB]  }
0x2b: {  	s6 =	sld [smem:$0x3FAC]  }
0x2c: {  	s7 =	sld [smem:$0x3FAD]  }
0x2d: {  	s3 =	simm.s32 $0x108;
	s8 =	sld [smem:$0x3FAE]  }
0x2e: {  	s3 =	simm.s32 @!p0 $0x1082;
	s9 =	sld [smem:$0x3FAF]  }
0x2f: {  	lr =	sadd.s32 s0, s3;
	s0 =	sld [smem:$0x3FA6]  }
0x30: {  	s3 =	sld [smem:$0x3FA9]  }
0x31: {  	[smem:$0x3FB2] =	sst s10  }
0x32: {  	s10 =	sld [smem:$0x3FB0];
	_ =	sdelay $0x3  }
0x33: {  	p0 =	seq.s32 s10, $0x1;
	s10 =	sld [smem:$0x3FB2];
	_ =	sdelay $0x3  }
0x34: {  	[smem:$0x3FB2] =	sst s10  }
0x35: {  	s10 =	sld [smem:$0x3FB1];
	_ =	sdelay $0x3  }
0x36: {  	p1 =	seq.s32 s10, $0x1;
	s10 =	sld [smem:$0x3FB2];
	_ =	sdelay $0x3  }
0x37: {  	[smem:$0x3FB2] =	sst s10  }
0x38: {  	s10 =	sld [smem:$0x3FB3]  }
0x39: {  	_ = 	snop;
	(pc) =	sbr.ind lr, $3  }
0x3a: {  	_ = 	snop  }
0x3b: {  	_ = 	snop  }
0x3c: {  	p2 =	seq.s32 s10, $0x1;
	s10 =	sld [smem:$0x3FB2]  }
0x3d: {  	_ =	shalt  }
0x3e: {  	_ =	shalt  }
0x3f: {  	_ =	shalt  }
0x40: {  	_ =	shalt  }
0x41: {  	_ =	shalt  }
0x42: {  	_ =	shalt  }
0x43: {  	_ =	shalt  }
0x44: {  	_ =	shalt  }
0x45: {  	_ =	shalt  }
0x46: {  	_ =	shalt  }
0x47: {  	_ =	shalt  }
0x48: {  	_ =	shalt  }
0x49: {  	_ =	shalt  }
0x4a: {  	_ =	shalt  }
0x4b: {  	_ =	shalt  }
0x4c: {  	_ =	shalt  }
0x4d: {  	_ =	shalt  }
0x4e: {  	_ =	shalt  }
0x4f: {  	_ =	shalt  }
0x50: {  	_ =	shalt  }
0x51: {  	_ =	shalt  }
0x52: {  	_ =	shalt  }
0x53: {  	_ =	shalt  }
0x54: {  	_ =	shalt  }
0x55: {  	_ =	shalt  }
0x56: {  	_ =	shalt  }
0x57: {  	_ =	shalt  }
0x58: {  	_ =	shalt  }
0x59: {  	_ =	shalt  }
0x5a: {  	_ =	shalt  }
0x5b: {  	_ =	shalt  }
0x5c: {  	_ =	shalt  }
0x5d: {  	_ =	shalt  }
0x5e: {  	_ =	shalt  }
0x5f: {  	_ =	shalt  }
0x60: {  	_ =	shalt  }
0x61: {  	_ =	shalt  }
0x62: {  	_ =	shalt  }
0x63: {  	_ =	shalt  }
0x64: {  	_ =	shalt  }
0x65: {  	_ =	shalt  }
0x66: {  	_ =	shalt  }
0x67: {  	_ =	shalt  }
0x68: {  	_ =	shalt  }
0x69: {  	_ =	shalt  }
0x6a: {  	_ =	shalt  }
0x6b: {  	_ =	shalt  }
0x6c: {  	_ =	shalt  }
0x6d: {  	_ =	shalt  }
0x6e: {  	_ =	shalt  }
0x6f: {  	_ =	shalt  }
0x70: {  	_ =	shalt  }
0x71: {  	_ =	shalt  }
0x72: {  	_ =	shalt  }
0x73: {  	_ =	shalt  }
0x74: {  	_ =	shalt  }
0x75: {  	_ =	shalt  }
0x76: {  	_ =	shalt  }
0x77: {  	_ =	shalt  }
0x78: {  	_ =	shalt  }
0x79: {  	_ =	shalt  }
0x7a: {  	_ =	shalt  }
0x7b: {  	_ =	shalt  }
0x7c: {  	_ =	shalt  }
0x7d: {  	_ =	shalt  }
0x7e: {  	_ =	shalt  }
0x7f: {  	_ =	shalt  }
0x80: {  	_ =	shalt  }
0x81: {  	_ =	shalt  }
0x82: {  	_ =	shalt  }
0x83: {  	_ =	shalt  }
0x84: {  	_ =	shalt  }
0x85: {  	_ =	shalt  }
0x86: {  	_ =	shalt  }
0x87: {  	_ =	shalt  }
.Lfunc_end0:
.L_simem_size_0:
called_computation.3_lowered:
.L_overlay_start_0:
0x88: {  	s2 =	sld [smem:$0x3FD9]  }
0x89: {  	s3 =	sld [smem:$0x3FFE];
	_ =	sdelay $0x1  }
0x8a: {  	s1 =	srdreg.scid  }
0x8b: {  	s0 =	sand.u32 $0x1, s1  }
0x8c: {  	s16 =	sshll.u32 s0, $0xA;
	s2 =	sadd.s32 s3, s2  }
0x8d: {  	s2 =	sadd.s32 s2, s16  }
0x8e: {  	[smem:$0x3FBE] =	sst s2  }
0x8f: {  	_ = 	snop  }
0x90: {  	(tm) =	ssettm $0x1  }
0x91: {  	s17 =	sld [smem:$0x3FFB];
	_ =	sdelay $0x3  }
0x92: {  	_ =	strace s17  }
0x93: {  	s2 =	sld [smem:$0x3FFC];
	_ =	sdelay $0x3  }
0x94: {  	_ =	strace s2  }
0x95: {  	s2 =	sld [smem:$0x3FFD];
	_ =	sdelay $0x3  }
0x96: {  	_ =	strace s2  }
0x97: {  	_ =	strace $0x8FFFFFFF  }
0x98: {  	s18 =	sld [smem:$0x3FDB];
	_ =	sdelay $0x1  }
0x99: {  	s19 =	simm.s32 $_scs_section_size  }
0x9a: {  	s4 =	simm.s32 $_size__tile_overlayer_lowered;
	s5 =	simm.s32 $_tile_overlayer_lowered  }
0x9b: {  	s22 =	simm.s32 $0x1BFF;
	s21 =	sshll.u32 s5, $0x1;
	s2 =	sadd.s32 s19, s18  }
0x9c: {  	s6 =	simm.s32 $0x0;
	s20 =	sshll.u32 s4, $0x1;
	s4 =	sadd.s32 s21, s2  }
0x9d: {  	[timem:s6], [sflag:s22] =	dma.local [hbm:s4], s20  }
0x9e: {  	_ =	swait.ge [sflag:s22], s20  }
0x9f: {  	s3 =	ssub.s32 $0x0, s20;
	[sflag:s22] =	ssyncset.done $0x0  }
0xa0: {  	[sflag:s22] =	ssyncadd.s32 s3;
	_ =	sdelay $0x1  }
0xa1: {  	s23 =	simm.s32 $0x1B8B  }
0xa2: {  	_ =	swait.ge [sflag:s23], $0x1  }
0xa3: {  	[sflag:s23] =	ssyncset.done $0x0  }
0xa4: {  	s25 =	simm.s32 $0x1B8E;
	s24 =	sld [smem:$0x3FFE];
	[sflag:s23] =	ssyncadd.s32 $0xFFFFFFFF  }
0xa5: {  	s26 =	simm.s32 $execute0_lowered;
	[smem:$0x3FD2] =	sst s25  }
0xa6: {  	s4 =	sshll.u32 s26, $0x1;
	_ =	strace $0x8000004F;
	[dreg:$0x1] =	wrdreg $0xFFFFFFFF  }
0xa7: {  	s28 =	simm.s32 $_size_execute0_lowered;
	s2 =	sadd.s32 s2, s4;
	[dreg:$0x0] =	wrdreg $0x0  }
0xa8: {  	s4 =	sshll.u32 s28, $0x1;
	[dreg:$0x2] =	wrdreg s2  }
0xa9: {  	[dreg:$0x3] =	wrdreg s4  }
0xaa: {  	[dreg:$0x4] =	wrdreg $0xC0  }
0xab: {  	_ =	task [dreg:s6], $0x5FFFF  }
0xac: {  	[dreg:$0x1] =	wrdreg $0xFFFFFFFF  }
0xad: {  	[dreg:$0x0] =	wrdreg $0x60  }
0xae: {  	[dreg:$0x2] =	wrdreg s24  }
0xaf: {  	[dreg:$0x3] =	wrdreg $0x8CA00  }
0xb0: {  	[dreg:$0x4] =	wrdreg $0x9  }
0xb1: {  	_ =	task.clear_ibuf [dreg:s6], $0x5FFFF;
	_ =	strace $0x9000004F  }
0xb2: {  	s29 =	simm.s32 $0x9;
	_ =	strace $0x80000051  }
0xb3: {  	_ =	swait.ge [sflag:s29], $0x1  }
0xb4: {  	[sflag:s29] =	ssyncadd.s32 $0xFFFFFFFF  }
0xb5: {  	_ =	strace $0x90000051  }
0xb6: {  	_ =	sfence  }
0xb7: {  	s30 =	sld [smem:$0x0];
	_ =	sdelay $0x2  }
0xb8: {  	s31 =	sshll.u32 s1, $0xD;
	s1 =	sshrl.u32 s1, $0x2  }
0xb9: {  	s3 =	sand.u32 $0x4000, s31;
	s1 =	sadd.s32 s1, s30  }
0xba: {  	s0 =	sor.u32 s3, s0;
	s1 =	sshll.u32 s1, $0x11  }
0xbb: {  	s0 =	sor.u32 s1, s0  }
0xbc: {  	s0 =	sadd.s32 $0x8F2B, s0  }
0xbd: {  	[sflag:s0] =	ssyncadd.remote.s32 $0x1  }
0xbe: {  	_ =	sfence.sel $0xFFFF  }
0xbf: {  	[dreg:$0x0] =	wrdreg $0xFFFFFFFF;
	(pc) =	sbr.abs _section_cstart, $3  }
0xc0: {  	[dreg:$0x1] =	wrdreg $0xFFFFFFFF  }
0xc1: {  	_ =	task.clear_ibuf [dreg:s6], $0x2FFFF;
	_ =	strace $0x9FFFFFFF  }
0xc2: {  	(tm) =	ssettm $0x7FFFFFFF  }
0xc3: {  	_ =	shalt  }
tec
execute0_lowered:
.L_overlay_start_1:
0x0: {  	(tag) =	ssettag $0x1  }
0x1: {  	s0 =	srdreg.scid;
	s1 =	rddreg [dreg:$0x0]  }
0x2: {  	s10 =	stileid.u32;
	s2 =	rddreg [dreg:$0x1];
	s14 =	simm.s32 $0x1  }
0x3: {  	s15 =	simm.s32 $0x2;
	s16 =	simm.s32 $0x3;
	s17 =	simm.s32 $0x190  }
0x4: {  	s18 =	simm.s32 $0x4E20;
	s19 =	simm.s32 $0x5AA0;
	s21 =	simm.s32 $0x6720  }
0x5: {  	s23 =	simm.s32 $0x73A0;
	s25 =	simm.s32 $0x8020;
	s28 =	simm.s32 $0x4  }
0x6: {  	s29 =	simm.s32 $0x5;
	s31 =	simm.s32 $0x47E0;
	s13 =	simm.s32 $0x4C90  }
0x7: {  	s20 =	simm.s32 $0x0;
	s0 =	sand.u32 $0x1, s0;
	s6 =	smul.u32 $0x1400, s10  }
0x8: {  	s8 =	smul.u32 $0x280, s10;
	s3 =	sshll.u32 s0, $0x4;
	s26 =	ssub.s32 $0x2, s0  }
0x9: {  	s0 =	smul.u32 $0x2800, s0;
	s4 =	sor.u32 s10, s3;
	s3 =	simm.s32 $0x0  }
0xa: {  	s7 =	sshrl.u32 s6, $0x3;
	s30 =	sshrl.u32 s26, $0x1;
	s12 =	sadd.s32 s6, s2  }
0xb: {  	s5 =	smul.u32 $0x2710, s4;
	[smem:$0x7FF] =	sst s3;
	s4 =	sadd.s32 $0x16800, s1  }
0xc: {  	s7 =	sadd.s32 s7, s1;
	s11 =	ssub.s32 s26, s30;
	s12 =	sshrl.u32 s12, $0x3  }
0xd: {  	s26 =	simm.s32 $0x6;
	_ =	strace $0x80000050;
	s5 =	sshrl.u32 s5, $0x3  }
0xe: {  	s6 =	sadd.s32 $0x19000, s7;
	s9 =	sadd.s32 s5, s1;
	s5 =	sshll.u32 s10, $0x6  }
0xf: {  	s11 =	smax.u32 s11, $0x1;
	s1 =	sadd.s32 s8, s1;
	s7 =	sor.u32 $0x1C01, s5  }
0x10: {  	s0 =	sadd.s32 s0, s1;
	s8 =	sadd.s32 $0x2E00, s9;
	s9 =	sadd.s32 $0xCA40, s9  }
0x11: {  	s1 =	simm.s32 $0x4970;
	s10 =	sadd.s32 $0x1B800, s0;
	s0 =	simm.s32 $0x4B00  }
.LBB2_1:
0x12: {  	[spmem:s12], [sflag:s7] =	dma.local [hbm:s6], $0x280  }
0x13: {  	[tilespmem:s3], [sflag:$0x2] =	stream.linear.gather [hbm4b:s8+s3], $0x2710, $0x38;
	[tilespmem:$0xA0A0] =	vst v63  }
0x14: {  	s22 =	simm.s32 $0x2710  }
0x15: {  	[tilespmem:s22], [sflag:$0x3] =	stream.linear.gather [hbm4b:s9+s3], $0x2710, $0x38;
	[tilespmem:$0xA0A0] =	vst v63  }
0x16: {  	_ =	swait.ge [sflag:s14], $0x280  }
0x17: {  	[sflag:s14] =	ssyncset.done $0x0  }
0x18: {  	[sflag:s14] =	ssyncadd.s32 $0xFFFFFD80  }
0x19: {  	_ =	swait.ge [sflag:s15], $0x2710  }
0x1a: {  	[sflag:s15] =	ssyncset.done $0x0  }
0x1b: {  	[sflag:s15] =	ssyncadd.s32 $0xFFFFD8F0  }
0x1c: {  	_ =	swait.ge [sflag:s16], $0x2710  }
0x1d: {  	[sflag:s16] =	ssyncset.done $0x0  }
0x1e: {  	[sflag:s16] =	ssyncadd.s32 $0xFFFFD8F0  }
0x1f: {  	[bflag:$0x0] =	sbarrier.arrive $0xFFFF  }
0x20: {  	[tilespmem:s18], [sflag:$0x1] =	stream.indirect.gather [hbm4b:s4+s17], $0x8, s3, s17, $0xb8;
	[tilespmem:$0xA0A0] =	vst v63  }
0x21: {  	_ = 	snop  }
0x22: {  	[tilespmem:s19], [sflag:$0x2] =	stream.indirect.gather [hbm4b:s4+s17], $0x8, s17, s17, $0xb8;
	[tilespmem:$0xA0A0] =	vst v63  }
0x23: {  	s24 =	simm.s32 $0x320  }
0x24: {  	[tilespmem:s21], [sflag:$0x3] =	stream.indirect.gather [hbm4b:s4+s17], $0x8, s24, s17, $0xb8;
	[tilespmem:$0xA0A0] =	vst v63  }
0x25: {  	s30 =	simm.s32 $0x4B0  }
0x26: {  	[tilespmem:s23], [sflag:$0x4] =	stream.indirect.gather [hbm4b:s4+s17], $0x8, s30, s17, $0xb8;
	[tilespmem:$0xA0A0] =	vst v63  }
0x27: {  	s24 =	simm.s32 $0x640  }
0x28: {  	[tilespmem:s25], [sflag:$0x5] =	stream.indirect.gather [hbm4b:s4+s17], $0x8, s24, s17, $0xb8;
	[tilespmem:$0xA0A0] =	vst v63  }
0x29: {  	_ =	swait.ge [sflag:s14], $0xC80  }
0x2a: {  	[sflag:s14] =	ssyncset.done $0x0  }
0x2b: {  	s30 =	simm.s32 $0x2710;
	[sflag:s14] =	ssyncadd.s32 $0xFFFFF380  }
0x2c: {  	[spmem:s2] =	stream.indirect.scatter.add.f32 [tilespmem:s18], [sflag:$0x6], $0x8, s30, s17, $0xb8;
	[tilespmem:$0xA0A0] =	vst v63  }
0x2d: {  	_ =	swait.ge [sflag:s26], $0xC80  }
0x2e: {  	[sflag:s26] =	ssyncset.done $0x0  }
0x2f: {  	s24 =	simm.s32 $0x7D0;
	[sflag:s26] =	ssyncadd.s32 $0xFFFFF380  }
0x30: {  	[tilespmem:s18], [sflag:$0x1] =	stream.indirect.gather [hbm4b:s4+s17], $0x8, s24, s17, $0xb8;
	[tilespmem:$0xA0A0] =	vst v63  }
0x31: {  	_ =	swait.ge [sflag:s15], $0xC80  }
0x32: {  	[sflag:s15] =	ssyncset.done $0x0  }
0x33: {  	s30 =	simm.s32 $0x28A0;
	[sflag:s15] =	ssyncadd.s32 $0xFFFFF380  }
0x34: {  	[spmem:s2] =	stream.indirect.scatter.add.f32 [tilespmem:s19], [sflag:$0x6], $0x8, s30, s17, $0xb8;
	[tilespmem:$0xA0A0] =	vst v63  }
0x35: {  	_ =	swait.ge [sflag:s26], $0xC80  }
0x36: {  	[sflag:s26] =	ssyncset.done $0x0  }
0x37: {  	s24 =	simm.s32 $0x960;
	[sflag:s26] =	ssyncadd.s32 $0xFFFFF380  }
0x38: {  	[tilespmem:s19], [sflag:$0x2] =	stream.indirect.gather [hbm4b:s4+s17], $0x8, s24, s17, $0xb8;
	[tilespmem:$0xA0A0] =	vst v63  }
0x39: {  	_ =	swait.ge [sflag:s16], $0xC80  }
0x3a: {  	[sflag:s16] =	ssyncset.done $0x0  }
0x3b: {  	s30 =	simm.s32 $0x2A30;
	[sflag:s16] =	ssyncadd.s32 $0xFFFFF380  }
0x3c: {  	[spmem:s2] =	stream.indirect.scatter.add.f32 [tilespmem:s21], [sflag:$0x6], $0x8, s30, s17, $0xb8;
	[tilespmem:$0xA0A0] =	vst v63  }
0x3d: {  	_ =	swait.ge [sflag:s26], $0xC80  }
0x3e: {  	[sflag:s26] =	ssyncset.done $0x0  }
0x3f: {  	s24 =	simm.s32 $0xAF0;
	[sflag:s26] =	ssyncadd.s32 $0xFFFFF380  }
0x40: {  	[tilespmem:s21], [sflag:$0x3] =	stream.indirect.gather [hbm4b:s4+s17], $0x8, s24, s17, $0xb8;
	[tilespmem:$0xA0A0] =	vst v63  }
0x41: {  	_ =	swait.ge [sflag:s28], $0xC80  }
0x42: {  	[sflag:s28] =	ssyncset.done $0x0  }
0x43: {  	s30 =	simm.s32 $0x2BC0;
	[sflag:s28] =	ssyncadd.s32 $0xFFFFF380  }
0x44: {  	[spmem:s2] =	stream.indirect.scatter.add.f32 [tilespmem:s23], [sflag:$0x6], $0x8, s30, s17, $0xb8;
	[tilespmem:$0xA0A0] =	vst v63  }
0x45: {  	_ =	swait.ge [sflag:s26], $0xC80  }
0x46: {  	[sflag:s26] =	ssyncset.done $0x0  }
0x47: {  	s24 =	simm.s32 $0xC80;
	[sflag:s26] =	ssyncadd.s32 $0xFFFFF380  }
0x48: {  	[tilespmem:s23], [sflag:$0x4] =	stream.indirect.gather [hbm4b:s4+s17], $0x8, s24, s17, $0xb8;
	[tilespmem:$0xA0A0] =	vst v63  }
0x49: {  	_ =	swait.ge [sflag:s29], $0xC80  }
0x4a: {  	[sflag:s29] =	ssyncset.done $0x0  }
0x4b: {  	s30 =	simm.s32 $0x2D50;
	[sflag:s29] =	ssyncadd.s32 $0xFFFFF380  }
0x4c: {  	[spmem:s2] =	stream.indirect.scatter.add.f32 [tilespmem:s25], [sflag:$0x6], $0x8, s30, s17, $0xb8;
	[tilespmem:$0xA0A0] =	vst v63  }
0x4d: {  	_ =	swait.ge [sflag:s26], $0xC80  }
0x4e: {  	[sflag:s26] =	ssyncset.done $0x0  }
0x4f: {  	s22 =	simm.s32 $0x1F40;
	s24 =	simm.s32 $0xE10;
	[sflag:s26] =	ssyncadd.s32 $0xFFFFF380  }
.LBB2_2:
0x50: {  	[tilespmem:s25], [sflag:$0x5] =	stream.indirect.gather [hbm4b:s4+s17], $0x8, s24, s17, $0xb8;
	[tilespmem:$0xA0A0] =	vst v63  }
0x51: {  	s24 =	smov.u32 s22  }
0x52: {  	p0 =	sne.s32 s22, $0x5DC0;
	s22 =	sadd.s32 $0x1F40, s22;
	_ =	swait.ge [sflag:s14], $0xC80  }
0x53: {  	s24 =	sshra.s32 s24, $0x2;
	[sflag:s14] =	ssyncset.done $0x0  }
0x54: {  	s30 =	sadd.s32 $0x2710, s24;
	[sflag:s14] =	ssyncadd.s32 $0xFFFFF380  }
0x55: {  	[spmem:s2] =	stream.indirect.scatter.add.f32 [tilespmem:s18], [sflag:$0x6], $0x8, s30, s17, $0xb8;
	[tilespmem:$0xA0A0] =	vst v63  }
0x56: {  	_ =	swait.ge [sflag:s26], $0xC80  }
0x57: {  	[sflag:s26] =	ssyncset.done $0x0  }
0x58: {  	s30 =	sadd.s32 $0x7D0, s24;
	[sflag:s26] =	ssyncadd.s32 $0xFFFFF380  }
0x59: {  	[tilespmem:s18], [sflag:$0x1] =	stream.indirect.gather [hbm4b:s4+s17], $0x8, s30, s17, $0xb8;
	[tilespmem:$0xA0A0] =	vst v63  }
0x5a: {  	_ =	swait.ge [sflag:s15], $0xC80  }
0x5b: {  	[sflag:s15] =	ssyncset.done $0x0  }
0x5c: {  	s30 =	sadd.s32 $0x28A0, s24;
	[sflag:s15] =	ssyncadd.s32 $0xFFFFF380  }
0x5d: {  	[spmem:s2] =	stream.indirect.scatter.add.f32 [tilespmem:s19], [sflag:$0x6], $0x8, s30, s17, $0xb8;
	[tilespmem:$0xA0A0] =	vst v63  }
0x5e: {  	_ =	swait.ge [sflag:s26], $0xC80  }
0x5f: {  	[sflag:s26] =	ssyncset.done $0x0  }
0x60: {  	s30 =	sadd.s32 $0x960, s24;
	[sflag:s26] =	ssyncadd.s32 $0xFFFFF380  }
0x61: {  	[tilespmem:s19], [sflag:$0x2] =	stream.indirect.gather [hbm4b:s4+s17], $0x8, s30, s17, $0xb8;
	[tilespmem:$0xA0A0] =	vst v63  }
0x62: {  	_ =	swait.ge [sflag:s16], $0xC80  }
0x63: {  	[sflag:s16] =	ssyncset.done $0x0  }
0x64: {  	s30 =	sadd.s32 $0x2A30, s24;
	[sflag:s16] =	ssyncadd.s32 $0xFFFFF380  }
0x65: {  	[spmem:s2] =	stream.indirect.scatter.add.f32 [tilespmem:s21], [sflag:$0x6], $0x8, s30, s17, $0xb8;
	[tilespmem:$0xA0A0] =	vst v63  }
0x66: {  	_ =	swait.ge [sflag:s26], $0xC80  }
0x67: {  	[sflag:s26] =	ssyncset.done $0x0  }
0x68: {  	s30 =	sadd.s32 $0xAF0, s24;
	[sflag:s26] =	ssyncadd.s32 $0xFFFFF380  }
0x69: {  	[tilespmem:s21], [sflag:$0x3] =	stream.indirect.gather [hbm4b:s4+s17], $0x8, s30, s17, $0xb8;
	[tilespmem:$0xA0A0] =	vst v63  }
0x6a: {  	_ =	swait.ge [sflag:s28], $0xC80  }
0x6b: {  	[sflag:s28] =	ssyncset.done $0x0  }
0x6c: {  	s30 =	sadd.s32 $0x2BC0, s24;
	[sflag:s28] =	ssyncadd.s32 $0xFFFFF380  }
0x6d: {  	[spmem:s2] =	stream.indirect.scatter.add.f32 [tilespmem:s23], [sflag:$0x6], $0x8, s30, s17, $0xb8;
	[tilespmem:$0xA0A0] =	vst v63  }
0x6e: {  	_ =	swait.ge [sflag:s26], $0xC80  }
0x6f: {  	[sflag:s26] =	ssyncset.done $0x0  }
0x70: {  	s30 =	sadd.s32 $0xC80, s24;
	[sflag:s26] =	ssyncadd.s32 $0xFFFFF380  }
0x71: {  	[tilespmem:s23], [sflag:$0x4] =	stream.indirect.gather [hbm4b:s4+s17], $0x8, s30, s17, $0xb8;
	[tilespmem:$0xA0A0] =	vst v63  }
0x72: {  	_ =	swait.ge [sflag:s29], $0xC80  }
0x73: {  	[sflag:s29] =	ssyncset.done $0x0  }
.Ltmp0:
0x74: {  	s30 =	sadd.s32 $0x2D50, s24;
	[sflag:s29] =	ssyncadd.s32 $0xFFFFF380;
	(pc) =	sbr.rel @p0 .LBB2_2-.Ltmp0, $4  }
0x75: {  	[spmem:s2] =	stream.indirect.scatter.add.f32 [tilespmem:s25], [sflag:$0x6], $0x8, s30, s17, $0xb8;
	[tilespmem:$0xA0A0] =	vst v63  }
0x76: {  	_ =	swait.ge [sflag:s26], $0xC80  }
0x77: {  	[sflag:s26] =	ssyncset.done $0x0  }
0x78: {  	s24 =	sadd.s32 $0xE10, s24;
	[sflag:s26] =	ssyncadd.s32 $0xFFFFF380  }
0x79: {  	[tilespmem:s25], [sflag:$0x5] =	stream.indirect.gather [hbm4b:s4+s17], $0x8, s24, s17, $0xb8;
	[tilespmem:$0xA0A0] =	vst v63  }
0x7a: {  	_ =	swait.ge [sflag:s14], $0xC80  }
0x7b: {  	[sflag:s14] =	ssyncset.done $0x0  }
0x7c: {  	s22 =	simm.s32 $0x4650;
	[sflag:s14] =	ssyncadd.s32 $0xFFFFF380  }
0x7d: {  	[spmem:s2] =	stream.indirect.scatter.add.f32 [tilespmem:s18], [sflag:$0x6], $0x8, s22, s17, $0xb8;
	[tilespmem:$0xA0A0] =	vst v63  }
0x7e: {  	_ =	swait.ge [sflag:s26], $0xC80  }
0x7f: {  	[sflag:s26] =	ssyncset.done $0x0  }
0x80: {  	[sflag:s26] =	ssyncadd.s32 $0xFFFFF380  }
0x81: {  	_ =	swait.ge [sflag:s15], $0xC80  }
0x82: {  	[sflag:s15] =	ssyncset.done $0x0  }
0x83: {  	[sflag:s15] =	ssyncadd.s32 $0xFFFFF380  }
0x84: {  	[spmem:s2] =	stream.indirect.scatter.add.f32 [tilespmem:s19], [sflag:$0x6], $0x8, s31, s17, $0xb8;
	[tilespmem:$0xA0A0] =	vst v63  }
0x85: {  	_ =	swait.ge [sflag:s26], $0xC80  }
0x86: {  	[sflag:s26] =	ssyncset.done $0x0  }
0x87: {  	[sflag:s26] =	ssyncadd.s32 $0xFFFFF380  }
0x88: {  	_ =	swait.ge [sflag:s16], $0xC80  }
0x89: {  	[sflag:s16] =	ssyncset.done $0x0  }
0x8a: {  	[sflag:s16] =	ssyncadd.s32 $0xFFFFF380  }
0x8b: {  	[spmem:s2] =	stream.indirect.scatter.add.f32 [tilespmem:s21], [sflag:$0x6], $0x8, s1, s17, $0xb8;
	[tilespmem:$0xA0A0] =	vst v63  }
0x8c: {  	_ =	swait.ge [sflag:s26], $0xC80  }
0x8d: {  	[sflag:s26] =	ssyncset.done $0x0  }
0x8e: {  	[sflag:s26] =	ssyncadd.s32 $0xFFFFF380  }
0x8f: {  	_ =	swait.ge [sflag:s28], $0xC80  }
0x90: {  	[sflag:s28] =	ssyncset.done $0x0  }
0x91: {  	[sflag:s28] =	ssyncadd.s32 $0xFFFFF380  }
0x92: {  	[spmem:s2] =	stream.indirect.scatter.add.f32 [tilespmem:s23], [sflag:$0x6], $0x8, s0, s17, $0xb8;
	[tilespmem:$0xA0A0] =	vst v63  }
0x93: {  	_ =	swait.ge [sflag:s26], $0xC80  }
0x94: {  	[sflag:s26] =	ssyncset.done $0x0  }
0x95: {  	[sflag:s26] =	ssyncadd.s32 $0xFFFFF380  }
0x96: {  	_ =	swait.ge [sflag:s29], $0xC80  }
0x97: {  	[sflag:s29] =	ssyncset.done $0x0  }
0x98: {  	[sflag:s29] =	ssyncadd.s32 $0xFFFFF380  }
0x99: {  	[spmem:s2] =	stream.indirect.scatter.add.f32 [tilespmem:s25], [sflag:$0x6], $0x8, s13, s17, $0xb8;
	[tilespmem:$0xA0A0] =	vst v63  }
0x9a: {  	_ =	swait.ge [sflag:s26], $0xC80  }
0x9b: {  	s20 =	sadd.s32 $0x1, s20;
	[sflag:s26] =	ssyncset.done $0x0  }
0x9c: {  	p0 =	sne.s32 s20, s11;
	[sflag:s26] =	ssyncadd.s32 $0xFFFFF380  }
.Ltmp1:
0x9d: {  	s30 =	sor.u32 $0x1C06, s5;
	[bflag:$0x0] =	sbarrier.arrive $0xFFFF;
	(pc) =	sbr.rel @p0 .LBB2_1-.Ltmp1, $4  }
0x9e: {  	[hbm:s10], [sflag:s30] =	dma.local [spmem:s12], $0x280  }
0x9f: {  	_ =	swait.ge [sflag:s26], $0x280  }
0xa0: {  	[sflag:s26] =	ssyncset.done $0x0  }
0xa1: {  	[sflag:s26] =	ssyncadd.s32 $0xFFFFFD80  }
0xa2: {  	_ =	sfence.sel $0x180000  }
0xa3: {  	[bflag:$0x0] =	sbarrier.arrive $0xFFFF  }
0xa4: {  	_ =	strace $0x90000050  }
0xa5: {  	s0 =	stileid.u32;
	[bflag:$0x2] =	sbarrier.arrive $0xFFFF  }
0xa6: {  	p0 =	sne.s32 s0, $0x0;
	s0 =	rddreg [dreg:$0x2]  }
0xa7: {  	s0 =	sadd.s32 @!p0 $0x100000, s0  }
0xa8: {  	[sflag:s0] =	ssyncadd.tile.s32 @!p0 $0x1;
	_ =	shalt  }
.Lfunc_end2:
_tile_overlayer_lowered:
.L_overlay_start_2:
0xa9: {  	(tag) =	ssettag $0x2  }
0xaa: {  	s0 =	rddreg [dreg:$0x0];
	s2 =	stileid.u32  }
0xab: {  	s1 =	rddreg [dreg:$0x1];
	p0 =	sne.s32 s2, $0x0  }
0xac: {  	s3 =	rddreg [dreg:$0x2];
	[bflag:$0x3] =	sbarrier.arrive $0xFFFF;
	s2 =	simm.s32 @!p0 $0x1C06  }
0xad: {  	[timem:s3], [sflag:s2] =	dma.local @!p0 [hbm:s0], s1  }
0xae: {  	s0 =	simm.s32 @!p0 $0x6  }
0xaf: {  	_ =	swait.ge @!p0 [sflag:s0], s1  }
0xb0: {  	s1 =	ssub.s32 @!p0 $0x0, s1;
	[sflag:s0] =	ssyncset.done @!p0 $0x0  }
0xb1: {  	[sflag:s0] =	ssyncadd.s32 @!p0 s1  }
0xb2: {  	[bflag:$0x3] =	sbarrier.arrive $0xFFFF  }
0xb3: {  	_ =	shalt  }

// kernel: kernel.24.cloned.1.call-start
scs
__scs_entry_jumppad:
0x0: {  	(pc) =	sbr.rel $0x88, $3  }
0x1: {  	(tag) =	ssettag $0x0;
	lr =	simm.s32 $0x1  }
0x2: {  	[smem:$0x3F97] =	sst lr;
	_ =	strace $0xD0000000  }
0x3: {  	_ = 	snop  }
0x4: {  	_ = 	snop  }
0x5: {  	_ = 	snop  }
0x6: {  	_ = 	snop  }
0x7: {  	_ = 	snop  }
__scs_overlays_trampoline_lowered:
0x8: {  	[smem:$0x3FA6] =	sst s0  }
0x9: {  	[smem:$0x3FA7] =	sst s1  }
0xa: {  	[smem:$0x3FA8] =	sst s2  }
0xb: {  	[smem:$0x3FA9] =	sst s3  }
0xc: {  	[smem:$0x3FAA] =	sst s4  }
0xd: {  	[smem:$0x3FAB] =	sst s5  }
0xe: {  	[smem:$0x3FAC] =	sst s6  }
0xf: {  	[smem:$0x3FAD] =	sst s7  }
0x10: {  	[smem:$0x3FAE] =	sst s8  }
0x11: {  	[smem:$0x3FAF] =	sst s9;
	s0 =	simm.s32 @!p0 $0x0  }
0x12: {  	s1 =	sld [smem:$0x3F95];
	s0 =	simm.s32 @p0 $0x1  }
0x13: {  	[smem:$0x3FB0] =	sst s0;
	s0 =	simm.s32 @!p1 $0x0  }
0x14: {  	s2 =	sld [smem:$0x3F94];
	s0 =	simm.s32 @p1 $0x1  }
0x15: {  	[smem:$0x3FB1] =	sst s0;
	s0 =	simm.s32 @!p2 $0x0  }
0x16: {  	s3 =	sld [smem:$0x3FDB];
	s0 =	simm.s32 @p2 $0x1  }
0x17: {  	s4 =	simm.s32 $0x1BF5;
	[smem:$0x3FB3] =	sst s0  }
0x18: {  	s0 =	sld [smem:$0x3F96];
	_ =	swait.ge [sflag:s4], $0x0  }
0x19: {  	s7 =	sld [smem:$0x3F97]  }
0x1a: {  	s8 =	sadd.s32 $0xFFFFE003, lr  }
0x1b: {  	s9 =	sadd.s32 $0xFFFFFEF7, lr;
	s5 =	simm.s32 $0xFFFFFFFF;
	p2 =	slt.u32 s8, $0xFFFFF086  }
0x1c: {  	p1 =	slt.u32 s9, $0xF7A;
	s5 =	simm.s32 @!p2 $0x0  }
0x1d: {  	s5 =	simm.s32 @p1 $0x1;
	p0 =	seq.s32 s7, s2  }
0x1e: {  	s7 =	smul.u32 @!p0 $0xF7A, s2;
	p2 =	seq.s32 @!p0 s5, $0x0  }
0x1f: {  	s9 =	smul.u32 $0xF7A, s1;
	s8 =	simm.s32 @!p0 $0x1BF5;
	p2 =	por !p2, p0  }
0x20: {  	[sflag:s8] =	ssyncset.s32 @!p0 $0xFFFFF086;
	s6 =	sadd.s32 @!p0 s3, s7;
	s7 =	simm.s32 @!p0 $0x108  }
0x21: {  	s3 =	sadd.s32 s3, s9;
	s6 =	sadd.s32 @!p0 $0x88, s6;
	s7 =	simm.s32 @p2 $0x1082  }
0x22: {  	[simem:s7], [sflag:s8] =	dma.local @!p0 [hbm:s6], $0xF7A  }
0x23: {  	s9 =	sor.u32 $0xD0000000, s2;
	s6 =	simm.s32 $0x108;
	_ =	swait.ge @!p0 [sflag:s8], $0x0  }
0x24: {  	s3 =	sadd.s32 $0x88, s3;
	s6 =	simm.s32 @!p1 $0x1082;
	[sflag:s4] =	ssyncset.s32 $0xFFFFF086  }
0x25: {  	[simem:s6], [sflag:s4] =	dma.local [hbm:s3], $0xF7A  }
0x26: {  	[smem:$0x3F97] =	sst s1;
	(tag) =	ssettag s2;
	_ =	strace s9  }
0x27: {  	s1 =	sld [smem:$0x3FA7]  }
0x28: {  	s2 =	sld [smem:$0x3FA8]  }
0x29: {  	s4 =	sld [smem:$0x3FAA]  }
0x2a: {  	p0 =	seq.s32 s5, $0x0;
	s5 =	sld [smem:$0x3FAB]  }
0x2b: {  	s6 =	sld [smem:$0x3FAC]  }
0x2c: {  	s7 =	sld [smem:$0x3FAD]  }
0x2d: {  	s3 =	simm.s32 $0x108;
	s8 =	sld [smem:$0x3FAE]  }
0x2e: {  	s3 =	simm.s32 @!p0 $0x1082;
	s9 =	sld [smem:$0x3FAF]  }
0x2f: {  	lr =	sadd.s32 s0, s3;
	s0 =	sld [smem:$0x3FA6]  }
0x30: {  	s3 =	sld [smem:$0x3FA9]  }
0x31: {  	[smem:$0x3FB2] =	sst s10  }
0x32: {  	s10 =	sld [smem:$0x3FB0];
	_ =	sdelay $0x3  }
0x33: {  	p0 =	seq.s32 s10, $0x1;
	s10 =	sld [smem:$0x3FB2];
	_ =	sdelay $0x3  }
0x34: {  	[smem:$0x3FB2] =	sst s10  }
0x35: {  	s10 =	sld [smem:$0x3FB1];
	_ =	sdelay $0x3  }
0x36: {  	p1 =	seq.s32 s10, $0x1;
	s10 =	sld [smem:$0x3FB2];
	_ =	sdelay $0x3  }
0x37: {  	[smem:$0x3FB2] =	sst s10  }
0x38: {  	s10 =	sld [smem:$0x3FB3]  }
0x39: {  	_ = 	snop;
	(pc) =	sbr.ind lr, $3  }
0x3a: {  	_ = 	snop  }
0x3b: {  	_ = 	snop  }
0x3c: {  	p2 =	seq.s32 s10, $0x1;
	s10 =	sld [smem:$0x3FB2]  }
0x3d: {  	_ =	shalt  }
0x3e: {  	_ =	shalt  }
0x3f: {  	_ =	shalt  }
0x40: {  	_ =	shalt  }
0x41: {  	_ =	shalt  }
0x42: {  	_ =	shalt  }
0x43: {  	_ =	shalt  }
0x44: {  	_ =	shalt  }
0x45: {  	_ =	shalt  }
0x46: {  	_ =	shalt  }
0x47: {  	_ =	shalt  }
0x48: {  	_ =	shalt  }
0x49: {  	_ =	shalt  }
0x4a: {  	_ =	shalt  }
0x4b: {  	_ =	shalt  }
0x4c: {  	_ =	shalt  }
0x4d: {  	_ =	shalt  }
0x4e: {  	_ =	shalt  }
0x4f: {  	_ =	shalt  }
0x50: {  	_ =	shalt  }
0x51: {  	_ =	shalt  }
0x52: {  	_ =	shalt  }
0x53: {  	_ =	shalt  }
0x54: {  	_ =	shalt  }
0x55: {  	_ =	shalt  }
0x56: {  	_ =	shalt  }
0x57: {  	_ =	shalt  }
0x58: {  	_ =	shalt  }
0x59: {  	_ =	shalt  }
0x5a: {  	_ =	shalt  }
0x5b: {  	_ =	shalt  }
0x5c: {  	_ =	shalt  }
0x5d: {  	_ =	shalt  }
0x5e: {  	_ =	shalt  }
0x5f: {  	_ =	shalt  }
0x60: {  	_ =	shalt  }
0x61: {  	_ =	shalt  }
0x62: {  	_ =	shalt  }
0x63: {  	_ =	shalt  }
0x64: {  	_ =	shalt  }
0x65: {  	_ =	shalt  }
0x66: {  	_ =	shalt  }
0x67: {  	_ =	shalt  }
0x68: {  	_ =	shalt  }
0x69: {  	_ =	shalt  }
0x6a: {  	_ =	shalt  }
0x6b: {  	_ =	shalt  }
0x6c: {  	_ =	shalt  }
0x6d: {  	_ =	shalt  }
0x6e: {  	_ =	shalt  }
0x6f: {  	_ =	shalt  }
0x70: {  	_ =	shalt  }
0x71: {  	_ =	shalt  }
0x72: {  	_ =	shalt  }
0x73: {  	_ =	shalt  }
0x74: {  	_ =	shalt  }
0x75: {  	_ =	shalt  }
0x76: {  	_ =	shalt  }
0x77: {  	_ =	shalt  }
0x78: {  	_ =	shalt  }
0x79: {  	_ =	shalt  }
0x7a: {  	_ =	shalt  }
0x7b: {  	_ =	shalt  }
0x7c: {  	_ =	shalt  }
0x7d: {  	_ =	shalt  }
0x7e: {  	_ =	shalt  }
0x7f: {  	_ =	shalt  }
0x80: {  	_ =	shalt  }
0x81: {  	_ =	shalt  }
0x82: {  	_ =	shalt  }
0x83: {  	_ =	shalt  }
0x84: {  	_ =	shalt  }
0x85: {  	_ =	shalt  }
0x86: {  	_ =	shalt  }
0x87: {  	_ =	shalt  }
.Lfunc_end0:
.L_simem_size_0:
called_computation.4_lowered:
.L_overlay_start_0:
0x88: {  	s2 =	sld [smem:$0x3FD9]  }
0x89: {  	s3 =	sld [smem:$0x3FFE];
	_ =	sdelay $0x1  }
0x8a: {  	s1 =	srdreg.scid  }
0x8b: {  	s0 =	sand.u32 $0x1, s1  }
0x8c: {  	s16 =	sshll.u32 s0, $0xA;
	s2 =	sadd.s32 s3, s2  }
0x8d: {  	s2 =	sadd.s32 s2, s16  }
0x8e: {  	[smem:$0x3FBE] =	sst s2  }
0x8f: {  	_ = 	snop  }
0x90: {  	(tm) =	ssettm $0x1  }
0x91: {  	s17 =	sld [smem:$0x3FFB];
	_ =	sdelay $0x3  }
0x92: {  	_ =	strace s17  }
0x93: {  	s2 =	sld [smem:$0x3FFC];
	_ =	sdelay $0x3  }
0x94: {  	_ =	strace s2  }
0x95: {  	s2 =	sld [smem:$0x3FFD];
	_ =	sdelay $0x3  }
0x96: {  	_ =	strace s2  }
0x97: {  	_ =	strace $0x8FFFFFFF  }
0x98: {  	s18 =	sld [smem:$0x3FDB];
	_ =	sdelay $0x1  }
0x99: {  	s19 =	simm.s32 $_scs_section_size  }
0x9a: {  	s4 =	simm.s32 $_size__tile_overlayer_lowered;
	s5 =	simm.s32 $_tile_overlayer_lowered  }
0x9b: {  	s22 =	simm.s32 $0x1BFF;
	s21 =	sshll.u32 s5, $0x1;
	s2 =	sadd.s32 s19, s18  }
0x9c: {  	s6 =	simm.s32 $0x0;
	s20 =	sshll.u32 s4, $0x1;
	s4 =	sadd.s32 s21, s2  }
0x9d: {  	[timem:s6], [sflag:s22] =	dma.local [hbm:s4], s20  }
0x9e: {  	_ =	swait.ge [sflag:s22], s20  }
0x9f: {  	s3 =	ssub.s32 $0x0, s20;
	[sflag:s22] =	ssyncset.done $0x0  }
0xa0: {  	[sflag:s22] =	ssyncadd.s32 s3;
	_ =	sdelay $0x1  }
0xa1: {  	s23 =	simm.s32 $0x1B8B  }
0xa2: {  	_ =	swait.ge [sflag:s23], $0x1  }
0xa3: {  	[sflag:s23] =	ssyncset.done $0x0  }
0xa4: {  	s25 =	simm.s32 $0x1B8E;
	s24 =	sld [smem:$0x3FFE];
	[sflag:s23] =	ssyncadd.s32 $0xFFFFFFFF  }
0xa5: {  	s26 =	simm.s32 $execute0_lowered;
	[smem:$0x3FD2] =	sst s25  }
0xa6: {  	s4 =	sshll.u32 s26, $0x1;
	_ =	strace $0x80000052;
	[dreg:$0x1] =	wrdreg $0xFFFFFFFF  }
0xa7: {  	s28 =	simm.s32 $_size_execute0_lowered;
	s2 =	sadd.s32 s2, s4;
	[dreg:$0x0] =	wrdreg $0x0  }
0xa8: {  	s4 =	sshll.u32 s28, $0x1;
	[dreg:$0x2] =	wrdreg s2  }
0xa9: {  	[dreg:$0x3] =	wrdreg s4  }
0xaa: {  	[dreg:$0x4] =	wrdreg $0xC0  }
0xab: {  	_ =	task [dreg:s6], $0x5FFFF  }
0xac: {  	[dreg:$0x1] =	wrdreg $0xFFFFFFFF  }
0xad: {  	[dreg:$0x0] =	wrdreg $0x60  }
0xae: {  	[dreg:$0x2] =	wrdreg s24  }
0xaf: {  	[dreg:$0x3] =	wrdreg $0x8CA00  }
0xb0: {  	[dreg:$0x4] =	wrdreg $0x9  }
0xb1: {  	_ =	task.clear_ibuf [dreg:s6], $0x5FFFF;
	_ =	strace $0x90000052  }
0xb2: {  	s29 =	simm.s32 $0x9;
	_ =	strace $0x80000054  }
0xb3: {  	_ =	swait.ge [sflag:s29], $0x1  }
0xb4: {  	[sflag:s29] =	ssyncadd.s32 $0xFFFFFFFF  }
0xb5: {  	_ =	strace $0x90000054  }
0xb6: {  	_ =	sfence  }
0xb7: {  	s30 =	sld [smem:$0x0];
	_ =	sdelay $0x2  }
0xb8: {  	s31 =	sshll.u32 s1, $0xD;
	s1 =	sshrl.u32 s1, $0x2  }
0xb9: {  	s3 =	sand.u32 $0x4000, s31;
	s1 =	sadd.s32 s1, s30  }
0xba: {  	s0 =	sor.u32 s3, s0;
	s1 =	sshll.u32 s1, $0x11  }
0xbb: {  	s0 =	sor.u32 s1, s0  }
0xbc: {  	s0 =	sadd.s32 $0x8F2B, s0  }
0xbd: {  	[sflag:s0] =	ssyncadd.remote.s32 $0x1  }
0xbe: {  	_ =	sfence.sel $0xFFFF  }
0xbf: {  	[dreg:$0x0] =	wrdreg $0xFFFFFFFF;
	(pc) =	sbr.abs _section_cstart, $3  }
0xc0: {  	[dreg:$0x1] =	wrdreg $0xFFFFFFFF  }
0xc1: {  	_ =	task.clear_ibuf [dreg:s6], $0x2FFFF;
	_ =	strace $0x9FFFFFFF  }
0xc2: {  	(tm) =	ssettm $0x7FFFFFFF  }
0xc3: {  	_ =	shalt  }
tec
execute0_lowered:
.L_overlay_start_1:
0x0: {  	(tag) =	ssettag $0x1  }
0x1: {  	s0 =	srdreg.scid;
	s1 =	rddreg [dreg:$0x0]  }
0x2: {  	s10 =	stileid.u32;
	s2 =	rddreg [dreg:$0x1];
	s14 =	simm.s32 $0x1  }
0x3: {  	s15 =	simm.s32 $0x2;
	s16 =	simm.s32 $0x3;
	s17 =	simm.s32 $0x190  }
0x4: {  	s18 =	simm.s32 $0x4E20;
	s19 =	simm.s32 $0x5AA0;
	s21 =	simm.s32 $0x6720  }
0x5: {  	s23 =	simm.s32 $0x73A0;
	s25 =	simm.s32 $0x8020;
	s28 =	simm.s32 $0x4  }
0x6: {  	s29 =	simm.s32 $0x5;
	s31 =	simm.s32 $0x47E0;
	s13 =	simm.s32 $0x4C90  }
0x7: {  	s20 =	simm.s32 $0x0;
	s0 =	sand.u32 $0x1, s0;
	s6 =	smul.u32 $0x1400, s10  }
0x8: {  	s8 =	smul.u32 $0x280, s10;
	s3 =	sshll.u32 s0, $0x4;
	s26 =	ssub.s32 $0x2, s0  }
0x9: {  	s0 =	smul.u32 $0x2800, s0;
	s4 =	sor.u32 s10, s3;
	s3 =	simm.s32 $0x0  }
0xa: {  	s7 =	sshrl.u32 s6, $0x3;
	s30 =	sshrl.u32 s26, $0x1;
	s12 =	sadd.s32 s6, s2  }
0xb: {  	s5 =	smul.u32 $0x2710, s4;
	[smem:$0x7FF] =	sst s3;
	s4 =	sadd.s32 $0x16800, s1  }
0xc: {  	s7 =	sadd.s32 s7, s1;
	s11 =	ssub.s32 s26, s30;
	s12 =	sshrl.u32 s12, $0x3  }
0xd: {  	s26 =	simm.s32 $0x6;
	_ =	strace $0x80000053;
	s5 =	sshrl.u32 s5, $0x3  }
0xe: {  	s6 =	sadd.s32 $0x19000, s7;
	s9 =	sadd.s32 s5, s1;
	s5 =	sshll.u32 s10, $0x6  }
0xf: {  	s11 =	smax.u32 s11, $0x1;
	s1 =	sadd.s32 s8, s1;
	s7 =	sor.u32 $0x1C01, s5  }
0x10: {  	s0 =	sadd.s32 s0, s1;
	s8 =	sadd.s32 $0x2E00, s9;
	s9 =	sadd.s32 $0xCA40, s9  }
0x11: {  	s1 =	simm.s32 $0x4970;
	s10 =	sadd.s32 $0x1B800, s0;
	s0 =	simm.s32 $0x4B00  }
.LBB2_1:
0x12: {  	[spmem:s12], [sflag:s7] =	dma.local [hbm:s6], $0x280  }
0x13: {  	[tilespmem:s3], [sflag:$0x2] =	stream.linear.gather [hbm4b:s8+s3], $0x2710, $0x38;
	[tilespmem:$0xA0A0] =	vst v63  }
0x14: {  	s22 =	simm.s32 $0x2710  }
0x15: {  	[tilespmem:s22], [sflag:$0x3] =	stream.linear.gather [hbm4b:s9+s3], $0x2710, $0x38;
	[tilespmem:$0xA0A0] =	vst v63  }
0x16: {  	_ =	swait.ge [sflag:s14], $0x280  }
0x17: {  	[sflag:s14] =	ssyncset.done $0x0  }
0x18: {  	[sflag:s14] =	ssyncadd.s32 $0xFFFFFD80  }
0x19: {  	_ =	swait.ge [sflag:s15], $0x2710  }
0x1a: {  	[sflag:s15] =	ssyncset.done $0x0  }
0x1b: {  	[sflag:s15] =	ssyncadd.s32 $0xFFFFD8F0  }
0x1c: {  	_ =	swait.ge [sflag:s16], $0x2710  }
0x1d: {  	[sflag:s16] =	ssyncset.done $0x0  }
0x1e: {  	[sflag:s16] =	ssyncadd.s32 $0xFFFFD8F0  }
0x1f: {  	[bflag:$0x0] =	sbarrier.arrive $0xFFFF  }
0x20: {  	[tilespmem:s18], [sflag:$0x1] =	stream.indirect.gather [hbm4b:s4+s17], $0x8, s3, s17, $0xb8;
	[tilespmem:$0xA0A0] =	vst v63  }
0x21: {  	_ = 	snop  }
0x22: {  	[tilespmem:s19], [sflag:$0x2] =	stream.indirect.gather [hbm4b:s4+s17], $0x8, s17, s17, $0xb8;
	[tilespmem:$0xA0A0] =	vst v63  }
0x23: {  	s24 =	simm.s32 $0x320  }
0x24: {  	[tilespmem:s21], [sflag:$0x3] =	stream.indirect.gather [hbm4b:s4+s17], $0x8, s24, s17, $0xb8;
	[tilespmem:$0xA0A0] =	vst v63  }
0x25: {  	s30 =	simm.s32 $0x4B0  }
0x26: {  	[tilespmem:s23], [sflag:$0x4] =	stream.indirect.gather [hbm4b:s4+s17], $0x8, s30, s17, $0xb8;
	[tilespmem:$0xA0A0] =	vst v63  }
0x27: {  	s24 =	simm.s32 $0x640  }
0x28: {  	[tilespmem:s25], [sflag:$0x5] =	stream.indirect.gather [hbm4b:s4+s17], $0x8, s24, s17, $0xb8;
	[tilespmem:$0xA0A0] =	vst v63  }
0x29: {  	_ =	swait.ge [sflag:s14], $0xC80  }
0x2a: {  	[sflag:s14] =	ssyncset.done $0x0  }
0x2b: {  	s30 =	simm.s32 $0x2710;
	[sflag:s14] =	ssyncadd.s32 $0xFFFFF380  }
0x2c: {  	[spmem:s2] =	stream.indirect.scatter.add.f32 [tilespmem:s18], [sflag:$0x6], $0x8, s30, s17, $0xb8;
	[tilespmem:$0xA0A0] =	vst v63  }
0x2d: {  	_ =	swait.ge [sflag:s26], $0xC80  }
0x2e: {  	[sflag:s26] =	ssyncset.done $0x0  }
0x2f: {  	s24 =	simm.s32 $0x7D0;
	[sflag:s26] =	ssyncadd.s32 $0xFFFFF380  }
0x30: {  	[tilespmem:s18], [sflag:$0x1] =	stream.indirect.gather [hbm4b:s4+s17], $0x8, s24, s17, $0xb8;
	[tilespmem:$0xA0A0] =	vst v63  }
0x31: {  	_ =	swait.ge [sflag:s15], $0xC80  }
0x32: {  	[sflag:s15] =	ssyncset.done $0x0  }
0x33: {  	s30 =	simm.s32 $0x28A0;
	[sflag:s15] =	ssyncadd.s32 $0xFFFFF380  }
0x34: {  	[spmem:s2] =	stream.indirect.scatter.add.f32 [tilespmem:s19], [sflag:$0x6], $0x8, s30, s17, $0xb8;
	[tilespmem:$0xA0A0] =	vst v63  }
0x35: {  	_ =	swait.ge [sflag:s26], $0xC80  }
0x36: {  	[sflag:s26] =	ssyncset.done $0x0  }
0x37: {  	s24 =	simm.s32 $0x960;
	[sflag:s26] =	ssyncadd.s32 $0xFFFFF380  }
0x38: {  	[tilespmem:s19], [sflag:$0x2] =	stream.indirect.gather [hbm4b:s4+s17], $0x8, s24, s17, $0xb8;
	[tilespmem:$0xA0A0] =	vst v63  }
0x39: {  	_ =	swait.ge [sflag:s16], $0xC80  }
0x3a: {  	[sflag:s16] =	ssyncset.done $0x0  }
0x3b: {  	s30 =	simm.s32 $0x2A30;
	[sflag:s16] =	ssyncadd.s32 $0xFFFFF380  }
0x3c: {  	[spmem:s2] =	stream.indirect.scatter.add.f32 [tilespmem:s21], [sflag:$0x6], $0x8, s30, s17, $0xb8;
	[tilespmem:$0xA0A0] =	vst v63  }
0x3d: {  	_ =	swait.ge [sflag:s26], $0xC80  }
0x3e: {  	[sflag:s26] =	ssyncset.done $0x0  }
0x3f: {  	s24 =	simm.s32 $0xAF0;
	[sflag:s26] =	ssyncadd.s32 $0xFFFFF380  }
0x40: {  	[tilespmem:s21], [sflag:$0x3] =	stream.indirect.gather [hbm4b:s4+s17], $0x8, s24, s17, $0xb8;
	[tilespmem:$0xA0A0] =	vst v63  }
0x41: {  	_ =	swait.ge [sflag:s28], $0xC80  }
0x42: {  	[sflag:s28] =	ssyncset.done $0x0  }
0x43: {  	s30 =	simm.s32 $0x2BC0;
	[sflag:s28] =	ssyncadd.s32 $0xFFFFF380  }
0x44: {  	[spmem:s2] =	stream.indirect.scatter.add.f32 [tilespmem:s23], [sflag:$0x6], $0x8, s30, s17, $0xb8;
	[tilespmem:$0xA0A0] =	vst v63  }
0x45: {  	_ =	swait.ge [sflag:s26], $0xC80  }
0x46: {  	[sflag:s26] =	ssyncset.done $0x0  }
0x47: {  	s24 =	simm.s32 $0xC80;
	[sflag:s26] =	ssyncadd.s32 $0xFFFFF380  }
0x48: {  	[tilespmem:s23], [sflag:$0x4] =	stream.indirect.gather [hbm4b:s4+s17], $0x8, s24, s17, $0xb8;
	[tilespmem:$0xA0A0] =	vst v63  }
0x49: {  	_ =	swait.ge [sflag:s29], $0xC80  }
0x4a: {  	[sflag:s29] =	ssyncset.done $0x0  }
0x4b: {  	s30 =	simm.s32 $0x2D50;
	[sflag:s29] =	ssyncadd.s32 $0xFFFFF380  }
0x4c: {  	[spmem:s2] =	stream.indirect.scatter.add.f32 [tilespmem:s25], [sflag:$0x6], $0x8, s30, s17, $0xb8;
	[tilespmem:$0xA0A0] =	vst v63  }
0x4d: {  	_ =	swait.ge [sflag:s26], $0xC80  }
0x4e: {  	[sflag:s26] =	ssyncset.done $0x0  }
0x4f: {  	s22 =	simm.s32 $0x1F40;
	s24 =	simm.s32 $0xE10;
	[sflag:s26] =	ssyncadd.s32 $0xFFFFF380  }
.LBB2_2:
0x50: {  	[tilespmem:s25], [sflag:$0x5] =	stream.indirect.gather [hbm4b:s4+s17], $0x8, s24, s17, $0xb8;
	[tilespmem:$0xA0A0] =	vst v63  }
0x51: {  	s24 =	smov.u32 s22  }
0x52: {  	p0 =	sne.s32 s22, $0x5DC0;
	s22 =	sadd.s32 $0x1F40, s22;
	_ =	swait.ge [sflag:s14], $0xC80  }
0x53: {  	s24 =	sshra.s32 s24, $0x2;
	[sflag:s14] =	ssyncset.done $0x0  }
0x54: {  	s30 =	sadd.s32 $0x2710, s24;
	[sflag:s14] =	ssyncadd.s32 $0xFFFFF380  }
0x55: {  	[spmem:s2] =	stream.indirect.scatter.add.f32 [tilespmem:s18], [sflag:$0x6], $0x8, s30, s17, $0xb8;
	[tilespmem:$0xA0A0] =	vst v63  }
0x56: {  	_ =	swait.ge [sflag:s26], $0xC80  }
0x57: {  	[sflag:s26] =	ssyncset.done $0x0  }
0x58: {  	s30 =	sadd.s32 $0x7D0, s24;
	[sflag:s26] =	ssyncadd.s32 $0xFFFFF380  }
0x59: {  	[tilespmem:s18], [sflag:$0x1] =	stream.indirect.gather [hbm4b:s4+s17], $0x8, s30, s17, $0xb8;
	[tilespmem:$0xA0A0] =	vst v63  }
0x5a: {  	_ =	swait.ge [sflag:s15], $0xC80  }
0x5b: {  	[sflag:s15] =	ssyncset.done $0x0  }
0x5c: {  	s30 =	sadd.s32 $0x28A0, s24;
	[sflag:s15] =	ssyncadd.s32 $0xFFFFF380  }
0x5d: {  	[spmem:s2] =	stream.indirect.scatter.add.f32 [tilespmem:s19], [sflag:$0x6], $0x8, s30, s17, $0xb8;
	[tilespmem:$0xA0A0] =	vst v63  }
0x5e: {  	_ =	swait.ge [sflag:s26], $0xC80  }
0x5f: {  	[sflag:s26] =	ssyncset.done $0x0  }
0x60: {  	s30 =	sadd.s32 $0x960, s24;
	[sflag:s26] =	ssyncadd.s32 $0xFFFFF380  }
0x61: {  	[tilespmem:s19], [sflag:$0x2] =	stream.indirect.gather [hbm4b:s4+s17], $0x8, s30, s17, $0xb8;
	[tilespmem:$0xA0A0] =	vst v63  }
0x62: {  	_ =	swait.ge [sflag:s16], $0xC80  }
0x63: {  	[sflag:s16] =	ssyncset.done $0x0  }
0x64: {  	s30 =	sadd.s32 $0x2A30, s24;
	[sflag:s16] =	ssyncadd.s32 $0xFFFFF380  }
0x65: {  	[spmem:s2] =	stream.indirect.scatter.add.f32 [tilespmem:s21], [sflag:$0x6], $0x8, s30, s17, $0xb8;
	[tilespmem:$0xA0A0] =	vst v63  }
0x66: {  	_ =	swait.ge [sflag:s26], $0xC80  }
0x67: {  	[sflag:s26] =	ssyncset.done $0x0  }
0x68: {  	s30 =	sadd.s32 $0xAF0, s24;
	[sflag:s26] =	ssyncadd.s32 $0xFFFFF380  }
0x69: {  	[tilespmem:s21], [sflag:$0x3] =	stream.indirect.gather [hbm4b:s4+s17], $0x8, s30, s17, $0xb8;
	[tilespmem:$0xA0A0] =	vst v63  }
0x6a: {  	_ =	swait.ge [sflag:s28], $0xC80  }
0x6b: {  	[sflag:s28] =	ssyncset.done $0x0  }
0x6c: {  	s30 =	sadd.s32 $0x2BC0, s24;
	[sflag:s28] =	ssyncadd.s32 $0xFFFFF380  }
0x6d: {  	[spmem:s2] =	stream.indirect.scatter.add.f32 [tilespmem:s23], [sflag:$0x6], $0x8, s30, s17, $0xb8;
	[tilespmem:$0xA0A0] =	vst v63  }
0x6e: {  	_ =	swait.ge [sflag:s26], $0xC80  }
0x6f: {  	[sflag:s26] =	ssyncset.done $0x0  }
0x70: {  	s30 =	sadd.s32 $0xC80, s24;
	[sflag:s26] =	ssyncadd.s32 $0xFFFFF380  }
0x71: {  	[tilespmem:s23], [sflag:$0x4] =	stream.indirect.gather [hbm4b:s4+s17], $0x8, s30, s17, $0xb8;
	[tilespmem:$0xA0A0] =	vst v63  }
0x72: {  	_ =	swait.ge [sflag:s29], $0xC80  }
0x73: {  	[sflag:s29] =	ssyncset.done $0x0  }
.Ltmp0:
0x74: {  	s30 =	sadd.s32 $0x2D50, s24;
	[sflag:s29] =	ssyncadd.s32 $0xFFFFF380;
	(pc) =	sbr.rel @p0 .LBB2_2-.Ltmp0, $4  }
0x75: {  	[spmem:s2] =	stream.indirect.scatter.add.f32 [tilespmem:s25], [sflag:$0x6], $0x8, s30, s17, $0xb8;
	[tilespmem:$0xA0A0] =	vst v63  }
0x76: {  	_ =	swait.ge [sflag:s26], $0xC80  }
0x77: {  	[sflag:s26] =	ssyncset.done $0x0  }
0x78: {  	s24 =	sadd.s32 $0xE10, s24;
	[sflag:s26] =	ssyncadd.s32 $0xFFFFF380  }
0x79: {  	[tilespmem:s25], [sflag:$0x5] =	stream.indirect.gather [hbm4b:s4+s17], $0x8, s24, s17, $0xb8;
	[tilespmem:$0xA0A0] =	vst v63  }
0x7a: {  	_ =	swait.ge [sflag:s14], $0xC80  }
0x7b: {  	[sflag:s14] =	ssyncset.done $0x0  }
0x7c: {  	s22 =	simm.s32 $0x4650;
	[sflag:s14] =	ssyncadd.s32 $0xFFFFF380  }
0x7d: {  	[spmem:s2] =	stream.indirect.scatter.add.f32 [tilespmem:s18], [sflag:$0x6], $0x8, s22, s17, $0xb8;
	[tilespmem:$0xA0A0] =	vst v63  }
0x7e: {  	_ =	swait.ge [sflag:s26], $0xC80  }
0x7f: {  	[sflag:s26] =	ssyncset.done $0x0  }
0x80: {  	[sflag:s26] =	ssyncadd.s32 $0xFFFFF380  }
0x81: {  	_ =	swait.ge [sflag:s15], $0xC80  }
0x82: {  	[sflag:s15] =	ssyncset.done $0x0  }
0x83: {  	[sflag:s15] =	ssyncadd.s32 $0xFFFFF380  }
0x84: {  	[spmem:s2] =	stream.indirect.scatter.add.f32 [tilespmem:s19], [sflag:$0x6], $0x8, s31, s17, $0xb8;
	[tilespmem:$0xA0A0] =	vst v63  }
0x85: {  	_ =	swait.ge [sflag:s26], $0xC80  }
0x86: {  	[sflag:s26] =	ssyncset.done $0x0  }
0x87: {  	[sflag:s26] =	ssyncadd.s32 $0xFFFFF380  }
0x88: {  	_ =	swait.ge [sflag:s16], $0xC80  }
0x89: {  	[sflag:s16] =	ssyncset.done $0x0  }
0x8a: {  	[sflag:s16] =	ssyncadd.s32 $0xFFFFF380  }
0x8b: {  	[spmem:s2] =	stream.indirect.scatter.add.f32 [tilespmem:s21], [sflag:$0x6], $0x8, s1, s17, $0xb8;
	[tilespmem:$0xA0A0] =	vst v63  }
0x8c: {  	_ =	swait.ge [sflag:s26], $0xC80  }
0x8d: {  	[sflag:s26] =	ssyncset.done $0x0  }
0x8e: {  	[sflag:s26] =	ssyncadd.s32 $0xFFFFF380  }
0x8f: {  	_ =	swait.ge [sflag:s28], $0xC80  }
0x90: {  	[sflag:s28] =	ssyncset.done $0x0  }
0x91: {  	[sflag:s28] =	ssyncadd.s32 $0xFFFFF380  }
0x92: {  	[spmem:s2] =	stream.indirect.scatter.add.f32 [tilespmem:s23], [sflag:$0x6], $0x8, s0, s17, $0xb8;
	[tilespmem:$0xA0A0] =	vst v63  }
0x93: {  	_ =	swait.ge [sflag:s26], $0xC80  }
0x94: {  	[sflag:s26] =	ssyncset.done $0x0  }
0x95: {  	[sflag:s26] =	ssyncadd.s32 $0xFFFFF380  }
0x96: {  	_ =	swait.ge [sflag:s29], $0xC80  }
0x97: {  	[sflag:s29] =	ssyncset.done $0x0  }
0x98: {  	[sflag:s29] =	ssyncadd.s32 $0xFFFFF380  }
0x99: {  	[spmem:s2] =	stream.indirect.scatter.add.f32 [tilespmem:s25], [sflag:$0x6], $0x8, s13, s17, $0xb8;
	[tilespmem:$0xA0A0] =	vst v63  }
0x9a: {  	_ =	swait.ge [sflag:s26], $0xC80  }
0x9b: {  	s20 =	sadd.s32 $0x1, s20;
	[sflag:s26] =	ssyncset.done $0x0  }
0x9c: {  	p0 =	sne.s32 s20, s11;
	[sflag:s26] =	ssyncadd.s32 $0xFFFFF380  }
.Ltmp1:
0x9d: {  	s30 =	sor.u32 $0x1C06, s5;
	[bflag:$0x0] =	sbarrier.arrive $0xFFFF;
	(pc) =	sbr.rel @p0 .LBB2_1-.Ltmp1, $4  }
0x9e: {  	[hbm:s10], [sflag:s30] =	dma.local [spmem:s12], $0x280  }
0x9f: {  	_ =	swait.ge [sflag:s26], $0x280  }
0xa0: {  	[sflag:s26] =	ssyncset.done $0x0  }
0xa1: {  	[sflag:s26] =	ssyncadd.s32 $0xFFFFFD80  }
0xa2: {  	_ =	sfence.sel $0x180000  }
0xa3: {  	[bflag:$0x0] =	sbarrier.arrive $0xFFFF  }
0xa4: {  	_ =	strace $0x90000053  }
0xa5: {  	s0 =	stileid.u32;
	[bflag:$0x2] =	sbarrier.arrive $0xFFFF  }
0xa6: {  	p0 =	sne.s32 s0, $0x0;
	s0 =	rddreg [dreg:$0x2]  }
0xa7: {  	s0 =	sadd.s32 @!p0 $0x100000, s0  }
0xa8: {  	[sflag:s0] =	ssyncadd.tile.s32 @!p0 $0x1;
	_ =	shalt  }
.Lfunc_end2:
_tile_overlayer_lowered:
.L_overlay_start_2:
0xa9: {  	(tag) =	ssettag $0x2  }
0xaa: {  	s0 =	rddreg [dreg:$0x0];
	s2 =	stileid.u32  }
0xab: {  	s1 =	rddreg [dreg:$0x1];
	p0 =	sne.s32 s2, $0x0  }
0xac: {  	s3 =	rddreg [dreg:$0x2];
	[bflag:$0x3] =	sbarrier.arrive $0xFFFF;
	s2 =	simm.s32 @!p0 $0x1C06  }
0xad: {  	[timem:s3], [sflag:s2] =	dma.local @!p0 [hbm:s0], s1  }
0xae: {  	s0 =	simm.s32 @!p0 $0x6  }
0xaf: {  	_ =	swait.ge @!p0 [sflag:s0], s1  }
0xb0: {  	s1 =	ssub.s32 @!p0 $0x0, s1;
	[sflag:s0] =	ssyncset.done @!p0 $0x0  }
0xb1: {  	[sflag:s0] =	ssyncadd.s32 @!p0 s1  }
0xb2: {  	[bflag:$0x3] =	sbarrier.arrive $0xFFFF  }
0xb3: {  	_ =	shalt  }

</sc_bundles>
